<compile_context>
chip_gen: v7x
topology: tpu7x:2x2x1
jax: 0.10.2.dev20260603
libtpu: 0.0.44.dev20260713+nightly
codegen_flags: <defaults>
</compile_context>

<pallas_src>
import functools

import jax
import jax.numpy as jnp
from jax import lax
from jax.experimental import pallas as pl
from jax.experimental.pallas import tpu as pltpu
from jax.experimental.pallas import tpu_sc as plsc

_N = 10000
_E = 320000
_D = 128
_H = 128
_B = 512
_EH = 32
_NT = 16
_NP = 10240
_RPT = _NP // _NT
_KC = 160
_GS = 16
_NG = _KC // _GS
_EP = _KC * 128 * _NT
_BC = _RPT // 128

_f32 = jnp.float32


def _mesh():
    return plsc.VectorSubcoreMesh(core_axis_name="c", subcore_axis_name="s")


def _deg_body(dst_hbm, bat_hbm, zz_hbm, oo_hbm, deg_out, cnt_out, accd, accc,
              idx_v, ones_v):
    c = lax.axis_index("c")
    s = lax.axis_index("s")
    pltpu.sync_copy(oo_hbm, ones_v)
    pltpu.sync_copy(zz_hbm.at[pl.ds(s * _RPT, _RPT)], accd.at[pl.ds(s * _RPT, _RPT)])

    @pl.when(s == 0)
    def _():
        pltpu.sync_copy(zz_hbm.at[pl.ds(0, _RPT)], accc)

    plsc.subcore_barrier()

    def grp(g, carry):
        pltpu.sync_copy(dst_hbm.at[c, s, pl.ds(g * _GS, _GS)], idx_v)
        for j in range(_GS):
            pltpu.sync_copy(ones_v, accd.at[idx_v.at[j]], add=True)
        return carry

    lax.fori_loop(0, _NG, grp, 0)

    pltpu.sync_copy(bat_hbm.at[c, s], idx_v.at[pl.ds(0, _BC)])
    for j in range(_BC):
        pltpu.sync_copy(ones_v, accc.at[idx_v.at[j]], add=True)

    plsc.subcore_barrier()
    pltpu.sync_copy(accd.at[pl.ds(s * _RPT, _RPT)],
                    deg_out.at[c, pl.ds(s * _RPT, _RPT)])

    @pl.when(s == 0)
    def _():
        pltpu.sync_copy(accc, cnt_out.at[c])


_deg_kernel = functools.partial(
    pl.kernel,
    out_type=[
        jax.ShapeDtypeStruct((2, _NP), _f32),
        jax.ShapeDtypeStruct((2, _RPT), _f32),
    ],
    mesh=_mesh(),
    scratch_types=[
        pltpu.VMEM_SHARED((_NP,), _f32),
        pltpu.VMEM_SHARED((_RPT,), _f32),
        pltpu.VMEM((_GS, 128), jnp.int32),
        pltpu.VMEM((128,), _f32),
    ],
)(_deg_body)


def _agg_body(hp_hbm, src_hbm, dst_hbm, out_hbm, acc, sidx, didx, rows_a,
              rows_b, gsem, ssem):
    c = lax.axis_index("c")
    s = lax.axis_index("s")
    r0 = s * _RPT
    pltpu.sync_copy(hp_hbm.at[pl.ds(c * _NP + r0, _RPT)], acc.at[pl.ds(r0, _RPT)])
    plsc.subcore_barrier()

    def grp(g, carry):
        pltpu.sync_copy(src_hbm.at[c, s, pl.ds(g * _GS, _GS)], sidx)
        pltpu.sync_copy(dst_hbm.at[c, s, pl.ds(g * _GS, _GS)], didx)
        gd = [None] * _GS
        sd = [None] * _GS
        gd[0] = pltpu.async_copy(hp_hbm.at[sidx.at[0]], rows_a, gsem)
        for j in range(_GS):
            buf = rows_a if j % 2 == 0 else rows_b
            nbuf = rows_b if j % 2 == 0 else rows_a
            gd[j].wait()
            if j >= 1:
                sd[j - 1].wait()
            if j + 1 < _GS:
                gd[j + 1] = pltpu.async_copy(hp_hbm.at[sidx.at[j + 1]], nbuf,
                                             gsem)
            sd[j] = pltpu.async_copy(buf, acc.at[didx.at[j]], ssem, add=True)
        sd[_GS - 1].wait()
        return carry

    lax.fori_loop(0, _NG, grp, 0)
    plsc.subcore_barrier()
    pltpu.sync_copy(acc.at[pl.ds(r0, _RPT)],
                    out_hbm.at[pl.ds(c * _NP + r0, _RPT)])


_agg_kernel = functools.partial(
    pl.kernel,
    out_type=jax.ShapeDtypeStruct((2 * _NP, _H), _f32),
    mesh=_mesh(),
    scratch_types=[
        pltpu.VMEM_SHARED((_NP, _H), _f32),
        pltpu.VMEM((_GS, 128), jnp.int32),
        pltpu.VMEM((_GS, 128), jnp.int32),
        pltpu.VMEM((128, _H), _f32),
        pltpu.VMEM((128, _H), _f32),
        pltpu.SemaphoreType.DMA,
        pltpu.SemaphoreType.DMA,
    ],
)(_agg_body)


def _pool_body(x_hbm, bat_hbm, zp_hbm, p_out, accp, bidx, rows):
    c = lax.axis_index("c")
    s = lax.axis_index("s")
    nzr = _RPT // _NT
    pltpu.sync_copy(zp_hbm.at[pl.ds(s * nzr, nzr)], accp.at[pl.ds(s * nzr, nzr)])
    pltpu.sync_copy(bat_hbm.at[c, s], bidx)
    plsc.subcore_barrier()

    def chunk(j, carry):
        pltpu.sync_copy(x_hbm.at[pl.ds(c * _NP + s * _RPT + j * 128, 128)], rows)
        pltpu.sync_copy(rows, accp.at[bidx.at[j]], add=True)
        return carry

    lax.fori_loop(0, _BC, chunk, 0)
    plsc.subcore_barrier()
    pltpu.sync_copy(accp.at[pl.ds(s * nzr, nzr)], p_out.at[c, pl.ds(s * nzr, nzr)])


_pool_kernel = functools.partial(
    pl.kernel,
    out_type=jax.ShapeDtypeStruct((2, _RPT, _H), _f32),
    mesh=_mesh(),
    scratch_types=[
        pltpu.VMEM_SHARED((_RPT, _H), _f32),
        pltpu.VMEM((_BC, 128), jnp.int32),
        pltpu.VMEM((128, _H), _f32),
    ],
)(_pool_body)


_BLK = 256
_NBLK = 2 * _NP // _BLK


def _h1_body(x_ref, deg_ref, w_ref, o_ref):
    dinv = lax.rsqrt(deg_ref[...] + 1.0)
    o_ref[...] = jnp.dot(x_ref[...], w_ref[...],
                         preferred_element_type=_f32) * dinv


def _h1_call(x, deg, w):
    return pl.pallas_call(
        _h1_body,
        grid=(_NBLK,),
        in_specs=[
            pl.BlockSpec((_BLK, _D), lambda i: (i, 0)),
            pl.BlockSpec((_BLK, 1), lambda i: (i, 0)),
            pl.BlockSpec((_D, _H), lambda i: (0, 0)),
        ],
        out_specs=pl.BlockSpec((_BLK, _H), lambda i: (i, 0)),
        out_shape=jax.ShapeDtypeStruct((2 * _NP, _H), _f32),
    )(x, deg, w)


def _h2_body(s1_ref, deg_ref, w_ref, b_ref, o_ref):
    dinv = lax.rsqrt(deg_ref[...] + 1.0)
    x1 = jnp.maximum(s1_ref[...] * dinv + b_ref[...], 0.0)
    o_ref[...] = jnp.dot(x1, w_ref[...], preferred_element_type=_f32) * dinv


def _h2_call(s1, deg, w, b):
    return pl.pallas_call(
        _h2_body,
        grid=(_NBLK,),
        in_specs=[
            pl.BlockSpec((_BLK, _H), lambda i: (i, 0)),
            pl.BlockSpec((_BLK, 1), lambda i: (i, 0)),
            pl.BlockSpec((_H, _H), lambda i: (0, 0)),
            pl.BlockSpec((1, _H), lambda i: (0, 0)),
        ],
        out_specs=pl.BlockSpec((_BLK, _H), lambda i: (i, 0)),
        out_shape=jax.ShapeDtypeStruct((2 * _NP, _H), _f32),
    )(s1, deg, w, b)


def _x2_body(s2_ref, deg_ref, b_ref, o_ref):
    dinv = lax.rsqrt(deg_ref[...] + 1.0)
    o_ref[...] = jnp.maximum(s2_ref[...] * dinv + b_ref[...], 0.0)


def _x2_call(s2, deg, b):
    return pl.pallas_call(
        _x2_body,
        grid=(_NBLK,),
        in_specs=[
            pl.BlockSpec((_BLK, _H), lambda i: (i, 0)),
            pl.BlockSpec((_BLK, 1), lambda i: (i, 0)),
            pl.BlockSpec((1, _H), lambda i: (0, 0)),
        ],
        out_specs=pl.BlockSpec((_BLK, _H), lambda i: (i, 0)),
        out_shape=jax.ShapeDtypeStruct((2 * _NP, _H), _f32),
    )(s2, deg, b)


def _msg_body(eact_ref, nf_ref, we2_ref, be2_ref, o_ref):
    wm = jnp.dot(eact_ref[...], we2_ref[...],
                 preferred_element_type=_f32) + be2_ref[...]
    nfb = nf_ref[...].astype(jnp.bfloat16).astype(_f32)
    msg = jnp.zeros((128, _H), _f32)
    for h in range(_H):
        wslice = wm[:, h * _H:(h + 1) * _H].astype(jnp.bfloat16).astype(_f32)
        msg = msg + nfb[:, h:h + 1] * wslice
    o_ref[...] = msg


def _msg_call(eact, nf, we2, be2):
    return pl.pallas_call(
        _msg_body,
        grid=(16,),
        in_specs=[
            pl.BlockSpec((128, _EH), lambda i: (i, 0)),
            pl.BlockSpec((128, _H), lambda i: (i % 8, 0)),
            pl.BlockSpec((_EH, _H * _H), lambda i: (0, 0)),
            pl.BlockSpec((1, _H * _H), lambda i: (0, 0)),
        ],
        out_specs=pl.BlockSpec((128, _H), lambda i: (i, 0)),
        out_shape=jax.ShapeDtypeStruct((4 * _B, _H), _f32),
    )(eact, nf, we2, be2)


def _eact_call(ef, we1, be1):
    def body(ef_ref, we1_ref, be1_ref, nf_out):
        nf_out[...] = jnp.maximum(ef_ref[...] * we1_ref[...] + be1_ref[...],
                                  0.0)
    return pl.pallas_call(
        body,
        out_shape=jax.ShapeDtypeStruct((4 * _B, _EH), _f32),
    )(ef, we1, be1)


def _nf_call(p, cnt, wp, bp):
    def body(p_ref, cnt_ref, wp_ref, bp_ref, nf_out):
        xg = p_ref[...] / jnp.maximum(cnt_ref[...], 1.0)
        nf_out[...] = jnp.maximum(
            jnp.dot(xg, wp_ref[...], preferred_element_type=_f32)
            + bp_ref[...], 0.0)
    return pl.pallas_call(
        body,
        out_shape=jax.ShapeDtypeStruct((2 * _B, _H), _f32),
    )(p, cnt, wp, bp)


def _sys_body(p_ref, cnt_ref, msg_ref, wp_ref, bp_ref, wroot_ref, bnn_ref,
              wih_ref, whh_ref, bih_ref, bhh_ref, wc1_ref, bc1_ref, wc2_ref,
              bc2_ref, wc3_ref, bc3_ref, o_ref):
    relu = lambda v: jnp.maximum(v, 0.0)
    dot = lambda a, b: jnp.dot(a, b, preferred_element_type=_f32)
    xg = p_ref[...] / jnp.maximum(cnt_ref[...], 1.0)
    nf = relu(dot(xg, wp_ref[...]) + bp_ref[...])
    msg = msg_ref[...]
    aggr = jnp.concatenate(
        [msg[_B:2 * _B] + msg[2 * _B:3 * _B],
         msg[0:_B] + msg[3 * _B:4 * _B]], axis=0)
    m = relu(dot(nf, wroot_ref[...]) + aggr + bnn_ref[...])
    gi = dot(m, wih_ref[...]) + bih_ref[...]
    gh = dot(nf, whh_ref[...]) + bhh_ref[...]
    r = jax.nn.sigmoid(gi[:, 0:_H] + gh[:, 0:_H])
    z = jax.nn.sigmoid(gi[:, _H:2 * _H] + gh[:, _H:2 * _H])
    nn_ = jnp.tanh(gi[:, 2 * _H:3 * _H] + r * gh[:, 2 * _H:3 * _H])
    xgo = (1.0 - z) * nn_ + z * nf
    xgc = jnp.concatenate([xgo[:_B], xgo[_B:]], axis=1)
    out = relu(dot(xgc, wc1_ref[...]) + bc1_ref[...])
    out = relu(dot(out, wc2_ref[...]) + bc2_ref[...])
    o_ref[...] = dot(out, wc3_ref[...]) + bc3_ref[...]


def _sys_call(p, cnt, msg, wp, bp, wroot, bnn, wih, whh, bih, bhh, wc1, bc1,
              wc2, bc2, wc3, bc3):
    return pl.pallas_call(
        _sys_body,
        out_shape=jax.ShapeDtypeStruct((_B, 1), _f32),
    )(p, cnt, msg, wp, bp, wroot, bnn, wih, whh, bih, bhh, wc1, bc1, wc2, bc2,
      wc3, bc3)


def kernel(solvent_x, solvent_edge_index, solvent_batch, solvent_inter_hb,
           solvent_y, solute_x, solute_edge_index, solute_batch,
           solute_inter_hb, W1, b1, W2, b2, Wp, bp, We1, be1, We2, be2,
           Wroot, bnn, Wih, Whh, bih, bhh, Wc1, bc1, Wc2, bc2, Wc3, bc3):
    Xp = jnp.zeros((2, _NP, _D), _f32)
    Xp = Xp.at[0, :_N].set(solvent_x).at[1, :_N].set(solute_x)
    Xp = Xp.reshape(2 * _NP, _D)

    def pad_edges(ei, c):
        src = jnp.full((_EP,), c * _NP, jnp.int32).at[:_E].set(ei[0] + c * _NP)
        dst = jnp.full((_EP,), _N, jnp.int32).at[:_E].set(ei[1])
        return src, dst

    s0, d0 = pad_edges(solvent_edge_index, 0)
    s1e, d1e = pad_edges(solute_edge_index, 1)
    src_g = jnp.stack([s0, s1e]).reshape(2, _NT, _KC, 128)
    dst_l = jnp.stack([d0, d1e]).reshape(2, _NT, _KC, 128)

    bat = jnp.full((2, _NP), _B, jnp.int32)
    bat = bat.at[0, :_N].set(solvent_batch).at[1, :_N].set(solute_batch)
    bat4 = bat.reshape(2, _NT, _BC, 128)

    zz = jnp.zeros((_NP,), _f32)
    oo = jnp.ones((128,), _f32)
    deg2, cnt2 = _deg_kernel(dst_l, bat4, zz, oo)
    deg = deg2.reshape(2 * _NP, 1)
    cnt = cnt2[:, :_B].reshape(2 * _B, 1)

    h1p = _h1_call(Xp, deg, W1)

    S1 = _agg_kernel(h1p, src_g, dst_l)

    h2p = _h2_call(S1, deg, W2, b1.reshape(1, _H))

    S2 = _agg_kernel(h2p, src_g, dst_l)

    x2 = _x2_call(S2, deg, b2.reshape(1, _H))

    zp = jnp.zeros((_RPT, _H), _f32)
    P2 = _pool_kernel(x2, bat4, zp)
    P = P2[:, :_B].reshape(2 * _B, _H)

    ef = jnp.concatenate(
        [solvent_inter_hb, solvent_inter_hb, solvent_inter_hb,
         solute_inter_hb])[:, None]
    nf = _nf_call(P, cnt, Wp, bp.reshape(1, _H))
    eact = _eact_call(ef, We1, be1.reshape(1, _EH))
    msg = _msg_call(eact, nf, We2.reshape(_EH, _H * _H),
                    be2.reshape(1, _H * _H))
    out = _sys_call(P, cnt, msg, Wp, bp.reshape(1, _H), Wroot,
                    bnn.reshape(1, _H), Wih, Whh, bih.reshape(1, 3 * _H),
                    bhh.reshape(1, 3 * _H), Wc1, bc1.reshape(1, _H), Wc2,
                    bc2.reshape(1, _H), Wc3, bc3.reshape(1, 1))
    return out

# --- scband reference (transcript-rebuilt; emitter-appended) ---
"""Pipeline reference for scband-solv-gnn-84499186581638 (READ-ONLY COPY).

The authoritative reference and input builder live on the scoring server;
editing this copy changes nothing except your own understanding.
"""

import jax, jax.numpy as jnp
import numpy as np

N = 10000
E = 320000
D = 128
H = 128
B = 512
EH = 32

def setup_inputs(seed: int = 0):
    key = jax.random.key(seed)
    ks = jax.random.split(key, 40)
    inp = {}
    inp['solvent_x'] = jax.random.normal(ks[0], (N, D), dtype=jnp.float32)
    inp['solvent_edge_index'] = jax.random.randint(ks[1], (2, E), 0, N, dtype=jnp.int32)
    inp['solvent_batch'] = jnp.sort(jax.random.randint(ks[2], (N,), 0, B, dtype=jnp.int32))
    inp['solvent_inter_hb'] = jax.random.uniform(ks[3], (B,), dtype=jnp.float32)
    inp['solvent_y'] = jax.random.normal(ks[4], (B, 1), dtype=jnp.float32)
    inp['solute_x'] = jax.random.normal(ks[5], (N, D), dtype=jnp.float32)
    inp['solute_edge_index'] = jax.random.randint(ks[6], (2, E), 0, N, dtype=jnp.int32)
    inp['solute_batch'] = jnp.sort(jax.random.randint(ks[7], (N,), 0, B, dtype=jnp.int32))
    inp['solute_inter_hb'] = jax.random.uniform(ks[8], (B,), dtype=jnp.float32)
    w = lambda k, s: jax.random.normal(k, s, dtype=jnp.float32) * 0.05
    inp['W1'] = w(ks[9], (D, H)); inp['b1'] = jnp.zeros((H,), jnp.float32)
    inp['W2'] = w(ks[10], (H, H)); inp['b2'] = jnp.zeros((H,), jnp.float32)
    inp['Wp'] = w(ks[11], (H, H)); inp['bp'] = jnp.zeros((H,), jnp.float32)
    inp['We1'] = w(ks[12], (1, EH)); inp['be1'] = jnp.zeros((EH,), jnp.float32)
    inp['We2'] = w(ks[13], (EH, H * H)); inp['be2'] = jnp.zeros((H * H,), jnp.float32)
    inp['Wroot'] = w(ks[14], (H, H)); inp['bnn'] = jnp.zeros((H,), jnp.float32)
    inp['Wih'] = w(ks[15], (H, 3 * H)); inp['Whh'] = w(ks[16], (H, 3 * H))
    inp['bih'] = jnp.zeros((3 * H,), jnp.float32); inp['bhh'] = jnp.zeros((3 * H,), jnp.float32)
    inp['Wc1'] = w(ks[17], (2 * H, H)); inp['bc1'] = jnp.zeros((H,), jnp.float32)
    inp['Wc2'] = w(ks[18], (H, H)); inp['bc2'] = jnp.zeros((H,), jnp.float32)
    inp['Wc3'] = w(ks[19], (H, 1)); inp['bc3'] = jnp.zeros((1,), jnp.float32)
    return inp

def _gcn(x, src, dst, W, b):
    n = x.shape[0]
    ar = jnp.arange(n)
    s = jnp.concatenate([src, ar])
    d = jnp.concatenate([dst, ar])
    deg = jnp.zeros((n,), x.dtype).at[d].add(1.0)
    dinv = jax.lax.rsqrt(deg)
    h = x @ W
    msg = h[s] * (dinv[s] * dinv[d])[:, None]
    return jnp.zeros((n, W.shape[1]), x.dtype).at[d].add(msg) + b

def _mean_pool(x, seg, nseg):
    s = jax.ops.segment_sum(x, seg, num_segments=nseg)
    c = jax.ops.segment_sum(jnp.ones((x.shape[0],), x.dtype), seg, num_segments=nseg)
    return s / jnp.maximum(c, 1.0)[:, None]

def _forward(solvent_x, solvent_edge_index, solvent_batch, solvent_inter_hb, solvent_y, solute_x, solute_edge_index, solute_batch, solute_inter_hb, W1, b1, W2, b2, Wp, bp, We1, be1, We2, be2, Wroot, bnn, Wih, Whh, bih, bhh, Wc1, bc1, Wc2, bc2, Wc3, bc3):
    relu = jax.nn.relu
    bs = B
    # per-molecule GCN encoder (shared weights between solvent and solute)
    x1 = relu(_gcn(solvent_x, solvent_edge_index[0], solvent_edge_index[1], W1, b1))
    x1 = relu(_gcn(x1, solvent_edge_index[0], solvent_edge_index[1], W2, b2))
    x2 = relu(_gcn(solute_x, solute_edge_index[0], solute_edge_index[1], W1, b1))
    x2 = relu(_gcn(x2, solute_edge_index[0], solute_edge_index[1], W2, b2))
    xg1 = _mean_pool(x1, solvent_batch, bs)
    xg2 = _mean_pool(x2, solute_batch, bs)
    node_feat = jnp.concatenate([xg1, xg2], axis=0)
    inter_hb = solvent_inter_hb
    intra_hb1 = solvent_inter_hb
    intra_hb2 = solute_inter_hb
    edge_feat = jnp.concatenate([jnp.tile(inter_hb, 2), intra_hb1, intra_hb2])[:, None]
    # system graph edge_index (generate_sys_graph)
    src = jnp.arange(bs)
    dst = jnp.arange(bs, 2 * bs)
    sc = jnp.arange(2 * bs)
    one_way = jnp.concatenate([src, dst, sc])
    other_way = jnp.concatenate([dst, src, sc])
    # MPNNconv: project node feats
    nf = relu(node_feat @ Wp + bp)
    hidden = nf
    # NNConv with edge network, aggr='add'
    e = relu(edge_feat @ We1 + be1) @ We2 + be2
    Wmat = e.reshape(-1, H, H)
    msg = jnp.einsum('eh,eho->eo', nf[one_way], Wmat)
    aggr = jnp.zeros((2 * bs, H), nf.dtype).at[other_way].add(msg)
    m = relu(nf @ Wroot + aggr + bnn)
    # GRU step (1 layer, seq len 1)
    gi = m @ Wih + bih
    gh = hidden @ Whh + bhh
    ir, iz, inn = jnp.split(gi, 3, axis=-1)
    hr, hz, hn = jnp.split(gh, 3, axis=-1)
    r = jax.nn.sigmoid(ir + hr)
    z = jax.nn.sigmoid(iz + hz)
    nn_ = jnp.tanh(inn + r * hn)
    xg = (1.0 - z) * nn_ + z * hidden
    xg = jnp.concatenate([xg[:bs], xg[bs:]], axis=1)
    out = relu(xg @ Wc1 + bc1)
    out = relu(out @ Wc2 + bc2)
    out = out @ Wc3 + bc3
    return out

def reference(solvent_x, solvent_edge_index, solvent_batch, solvent_inter_hb, solvent_y, solute_x, solute_edge_index, solute_batch, solute_inter_hb, W1, b1, W2, b2, Wp, bp, We1, be1, We2, be2, Wroot, bnn, Wih, Whh, bih, bhh, Wc1, bc1, Wc2, bc2, Wc3, bc3):
    return _forward(solvent_x, solvent_edge_index, solvent_batch, solvent_inter_hb, solvent_y, solute_x, solute_edge_index, solute_batch, solute_inter_hb, W1, b1, W2, b2, Wp, bp, We1, be1, We2, be2, Wroot, bnn, Wih, Whh, bih, bhh, Wc1, bc1, Wc2, bc2, Wc3, bc3)

if __name__ == "__main__":
    import jax
    _d = setup_inputs()
    print(jax.jit(kernel)(*tuple(_d.values())))

</pallas_src>

<mosaic_0001>
#map = affine_map<(d0, d1) -> (0, 0)>
#map1 = affine_map<(d0, d1) -> (0, 0, 0, 0)>
module attributes {stable_mosaic.version = 14 : i64} {
  func.func @_agg_body(%arg0: i32, %arg1: i32, %arg2: memref<20480x128xf32, #tpu.memory_space<hbm>>, %arg3: memref<2x16x160x128xi32, #tpu.memory_space<hbm>>, %arg4: memref<2x16x160x128xi32, #tpu.memory_space<hbm>>, %arg5: memref<20480x128xf32, #tpu.memory_space<hbm>>, %arg6: memref<10240x128xf32, #tpu.memory_space<vmem_shared>>, %arg7: memref<16x128xi32, #tpu.memory_space<vmem>>, %arg8: memref<16x128xi32, #tpu.memory_space<vmem>>, %arg9: memref<128x128xf32, #tpu.memory_space<vmem>>, %arg10: memref<128x128xf32, #tpu.memory_space<vmem>>, %arg11: memref<!tpu.dma_semaphore, #tpu.memory_space<semaphore_mem>>, %arg12: memref<!tpu.dma_semaphore, #tpu.memory_space<semaphore_mem>>) attributes {dimension_semantics = [#tpu.dimension_semantics<core_parallel>, #tpu.dimension_semantics<subcore_parallel>], iteration_bounds = array<i64: 2, 16>, scalar_prefetch = 0 : i64, scratch_operands = 7 : i64, tpu.core_type = #tpu.core_type<sc_vector_subcore>, window_params = [{transform_indices = #map}, {transform_indices = #map1}, {transform_indices = #map1}, {transform_indices = #map}]} {
    %mul3A = arith.constant 640 : i32
    %mul3A_0 = arith.muli %arg1, %mul3A : i32
    %mul3A_1 = arith.constant 10240 : i32
    %mul3A_2 = arith.muli %arg0, %mul3A_1 : i32
    %add3A = arith.addi %mul3A_2, %mul3A_0 : i32
    "tpu.region"() ({
      %run_scoped3A = tpu.sem_alloc : memref<!tpu.dma_semaphore, #tpu.memory_space<semaphore_mem>>
      %dma_start3A = arith.constant 0 : i32
      %dma_start3A_12 = tpu.memref_slice %arg6[%mul3A_0, %dma_start3A] : memref<10240x128xf32, #tpu.memory_space<vmem_shared>> -> memref<640x128xf32, #tpu.memory_space<vmem_shared>>
      %dma_start3A_13 = arith.constant 0 : i32
      %dma_start3A_14 = tpu.memref_slice %arg2[%add3A, %dma_start3A_13] : memref<20480x128xf32, #tpu.memory_space<hbm>> -> memref<640x128xf32, #tpu.memory_space<hbm>>
      tpu.enqueue_dma source(%dma_start3A_14 : memref<640x128xf32, #tpu.memory_space<hbm>>) target(%dma_start3A_12 : memref<640x128xf32, #tpu.memory_space<vmem_shared>>) target_semaphore(%run_scoped3A : memref<!tpu.dma_semaphore, #tpu.memory_space<semaphore_mem>>)
      %dma_wait3A = arith.constant 0 : i32
      %dma_wait3A_15 = tpu.memref_slice %arg6[%mul3A_0, %dma_wait3A] : memref<10240x128xf32, #tpu.memory_space<vmem_shared>> -> memref<640x128xf32, #tpu.memory_space<vmem_shared>>
      %dma_wait3A_16 = arith.constant 0 : i32
      %dma_wait3A_17 = tpu.memref_slice %arg2[%add3A, %dma_wait3A_16] : memref<20480x128xf32, #tpu.memory_space<hbm>> -> memref<640x128xf32, #tpu.memory_space<hbm>>
      tpu.wait_dma2 semaphore(%run_scoped3A : memref<!tpu.dma_semaphore, #tpu.memory_space<semaphore_mem>>) src(%dma_wait3A_17 : memref<640x128xf32, #tpu.memory_space<hbm>>) dst(%dma_wait3A_15 : memref<640x128xf32, #tpu.memory_space<vmem_shared>>)
      tpu.yield
    }) : () -> ()
    %barrier3A = arith.constant 0 : index
    tpu.barrier barrier_id(%barrier3A)
    %scan3A = arith.constant 0 : i32
    %scan3A_3 = arith.constant 0 : i32
    %scan3A_4 = arith.constant 10 : i32
    %scan3A_5 = arith.addi %scan3A_3, %scan3A_4 : i32
    %scan3A_6 = arith.constant 1 : i32
    scf.for %scan3A_12 = %scan3A_3 to %scan3A_5 step %scan3A_6  : i32 {
      %mul3A_13 = arith.constant 16 : i32
      %mul3A_14 = arith.muli %scan3A_12, %mul3A_13 : i32
      "tpu.region"() ({
        %run_scoped3A = tpu.sem_alloc : memref<!tpu.dma_semaphore, #tpu.memory_space<semaphore_mem>>
        %dma_start3A_463 = arith.constant 0 : i32
        %dma_start3A_464 = tpu.memref_slice %arg3[%arg0, %arg1, %mul3A_14, %dma_start3A_463] : memref<2x16x160x128xi32, #tpu.memory_space<hbm>> -> memref<1x1x16x128xi32, #tpu.memory_space<hbm>>
        %dma_start3A_465 = tpu.memref_squeeze %dma_start3A_464 : memref<1x1x16x128xi32, #tpu.memory_space<hbm>> -> memref<16x128xi32, #tpu.memory_space<hbm>>
        %dma_start3A_466 = arith.constant 0 : i32
        %dma_start3A_467 = tpu.memref_slice %arg3[%arg0, %arg1, %mul3A_14, %dma_start3A_466] : memref<2x16x160x128xi32, #tpu.memory_space<hbm>> -> memref<1x1x16x128xi32, #tpu.memory_space<hbm>>
        %dma_start3A_468 = tpu.memref_squeeze %dma_start3A_467 : memref<1x1x16x128xi32, #tpu.memory_space<hbm>> -> memref<16x128xi32, #tpu.memory_space<hbm>>
        tpu.enqueue_dma source(%dma_start3A_468 : memref<16x128xi32, #tpu.memory_space<hbm>>) target(%arg7 : memref<16x128xi32, #tpu.memory_space<vmem>>) target_semaphore(%run_scoped3A : memref<!tpu.dma_semaphore, #tpu.memory_space<semaphore_mem>>)
        %dma_wait3A_469 = arith.constant 0 : i32
        %dma_wait3A_470 = tpu.memref_slice %arg3[%arg0, %arg1, %mul3A_14, %dma_wait3A_469] : memref<2x16x160x128xi32, #tpu.memory_space<hbm>> -> memref<1x1x16x128xi32, #tpu.memory_space<hbm>>
        %dma_wait3A_471 = tpu.memref_squeeze %dma_wait3A_470 : memref<1x1x16x128xi32, #tpu.memory_space<hbm>> -> memref<16x128xi32, #tpu.memory_space<hbm>>
        %dma_wait3A_472 = arith.constant 0 : i32
        %dma_wait3A_473 = tpu.memref_slice %arg3[%arg0, %arg1, %mul3A_14, %dma_wait3A_472] : memref<2x16x160x128xi32, #tpu.memory_space<hbm>> -> memref<1x1x16x128xi32, #tpu.memory_space<hbm>>
        %dma_wait3A_474 = tpu.memref_squeeze %dma_wait3A_473 : memref<1x1x16x128xi32, #tpu.memory_space<hbm>> -> memref<16x128xi32, #tpu.memory_space<hbm>>
        tpu.wait_dma2 semaphore(%run_scoped3A : memref<!tpu.dma_semaphore, #tpu.memory_space<semaphore_mem>>) src(%dma_wait3A_474 : memref<16x128xi32, #tpu.memory_space<hbm>>) dst(%arg7 : memref<16x128xi32, #tpu.memory_space<vmem>>)
        tpu.yield
      }) : () -> ()
      %mul3A_15 = arith.constant 16 : i32
      %mul3A_16 = arith.muli %scan3A_12, %mul3A_15 : i32
      "tpu.region"() ({
        %run_scoped3A = tpu.sem_alloc : memref<!tpu.dma_semaphore, #tpu.memory_space<semaphore_mem>>
        %dma_start3A_463 = arith.constant 0 : i32
        %dma_start3A_464 = tpu.memref_slice %arg4[%arg0, %arg1, %mul3A_16, %dma_start3A_463] : memref<2x16x160x128xi32, #tpu.memory_space<hbm>> -> memref<1x1x16x128xi32, #tpu.memory_space<hbm>>
        %dma_start3A_465 = tpu.memref_squeeze %dma_start3A_464 : memref<1x1x16x128xi32, #tpu.memory_space<hbm>> -> memref<16x128xi32, #tpu.memory_space<hbm>>
        %dma_start3A_466 = arith.constant 0 : i32
        %dma_start3A_467 = tpu.memref_slice %arg4[%arg0, %arg1, %mul3A_16, %dma_start3A_466] : memref<2x16x160x128xi32, #tpu.memory_space<hbm>> -> memref<1x1x16x128xi32, #tpu.memory_space<hbm>>
        %dma_start3A_468 = tpu.memref_squeeze %dma_start3A_467 : memref<1x1x16x128xi32, #tpu.memory_space<hbm>> -> memref<16x128xi32, #tpu.memory_space<hbm>>
        tpu.enqueue_dma source(%dma_start3A_468 : memref<16x128xi32, #tpu.memory_space<hbm>>) target(%arg8 : memref<16x128xi32, #tpu.memory_space<vmem>>) target_semaphore(%run_scoped3A : memref<!tpu.dma_semaphore, #tpu.memory_space<semaphore_mem>>)
        %dma_wait3A_469 = arith.constant 0 : i32
        %dma_wait3A_470 = tpu.memref_slice %arg4[%arg0, %arg1, %mul3A_16, %dma_wait3A_469] : memref<2x16x160x128xi32, #tpu.memory_space<hbm>> -> memref<1x1x16x128xi32, #tpu.memory_space<hbm>>
        %dma_wait3A_471 = tpu.memref_squeeze %dma_wait3A_470 : memref<1x1x16x128xi32, #tpu.memory_space<hbm>> -> memref<16x128xi32, #tpu.memory_space<hbm>>
        %dma_wait3A_472 = arith.constant 0 : i32
        %dma_wait3A_473 = tpu.memref_slice %arg4[%arg0, %arg1, %mul3A_16, %dma_wait3A_472] : memref<2x16x160x128xi32, #tpu.memory_space<hbm>> -> memref<1x1x16x128xi32, #tpu.memory_space<hbm>>
        %dma_wait3A_474 = tpu.memref_squeeze %dma_wait3A_473 : memref<1x1x16x128xi32, #tpu.memory_space<hbm>> -> memref<16x128xi32, #tpu.memory_space<hbm>>
        tpu.wait_dma2 semaphore(%run_scoped3A : memref<!tpu.dma_semaphore, #tpu.memory_space<semaphore_mem>>) src(%dma_wait3A_474 : memref<16x128xi32, #tpu.memory_space<hbm>>) dst(%arg8 : memref<16x128xi32, #tpu.memory_space<vmem>>)
        tpu.yield
      }) : () -> ()
      %dma_start3A = arith.constant 0 : i32
      %dma_start3A_17 = arith.constant 0 : i32
      %dma_start3A_18 = tpu.memref_slice %arg7[%dma_start3A, %dma_start3A_17] : memref<16x128xi32, #tpu.memory_space<vmem>> -> memref<1x128xi32, #tpu.memory_space<vmem>>
      %dma_start3A_19 = tpu.memref_squeeze %dma_start3A_18 : memref<1x128xi32, #tpu.memory_space<vmem>> -> memref<128xi32, #tpu.memory_space<vmem>>
      %dma_start3A_20 = arith.constant 0 : i32
      %dma_start3A_21 = arith.constant 0 : i32
      %dma_start3A_22 = tpu.memref_slice %arg2[%dma_start3A_20, %dma_start3A_21] : memref<20480x128xf32, #tpu.memory_space<hbm>> -> memref<20480x128xf32, #tpu.memory_space<hbm>>
      tpu.enqueue_indirect_dma source(%dma_start3A_22 : memref<20480x128xf32, #tpu.memory_space<hbm>>) target(%arg9 : memref<128x128xf32, #tpu.memory_space<vmem>>) offsets(%dma_start3A_19 : memref<128xi32, #tpu.memory_space<vmem>>) semaphore(%arg11 : memref<!tpu.dma_semaphore, #tpu.memory_space<semaphore_mem>>)
      %dma_wait3A = arith.constant 0 : i32
      %dma_wait3A_23 = arith.constant 0 : i32
      %dma_wait3A_24 = tpu.memref_slice %arg7[%dma_wait3A, %dma_wait3A_23] : memref<16x128xi32, #tpu.memory_space<vmem>> -> memref<1x128xi32, #tpu.memory_space<vmem>>
      %dma_wait3A_25 = tpu.memref_squeeze %dma_wait3A_24 : memref<1x128xi32, #tpu.memory_space<vmem>> -> memref<128xi32, #tpu.memory_space<vmem>>
      %dma_wait3A_26 = arith.constant 0 : i32
      %dma_wait3A_27 = arith.constant 0 : i32
      %dma_wait3A_28 = tpu.memref_slice %arg2[%dma_wait3A_26, %dma_wait3A_27] : memref<20480x128xf32, #tpu.memory_space<hbm>> -> memref<20480x128xf32, #tpu.memory_space<hbm>>
      tpu.wait_indirect_dma semaphore(%arg11 : memref<!tpu.dma_semaphore, #tpu.memory_space<semaphore_mem>>) src(%dma_wait3A_28 : memref<20480x128xf32, #tpu.memory_space<hbm>>) dst(%arg9 : memref<128x128xf32, #tpu.memory_space<vmem>>)
      %dma_start3A_29 = arith.constant 1 : i32
      %dma_start3A_30 = arith.constant 0 : i32
      %dma_start3A_31 = tpu.memref_slice %arg7[%dma_start3A_29, %dma_start3A_30] : memref<16x128xi32, #tpu.memory_space<vmem>> -> memref<1x128xi32, #tpu.memory_space<vmem>>
      %dma_start3A_32 = tpu.memref_squeeze %dma_start3A_31 : memref<1x128xi32, #tpu.memory_space<vmem>> -> memref<128xi32, #tpu.memory_space<vmem>>
      %dma_start3A_33 = arith.constant 0 : i32
      %dma_start3A_34 = arith.constant 0 : i32
      %dma_start3A_35 = tpu.memref_slice %arg2[%dma_start3A_33, %dma_start3A_34] : memref<20480x128xf32, #tpu.memory_space<hbm>> -> memref<20480x128xf32, #tpu.memory_space<hbm>>
      tpu.enqueue_indirect_dma source(%dma_start3A_35 : memref<20480x128xf32, #tpu.memory_space<hbm>>) target(%arg10 : memref<128x128xf32, #tpu.memory_space<vmem>>) offsets(%dma_start3A_32 : memref<128xi32, #tpu.memory_space<vmem>>) semaphore(%arg11 : memref<!tpu.dma_semaphore, #tpu.memory_space<semaphore_mem>>)
      %dma_start3A_36 = arith.constant 0 : i32
      %dma_start3A_37 = arith.constant 0 : i32
      %dma_start3A_38 = tpu.memref_slice %arg8[%dma_start3A_36, %dma_start3A_37] : memref<16x128xi32, #tpu.memory_space<vmem>> -> memref<1x128xi32, #tpu.memory_space<vmem>>
      %dma_start3A_39 = tpu.memref_squeeze %dma_start3A_38 : memref<1x128xi32, #tpu.memory_space<vmem>> -> memref<128xi32, #tpu.memory_space<vmem>>
      %dma_start3A_40 = arith.constant 0 : i32
      %dma_start3A_41 = arith.constant 0 : i32
      %dma_start3A_42 = tpu.memref_slice %arg6[%dma_start3A_40, %dma_start3A_41] : memref<10240x128xf32, #tpu.memory_space<vmem_shared>> -> memref<10240x128xf32, #tpu.memory_space<vmem_shared>>
      tpu.enqueue_indirect_dma source(%arg9 : memref<128x128xf32, #tpu.memory_space<vmem>>) target(%dma_start3A_42 : memref<10240x128xf32, #tpu.memory_space<vmem_shared>>) offsets(%dma_start3A_39 : memref<128xi32, #tpu.memory_space<vmem>>) semaphore(%arg12 : memref<!tpu.dma_semaphore, #tpu.memory_space<semaphore_mem>>) {add = true}
      %dma_wait3A_43 = arith.constant 1 : i32
      %dma_wait3A_44 = arith.constant 0 : i32
      %dma_wait3A_45 = tpu.memref_slice %arg7[%dma_wait3A_43, %dma_wait3A_44] : memref<16x128xi32, #tpu.memory_space<vmem>> -> memref<1x128xi32, #tpu.memory_space<vmem>>
      %dma_wait3A_46 = tpu.memref_squeeze %dma_wait3A_45 : memref<1x128xi32, #tpu.memory_space<vmem>> -> memref<128xi32, #tpu.memory_space<vmem>>
      %dma_wait3A_47 = arith.constant 0 : i32
      %dma_wait3A_48 = arith.constant 0 : i32
      %dma_wait3A_49 = tpu.memref_slice %arg2[%dma_wait3A_47, %dma_wait3A_48] : memref<20480x128xf32, #tpu.memory_space<hbm>> -> memref<20480x128xf32, #tpu.memory_space<hbm>>
      tpu.wait_indirect_dma semaphore(%arg11 : memref<!tpu.dma_semaphore, #tpu.memory_space<semaphore_mem>>) src(%dma_wait3A_49 : memref<20480x128xf32, #tpu.memory_space<hbm>>) dst(%arg10 : memref<128x128xf32, #tpu.memory_space<vmem>>)
      %dma_wait3A_50 = arith.constant 0 : i32
      %dma_wait3A_51 = arith.constant 0 : i32
      %dma_wait3A_52 = tpu.memref_slice %arg8[%dma_wait3A_50, %dma_wait3A_51] : memref<16x128xi32, #tpu.memory_space<vmem>> -> memref<1x128xi32, #tpu.memory_space<vmem>>
      %dma_wait3A_53 = tpu.memref_squeeze %dma_wait3A_52 : memref<1x128xi32, #tpu.memory_space<vmem>> -> memref<128xi32, #tpu.memory_space<vmem>>
      %dma_wait3A_54 = arith.constant 0 : i32
      %dma_wait3A_55 = arith.constant 0 : i32
      %dma_wait3A_56 = tpu.memref_slice %arg6[%dma_wait3A_54, %dma_wait3A_55] : memref<10240x128xf32, #tpu.memory_space<vmem_shared>> -> memref<10240x128xf32, #tpu.memory_space<vmem_shared>>
      tpu.wait_indirect_dma semaphore(%arg12 : memref<!tpu.dma_semaphore, #tpu.memory_space<semaphore_mem>>) src(%arg9 : memref<128x128xf32, #tpu.memory_space<vmem>>) dst(%dma_wait3A_56 : memref<10240x128xf32, #tpu.memory_space<vmem_shared>>)
      %dma_start3A_57 = arith.constant 2 : i32
      %dma_start3A_58 = arith.constant 0 : i32
      %dma_start3A_59 = tpu.memref_slice %arg7[%dma_start3A_57, %dma_start3A_58] : memref<16x128xi32, #tpu.memory_space<vmem>> -> memref<1x128xi32, #tpu.memory_space<vmem>>
      %dma_start3A_60 = tpu.memref_squeeze %dma_start3A_59 : memref<1x128xi32, #tpu.memory_space<vmem>> -> memref<128xi32, #tpu.memory_space<vmem>>
      %dma_start3A_61 = arith.constant 0 : i32
      %dma_start3A_62 = arith.constant 0 : i32
      %dma_start3A_63 = tpu.memref_slice %arg2[%dma_start3A_61, %dma_start3A_62] : memref<20480x128xf32, #tpu.memory_space<hbm>> -> memref<20480x128xf32, #tpu.memory_space<hbm>>
      tpu.enqueue_indirect_dma source(%dma_start3A_63 : memref<20480x128xf32, #tpu.memory_space<hbm>>) target(%arg9 : memref<128x128xf32, #tpu.memory_space<vmem>>) offsets(%dma_start3A_60 : memref<128xi32, #tpu.memory_space<vmem>>) semaphore(%arg11 : memref<!tpu.dma_semaphore, #tpu.memory_space<semaphore_mem>>)
      %dma_start3A_64 = arith.constant 1 : i32
      %dma_start3A_65 = arith.constant 0 : i32
      %dma_start3A_66 = tpu.memref_slice %arg8[%dma_start3A_64, %dma_start3A_65] : memref<16x128xi32, #tpu.memory_space<vmem>> -> memref<1x128xi32, #tpu.memory_space<vmem>>
      %dma_start3A_67 = tpu.memref_squeeze %dma_start3A_66 : memref<1x128xi32, #tpu.memory_space<vmem>> -> memref<128xi32, #tpu.memory_space<vmem>>
      %dma_start3A_68 = arith.constant 0 : i32
      %dma_start3A_69 = arith.constant 0 : i32
      %dma_start3A_70 = tpu.memref_slice %arg6[%dma_start3A_68, %dma_start3A_69] : memref<10240x128xf32, #tpu.memory_space<vmem_shared>> -> memref<10240x128xf32, #tpu.memory_space<vmem_shared>>
      tpu.enqueue_indirect_dma source(%arg10 : memref<128x128xf32, #tpu.memory_space<vmem>>) target(%dma_start3A_70 : memref<10240x128xf32, #tpu.memory_space<vmem_shared>>) offsets(%dma_start3A_67 : memref<128xi32, #tpu.memory_space<vmem>>) semaphore(%arg12 : memref<!tpu.dma_semaphore, #tpu.memory_space<semaphore_mem>>) {add = true}
      %dma_wait3A_71 = arith.constant 2 : i32
      %dma_wait3A_72 = arith.constant 0 : i32
      %dma_wait3A_73 = tpu.memref_slice %arg7[%dma_wait3A_71, %dma_wait3A_72] : memref<16x128xi32, #tpu.memory_space<vmem>> -> memref<1x128xi32, #tpu.memory_space<vmem>>
      %dma_wait3A_74 = tpu.memref_squeeze %dma_wait3A_73 : memref<1x128xi32, #tpu.memory_space<vmem>> -> memref<128xi32, #tpu.memory_space<vmem>>
      %dma_wait3A_75 = arith.constant 0 : i32
      %dma_wait3A_76 = arith.constant 0 : i32
      %dma_wait3A_77 = tpu.memref_slice %arg2[%dma_wait3A_75, %dma_wait3A_76] : memref<20480x128xf32, #tpu.memory_space<hbm>> -> memref<20480x128xf32, #tpu.memory_space<hbm>>
      tpu.wait_indirect_dma semaphore(%arg11 : memref<!tpu.dma_semaphore, #tpu.memory_space<semaphore_mem>>) src(%dma_wait3A_77 : memref<20480x128xf32, #tpu.memory_space<hbm>>) dst(%arg9 : memref<128x128xf32, #tpu.memory_space<vmem>>)
      %dma_wait3A_78 = arith.constant 1 : i32
      %dma_wait3A_79 = arith.constant 0 : i32
      %dma_wait3A_80 = tpu.memref_slice %arg8[%dma_wait3A_78, %dma_wait3A_79] : memref<16x128xi32, #tpu.memory_space<vmem>> -> memref<1x128xi32, #tpu.memory_space<vmem>>
      %dma_wait3A_81 = tpu.memref_squeeze %dma_wait3A_80 : memref<1x128xi32, #tpu.memory_space<vmem>> -> memref<128xi32, #tpu.memory_space<vmem>>
      %dma_wait3A_82 = arith.constant 0 : i32
      %dma_wait3A_83 = arith.constant 0 : i32
      %dma_wait3A_84 = tpu.memref_slice %arg6[%dma_wait3A_82, %dma_wait3A_83] : memref<10240x128xf32, #tpu.memory_space<vmem_shared>> -> memref<10240x128xf32, #tpu.memory_space<vmem_shared>>
      tpu.wait_indirect_dma semaphore(%arg12 : memref<!tpu.dma_semaphore, #tpu.memory_space<semaphore_mem>>) src(%arg10 : memref<128x128xf32, #tpu.memory_space<vmem>>) dst(%dma_wait3A_84 : memref<10240x128xf32, #tpu.memory_space<vmem_shared>>)
      %dma_start3A_85 = arith.constant 3 : i32
      %dma_start3A_86 = arith.constant 0 : i32
      %dma_start3A_87 = tpu.memref_slice %arg7[%dma_start3A_85, %dma_start3A_86] : memref<16x128xi32, #tpu.memory_space<vmem>> -> memref<1x128xi32, #tpu.memory_space<vmem>>
      %dma_start3A_88 = tpu.memref_squeeze %dma_start3A_87 : memref<1x128xi32, #tpu.memory_space<vmem>> -> memref<128xi32, #tpu.memory_space<vmem>>
      %dma_start3A_89 = arith.constant 0 : i32
      %dma_start3A_90 = arith.constant 0 : i32
      %dma_start3A_91 = tpu.memref_slice %arg2[%dma_start3A_89, %dma_start3A_90] : memref<20480x128xf32, #tpu.memory_space<hbm>> -> memref<20480x128xf32, #tpu.memory_space<hbm>>
      tpu.enqueue_indirect_dma source(%dma_start3A_91 : memref<20480x128xf32, #tpu.memory_space<hbm>>) target(%arg10 : memref<128x128xf32, #tpu.memory_space<vmem>>) offsets(%dma_start3A_88 : memref<128xi32, #tpu.memory_space<vmem>>) semaphore(%arg11 : memref<!tpu.dma_semaphore, #tpu.memory_space<semaphore_mem>>)
      %dma_start3A_92 = arith.constant 2 : i32
      %dma_start3A_93 = arith.constant 0 : i32
      %dma_start3A_94 = tpu.memref_slice %arg8[%dma_start3A_92, %dma_start3A_93] : memref<16x128xi32, #tpu.memory_space<vmem>> -> memref<1x128xi32, #tpu.memory_space<vmem>>
      %dma_start3A_95 = tpu.memref_squeeze %dma_start3A_94 : memref<1x128xi32, #tpu.memory_space<vmem>> -> memref<128xi32, #tpu.memory_space<vmem>>
      %dma_start3A_96 = arith.constant 0 : i32
      %dma_start3A_97 = arith.constant 0 : i32
      %dma_start3A_98 = tpu.memref_slice %arg6[%dma_start3A_96, %dma_start3A_97] : memref<10240x128xf32, #tpu.memory_space<vmem_shared>> -> memref<10240x128xf32, #tpu.memory_space<vmem_shared>>
      tpu.enqueue_indirect_dma source(%arg9 : memref<128x128xf32, #tpu.memory_space<vmem>>) target(%dma_start3A_98 : memref<10240x128xf32, #tpu.memory_space<vmem_shared>>) offsets(%dma_start3A_95 : memref<128xi32, #tpu.memory_space<vmem>>) semaphore(%arg12 : memref<!tpu.dma_semaphore, #tpu.memory_space<semaphore_mem>>) {add = true}
      %dma_wait3A_99 = arith.constant 3 : i32
      %dma_wait3A_100 = arith.constant 0 : i32
      %dma_wait3A_101 = tpu.memref_slice %arg7[%dma_wait3A_99, %dma_wait3A_100] : memref<16x128xi32, #tpu.memory_space<vmem>> -> memref<1x128xi32, #tpu.memory_space<vmem>>
      %dma_wait3A_102 = tpu.memref_squeeze %dma_wait3A_101 : memref<1x128xi32, #tpu.memory_space<vmem>> -> memref<128xi32, #tpu.memory_space<vmem>>
      %dma_wait3A_103 = arith.constant 0 : i32
      %dma_wait3A_104 = arith.constant 0 : i32
      %dma_wait3A_105 = tpu.memref_slice %arg2[%dma_wait3A_103, %dma_wait3A_104] : memref<20480x128xf32, #tpu.memory_space<hbm>> -> memref<20480x128xf32, #tpu.memory_space<hbm>>
      tpu.wait_indirect_dma semaphore(%arg11 : memref<!tpu.dma_semaphore, #tpu.memory_space<semaphore_mem>>) src(%dma_wait3A_105 : memref<20480x128xf32, #tpu.memory_space<hbm>>) dst(%arg10 : memref<128x128xf32, #tpu.memory_space<vmem>>)
      %dma_wait3A_106 = arith.constant 2 : i32
      %dma_wait3A_107 = arith.constant 0 : i32
      %dma_wait3A_108 = tpu.memref_slice %arg8[%dma_wait3A_106, %dma_wait3A_107] : memref<16x128xi32, #tpu.memory_space<vmem>> -> memref<1x128xi32, #tpu.memory_space<vmem>>
      %dma_wait3A_109 = tpu.memref_squeeze %dma_wait3A_108 : memref<1x128xi32, #tpu.memory_space<vmem>> -> memref<128xi32, #tpu.memory_space<vmem>>
      %dma_wait3A_110 = arith.constant 0 : i32
      %dma_wait3A_111 = arith.constant 0 : i32
      %dma_wait3A_112 = tpu.memref_slice %arg6[%dma_wait3A_110, %dma_wait3A_111] : memref<10240x128xf32, #tpu.memory_space<vmem_shared>> -> memref<10240x128xf32, #tpu.memory_space<vmem_shared>>
      tpu.wait_indirect_dma semaphore(%arg12 : memref<!tpu.dma_semaphore, #tpu.memory_space<semaphore_mem>>) src(%arg9 : memref<128x128xf32, #tpu.memory_space<vmem>>) dst(%dma_wait3A_112 : memref<10240x128xf32, #tpu.memory_space<vmem_shared>>)
      %dma_start3A_113 = arith.constant 4 : i32
      %dma_start3A_114 = arith.constant 0 : i32
      %dma_start3A_115 = tpu.memref_slice %arg7[%dma_start3A_113, %dma_start3A_114] : memref<16x128xi32, #tpu.memory_space<vmem>> -> memref<1x128xi32, #tpu.memory_space<vmem>>
      %dma_start3A_116 = tpu.memref_squeeze %dma_start3A_115 : memref<1x128xi32, #tpu.memory_space<vmem>> -> memref<128xi32, #tpu.memory_space<vmem>>
      %dma_start3A_117 = arith.constant 0 : i32
      %dma_start3A_118 = arith.constant 0 : i32
      %dma_start3A_119 = tpu.memref_slice %arg2[%dma_start3A_117, %dma_start3A_118] : memref<20480x128xf32, #tpu.memory_space<hbm>> -> memref<20480x128xf32, #tpu.memory_space<hbm>>
      tpu.enqueue_indirect_dma source(%dma_start3A_119 : memref<20480x128xf32, #tpu.memory_space<hbm>>) target(%arg9 : memref<128x128xf32, #tpu.memory_space<vmem>>) offsets(%dma_start3A_116 : memref<128xi32, #tpu.memory_space<vmem>>) semaphore(%arg11 : memref<!tpu.dma_semaphore, #tpu.memory_space<semaphore_mem>>)
      %dma_start3A_120 = arith.constant 3 : i32
      %dma_start3A_121 = arith.constant 0 : i32
      %dma_start3A_122 = tpu.memref_slice %arg8[%dma_start3A_120, %dma_start3A_121] : memref<16x128xi32, #tpu.memory_space<vmem>> -> memref<1x128xi32, #tpu.memory_space<vmem>>
      %dma_start3A_123 = tpu.memref_squeeze %dma_start3A_122 : memref<1x128xi32, #tpu.memory_space<vmem>> -> memref<128xi32, #tpu.memory_space<vmem>>
      %dma_start3A_124 = arith.constant 0 : i32
      %dma_start3A_125 = arith.constant 0 : i32
      %dma_start3A_126 = tpu.memref_slice %arg6[%dma_start3A_124, %dma_start3A_125] : memref<10240x128xf32, #tpu.memory_space<vmem_shared>> -> memref<10240x128xf32, #tpu.memory_space<vmem_shared>>
      tpu.enqueue_indirect_dma source(%arg10 : memref<128x128xf32, #tpu.memory_space<vmem>>) target(%dma_start3A_126 : memref<10240x128xf32, #tpu.memory_space<vmem_shared>>) offsets(%dma_start3A_123 : memref<128xi32, #tpu.memory_space<vmem>>) semaphore(%arg12 : memref<!tpu.dma_semaphore, #tpu.memory_space<semaphore_mem>>) {add = true}
      %dma_wait3A_127 = arith.constant 4 : i32
      %dma_wait3A_128 = arith.constant 0 : i32
      %dma_wait3A_129 = tpu.memref_slice %arg7[%dma_wait3A_127, %dma_wait3A_128] : memref<16x128xi32, #tpu.memory_space<vmem>> -> memref<1x128xi32, #tpu.memory_space<vmem>>
      %dma_wait3A_130 = tpu.memref_squeeze %dma_wait3A_129 : memref<1x128xi32, #tpu.memory_space<vmem>> -> memref<128xi32, #tpu.memory_space<vmem>>
      %dma_wait3A_131 = arith.constant 0 : i32
      %dma_wait3A_132 = arith.constant 0 : i32
      %dma_wait3A_133 = tpu.memref_slice %arg2[%dma_wait3A_131, %dma_wait3A_132] : memref<20480x128xf32, #tpu.memory_space<hbm>> -> memref<20480x128xf32, #tpu.memory_space<hbm>>
      tpu.wait_indirect_dma semaphore(%arg11 : memref<!tpu.dma_semaphore, #tpu.memory_space<semaphore_mem>>) src(%dma_wait3A_133 : memref<20480x128xf32, #tpu.memory_space<hbm>>) dst(%arg9 : memref<128x128xf32, #tpu.memory_space<vmem>>)
      %dma_wait3A_134 = arith.constant 3 : i32
      %dma_wait3A_135 = arith.constant 0 : i32
      %dma_wait3A_136 = tpu.memref_slice %arg8[%dma_wait3A_134, %dma_wait3A_135] : memref<16x128xi32, #tpu.memory_space<vmem>> -> memref<1x128xi32, #tpu.memory_space<vmem>>
      %dma_wait3A_137 = tpu.memref_squeeze %dma_wait3A_136 : memref<1x128xi32, #tpu.memory_space<vmem>> -> memref<128xi32, #tpu.memory_space<vmem>>
      %dma_wait3A_138 = arith.constant 0 : i32
      %dma_wait3A_139 = arith.constant 0 : i32
      %dma_wait3A_140 = tpu.memref_slice %arg6[%dma_wait3A_138, %dma_wait3A_139] : memref<10240x128xf32, #tpu.memory_space<vmem_shared>> -> memref<10240x128xf32, #tpu.memory_space<vmem_shared>>
      tpu.wait_indirect_dma semaphore(%arg12 : memref<!tpu.dma_semaphore, #tpu.memory_space<semaphore_mem>>) src(%arg10 : memref<128x128xf32, #tpu.memory_space<vmem>>) dst(%dma_wait3A_140 : memref<10240x128xf32, #tpu.memory_space<vmem_shared>>)
      %dma_start3A_141 = arith.constant 5 : i32
      %dma_start3A_142 = arith.constant 0 : i32
      %dma_start3A_143 = tpu.memref_slice %arg7[%dma_start3A_141, %dma_start3A_142] : memref<16x128xi32, #tpu.memory_space<vmem>> -> memref<1x128xi32, #tpu.memory_space<vmem>>
      %dma_start3A_144 = tpu.memref_squeeze %dma_start3A_143 : memref<1x128xi32, #tpu.memory_space<vmem>> -> memref<128xi32, #tpu.memory_space<vmem>>
      %dma_start3A_145 = arith.constant 0 : i32
      %dma_start3A_146 = arith.constant 0 : i32
      %dma_start3A_147 = tpu.memref_slice %arg2[%dma_start3A_145, %dma_start3A_146] : memref<20480x128xf32, #tpu.memory_space<hbm>> -> memref<20480x128xf32, #tpu.memory_space<hbm>>
      tpu.enqueue_indirect_dma source(%dma_start3A_147 : memref<20480x128xf32, #tpu.memory_space<hbm>>) target(%arg10 : memref<128x128xf32, #tpu.memory_space<vmem>>) offsets(%dma_start3A_144 : memref<128xi32, #tpu.memory_space<vmem>>) semaphore(%arg11 : memref<!tpu.dma_semaphore, #tpu.memory_space<semaphore_mem>>)
      %dma_start3A_148 = arith.constant 4 : i32
      %dma_start3A_149 = arith.constant 0 : i32
      %dma_start3A_150 = tpu.memref_slice %arg8[%dma_start3A_148, %dma_start3A_149] : memref<16x128xi32, #tpu.memory_space<vmem>> -> memref<1x128xi32, #tpu.memory_space<vmem>>
      %dma_start3A_151 = tpu.memref_squeeze %dma_start3A_150 : memref<1x128xi32, #tpu.memory_space<vmem>> -> memref<128xi32, #tpu.memory_space<vmem>>
      %dma_start3A_152 = arith.constant 0 : i32
      %dma_start3A_153 = arith.constant 0 : i32
      %dma_start3A_154 = tpu.memref_slice %arg6[%dma_start3A_152, %dma_start3A_153] : memref<10240x128xf32, #tpu.memory_space<vmem_shared>> -> memref<10240x128xf32, #tpu.memory_space<vmem_shared>>
      tpu.enqueue_indirect_dma source(%arg9 : memref<128x128xf32, #tpu.memory_space<vmem>>) target(%dma_start3A_154 : memref<10240x128xf32, #tpu.memory_space<vmem_shared>>) offsets(%dma_start3A_151 : memref<128xi32, #tpu.memory_space<vmem>>) semaphore(%arg12 : memref<!tpu.dma_semaphore, #tpu.memory_space<semaphore_mem>>) {add = true}
      %dma_wait3A_155 = arith.constant 5 : i32
      %dma_wait3A_156 = arith.constant 0 : i32
      %dma_wait3A_157 = tpu.memref_slice %arg7[%dma_wait3A_155, %dma_wait3A_156] : memref<16x128xi32, #tpu.memory_space<vmem>> -> memref<1x128xi32, #tpu.memory_space<vmem>>
      %dma_wait3A_158 = tpu.memref_squeeze %dma_wait3A_157 : memref<1x128xi32, #tpu.memory_space<vmem>> -> memref<128xi32, #tpu.memory_space<vmem>>
      %dma_wait3A_159 = arith.constant 0 : i32
      %dma_wait3A_160 = arith.constant 0 : i32
      %dma_wait3A_161 = tpu.memref_slice %arg2[%dma_wait3A_159, %dma_wait3A_160] : memref<20480x128xf32, #tpu.memory_space<hbm>> -> memref<20480x128xf32, #tpu.memory_space<hbm>>
      tpu.wait_indirect_dma semaphore(%arg11 : memref<!tpu.dma_semaphore, #tpu.memory_space<semaphore_mem>>) src(%dma_wait3A_161 : memref<20480x128xf32, #tpu.memory_space<hbm>>) dst(%arg10 : memref<128x128xf32, #tpu.memory_space<vmem>>)
      %dma_wait3A_162 = arith.constant 4 : i32
      %dma_wait3A_163 = arith.constant 0 : i32
      %dma_wait3A_164 = tpu.memref_slice %arg8[%dma_wait3A_162, %dma_wait3A_163] : memref<16x128xi32, #tpu.memory_space<vmem>> -> memref<1x128xi32, #tpu.memory_space<vmem>>
      %dma_wait3A_165 = tpu.memref_squeeze %dma_wait3A_164 : memref<1x128xi32, #tpu.memory_space<vmem>> -> memref<128xi32, #tpu.memory_space<vmem>>
      %dma_wait3A_166 = arith.constant 0 : i32
      %dma_wait3A_167 = arith.constant 0 : i32
      %dma_wait3A_168 = tpu.memref_slice %arg6[%dma_wait3A_166, %dma_wait3A_167] : memref<10240x128xf32, #tpu.memory_space<vmem_shared>> -> memref<10240x128xf32, #tpu.memory_space<vmem_shared>>
      tpu.wait_indirect_dma semaphore(%arg12 : memref<!tpu.dma_semaphore, #tpu.memory_space<semaphore_mem>>) src(%arg9 : memref<128x128xf32, #tpu.memory_space<vmem>>) dst(%dma_wait3A_168 : memref<10240x128xf32, #tpu.memory_space<vmem_shared>>)
      %dma_start3A_169 = arith.constant 6 : i32
      %dma_start3A_170 = arith.constant 0 : i32
      %dma_start3A_171 = tpu.memref_slice %arg7[%dma_start3A_169, %dma_start3A_170] : memref<16x128xi32, #tpu.memory_space<vmem>> -> memref<1x128xi32, #tpu.memory_space<vmem>>
      %dma_start3A_172 = tpu.memref_squeeze %dma_start3A_171 : memref<1x128xi32, #tpu.memory_space<vmem>> -> memref<128xi32, #tpu.memory_space<vmem>>
      %dma_start3A_173 = arith.constant 0 : i32
      %dma_start3A_174 = arith.constant 0 : i32
      %dma_start3A_175 = tpu.memref_slice %arg2[%dma_start3A_173, %dma_start3A_174] : memref<20480x128xf32, #tpu.memory_space<hbm>> -> memref<20480x128xf32, #tpu.memory_space<hbm>>
      tpu.enqueue_indirect_dma source(%dma_start3A_175 : memref<20480x128xf32, #tpu.memory_space<hbm>>) target(%arg9 : memref<128x128xf32, #tpu.memory_space<vmem>>) offsets(%dma_start3A_172 : memref<128xi32, #tpu.memory_space<vmem>>) semaphore(%arg11 : memref<!tpu.dma_semaphore, #tpu.memory_space<semaphore_mem>>)
      %dma_start3A_176 = arith.constant 5 : i32
      %dma_start3A_177 = arith.constant 0 : i32
      %dma_start3A_178 = tpu.memref_slice %arg8[%dma_start3A_176, %dma_start3A_177] : memref<16x128xi32, #tpu.memory_space<vmem>> -> memref<1x128xi32, #tpu.memory_space<vmem>>
      %dma_start3A_179 = tpu.memref_squeeze %dma_start3A_178 : memref<1x128xi32, #tpu.memory_space<vmem>> -> memref<128xi32, #tpu.memory_space<vmem>>
      %dma_start3A_180 = arith.constant 0 : i32
      %dma_start3A_181 = arith.constant 0 : i32
      %dma_start3A_182 = tpu.memref_slice %arg6[%dma_start3A_180, %dma_start3A_181] : memref<10240x128xf32, #tpu.memory_space<vmem_shared>> -> memref<10240x128xf32, #tpu.memory_space<vmem_shared>>
      tpu.enqueue_indirect_dma source(%arg10 : memref<128x128xf32, #tpu.memory_space<vmem>>) target(%dma_start3A_182 : memref<10240x128xf32, #tpu.memory_space<vmem_shared>>) offsets(%dma_start3A_179 : memref<128xi32, #tpu.memory_space<vmem>>) semaphore(%arg12 : memref<!tpu.dma_semaphore, #tpu.memory_space<semaphore_mem>>) {add = true}
      %dma_wait3A_183 = arith.constant 6 : i32
      %dma_wait3A_184 = arith.constant 0 : i32
      %dma_wait3A_185 = tpu.memref_slice %arg7[%dma_wait3A_183, %dma_wait3A_184] : memref<16x128xi32, #tpu.memory_space<vmem>> -> memref<1x128xi32, #tpu.memory_space<vmem>>
      %dma_wait3A_186 = tpu.memref_squeeze %dma_wait3A_185 : memref<1x128xi32, #tpu.memory_space<vmem>> -> memref<128xi32, #tpu.memory_space<vmem>>
      %dma_wait3A_187 = arith.constant 0 : i32
      %dma_wait3A_188 = arith.constant 0 : i32
      %dma_wait3A_189 = tpu.memref_slice %arg2[%dma_wait3A_187, %dma_wait3A_188] : memref<20480x128xf32, #tpu.memory_space<hbm>> -> memref<20480x128xf32, #tpu.memory_space<hbm>>
      tpu.wait_indirect_dma semaphore(%arg11 : memref<!tpu.dma_semaphore, #tpu.memory_space<semaphore_mem>>) src(%dma_wait3A_189 : memref<20480x128xf32, #tpu.memory_space<hbm>>) dst(%arg9 : memref<128x128xf32, #tpu.memory_space<vmem>>)
      %dma_wait3A_190 = arith.constant 5 : i32
      %dma_wait3A_191 = arith.constant 0 : i32
      %dma_wait3A_192 = tpu.memref_slice %arg8[%dma_wait3A_190, %dma_wait3A_191] : memref<16x128xi32, #tpu.memory_space<vmem>> -> memref<1x128xi32, #tpu.memory_space<vmem>>
      %dma_wait3A_193 = tpu.memref_squeeze %dma_wait3A_192 : memref<1x128xi32, #tpu.memory_space<vmem>> -> memref<128xi32, #tpu.memory_space<vmem>>
      %dma_wait3A_194 = arith.constant 0 : i32
      %dma_wait3A_195 = arith.constant 0 : i32
      %dma_wait3A_196 = tpu.memref_slice %arg6[%dma_wait3A_194, %dma_wait3A_195] : memref<10240x128xf32, #tpu.memory_space<vmem_shared>> -> memref<10240x128xf32, #tpu.memory_space<vmem_shared>>
      tpu.wait_indirect_dma semaphore(%arg12 : memref<!tpu.dma_semaphore, #tpu.memory_space<semaphore_mem>>) src(%arg10 : memref<128x128xf32, #tpu.memory_space<vmem>>) dst(%dma_wait3A_196 : memref<10240x128xf32, #tpu.memory_space<vmem_shared>>)
      %dma_start3A_197 = arith.constant 7 : i32
      %dma_start3A_198 = arith.constant 0 : i32
      %dma_start3A_199 = tpu.memref_slice %arg7[%dma_start3A_197, %dma_start3A_198] : memref<16x128xi32, #tpu.memory_space<vmem>> -> memref<1x128xi32, #tpu.memory_space<vmem>>
      %dma_start3A_200 = tpu.memref_squeeze %dma_start3A_199 : memref<1x128xi32, #tpu.memory_space<vmem>> -> memref<128xi32, #tpu.memory_space<vmem>>
      %dma_start3A_201 = arith.constant 0 : i32
      %dma_start3A_202 = arith.constant 0 : i32
      %dma_start3A_203 = tpu.memref_slice %arg2[%dma_start3A_201, %dma_start3A_202] : memref<20480x128xf32, #tpu.memory_space<hbm>> -> memref<20480x128xf32, #tpu.memory_space<hbm>>
      tpu.enqueue_indirect_dma source(%dma_start3A_203 : memref<20480x128xf32, #tpu.memory_space<hbm>>) target(%arg10 : memref<128x128xf32, #tpu.memory_space<vmem>>) offsets(%dma_start3A_200 : memref<128xi32, #tpu.memory_space<vmem>>) semaphore(%arg11 : memref<!tpu.dma_semaphore, #tpu.memory_space<semaphore_mem>>)
      %dma_start3A_204 = arith.constant 6 : i32
      %dma_start3A_205 = arith.constant 0 : i32
      %dma_start3A_206 = tpu.memref_slice %arg8[%dma_start3A_204, %dma_start3A_205] : memref<16x128xi32, #tpu.memory_space<vmem>> -> memref<1x128xi32, #tpu.memory_space<vmem>>
      %dma_start3A_207 = tpu.memref_squeeze %dma_start3A_206 : memref<1x128xi32, #tpu.memory_space<vmem>> -> memref<128xi32, #tpu.memory_space<vmem>>
      %dma_start3A_208 = arith.constant 0 : i32
      %dma_start3A_209 = arith.constant 0 : i32
      %dma_start3A_210 = tpu.memref_slice %arg6[%dma_start3A_208, %dma_start3A_209] : memref<10240x128xf32, #tpu.memory_space<vmem_shared>> -> memref<10240x128xf32, #tpu.memory_space<vmem_shared>>
      tpu.enqueue_indirect_dma source(%arg9 : memref<128x128xf32, #tpu.memory_space<vmem>>) target(%dma_start3A_210 : memref<10240x128xf32, #tpu.memory_space<vmem_shared>>) offsets(%dma_start3A_207 : memref<128xi32, #tpu.memory_space<vmem>>) semaphore(%arg12 : memref<!tpu.dma_semaphore, #tpu.memory_space<semaphore_mem>>) {add = true}
      %dma_wait3A_211 = arith.constant 7 : i32
      %dma_wait3A_212 = arith.constant 0 : i32
      %dma_wait3A_213 = tpu.memref_slice %arg7[%dma_wait3A_211, %dma_wait3A_212] : memref<16x128xi32, #tpu.memory_space<vmem>> -> memref<1x128xi32, #tpu.memory_space<vmem>>
      %dma_wait3A_214 = tpu.memref_squeeze %dma_wait3A_213 : memref<1x128xi32, #tpu.memory_space<vmem>> -> memref<128xi32, #tpu.memory_space<vmem>>
      %dma_wait3A_215 = arith.constant 0 : i32
      %dma_wait3A_216 = arith.constant 0 : i32
      %dma_wait3A_217 = tpu.memref_slice %arg2[%dma_wait3A_215, %dma_wait3A_216] : memref<20480x128xf32, #tpu.memory_space<hbm>> -> memref<20480x128xf32, #tpu.memory_space<hbm>>
      tpu.wait_indirect_dma semaphore(%arg11 : memref<!tpu.dma_semaphore, #tpu.memory_space<semaphore_mem>>) src(%dma_wait3A_217 : memref<20480x128xf32, #tpu.memory_space<hbm>>) dst(%arg10 : memref<128x128xf32, #tpu.memory_space<vmem>>)
      %dma_wait3A_218 = arith.constant 6 : i32
      %dma_wait3A_219 = arith.constant 0 : i32
      %dma_wait3A_220 = tpu.memref_slice %arg8[%dma_wait3A_218, %dma_wait3A_219] : memref<16x128xi32, #tpu.memory_space<vmem>> -> memref<1x128xi32, #tpu.memory_space<vmem>>
      %dma_wait3A_221 = tpu.memref_squeeze %dma_wait3A_220 : memref<1x128xi32, #tpu.memory_space<vmem>> -> memref<128xi32, #tpu.memory_space<vmem>>
      %dma_wait3A_222 = arith.constant 0 : i32
      %dma_wait3A_223 = arith.constant 0 : i32
      %dma_wait3A_224 = tpu.memref_slice %arg6[%dma_wait3A_222, %dma_wait3A_223] : memref<10240x128xf32, #tpu.memory_space<vmem_shared>> -> memref<10240x128xf32, #tpu.memory_space<vmem_shared>>
      tpu.wait_indirect_dma semaphore(%arg12 : memref<!tpu.dma_semaphore, #tpu.memory_space<semaphore_mem>>) src(%arg9 : memref<128x128xf32, #tpu.memory_space<vmem>>) dst(%dma_wait3A_224 : memref<10240x128xf32, #tpu.memory_space<vmem_shared>>)
      %dma_start3A_225 = arith.constant 8 : i32
      %dma_start3A_226 = arith.constant 0 : i32
      %dma_start3A_227 = tpu.memref_slice %arg7[%dma_start3A_225, %dma_start3A_226] : memref<16x128xi32, #tpu.memory_space<vmem>> -> memref<1x128xi32, #tpu.memory_space<vmem>>
      %dma_start3A_228 = tpu.memref_squeeze %dma_start3A_227 : memref<1x128xi32, #tpu.memory_space<vmem>> -> memref<128xi32, #tpu.memory_space<vmem>>
      %dma_start3A_229 = arith.constant 0 : i32
      %dma_start3A_230 = arith.constant 0 : i32
      %dma_start3A_231 = tpu.memref_slice %arg2[%dma_start3A_229, %dma_start3A_230] : memref<20480x128xf32, #tpu.memory_space<hbm>> -> memref<20480x128xf32, #tpu.memory_space<hbm>>
      tpu.enqueue_indirect_dma source(%dma_start3A_231 : memref<20480x128xf32, #tpu.memory_space<hbm>>) target(%arg9 : memref<128x128xf32, #tpu.memory_space<vmem>>) offsets(%dma_start3A_228 : memref<128xi32, #tpu.memory_space<vmem>>) semaphore(%arg11 : memref<!tpu.dma_semaphore, #tpu.memory_space<semaphore_mem>>)
      %dma_start3A_232 = arith.constant 7 : i32
      %dma_start3A_233 = arith.constant 0 : i32
      %dma_start3A_234 = tpu.memref_slice %arg8[%dma_start3A_232, %dma_start3A_233] : memref<16x128xi32, #tpu.memory_space<vmem>> -> memref<1x128xi32, #tpu.memory_space<vmem>>
      %dma_start3A_235 = tpu.memref_squeeze %dma_start3A_234 : memref<1x128xi32, #tpu.memory_space<vmem>> -> memref<128xi32, #tpu.memory_space<vmem>>
      %dma_start3A_236 = arith.constant 0 : i32
      %dma_start3A_237 = arith.constant 0 : i32
      %dma_start3A_238 = tpu.memref_slice %arg6[%dma_start3A_236, %dma_start3A_237] : memref<10240x128xf32, #tpu.memory_space<vmem_shared>> -> memref<10240x128xf32, #tpu.memory_space<vmem_shared>>
      tpu.enqueue_indirect_dma source(%arg10 : memref<128x128xf32, #tpu.memory_space<vmem>>) target(%dma_start3A_238 : memref<10240x128xf32, #tpu.memory_space<vmem_shared>>) offsets(%dma_start3A_235 : memref<128xi32, #tpu.memory_space<vmem>>) semaphore(%arg12 : memref<!tpu.dma_semaphore, #tpu.memory_space<semaphore_mem>>) {add = true}
      %dma_wait3A_239 = arith.constant 8 : i32
      %dma_wait3A_240 = arith.constant 0 : i32
      %dma_wait3A_241 = tpu.memref_slice %arg7[%dma_wait3A_239, %dma_wait3A_240] : memref<16x128xi32, #tpu.memory_space<vmem>> -> memref<1x128xi32, #tpu.memory_space<vmem>>
      %dma_wait3A_242 = tpu.memref_squeeze %dma_wait3A_241 : memref<1x128xi32, #tpu.memory_space<vmem>> -> memref<128xi32, #tpu.memory_space<vmem>>
      %dma_wait3A_243 = arith.constant 0 : i32
      %dma_wait3A_244 = arith.constant 0 : i32
      %dma_wait3A_245 = tpu.memref_slice %arg2[%dma_wait3A_243, %dma_wait3A_244] : memref<20480x128xf32, #tpu.memory_space<hbm>> -> memref<20480x128xf32, #tpu.memory_space<hbm>>
      tpu.wait_indirect_dma semaphore(%arg11 : memref<!tpu.dma_semaphore, #tpu.memory_space<semaphore_mem>>) src(%dma_wait3A_245 : memref<20480x128xf32, #tpu.memory_space<hbm>>) dst(%arg9 : memref<128x128xf32, #tpu.memory_space<vmem>>)
      %dma_wait3A_246 = arith.constant 7 : i32
      %dma_wait3A_247 = arith.constant 0 : i32
      %dma_wait3A_248 = tpu.memref_slice %arg8[%dma_wait3A_246, %dma_wait3A_247] : memref<16x128xi32, #tpu.memory_space<vmem>> -> memref<1x128xi32, #tpu.memory_space<vmem>>
      %dma_wait3A_249 = tpu.memref_squeeze %dma_wait3A_248 : memref<1x128xi32, #tpu.memory_space<vmem>> -> memref<128xi32, #tpu.memory_space<vmem>>
      %dma_wait3A_250 = arith.constant 0 : i32
      %dma_wait3A_251 = arith.constant 0 : i32
      %dma_wait3A_252 = tpu.memref_slice %arg6[%dma_wait3A_250, %dma_wait3A_251] : memref<10240x128xf32, #tpu.memory_space<vmem_shared>> -> memref<10240x128xf32, #tpu.memory_space<vmem_shared>>
      tpu.wait_indirect_dma semaphore(%arg12 : memref<!tpu.dma_semaphore, #tpu.memory_space<semaphore_mem>>) src(%arg10 : memref<128x128xf32, #tpu.memory_space<vmem>>) dst(%dma_wait3A_252 : memref<10240x128xf32, #tpu.memory_space<vmem_shared>>)
      %dma_start3A_253 = arith.constant 9 : i32
      %dma_start3A_254 = arith.constant 0 : i32
      %dma_start3A_255 = tpu.memref_slice %arg7[%dma_start3A_253, %dma_start3A_254] : memref<16x128xi32, #tpu.memory_space<vmem>> -> memref<1x128xi32, #tpu.memory_space<vmem>>
      %dma_start3A_256 = tpu.memref_squeeze %dma_start3A_255 : memref<1x128xi32, #tpu.memory_space<vmem>> -> memref<128xi32, #tpu.memory_space<vmem>>
      %dma_start3A_257 = arith.constant 0 : i32
      %dma_start3A_258 = arith.constant 0 : i32
      %dma_start3A_259 = tpu.memref_slice %arg2[%dma_start3A_257, %dma_start3A_258] : memref<20480x128xf32, #tpu.memory_space<hbm>> -> memref<20480x128xf32, #tpu.memory_space<hbm>>
      tpu.enqueue_indirect_dma source(%dma_start3A_259 : memref<20480x128xf32, #tpu.memory_space<hbm>>) target(%arg10 : memref<128x128xf32, #tpu.memory_space<vmem>>) offsets(%dma_start3A_256 : memref<128xi32, #tpu.memory_space<vmem>>) semaphore(%arg11 : memref<!tpu.dma_semaphore, #tpu.memory_space<semaphore_mem>>)
      %dma_start3A_260 = arith.constant 8 : i32
      %dma_start3A_261 = arith.constant 0 : i32
      %dma_start3A_262 = tpu.memref_slice %arg8[%dma_start3A_260, %dma_start3A_261] : memref<16x128xi32, #tpu.memory_space<vmem>> -> memref<1x128xi32, #tpu.memory_space<vmem>>
      %dma_start3A_263 = tpu.memref_squeeze %dma_start3A_262 : memref<1x128xi32, #tpu.memory_space<vmem>> -> memref<128xi32, #tpu.memory_space<vmem>>
      %dma_start3A_264 = arith.constant 0 : i32
      %dma_start3A_265 = arith.constant 0 : i32
      %dma_start3A_266 = tpu.memref_slice %arg6[%dma_start3A_264, %dma_start3A_265] : memref<10240x128xf32, #tpu.memory_space<vmem_shared>> -> memref<10240x128xf32, #tpu.memory_space<vmem_shared>>
      tpu.enqueue_indirect_dma source(%arg9 : memref<128x128xf32, #tpu.memory_space<vmem>>) target(%dma_start3A_266 : memref<10240x128xf32, #tpu.memory_space<vmem_shared>>) offsets(%dma_start3A_263 : memref<128xi32, #tpu.memory_space<vmem>>) semaphore(%arg12 : memref<!tpu.dma_semaphore, #tpu.memory_space<semaphore_mem>>) {add = true}
      %dma_wait3A_267 = arith.constant 9 : i32
      %dma_wait3A_268 = arith.constant 0 : i32
      %dma_wait3A_269 = tpu.memref_slice %arg7[%dma_wait3A_267, %dma_wait3A_268] : memref<16x128xi32, #tpu.memory_space<vmem>> -> memref<1x128xi32, #tpu.memory_space<vmem>>
      %dma_wait3A_270 = tpu.memref_squeeze %dma_wait3A_269 : memref<1x128xi32, #tpu.memory_space<vmem>> -> memref<128xi32, #tpu.memory_space<vmem>>
      %dma_wait3A_271 = arith.constant 0 : i32
      %dma_wait3A_272 = arith.constant 0 : i32
      %dma_wait3A_273 = tpu.memref_slice %arg2[%dma_wait3A_271, %dma_wait3A_272] : memref<20480x128xf32, #tpu.memory_space<hbm>> -> memref<20480x128xf32, #tpu.memory_space<hbm>>
      tpu.wait_indirect_dma semaphore(%arg11 : memref<!tpu.dma_semaphore, #tpu.memory_space<semaphore_mem>>) src(%dma_wait3A_273 : memref<20480x128xf32, #tpu.memory_space<hbm>>) dst(%arg10 : memref<128x128xf32, #tpu.memory_space<vmem>>)
      %dma_wait3A_274 = arith.constant 8 : i32
      %dma_wait3A_275 = arith.constant 0 : i32
      %dma_wait3A_276 = tpu.memref_slice %arg8[%dma_wait3A_274, %dma_wait3A_275] : memref<16x128xi32, #tpu.memory_space<vmem>> -> memref<1x128xi32, #tpu.memory_space<vmem>>
      %dma_wait3A_277 = tpu.memref_squeeze %dma_wait3A_276 : memref<1x128xi32, #tpu.memory_space<vmem>> -> memref<128xi32, #tpu.memory_space<vmem>>
      %dma_wait3A_278 = arith.constant 0 : i32
      %dma_wait3A_279 = arith.constant 0 : i32
      %dma_wait3A_280 = tpu.memref_slice %arg6[%dma_wait3A_278, %dma_wait3A_279] : memref<10240x128xf32, #tpu.memory_space<vmem_shared>> -> memref<10240x128xf32, #tpu.memory_space<vmem_shared>>
      tpu.wait_indirect_dma semaphore(%arg12 : memref<!tpu.dma_semaphore, #tpu.memory_space<semaphore_mem>>) src(%arg9 : memref<128x128xf32, #tpu.memory_space<vmem>>) dst(%dma_wait3A_280 : memref<10240x128xf32, #tpu.memory_space<vmem_shared>>)
      %dma_start3A_281 = arith.constant 10 : i32
      %dma_start3A_282 = arith.constant 0 : i32
      %dma_start3A_283 = tpu.memref_slice %arg7[%dma_start3A_281, %dma_start3A_282] : memref<16x128xi32, #tpu.memory_space<vmem>> -> memref<1x128xi32, #tpu.memory_space<vmem>>
      %dma_start3A_284 = tpu.memref_squeeze %dma_start3A_283 : memref<1x128xi32, #tpu.memory_space<vmem>> -> memref<128xi32, #tpu.memory_space<vmem>>
      %dma_start3A_285 = arith.constant 0 : i32
      %dma_start3A_286 = arith.constant 0 : i32
      %dma_start3A_287 = tpu.memref_slice %arg2[%dma_start3A_285, %dma_start3A_286] : memref<20480x128xf32, #tpu.memory_space<hbm>> -> memref<20480x128xf32, #tpu.memory_space<hbm>>
      tpu.enqueue_indirect_dma source(%dma_start3A_287 : memref<20480x128xf32, #tpu.memory_space<hbm>>) target(%arg9 : memref<128x128xf32, #tpu.memory_space<vmem>>) offsets(%dma_start3A_284 : memref<128xi32, #tpu.memory_space<vmem>>) semaphore(%arg11 : memref<!tpu.dma_semaphore, #tpu.memory_space<semaphore_mem>>)
      %dma_start3A_288 = arith.constant 9 : i32
      %dma_start3A_289 = arith.constant 0 : i32
      %dma_start3A_290 = tpu.memref_slice %arg8[%dma_start3A_288, %dma_start3A_289] : memref<16x128xi32, #tpu.memory_space<vmem>> -> memref<1x128xi32, #tpu.memory_space<vmem>>
      %dma_start3A_291 = tpu.memref_squeeze %dma_start3A_290 : memref<1x128xi32, #tpu.memory_space<vmem>> -> memref<128xi32, #tpu.memory_space<vmem>>
      %dma_start3A_292 = arith.constant 0 : i32
      %dma_start3A_293 = arith.constant 0 : i32
      %dma_start3A_294 = tpu.memref_slice %arg6[%dma_start3A_292, %dma_start3A_293] : memref<10240x128xf32, #tpu.memory_space<vmem_shared>> -> memref<10240x128xf32, #tpu.memory_space<vmem_shared>>
      tpu.enqueue_indirect_dma source(%arg10 : memref<128x128xf32, #tpu.memory_space<vmem>>) target(%dma_start3A_294 : memref<10240x128xf32, #tpu.memory_space<vmem_shared>>) offsets(%dma_start3A_291 : memref<128xi32, #tpu.memory_space<vmem>>) semaphore(%arg12 : memref<!tpu.dma_semaphore, #tpu.memory_space<semaphore_mem>>) {add = true}
      %dma_wait3A_295 = arith.constant 10 : i32
      %dma_wait3A_296 = arith.constant 0 : i32
      %dma_wait3A_297 = tpu.memref_slice %arg7[%dma_wait3A_295, %dma_wait3A_296] : memref<16x128xi32, #tpu.memory_space<vmem>> -> memref<1x128xi32, #tpu.memory_space<vmem>>
      %dma_wait3A_298 = tpu.memref_squeeze %dma_wait3A_297 : memref<1x128xi32, #tpu.memory_space<vmem>> -> memref<128xi32, #tpu.memory_space<vmem>>
      %dma_wait3A_299 = arith.constant 0 : i32
      %dma_wait3A_300 = arith.constant 0 : i32
      %dma_wait3A_301 = tpu.memref_slice %arg2[%dma_wait3A_299, %dma_wait3A_300] : memref<20480x128xf32, #tpu.memory_space<hbm>> -> memref<20480x128xf32, #tpu.memory_space<hbm>>
      tpu.wait_indirect_dma semaphore(%arg11 : memref<!tpu.dma_semaphore, #tpu.memory_space<semaphore_mem>>) src(%dma_wait3A_301 : memref<20480x128xf32, #tpu.memory_space<hbm>>) dst(%arg9 : memref<128x128xf32, #tpu.memory_space<vmem>>)
      %dma_wait3A_302 = arith.constant 9 : i32
      %dma_wait3A_303 = arith.constant 0 : i32
      %dma_wait3A_304 = tpu.memref_slice %arg8[%dma_wait3A_302, %dma_wait3A_303] : memref<16x128xi32, #tpu.memory_space<vmem>> -> memref<1x128xi32, #tpu.memory_space<vmem>>
      %dma_wait3A_305 = tpu.memref_squeeze %dma_wait3A_304 : memref<1x128xi32, #tpu.memory_space<vmem>> -> memref<128xi32, #tpu.memory_space<vmem>>
      %dma_wait3A_306 = arith.constant 0 : i32
      %dma_wait3A_307 = arith.constant 0 : i32
      %dma_wait3A_308 = tpu.memref_slice %arg6[%dma_wait3A_306, %dma_wait3A_307] : memref<10240x128xf32, #tpu.memory_space<vmem_shared>> -> memref<10240x128xf32, #tpu.memory_space<vmem_shared>>
      tpu.wait_indirect_dma semaphore(%arg12 : memref<!tpu.dma_semaphore, #tpu.memory_space<semaphore_mem>>) src(%arg10 : memref<128x128xf32, #tpu.memory_space<vmem>>) dst(%dma_wait3A_308 : memref<10240x128xf32, #tpu.memory_space<vmem_shared>>)
      %dma_start3A_309 = arith.constant 11 : i32
      %dma_start3A_310 = arith.constant 0 : i32
      %dma_start3A_311 = tpu.memref_slice %arg7[%dma_start3A_309, %dma_start3A_310] : memref<16x128xi32, #tpu.memory_space<vmem>> -> memref<1x128xi32, #tpu.memory_space<vmem>>
      %dma_start3A_312 = tpu.memref_squeeze %dma_start3A_311 : memref<1x128xi32, #tpu.memory_space<vmem>> -> memref<128xi32, #tpu.memory_space<vmem>>
      %dma_start3A_313 = arith.constant 0 : i32
      %dma_start3A_314 = arith.constant 0 : i32
      %dma_start3A_315 = tpu.memref_slice %arg2[%dma_start3A_313, %dma_start3A_314] : memref<20480x128xf32, #tpu.memory_space<hbm>> -> memref<20480x128xf32, #tpu.memory_space<hbm>>
      tpu.enqueue_indirect_dma source(%dma_start3A_315 : memref<20480x128xf32, #tpu.memory_space<hbm>>) target(%arg10 : memref<128x128xf32, #tpu.memory_space<vmem>>) offsets(%dma_start3A_312 : memref<128xi32, #tpu.memory_space<vmem>>) semaphore(%arg11 : memref<!tpu.dma_semaphore, #tpu.memory_space<semaphore_mem>>)
      %dma_start3A_316 = arith.constant 10 : i32
      %dma_start3A_317 = arith.constant 0 : i32
      %dma_start3A_318 = tpu.memref_slice %arg8[%dma_start3A_316, %dma_start3A_317] : memref<16x128xi32, #tpu.memory_space<vmem>> -> memref<1x128xi32, #tpu.memory_space<vmem>>
      %dma_start3A_319 = tpu.memref_squeeze %dma_start3A_318 : memref<1x128xi32, #tpu.memory_space<vmem>> -> memref<128xi32, #tpu.memory_space<vmem>>
      %dma_start3A_320 = arith.constant 0 : i32
      %dma_start3A_321 = arith.constant 0 : i32
      %dma_start3A_322 = tpu.memref_slice %arg6[%dma_start3A_320, %dma_start3A_321] : memref<10240x128xf32, #tpu.memory_space<vmem_shared>> -> memref<10240x128xf32, #tpu.memory_space<vmem_shared>>
      tpu.enqueue_indirect_dma source(%arg9 : memref<128x128xf32, #tpu.memory_space<vmem>>) target(%dma_start3A_322 : memref<10240x128xf32, #tpu.memory_space<vmem_shared>>) offsets(%dma_start3A_319 : memref<128xi32, #tpu.memory_space<vmem>>) semaphore(%arg12 : memref<!tpu.dma_semaphore, #tpu.memory_space<semaphore_mem>>) {add = true}
      %dma_wait3A_323 = arith.constant 11 : i32
      %dma_wait3A_324 = arith.constant 0 : i32
      %dma_wait3A_325 = tpu.memref_slice %arg7[%dma_wait3A_323, %dma_wait3A_324] : memref<16x128xi32, #tpu.memory_space<vmem>> -> memref<1x128xi32, #tpu.memory_space<vmem>>
      %dma_wait3A_326 = tpu.memref_squeeze %dma_wait3A_325 : memref<1x128xi32, #tpu.memory_space<vmem>> -> memref<128xi32, #tpu.memory_space<vmem>>
      %dma_wait3A_327 = arith.constant 0 : i32
      %dma_wait3A_328 = arith.constant 0 : i32
      %dma_wait3A_329 = tpu.memref_slice %arg2[%dma_wait3A_327, %dma_wait3A_328] : memref<20480x128xf32, #tpu.memory_space<hbm>> -> memref<20480x128xf32, #tpu.memory_space<hbm>>
      tpu.wait_indirect_dma semaphore(%arg11 : memref<!tpu.dma_semaphore, #tpu.memory_space<semaphore_mem>>) src(%dma_wait3A_329 : memref<20480x128xf32, #tpu.memory_space<hbm>>) dst(%arg10 : memref<128x128xf32, #tpu.memory_space<vmem>>)
      %dma_wait3A_330 = arith.constant 10 : i32
      %dma_wait3A_331 = arith.constant 0 : i32
      %dma_wait3A_332 = tpu.memref_slice %arg8[%dma_wait3A_330, %dma_wait3A_331] : memref<16x128xi32, #tpu.memory_space<vmem>> -> memref<1x128xi32, #tpu.memory_space<vmem>>
      %dma_wait3A_333 = tpu.memref_squeeze %dma_wait3A_332 : memref<1x128xi32, #tpu.memory_space<vmem>> -> memref<128xi32, #tpu.memory_space<vmem>>
      %dma_wait3A_334 = arith.constant 0 : i32
      %dma_wait3A_335 = arith.constant 0 : i32
      %dma_wait3A_336 = tpu.memref_slice %arg6[%dma_wait3A_334, %dma_wait3A_335] : memref<10240x128xf32, #tpu.memory_space<vmem_shared>> -> memref<10240x128xf32, #tpu.memory_space<vmem_shared>>
      tpu.wait_indirect_dma semaphore(%arg12 : memref<!tpu.dma_semaphore, #tpu.memory_space<semaphore_mem>>) src(%arg9 : memref<128x128xf32, #tpu.memory_space<vmem>>) dst(%dma_wait3A_336 : memref<10240x128xf32, #tpu.memory_space<vmem_shared>>)
      %dma_start3A_337 = arith.constant 12 : i32
      %dma_start3A_338 = arith.constant 0 : i32
      %dma_start3A_339 = tpu.memref_slice %arg7[%dma_start3A_337, %dma_start3A_338] : memref<16x128xi32, #tpu.memory_space<vmem>> -> memref<1x128xi32, #tpu.memory_space<vmem>>
      %dma_start3A_340 = tpu.memref_squeeze %dma_start3A_339 : memref<1x128xi32, #tpu.memory_space<vmem>> -> memref<128xi32, #tpu.memory_space<vmem>>
      %dma_start3A_341 = arith.constant 0 : i32
      %dma_start3A_342 = arith.constant 0 : i32
      %dma_start3A_343 = tpu.memref_slice %arg2[%dma_start3A_341, %dma_start3A_342] : memref<20480x128xf32, #tpu.memory_space<hbm>> -> memref<20480x128xf32, #tpu.memory_space<hbm>>
      tpu.enqueue_indirect_dma source(%dma_start3A_343 : memref<20480x128xf32, #tpu.memory_space<hbm>>) target(%arg9 : memref<128x128xf32, #tpu.memory_space<vmem>>) offsets(%dma_start3A_340 : memref<128xi32, #tpu.memory_space<vmem>>) semaphore(%arg11 : memref<!tpu.dma_semaphore, #tpu.memory_space<semaphore_mem>>)
      %dma_start3A_344 = arith.constant 11 : i32
      %dma_start3A_345 = arith.constant 0 : i32
      %dma_start3A_346 = tpu.memref_slice %arg8[%dma_start3A_344, %dma_start3A_345] : memref<16x128xi32, #tpu.memory_space<vmem>> -> memref<1x128xi32, #tpu.memory_space<vmem>>
      %dma_start3A_347 = tpu.memref_squeeze %dma_start3A_346 : memref<1x128xi32, #tpu.memory_space<vmem>> -> memref<128xi32, #tpu.memory_space<vmem>>
      %dma_start3A_348 = arith.constant 0 : i32
      %dma_start3A_349 = arith.constant 0 : i32
      %dma_start3A_350 = tpu.memref_slice %arg6[%dma_start3A_348, %dma_start3A_349] : memref<10240x128xf32, #tpu.memory_space<vmem_shared>> -> memref<10240x128xf32, #tpu.memory_space<vmem_shared>>
      tpu.enqueue_indirect_dma source(%arg10 : memref<128x128xf32, #tpu.memory_space<vmem>>) target(%dma_start3A_350 : memref<10240x128xf32, #tpu.memory_space<vmem_shared>>) offsets(%dma_start3A_347 : memref<128xi32, #tpu.memory_space<vmem>>) semaphore(%arg12 : memref<!tpu.dma_semaphore, #tpu.memory_space<semaphore_mem>>) {add = true}
      %dma_wait3A_351 = arith.constant 12 : i32
      %dma_wait3A_352 = arith.constant 0 : i32
      %dma_wait3A_353 = tpu.memref_slice %arg7[%dma_wait3A_351, %dma_wait3A_352] : memref<16x128xi32, #tpu.memory_space<vmem>> -> memref<1x128xi32, #tpu.memory_space<vmem>>
      %dma_wait3A_354 = tpu.memref_squeeze %dma_wait3A_353 : memref<1x128xi32, #tpu.memory_space<vmem>> -> memref<128xi32, #tpu.memory_space<vmem>>
      %dma_wait3A_355 = arith.constant 0 : i32
      %dma_wait3A_356 = arith.constant 0 : i32
      %dma_wait3A_357 = tpu.memref_slice %arg2[%dma_wait3A_355, %dma_wait3A_356] : memref<20480x128xf32, #tpu.memory_space<hbm>> -> memref<20480x128xf32, #tpu.memory_space<hbm>>
      tpu.wait_indirect_dma semaphore(%arg11 : memref<!tpu.dma_semaphore, #tpu.memory_space<semaphore_mem>>) src(%dma_wait3A_357 : memref<20480x128xf32, #tpu.memory_space<hbm>>) dst(%arg9 : memref<128x128xf32, #tpu.memory_space<vmem>>)
      %dma_wait3A_358 = arith.constant 11 : i32
      %dma_wait3A_359 = arith.constant 0 : i32
      %dma_wait3A_360 = tpu.memref_slice %arg8[%dma_wait3A_358, %dma_wait3A_359] : memref<16x128xi32, #tpu.memory_space<vmem>> -> memref<1x128xi32, #tpu.memory_space<vmem>>
      %dma_wait3A_361 = tpu.memref_squeeze %dma_wait3A_360 : memref<1x128xi32, #tpu.memory_space<vmem>> -> memref<128xi32, #tpu.memory_space<vmem>>
      %dma_wait3A_362 = arith.constant 0 : i32
      %dma_wait3A_363 = arith.constant 0 : i32
      %dma_wait3A_364 = tpu.memref_slice %arg6[%dma_wait3A_362, %dma_wait3A_363] : memref<10240x128xf32, #tpu.memory_space<vmem_shared>> -> memref<10240x128xf32, #tpu.memory_space<vmem_shared>>
      tpu.wait_indirect_dma semaphore(%arg12 : memref<!tpu.dma_semaphore, #tpu.memory_space<semaphore_mem>>) src(%arg10 : memref<128x128xf32, #tpu.memory_space<vmem>>) dst(%dma_wait3A_364 : memref<10240x128xf32, #tpu.memory_space<vmem_shared>>)
      %dma_start3A_365 = arith.constant 13 : i32
      %dma_start3A_366 = arith.constant 0 : i32
      %dma_start3A_367 = tpu.memref_slice %arg7[%dma_start3A_365, %dma_start3A_366] : memref<16x128xi32, #tpu.memory_space<vmem>> -> memref<1x128xi32, #tpu.memory_space<vmem>>
      %dma_start3A_368 = tpu.memref_squeeze %dma_start3A_367 : memref<1x128xi32, #tpu.memory_space<vmem>> -> memref<128xi32, #tpu.memory_space<vmem>>
      %dma_start3A_369 = arith.constant 0 : i32
      %dma_start3A_370 = arith.constant 0 : i32
      %dma_start3A_371 = tpu.memref_slice %arg2[%dma_start3A_369, %dma_start3A_370] : memref<20480x128xf32, #tpu.memory_space<hbm>> -> memref<20480x128xf32, #tpu.memory_space<hbm>>
      tpu.enqueue_indirect_dma source(%dma_start3A_371 : memref<20480x128xf32, #tpu.memory_space<hbm>>) target(%arg10 : memref<128x128xf32, #tpu.memory_space<vmem>>) offsets(%dma_start3A_368 : memref<128xi32, #tpu.memory_space<vmem>>) semaphore(%arg11 : memref<!tpu.dma_semaphore, #tpu.memory_space<semaphore_mem>>)
      %dma_start3A_372 = arith.constant 12 : i32
      %dma_start3A_373 = arith.constant 0 : i32
      %dma_start3A_374 = tpu.memref_slice %arg8[%dma_start3A_372, %dma_start3A_373] : memref<16x128xi32, #tpu.memory_space<vmem>> -> memref<1x128xi32, #tpu.memory_space<vmem>>
      %dma_start3A_375 = tpu.memref_squeeze %dma_start3A_374 : memref<1x128xi32, #tpu.memory_space<vmem>> -> memref<128xi32, #tpu.memory_space<vmem>>
      %dma_start3A_376 = arith.constant 0 : i32
      %dma_start3A_377 = arith.constant 0 : i32
      %dma_start3A_378 = tpu.memref_slice %arg6[%dma_start3A_376, %dma_start3A_377] : memref<10240x128xf32, #tpu.memory_space<vmem_shared>> -> memref<10240x128xf32, #tpu.memory_space<vmem_shared>>
      tpu.enqueue_indirect_dma source(%arg9 : memref<128x128xf32, #tpu.memory_space<vmem>>) target(%dma_start3A_378 : memref<10240x128xf32, #tpu.memory_space<vmem_shared>>) offsets(%dma_start3A_375 : memref<128xi32, #tpu.memory_space<vmem>>) semaphore(%arg12 : memref<!tpu.dma_semaphore, #tpu.memory_space<semaphore_mem>>) {add = true}
      %dma_wait3A_379 = arith.constant 13 : i32
      %dma_wait3A_380 = arith.constant 0 : i32
      %dma_wait3A_381 = tpu.memref_slice %arg7[%dma_wait3A_379, %dma_wait3A_380] : memref<16x128xi32, #tpu.memory_space<vmem>> -> memref<1x128xi32, #tpu.memory_space<vmem>>
      %dma_wait3A_382 = tpu.memref_squeeze %dma_wait3A_381 : memref<1x128xi32, #tpu.memory_space<vmem>> -> memref<128xi32, #tpu.memory_space<vmem>>
      %dma_wait3A_383 = arith.constant 0 : i32
      %dma_wait3A_384 = arith.constant 0 : i32
      %dma_wait3A_385 = tpu.memref_slice %arg2[%dma_wait3A_383, %dma_wait3A_384] : memref<20480x128xf32, #tpu.memory_space<hbm>> -> memref<20480x128xf32, #tpu.memory_space<hbm>>
      tpu.wait_indirect_dma semaphore(%arg11 : memref<!tpu.dma_semaphore, #tpu.memory_space<semaphore_mem>>) src(%dma_wait3A_385 : memref<20480x128xf32, #tpu.memory_space<hbm>>) dst(%arg10 : memref<128x128xf32, #tpu.memory_space<vmem>>)
      %dma_wait3A_386 = arith.constant 12 : i32
      %dma_wait3A_387 = arith.constant 0 : i32
      %dma_wait3A_388 = tpu.memref_slice %arg8[%dma_wait3A_386, %dma_wait3A_387] : memref<16x128xi32, #tpu.memory_space<vmem>> -> memref<1x128xi32, #tpu.memory_space<vmem>>
      %dma_wait3A_389 = tpu.memref_squeeze %dma_wait3A_388 : memref<1x128xi32, #tpu.memory_space<vmem>> -> memref<128xi32, #tpu.memory_space<vmem>>
      %dma_wait3A_390 = arith.constant 0 : i32
      %dma_wait3A_391 = arith.constant 0 : i32
      %dma_wait3A_392 = tpu.memref_slice %arg6[%dma_wait3A_390, %dma_wait3A_391] : memref<10240x128xf32, #tpu.memory_space<vmem_shared>> -> memref<10240x128xf32, #tpu.memory_space<vmem_shared>>
      tpu.wait_indirect_dma semaphore(%arg12 : memref<!tpu.dma_semaphore, #tpu.memory_space<semaphore_mem>>) src(%arg9 : memref<128x128xf32, #tpu.memory_space<vmem>>) dst(%dma_wait3A_392 : memref<10240x128xf32, #tpu.memory_space<vmem_shared>>)
      %dma_start3A_393 = arith.constant 14 : i32
      %dma_start3A_394 = arith.constant 0 : i32
      %dma_start3A_395 = tpu.memref_slice %arg7[%dma_start3A_393, %dma_start3A_394] : memref<16x128xi32, #tpu.memory_space<vmem>> -> memref<1x128xi32, #tpu.memory_space<vmem>>
      %dma_start3A_396 = tpu.memref_squeeze %dma_start3A_395 : memref<1x128xi32, #tpu.memory_space<vmem>> -> memref<128xi32, #tpu.memory_space<vmem>>
      %dma_start3A_397 = arith.constant 0 : i32
      %dma_start3A_398 = arith.constant 0 : i32
      %dma_start3A_399 = tpu.memref_slice %arg2[%dma_start3A_397, %dma_start3A_398] : memref<20480x128xf32, #tpu.memory_space<hbm>> -> memref<20480x128xf32, #tpu.memory_space<hbm>>
      tpu.enqueue_indirect_dma source(%dma_start3A_399 : memref<20480x128xf32, #tpu.memory_space<hbm>>) target(%arg9 : memref<128x128xf32, #tpu.memory_space<vmem>>) offsets(%dma_start3A_396 : memref<128xi32, #tpu.memory_space<vmem>>) semaphore(%arg11 : memref<!tpu.dma_semaphore, #tpu.memory_space<semaphore_mem>>)
      %dma_start3A_400 = arith.constant 13 : i32
      %dma_start3A_401 = arith.constant 0 : i32
      %dma_start3A_402 = tpu.memref_slice %arg8[%dma_start3A_400, %dma_start3A_401] : memref<16x128xi32, #tpu.memory_space<vmem>> -> memref<1x128xi32, #tpu.memory_space<vmem>>
      %dma_start3A_403 = tpu.memref_squeeze %dma_start3A_402 : memref<1x128xi32, #tpu.memory_space<vmem>> -> memref<128xi32, #tpu.memory_space<vmem>>
      %dma_start3A_404 = arith.constant 0 : i32
      %dma_start3A_405 = arith.constant 0 : i32
      %dma_start3A_406 = tpu.memref_slice %arg6[%dma_start3A_404, %dma_start3A_405] : memref<10240x128xf32, #tpu.memory_space<vmem_shared>> -> memref<10240x128xf32, #tpu.memory_space<vmem_shared>>
      tpu.enqueue_indirect_dma source(%arg10 : memref<128x128xf32, #tpu.memory_space<vmem>>) target(%dma_start3A_406 : memref<10240x128xf32, #tpu.memory_space<vmem_shared>>) offsets(%dma_start3A_403 : memref<128xi32, #tpu.memory_space<vmem>>) semaphore(%arg12 : memref<!tpu.dma_semaphore, #tpu.memory_space<semaphore_mem>>) {add = true}
      %dma_wait3A_407 = arith.constant 14 : i32
      %dma_wait3A_408 = arith.constant 0 : i32
      %dma_wait3A_409 = tpu.memref_slice %arg7[%dma_wait3A_407, %dma_wait3A_408] : memref<16x128xi32, #tpu.memory_space<vmem>> -> memref<1x128xi32, #tpu.memory_space<vmem>>
      %dma_wait3A_410 = tpu.memref_squeeze %dma_wait3A_409 : memref<1x128xi32, #tpu.memory_space<vmem>> -> memref<128xi32, #tpu.memory_space<vmem>>
      %dma_wait3A_411 = arith.constant 0 : i32
      %dma_wait3A_412 = arith.constant 0 : i32
      %dma_wait3A_413 = tpu.memref_slice %arg2[%dma_wait3A_411, %dma_wait3A_412] : memref<20480x128xf32, #tpu.memory_space<hbm>> -> memref<20480x128xf32, #tpu.memory_space<hbm>>
      tpu.wait_indirect_dma semaphore(%arg11 : memref<!tpu.dma_semaphore, #tpu.memory_space<semaphore_mem>>) src(%dma_wait3A_413 : memref<20480x128xf32, #tpu.memory_space<hbm>>) dst(%arg9 : memref<128x128xf32, #tpu.memory_space<vmem>>)
      %dma_wait3A_414 = arith.constant 13 : i32
      %dma_wait3A_415 = arith.constant 0 : i32
      %dma_wait3A_416 = tpu.memref_slice %arg8[%dma_wait3A_414, %dma_wait3A_415] : memref<16x128xi32, #tpu.memory_space<vmem>> -> memref<1x128xi32, #tpu.memory_space<vmem>>
      %dma_wait3A_417 = tpu.memref_squeeze %dma_wait3A_416 : memref<1x128xi32, #tpu.memory_space<vmem>> -> memref<128xi32, #tpu.memory_space<vmem>>
      %dma_wait3A_418 = arith.constant 0 : i32
      %dma_wait3A_419 = arith.constant 0 : i32
      %dma_wait3A_420 = tpu.memref_slice %arg6[%dma_wait3A_418, %dma_wait3A_419] : memref<10240x128xf32, #tpu.memory_space<vmem_shared>> -> memref<10240x128xf32, #tpu.memory_space<vmem_shared>>
      tpu.wait_indirect_dma semaphore(%arg12 : memref<!tpu.dma_semaphore, #tpu.memory_space<semaphore_mem>>) src(%arg10 : memref<128x128xf32, #tpu.memory_space<vmem>>) dst(%dma_wait3A_420 : memref<10240x128xf32, #tpu.memory_space<vmem_shared>>)
      %dma_start3A_421 = arith.constant 15 : i32
      %dma_start3A_422 = arith.constant 0 : i32
      %dma_start3A_423 = tpu.memref_slice %arg7[%dma_start3A_421, %dma_start3A_422] : memref<16x128xi32, #tpu.memory_space<vmem>> -> memref<1x128xi32, #tpu.memory_space<vmem>>
      %dma_start3A_424 = tpu.memref_squeeze %dma_start3A_423 : memref<1x128xi32, #tpu.memory_space<vmem>> -> memref<128xi32, #tpu.memory_space<vmem>>
      %dma_start3A_425 = arith.constant 0 : i32
      %dma_start3A_426 = arith.constant 0 : i32
      %dma_start3A_427 = tpu.memref_slice %arg2[%dma_start3A_425, %dma_start3A_426] : memref<20480x128xf32, #tpu.memory_space<hbm>> -> memref<20480x128xf32, #tpu.memory_space<hbm>>
      tpu.enqueue_indirect_dma source(%dma_start3A_427 : memref<20480x128xf32, #tpu.memory_space<hbm>>) target(%arg10 : memref<128x128xf32, #tpu.memory_space<vmem>>) offsets(%dma_start3A_424 : memref<128xi32, #tpu.memory_space<vmem>>) semaphore(%arg11 : memref<!tpu.dma_semaphore, #tpu.memory_space<semaphore_mem>>)
      %dma_start3A_428 = arith.constant 14 : i32
      %dma_start3A_429 = arith.constant 0 : i32
      %dma_start3A_430 = tpu.memref_slice %arg8[%dma_start3A_428, %dma_start3A_429] : memref<16x128xi32, #tpu.memory_space<vmem>> -> memref<1x128xi32, #tpu.memory_space<vmem>>
      %dma_start3A_431 = tpu.memref_squeeze %dma_start3A_430 : memref<1x128xi32, #tpu.memory_space<vmem>> -> memref<128xi32, #tpu.memory_space<vmem>>
      %dma_start3A_432 = arith.constant 0 : i32
      %dma_start3A_433 = arith.constant 0 : i32
      %dma_start3A_434 = tpu.memref_slice %arg6[%dma_start3A_432, %dma_start3A_433] : memref<10240x128xf32, #tpu.memory_space<vmem_shared>> -> memref<10240x128xf32, #tpu.memory_space<vmem_shared>>
      tpu.enqueue_indirect_dma source(%arg9 : memref<128x128xf32, #tpu.memory_space<vmem>>) target(%dma_start3A_434 : memref<10240x128xf32, #tpu.memory_space<vmem_shared>>) offsets(%dma_start3A_431 : memref<128xi32, #tpu.memory_space<vmem>>) semaphore(%arg12 : memref<!tpu.dma_semaphore, #tpu.memory_space<semaphore_mem>>) {add = true}
      %dma_wait3A_435 = arith.constant 15 : i32
      %dma_wait3A_436 = arith.constant 0 : i32
      %dma_wait3A_437 = tpu.memref_slice %arg7[%dma_wait3A_435, %dma_wait3A_436] : memref<16x128xi32, #tpu.memory_space<vmem>> -> memref<1x128xi32, #tpu.memory_space<vmem>>
      %dma_wait3A_438 = tpu.memref_squeeze %dma_wait3A_437 : memref<1x128xi32, #tpu.memory_space<vmem>> -> memref<128xi32, #tpu.memory_space<vmem>>
      %dma_wait3A_439 = arith.constant 0 : i32
      %dma_wait3A_440 = arith.constant 0 : i32
      %dma_wait3A_441 = tpu.memref_slice %arg2[%dma_wait3A_439, %dma_wait3A_440] : memref<20480x128xf32, #tpu.memory_space<hbm>> -> memref<20480x128xf32, #tpu.memory_space<hbm>>
      tpu.wait_indirect_dma semaphore(%arg11 : memref<!tpu.dma_semaphore, #tpu.memory_space<semaphore_mem>>) src(%dma_wait3A_441 : memref<20480x128xf32, #tpu.memory_space<hbm>>) dst(%arg10 : memref<128x128xf32, #tpu.memory_space<vmem>>)
      %dma_wait3A_442 = arith.constant 14 : i32
      %dma_wait3A_443 = arith.constant 0 : i32
      %dma_wait3A_444 = tpu.memref_slice %arg8[%dma_wait3A_442, %dma_wait3A_443] : memref<16x128xi32, #tpu.memory_space<vmem>> -> memref<1x128xi32, #tpu.memory_space<vmem>>
      %dma_wait3A_445 = tpu.memref_squeeze %dma_wait3A_444 : memref<1x128xi32, #tpu.memory_space<vmem>> -> memref<128xi32, #tpu.memory_space<vmem>>
      %dma_wait3A_446 = arith.constant 0 : i32
      %dma_wait3A_447 = arith.constant 0 : i32
      %dma_wait3A_448 = tpu.memref_slice %arg6[%dma_wait3A_446, %dma_wait3A_447] : memref<10240x128xf32, #tpu.memory_space<vmem_shared>> -> memref<10240x128xf32, #tpu.memory_space<vmem_shared>>
      tpu.wait_indirect_dma semaphore(%arg12 : memref<!tpu.dma_semaphore, #tpu.memory_space<semaphore_mem>>) src(%arg9 : memref<128x128xf32, #tpu.memory_space<vmem>>) dst(%dma_wait3A_448 : memref<10240x128xf32, #tpu.memory_space<vmem_shared>>)
      %dma_start3A_449 = arith.constant 15 : i32
      %dma_start3A_450 = arith.constant 0 : i32
      %dma_start3A_451 = tpu.memref_slice %arg8[%dma_start3A_449, %dma_start3A_450] : memref<16x128xi32, #tpu.memory_space<vmem>> -> memref<1x128xi32, #tpu.memory_space<vmem>>
      %dma_start3A_452 = tpu.memref_squeeze %dma_start3A_451 : memref<1x128xi32, #tpu.memory_space<vmem>> -> memref<128xi32, #tpu.memory_space<vmem>>
      %dma_start3A_453 = arith.constant 0 : i32
      %dma_start3A_454 = arith.constant 0 : i32
      %dma_start3A_455 = tpu.memref_slice %arg6[%dma_start3A_453, %dma_start3A_454] : memref<10240x128xf32, #tpu.memory_space<vmem_shared>> -> memref<10240x128xf32, #tpu.memory_space<vmem_shared>>
      tpu.enqueue_indirect_dma source(%arg10 : memref<128x128xf32, #tpu.memory_space<vmem>>) target(%dma_start3A_455 : memref<10240x128xf32, #tpu.memory_space<vmem_shared>>) offsets(%dma_start3A_452 : memref<128xi32, #tpu.memory_space<vmem>>) semaphore(%arg12 : memref<!tpu.dma_semaphore, #tpu.memory_space<semaphore_mem>>) {add = true}
      %dma_wait3A_456 = arith.constant 15 : i32
      %dma_wait3A_457 = arith.constant 0 : i32
      %dma_wait3A_458 = tpu.memref_slice %arg8[%dma_wait3A_456, %dma_wait3A_457] : memref<16x128xi32, #tpu.memory_space<vmem>> -> memref<1x128xi32, #tpu.memory_space<vmem>>
      %dma_wait3A_459 = tpu.memref_squeeze %dma_wait3A_458 : memref<1x128xi32, #tpu.memory_space<vmem>> -> memref<128xi32, #tpu.memory_space<vmem>>
      %dma_wait3A_460 = arith.constant 0 : i32
      %dma_wait3A_461 = arith.constant 0 : i32
      %dma_wait3A_462 = tpu.memref_slice %arg6[%dma_wait3A_460, %dma_wait3A_461] : memref<10240x128xf32, #tpu.memory_space<vmem_shared>> -> memref<10240x128xf32, #tpu.memory_space<vmem_shared>>
      tpu.wait_indirect_dma semaphore(%arg12 : memref<!tpu.dma_semaphore, #tpu.memory_space<semaphore_mem>>) src(%arg10 : memref<128x128xf32, #tpu.memory_space<vmem>>) dst(%dma_wait3A_462 : memref<10240x128xf32, #tpu.memory_space<vmem_shared>>)
    }
    %scan3A_7 = arith.constant 10 : i32
    %barrier3A_8 = arith.constant 0 : index
    tpu.barrier barrier_id(%barrier3A_8)
    %mul3A_9 = arith.constant 10240 : i32
    %mul3A_10 = arith.muli %arg0, %mul3A_9 : i32
    %add3A_11 = arith.addi %mul3A_10, %mul3A_0 : i32
    "tpu.region"() ({
      %run_scoped3A = tpu.sem_alloc : memref<!tpu.dma_semaphore, #tpu.memory_space<semaphore_mem>>
      %dma_start3A = arith.constant 0 : i32
      %dma_start3A_12 = tpu.memref_slice %arg5[%add3A_11, %dma_start3A] : memref<20480x128xf32, #tpu.memory_space<hbm>> -> memref<640x128xf32, #tpu.memory_space<hbm>>
      %dma_start3A_13 = arith.constant 0 : i32
      %dma_start3A_14 = tpu.memref_slice %arg6[%mul3A_0, %dma_start3A_13] : memref<10240x128xf32, #tpu.memory_space<vmem_shared>> -> memref<640x128xf32, #tpu.memory_space<vmem_shared>>
      tpu.enqueue_dma source(%dma_start3A_14 : memref<640x128xf32, #tpu.memory_space<vmem_shared>>) target(%dma_start3A_12 : memref<640x128xf32, #tpu.memory_space<hbm>>) target_semaphore(%run_scoped3A : memref<!tpu.dma_semaphore, #tpu.memory_space<semaphore_mem>>)
      %dma_wait3A = arith.constant 0 : i32
      %dma_wait3A_15 = tpu.memref_slice %arg5[%add3A_11, %dma_wait3A] : memref<20480x128xf32, #tpu.memory_space<hbm>> -> memref<640x128xf32, #tpu.memory_space<hbm>>
      %dma_wait3A_16 = arith.constant 0 : i32
      %dma_wait3A_17 = tpu.memref_slice %arg6[%mul3A_0, %dma_wait3A_16] : memref<10240x128xf32, #tpu.memory_space<vmem_shared>> -> memref<640x128xf32, #tpu.memory_space<vmem_shared>>
      tpu.wait_dma2 semaphore(%run_scoped3A : memref<!tpu.dma_semaphore, #tpu.memory_space<semaphore_mem>>) src(%dma_wait3A_17 : memref<640x128xf32, #tpu.memory_space<vmem_shared>>) dst(%dma_wait3A_15 : memref<640x128xf32, #tpu.memory_space<hbm>>)
      tpu.yield
    }) : () -> ()
    return
  }
}

#map = affine_map<(d0, d1) -> (0, 0, 0, 0)>
#map1 = affine_map<(d0, d1) -> (0)>
#map2 = affine_map<(d0, d1) -> (0, 0)>
module attributes {stable_mosaic.version = 14 : i64} {
  func.func @_deg_body(%arg0: i32, %arg1: i32, %arg2: memref<2x16x160x128xi32, #tpu.memory_space<hbm>>, %arg3: memref<2x16x5x128xi32, #tpu.memory_space<hbm>>, %arg4: memref<10240xf32, #tpu.memory_space<hbm>>, %arg5: memref<128xf32, #tpu.memory_space<hbm>>, %arg6: memref<2x10240xf32, #tpu.memory_space<hbm>>, %arg7: memref<2x640xf32, #tpu.memory_space<hbm>>, %arg8: memref<10240xf32, #tpu.memory_space<vmem_shared>>, %arg9: memref<640xf32, #tpu.memory_space<vmem_shared>>, %arg10: memref<16x128xi32, #tpu.memory_space<vmem>>, %arg11: memref<128xf32, #tpu.memory_space<vmem>>) attributes {dimension_semantics = [#tpu.dimension_semantics<core_parallel>, #tpu.dimension_semantics<subcore_parallel>], iteration_bounds = array<i64: 2, 16>, scalar_prefetch = 0 : i64, scratch_operands = 4 : i64, tpu.core_type = #tpu.core_type<sc_vector_subcore>, window_params = [{transform_indices = #map}, {transform_indices = #map}, {transform_indices = #map1}, {transform_indices = #map1}, {transform_indices = #map2}, {transform_indices = #map2}]} {
    "tpu.region"() ({
      %run_scoped3A_24 = tpu.sem_alloc : memref<!tpu.dma_semaphore, #tpu.memory_space<semaphore_mem>>
      tpu.enqueue_dma source(%arg5 : memref<128xf32, #tpu.memory_space<hbm>>) target(%arg11 : memref<128xf32, #tpu.memory_space<vmem>>) target_semaphore(%run_scoped3A_24 : memref<!tpu.dma_semaphore, #tpu.memory_space<semaphore_mem>>)
      tpu.wait_dma2 semaphore(%run_scoped3A_24 : memref<!tpu.dma_semaphore, #tpu.memory_space<semaphore_mem>>) src(%arg5 : memref<128xf32, #tpu.memory_space<hbm>>) dst(%arg11 : memref<128xf32, #tpu.memory_space<vmem>>)
      tpu.yield
    }) : () -> ()
    %mul3A = arith.constant 640 : i32
    %mul3A_0 = arith.muli %arg1, %mul3A : i32
    %mul3A_1 = arith.constant 640 : i32
    %mul3A_2 = arith.muli %arg1, %mul3A_1 : i32
    "tpu.region"() ({
      %run_scoped3A_24 = tpu.sem_alloc : memref<!tpu.dma_semaphore, #tpu.memory_space<semaphore_mem>>
      %dma_start3A = tpu.memref_slice %arg8[%mul3A_2] : memref<10240xf32, #tpu.memory_space<vmem_shared>> -> memref<640xf32, #tpu.memory_space<vmem_shared>>
      %dma_start3A_25 = tpu.memref_slice %arg4[%mul3A_0] : memref<10240xf32, #tpu.memory_space<hbm>> -> memref<640xf32, #tpu.memory_space<hbm>>
      tpu.enqueue_dma source(%dma_start3A_25 : memref<640xf32, #tpu.memory_space<hbm>>) target(%dma_start3A : memref<640xf32, #tpu.memory_space<vmem_shared>>) target_semaphore(%run_scoped3A_24 : memref<!tpu.dma_semaphore, #tpu.memory_space<semaphore_mem>>)
      %dma_wait3A = tpu.memref_slice %arg8[%mul3A_2] : memref<10240xf32, #tpu.memory_space<vmem_shared>> -> memref<640xf32, #tpu.memory_space<vmem_shared>>
      %dma_wait3A_26 = tpu.memref_slice %arg4[%mul3A_0] : memref<10240xf32, #tpu.memory_space<hbm>> -> memref<640xf32, #tpu.memory_space<hbm>>
      tpu.wait_dma2 semaphore(%run_scoped3A_24 : memref<!tpu.dma_semaphore, #tpu.memory_space<semaphore_mem>>) src(%dma_wait3A_26 : memref<640xf32, #tpu.memory_space<hbm>>) dst(%dma_wait3A : memref<640xf32, #tpu.memory_space<vmem_shared>>)
      tpu.yield
    }) : () -> ()
    %eq3A = arith.constant 0 : i32
    %eq3A_3 = arith.cmpi eq, %arg1, %eq3A : i32
    %convert_element_type3A = arith.extui %eq3A_3 : i1 to i32
    %cond3A = arith.constant 0 : i32
    %cond3A_4 = arith.cmpi ne, %convert_element_type3A, %cond3A : i32
    scf.if %cond3A_4 {
      "tpu.region"() ({
        %run_scoped3A_24 = tpu.sem_alloc : memref<!tpu.dma_semaphore, #tpu.memory_space<semaphore_mem>>
        %dma_start3A = arith.constant 0 : i32
        %dma_start3A_25 = tpu.memref_slice %arg4[%dma_start3A] : memref<10240xf32, #tpu.memory_space<hbm>> -> memref<640xf32, #tpu.memory_space<hbm>>
        tpu.enqueue_dma source(%dma_start3A_25 : memref<640xf32, #tpu.memory_space<hbm>>) target(%arg9 : memref<640xf32, #tpu.memory_space<vmem_shared>>) target_semaphore(%run_scoped3A_24 : memref<!tpu.dma_semaphore, #tpu.memory_space<semaphore_mem>>)
        %dma_wait3A = arith.constant 0 : i32
        %dma_wait3A_26 = tpu.memref_slice %arg4[%dma_wait3A] : memref<10240xf32, #tpu.memory_space<hbm>> -> memref<640xf32, #tpu.memory_space<hbm>>
        tpu.wait_dma2 semaphore(%run_scoped3A_24 : memref<!tpu.dma_semaphore, #tpu.memory_space<semaphore_mem>>) src(%dma_wait3A_26 : memref<640xf32, #tpu.memory_space<hbm>>) dst(%arg9 : memref<640xf32, #tpu.memory_space<vmem_shared>>)
        tpu.yield
      }) : () -> ()
    } else {
    }
    %barrier3A = arith.constant 0 : index
    tpu.barrier barrier_id(%barrier3A)
    %scan3A = arith.constant 0 : i32
    %scan3A_5 = arith.constant 0 : i32
    %scan3A_6 = arith.constant 10 : i32
    %scan3A_7 = arith.addi %scan3A_5, %scan3A_6 : i32
    %scan3A_8 = arith.constant 1 : i32
    scf.for %scan3A_24 = %scan3A_5 to %scan3A_7 step %scan3A_8  : i32 {
      %mul3A_25 = arith.constant 16 : i32
      %mul3A_26 = arith.muli %scan3A_24, %mul3A_25 : i32
      "tpu.region"() ({
        %run_scoped3A_43 = tpu.sem_alloc : memref<!tpu.dma_semaphore, #tpu.memory_space<semaphore_mem>>
        %dma_start3A = arith.constant 0 : i32
        %dma_start3A_44 = tpu.memref_slice %arg2[%arg0, %arg1, %mul3A_26, %dma_start3A] : memref<2x16x160x128xi32, #tpu.memory_space<hbm>> -> memref<1x1x16x128xi32, #tpu.memory_space<hbm>>
        %dma_start3A_45 = tpu.memref_squeeze %dma_start3A_44 : memref<1x1x16x128xi32, #tpu.memory_space<hbm>> -> memref<16x128xi32, #tpu.memory_space<hbm>>
        %dma_start3A_46 = arith.constant 0 : i32
        %dma_start3A_47 = tpu.memref_slice %arg2[%arg0, %arg1, %mul3A_26, %dma_start3A_46] : memref<2x16x160x128xi32, #tpu.memory_space<hbm>> -> memref<1x1x16x128xi32, #tpu.memory_space<hbm>>
        %dma_start3A_48 = tpu.memref_squeeze %dma_start3A_47 : memref<1x1x16x128xi32, #tpu.memory_space<hbm>> -> memref<16x128xi32, #tpu.memory_space<hbm>>
        tpu.enqueue_dma source(%dma_start3A_48 : memref<16x128xi32, #tpu.memory_space<hbm>>) target(%arg10 : memref<16x128xi32, #tpu.memory_space<vmem>>) target_semaphore(%run_scoped3A_43 : memref<!tpu.dma_semaphore, #tpu.memory_space<semaphore_mem>>)
        %dma_wait3A = arith.constant 0 : i32
        %dma_wait3A_49 = tpu.memref_slice %arg2[%arg0, %arg1, %mul3A_26, %dma_wait3A] : memref<2x16x160x128xi32, #tpu.memory_space<hbm>> -> memref<1x1x16x128xi32, #tpu.memory_space<hbm>>
        %dma_wait3A_50 = tpu.memref_squeeze %dma_wait3A_49 : memref<1x1x16x128xi32, #tpu.memory_space<hbm>> -> memref<16x128xi32, #tpu.memory_space<hbm>>
        %dma_wait3A_51 = arith.constant 0 : i32
        %dma_wait3A_52 = tpu.memref_slice %arg2[%arg0, %arg1, %mul3A_26, %dma_wait3A_51] : memref<2x16x160x128xi32, #tpu.memory_space<hbm>> -> memref<1x1x16x128xi32, #tpu.memory_space<hbm>>
        %dma_wait3A_53 = tpu.memref_squeeze %dma_wait3A_52 : memref<1x1x16x128xi32, #tpu.memory_space<hbm>> -> memref<16x128xi32, #tpu.memory_space<hbm>>
        tpu.wait_dma2 semaphore(%run_scoped3A_43 : memref<!tpu.dma_semaphore, #tpu.memory_space<semaphore_mem>>) src(%dma_wait3A_53 : memref<16x128xi32, #tpu.memory_space<hbm>>) dst(%arg10 : memref<16x128xi32, #tpu.memory_space<vmem>>)
        tpu.yield
      }) : () -> ()
      %run_scoped3A_27 = arith.constant 0 : i32
      "tpu.region"() ({
        %run_scoped3A_43 = tpu.sem_alloc : memref<!tpu.dma_semaphore, #tpu.memory_space<semaphore_mem>>
        %dma_start3A = arith.constant 0 : i32
        %dma_start3A_44 = tpu.memref_slice %arg10[%run_scoped3A_27, %dma_start3A] : memref<16x128xi32, #tpu.memory_space<vmem>> -> memref<1x128xi32, #tpu.memory_space<vmem>>
        %dma_start3A_45 = tpu.memref_squeeze %dma_start3A_44 : memref<1x128xi32, #tpu.memory_space<vmem>> -> memref<128xi32, #tpu.memory_space<vmem>>
        %dma_start3A_46 = arith.constant 0 : i32
        %dma_start3A_47 = tpu.memref_slice %arg8[%dma_start3A_46] : memref<10240xf32, #tpu.memory_space<vmem_shared>> -> memref<10240xf32, #tpu.memory_space<vmem_shared>>
        tpu.enqueue_indirect_dma source(%arg11 : memref<128xf32, #tpu.memory_space<vmem>>) target(%dma_start3A_47 : memref<10240xf32, #tpu.memory_space<vmem_shared>>) offsets(%dma_start3A_45 : memref<128xi32, #tpu.memory_space<vmem>>) semaphore(%run_scoped3A_43 : memref<!tpu.dma_semaphore, #tpu.memory_space<semaphore_mem>>) {add = true}
        %dma_wait3A = arith.constant 0 : i32
        %dma_wait3A_48 = tpu.memref_slice %arg10[%run_scoped3A_27, %dma_wait3A] : memref<16x128xi32, #tpu.memory_space<vmem>> -> memref<1x128xi32, #tpu.memory_space<vmem>>
        %dma_wait3A_49 = tpu.memref_squeeze %dma_wait3A_48 : memref<1x128xi32, #tpu.memory_space<vmem>> -> memref<128xi32, #tpu.memory_space<vmem>>
        %dma_wait3A_50 = arith.constant 0 : i32
        %dma_wait3A_51 = tpu.memref_slice %arg8[%dma_wait3A_50] : memref<10240xf32, #tpu.memory_space<vmem_shared>> -> memref<10240xf32, #tpu.memory_space<vmem_shared>>
        tpu.wait_indirect_dma semaphore(%run_scoped3A_43 : memref<!tpu.dma_semaphore, #tpu.memory_space<semaphore_mem>>) src(%arg11 : memref<128xf32, #tpu.memory_space<vmem>>) dst(%dma_wait3A_51 : memref<10240xf32, #tpu.memory_space<vmem_shared>>)
        tpu.yield
      }) : () -> ()
      %run_scoped3A_28 = arith.constant 1 : i32
      "tpu.region"() ({
        %run_scoped3A_43 = tpu.sem_alloc : memref<!tpu.dma_semaphore, #tpu.memory_space<semaphore_mem>>
        %dma_start3A = arith.constant 0 : i32
        %dma_start3A_44 = tpu.memref_slice %arg10[%run_scoped3A_28, %dma_start3A] : memref<16x128xi32, #tpu.memory_space<vmem>> -> memref<1x128xi32, #tpu.memory_space<vmem>>
        %dma_start3A_45 = tpu.memref_squeeze %dma_start3A_44 : memref<1x128xi32, #tpu.memory_space<vmem>> -> memref<128xi32, #tpu.memory_space<vmem>>
        %dma_start3A_46 = arith.constant 0 : i32
        %dma_start3A_47 = tpu.memref_slice %arg8[%dma_start3A_46] : memref<10240xf32, #tpu.memory_space<vmem_shared>> -> memref<10240xf32, #tpu.memory_space<vmem_shared>>
        tpu.enqueue_indirect_dma source(%arg11 : memref<128xf32, #tpu.memory_space<vmem>>) target(%dma_start3A_47 : memref<10240xf32, #tpu.memory_space<vmem_shared>>) offsets(%dma_start3A_45 : memref<128xi32, #tpu.memory_space<vmem>>) semaphore(%run_scoped3A_43 : memref<!tpu.dma_semaphore, #tpu.memory_space<semaphore_mem>>) {add = true}
        %dma_wait3A = arith.constant 0 : i32
        %dma_wait3A_48 = tpu.memref_slice %arg10[%run_scoped3A_28, %dma_wait3A] : memref<16x128xi32, #tpu.memory_space<vmem>> -> memref<1x128xi32, #tpu.memory_space<vmem>>
        %dma_wait3A_49 = tpu.memref_squeeze %dma_wait3A_48 : memref<1x128xi32, #tpu.memory_space<vmem>> -> memref<128xi32, #tpu.memory_space<vmem>>
        %dma_wait3A_50 = arith.constant 0 : i32
        %dma_wait3A_51 = tpu.memref_slice %arg8[%dma_wait3A_50] : memref<10240xf32, #tpu.memory_space<vmem_shared>> -> memref<10240xf32, #tpu.memory_space<vmem_shared>>
        tpu.wait_indirect_dma semaphore(%run_scoped3A_43 : memref<!tpu.dma_semaphore, #tpu.memory_space<semaphore_mem>>) src(%arg11 : memref<128xf32, #tpu.memory_space<vmem>>) dst(%dma_wait3A_51 : memref<10240xf32, #tpu.memory_space<vmem_shared>>)
        tpu.yield
      }) : () -> ()
      %run_scoped3A_29 = arith.constant 2 : i32
      "tpu.region"() ({
        %run_scoped3A_43 = tpu.sem_alloc : memref<!tpu.dma_semaphore, #tpu.memory_space<semaphore_mem>>
        %dma_start3A = arith.constant 0 : i32
        %dma_start3A_44 = tpu.memref_slice %arg10[%run_scoped3A_29, %dma_start3A] : memref<16x128xi32, #tpu.memory_space<vmem>> -> memref<1x128xi32, #tpu.memory_space<vmem>>
        %dma_start3A_45 = tpu.memref_squeeze %dma_start3A_44 : memref<1x128xi32, #tpu.memory_space<vmem>> -> memref<128xi32, #tpu.memory_space<vmem>>
        %dma_start3A_46 = arith.constant 0 : i32
        %dma_start3A_47 = tpu.memref_slice %arg8[%dma_start3A_46] : memref<10240xf32, #tpu.memory_space<vmem_shared>> -> memref<10240xf32, #tpu.memory_space<vmem_shared>>
        tpu.enqueue_indirect_dma source(%arg11 : memref<128xf32, #tpu.memory_space<vmem>>) target(%dma_start3A_47 : memref<10240xf32, #tpu.memory_space<vmem_shared>>) offsets(%dma_start3A_45 : memref<128xi32, #tpu.memory_space<vmem>>) semaphore(%run_scoped3A_43 : memref<!tpu.dma_semaphore, #tpu.memory_space<semaphore_mem>>) {add = true}
        %dma_wait3A = arith.constant 0 : i32
        %dma_wait3A_48 = tpu.memref_slice %arg10[%run_scoped3A_29, %dma_wait3A] : memref<16x128xi32, #tpu.memory_space<vmem>> -> memref<1x128xi32, #tpu.memory_space<vmem>>
        %dma_wait3A_49 = tpu.memref_squeeze %dma_wait3A_48 : memref<1x128xi32, #tpu.memory_space<vmem>> -> memref<128xi32, #tpu.memory_space<vmem>>
        %dma_wait3A_50 = arith.constant 0 : i32
        %dma_wait3A_51 = tpu.memref_slice %arg8[%dma_wait3A_50] : memref<10240xf32, #tpu.memory_space<vmem_shared>> -> memref<10240xf32, #tpu.memory_space<vmem_shared>>
        tpu.wait_indirect_dma semaphore(%run_scoped3A_43 : memref<!tpu.dma_semaphore, #tpu.memory_space<semaphore_mem>>) src(%arg11 : memref<128xf32, #tpu.memory_space<vmem>>) dst(%dma_wait3A_51 : memref<10240xf32, #tpu.memory_space<vmem_shared>>)
        tpu.yield
      }) : () -> ()
      %run_scoped3A_30 = arith.constant 3 : i32
      "tpu.region"() ({
        %run_scoped3A_43 = tpu.sem_alloc : memref<!tpu.dma_semaphore, #tpu.memory_space<semaphore_mem>>
        %dma_start3A = arith.constant 0 : i32
        %dma_start3A_44 = tpu.memref_slice %arg10[%run_scoped3A_30, %dma_start3A] : memref<16x128xi32, #tpu.memory_space<vmem>> -> memref<1x128xi32, #tpu.memory_space<vmem>>
        %dma_start3A_45 = tpu.memref_squeeze %dma_start3A_44 : memref<1x128xi32, #tpu.memory_space<vmem>> -> memref<128xi32, #tpu.memory_space<vmem>>
        %dma_start3A_46 = arith.constant 0 : i32
        %dma_start3A_47 = tpu.memref_slice %arg8[%dma_start3A_46] : memref<10240xf32, #tpu.memory_space<vmem_shared>> -> memref<10240xf32, #tpu.memory_space<vmem_shared>>
        tpu.enqueue_indirect_dma source(%arg11 : memref<128xf32, #tpu.memory_space<vmem>>) target(%dma_start3A_47 : memref<10240xf32, #tpu.memory_space<vmem_shared>>) offsets(%dma_start3A_45 : memref<128xi32, #tpu.memory_space<vmem>>) semaphore(%run_scoped3A_43 : memref<!tpu.dma_semaphore, #tpu.memory_space<semaphore_mem>>) {add = true}
        %dma_wait3A = arith.constant 0 : i32
        %dma_wait3A_48 = tpu.memref_slice %arg10[%run_scoped3A_30, %dma_wait3A] : memref<16x128xi32, #tpu.memory_space<vmem>> -> memref<1x128xi32, #tpu.memory_space<vmem>>
        %dma_wait3A_49 = tpu.memref_squeeze %dma_wait3A_48 : memref<1x128xi32, #tpu.memory_space<vmem>> -> memref<128xi32, #tpu.memory_space<vmem>>
        %dma_wait3A_50 = arith.constant 0 : i32
        %dma_wait3A_51 = tpu.memref_slice %arg8[%dma_wait3A_50] : memref<10240xf32, #tpu.memory_space<vmem_shared>> -> memref<10240xf32, #tpu.memory_space<vmem_shared>>
        tpu.wait_indirect_dma semaphore(%run_scoped3A_43 : memref<!tpu.dma_semaphore, #tpu.memory_space<semaphore_mem>>) src(%arg11 : memref<128xf32, #tpu.memory_space<vmem>>) dst(%dma_wait3A_51 : memref<10240xf32, #tpu.memory_space<vmem_shared>>)
        tpu.yield
      }) : () -> ()
      %run_scoped3A_31 = arith.constant 4 : i32
      "tpu.region"() ({
        %run_scoped3A_43 = tpu.sem_alloc : memref<!tpu.dma_semaphore, #tpu.memory_space<semaphore_mem>>
        %dma_start3A = arith.constant 0 : i32
        %dma_start3A_44 = tpu.memref_slice %arg10[%run_scoped3A_31, %dma_start3A] : memref<16x128xi32, #tpu.memory_space<vmem>> -> memref<1x128xi32, #tpu.memory_space<vmem>>
        %dma_start3A_45 = tpu.memref_squeeze %dma_start3A_44 : memref<1x128xi32, #tpu.memory_space<vmem>> -> memref<128xi32, #tpu.memory_space<vmem>>
        %dma_start3A_46 = arith.constant 0 : i32
        %dma_start3A_47 = tpu.memref_slice %arg8[%dma_start3A_46] : memref<10240xf32, #tpu.memory_space<vmem_shared>> -> memref<10240xf32, #tpu.memory_space<vmem_shared>>
        tpu.enqueue_indirect_dma source(%arg11 : memref<128xf32, #tpu.memory_space<vmem>>) target(%dma_start3A_47 : memref<10240xf32, #tpu.memory_space<vmem_shared>>) offsets(%dma_start3A_45 : memref<128xi32, #tpu.memory_space<vmem>>) semaphore(%run_scoped3A_43 : memref<!tpu.dma_semaphore, #tpu.memory_space<semaphore_mem>>) {add = true}
        %dma_wait3A = arith.constant 0 : i32
        %dma_wait3A_48 = tpu.memref_slice %arg10[%run_scoped3A_31, %dma_wait3A] : memref<16x128xi32, #tpu.memory_space<vmem>> -> memref<1x128xi32, #tpu.memory_space<vmem>>
        %dma_wait3A_49 = tpu.memref_squeeze %dma_wait3A_48 : memref<1x128xi32, #tpu.memory_space<vmem>> -> memref<128xi32, #tpu.memory_space<vmem>>
        %dma_wait3A_50 = arith.constant 0 : i32
        %dma_wait3A_51 = tpu.memref_slice %arg8[%dma_wait3A_50] : memref<10240xf32, #tpu.memory_space<vmem_shared>> -> memref<10240xf32, #tpu.memory_space<vmem_shared>>
        tpu.wait_indirect_dma semaphore(%run_scoped3A_43 : memref<!tpu.dma_semaphore, #tpu.memory_space<semaphore_mem>>) src(%arg11 : memref<128xf32, #tpu.memory_space<vmem>>) dst(%dma_wait3A_51 : memref<10240xf32, #tpu.memory_space<vmem_shared>>)
        tpu.yield
      }) : () -> ()
      %run_scoped3A_32 = arith.constant 5 : i32
      "tpu.region"() ({
        %run_scoped3A_43 = tpu.sem_alloc : memref<!tpu.dma_semaphore, #tpu.memory_space<semaphore_mem>>
        %dma_start3A = arith.constant 0 : i32
        %dma_start3A_44 = tpu.memref_slice %arg10[%run_scoped3A_32, %dma_start3A] : memref<16x128xi32, #tpu.memory_space<vmem>> -> memref<1x128xi32, #tpu.memory_space<vmem>>
        %dma_start3A_45 = tpu.memref_squeeze %dma_start3A_44 : memref<1x128xi32, #tpu.memory_space<vmem>> -> memref<128xi32, #tpu.memory_space<vmem>>
        %dma_start3A_46 = arith.constant 0 : i32
        %dma_start3A_47 = tpu.memref_slice %arg8[%dma_start3A_46] : memref<10240xf32, #tpu.memory_space<vmem_shared>> -> memref<10240xf32, #tpu.memory_space<vmem_shared>>
        tpu.enqueue_indirect_dma source(%arg11 : memref<128xf32, #tpu.memory_space<vmem>>) target(%dma_start3A_47 : memref<10240xf32, #tpu.memory_space<vmem_shared>>) offsets(%dma_start3A_45 : memref<128xi32, #tpu.memory_space<vmem>>) semaphore(%run_scoped3A_43 : memref<!tpu.dma_semaphore, #tpu.memory_space<semaphore_mem>>) {add = true}
        %dma_wait3A = arith.constant 0 : i32
        %dma_wait3A_48 = tpu.memref_slice %arg10[%run_scoped3A_32, %dma_wait3A] : memref<16x128xi32, #tpu.memory_space<vmem>> -> memref<1x128xi32, #tpu.memory_space<vmem>>
        %dma_wait3A_49 = tpu.memref_squeeze %dma_wait3A_48 : memref<1x128xi32, #tpu.memory_space<vmem>> -> memref<128xi32, #tpu.memory_space<vmem>>
        %dma_wait3A_50 = arith.constant 0 : i32
        %dma_wait3A_51 = tpu.memref_slice %arg8[%dma_wait3A_50] : memref<10240xf32, #tpu.memory_space<vmem_shared>> -> memref<10240xf32, #tpu.memory_space<vmem_shared>>
        tpu.wait_indirect_dma semaphore(%run_scoped3A_43 : memref<!tpu.dma_semaphore, #tpu.memory_space<semaphore_mem>>) src(%arg11 : memref<128xf32, #tpu.memory_space<vmem>>) dst(%dma_wait3A_51 : memref<10240xf32, #tpu.memory_space<vmem_shared>>)
        tpu.yield
      }) : () -> ()
      %run_scoped3A_33 = arith.constant 6 : i32
      "tpu.region"() ({
        %run_scoped3A_43 = tpu.sem_alloc : memref<!tpu.dma_semaphore, #tpu.memory_space<semaphore_mem>>
        %dma_start3A = arith.constant 0 : i32
        %dma_start3A_44 = tpu.memref_slice %arg10[%run_scoped3A_33, %dma_start3A] : memref<16x128xi32, #tpu.memory_space<vmem>> -> memref<1x128xi32, #tpu.memory_space<vmem>>
        %dma_start3A_45 = tpu.memref_squeeze %dma_start3A_44 : memref<1x128xi32, #tpu.memory_space<vmem>> -> memref<128xi32, #tpu.memory_space<vmem>>
        %dma_start3A_46 = arith.constant 0 : i32
        %dma_start3A_47 = tpu.memref_slice %arg8[%dma_start3A_46] : memref<10240xf32, #tpu.memory_space<vmem_shared>> -> memref<10240xf32, #tpu.memory_space<vmem_shared>>
        tpu.enqueue_indirect_dma source(%arg11 : memref<128xf32, #tpu.memory_space<vmem>>) target(%dma_start3A_47 : memref<10240xf32, #tpu.memory_space<vmem_shared>>) offsets(%dma_start3A_45 : memref<128xi32, #tpu.memory_space<vmem>>) semaphore(%run_scoped3A_43 : memref<!tpu.dma_semaphore, #tpu.memory_space<semaphore_mem>>) {add = true}
        %dma_wait3A = arith.constant 0 : i32
        %dma_wait3A_48 = tpu.memref_slice %arg10[%run_scoped3A_33, %dma_wait3A] : memref<16x128xi32, #tpu.memory_space<vmem>> -> memref<1x128xi32, #tpu.memory_space<vmem>>
        %dma_wait3A_49 = tpu.memref_squeeze %dma_wait3A_48 : memref<1x128xi32, #tpu.memory_space<vmem>> -> memref<128xi32, #tpu.memory_space<vmem>>
        %dma_wait3A_50 = arith.constant 0 : i32
        %dma_wait3A_51 = tpu.memref_slice %arg8[%dma_wait3A_50] : memref<10240xf32, #tpu.memory_space<vmem_shared>> -> memref<10240xf32, #tpu.memory_space<vmem_shared>>
        tpu.wait_indirect_dma semaphore(%run_scoped3A_43 : memref<!tpu.dma_semaphore, #tpu.memory_space<semaphore_mem>>) src(%arg11 : memref<128xf32, #tpu.memory_space<vmem>>) dst(%dma_wait3A_51 : memref<10240xf32, #tpu.memory_space<vmem_shared>>)
        tpu.yield
      }) : () -> ()
      %run_scoped3A_34 = arith.constant 7 : i32
      "tpu.region"() ({
        %run_scoped3A_43 = tpu.sem_alloc : memref<!tpu.dma_semaphore, #tpu.memory_space<semaphore_mem>>
        %dma_start3A = arith.constant 0 : i32
        %dma_start3A_44 = tpu.memref_slice %arg10[%run_scoped3A_34, %dma_start3A] : memref<16x128xi32, #tpu.memory_space<vmem>> -> memref<1x128xi32, #tpu.memory_space<vmem>>
        %dma_start3A_45 = tpu.memref_squeeze %dma_start3A_44 : memref<1x128xi32, #tpu.memory_space<vmem>> -> memref<128xi32, #tpu.memory_space<vmem>>
        %dma_start3A_46 = arith.constant 0 : i32
        %dma_start3A_47 = tpu.memref_slice %arg8[%dma_start3A_46] : memref<10240xf32, #tpu.memory_space<vmem_shared>> -> memref<10240xf32, #tpu.memory_space<vmem_shared>>
        tpu.enqueue_indirect_dma source(%arg11 : memref<128xf32, #tpu.memory_space<vmem>>) target(%dma_start3A_47 : memref<10240xf32, #tpu.memory_space<vmem_shared>>) offsets(%dma_start3A_45 : memref<128xi32, #tpu.memory_space<vmem>>) semaphore(%run_scoped3A_43 : memref<!tpu.dma_semaphore, #tpu.memory_space<semaphore_mem>>) {add = true}
        %dma_wait3A = arith.constant 0 : i32
        %dma_wait3A_48 = tpu.memref_slice %arg10[%run_scoped3A_34, %dma_wait3A] : memref<16x128xi32, #tpu.memory_space<vmem>> -> memref<1x128xi32, #tpu.memory_space<vmem>>
        %dma_wait3A_49 = tpu.memref_squeeze %dma_wait3A_48 : memref<1x128xi32, #tpu.memory_space<vmem>> -> memref<128xi32, #tpu.memory_space<vmem>>
        %dma_wait3A_50 = arith.constant 0 : i32
        %dma_wait3A_51 = tpu.memref_slice %arg8[%dma_wait3A_50] : memref<10240xf32, #tpu.memory_space<vmem_shared>> -> memref<10240xf32, #tpu.memory_space<vmem_shared>>
        tpu.wait_indirect_dma semaphore(%run_scoped3A_43 : memref<!tpu.dma_semaphore, #tpu.memory_space<semaphore_mem>>) src(%arg11 : memref<128xf32, #tpu.memory_space<vmem>>) dst(%dma_wait3A_51 : memref<10240xf32, #tpu.memory_space<vmem_shared>>)
        tpu.yield
      }) : () -> ()
      %run_scoped3A_35 = arith.constant 8 : i32
      "tpu.region"() ({
        %run_scoped3A_43 = tpu.sem_alloc : memref<!tpu.dma_semaphore, #tpu.memory_space<semaphore_mem>>
        %dma_start3A = arith.constant 0 : i32
        %dma_start3A_44 = tpu.memref_slice %arg10[%run_scoped3A_35, %dma_start3A] : memref<16x128xi32, #tpu.memory_space<vmem>> -> memref<1x128xi32, #tpu.memory_space<vmem>>
        %dma_start3A_45 = tpu.memref_squeeze %dma_start3A_44 : memref<1x128xi32, #tpu.memory_space<vmem>> -> memref<128xi32, #tpu.memory_space<vmem>>
        %dma_start3A_46 = arith.constant 0 : i32
        %dma_start3A_47 = tpu.memref_slice %arg8[%dma_start3A_46] : memref<10240xf32, #tpu.memory_space<vmem_shared>> -> memref<10240xf32, #tpu.memory_space<vmem_shared>>
        tpu.enqueue_indirect_dma source(%arg11 : memref<128xf32, #tpu.memory_space<vmem>>) target(%dma_start3A_47 : memref<10240xf32, #tpu.memory_space<vmem_shared>>) offsets(%dma_start3A_45 : memref<128xi32, #tpu.memory_space<vmem>>) semaphore(%run_scoped3A_43 : memref<!tpu.dma_semaphore, #tpu.memory_space<semaphore_mem>>) {add = true}
        %dma_wait3A = arith.constant 0 : i32
        %dma_wait3A_48 = tpu.memref_slice %arg10[%run_scoped3A_35, %dma_wait3A] : memref<16x128xi32, #tpu.memory_space<vmem>> -> memref<1x128xi32, #tpu.memory_space<vmem>>
        %dma_wait3A_49 = tpu.memref_squeeze %dma_wait3A_48 : memref<1x128xi32, #tpu.memory_space<vmem>> -> memref<128xi32, #tpu.memory_space<vmem>>
        %dma_wait3A_50 = arith.constant 0 : i32
        %dma_wait3A_51 = tpu.memref_slice %arg8[%dma_wait3A_50] : memref<10240xf32, #tpu.memory_space<vmem_shared>> -> memref<10240xf32, #tpu.memory_space<vmem_shared>>
        tpu.wait_indirect_dma semaphore(%run_scoped3A_43 : memref<!tpu.dma_semaphore, #tpu.memory_space<semaphore_mem>>) src(%arg11 : memref<128xf32, #tpu.memory_space<vmem>>) dst(%dma_wait3A_51 : memref<10240xf32, #tpu.memory_space<vmem_shared>>)
        tpu.yield
      }) : () -> ()
      %run_scoped3A_36 = arith.constant 9 : i32
      "tpu.region"() ({
        %run_scoped3A_43 = tpu.sem_alloc : memref<!tpu.dma_semaphore, #tpu.memory_space<semaphore_mem>>
        %dma_start3A = arith.constant 0 : i32
        %dma_start3A_44 = tpu.memref_slice %arg10[%run_scoped3A_36, %dma_start3A] : memref<16x128xi32, #tpu.memory_space<vmem>> -> memref<1x128xi32, #tpu.memory_space<vmem>>
        %dma_start3A_45 = tpu.memref_squeeze %dma_start3A_44 : memref<1x128xi32, #tpu.memory_space<vmem>> -> memref<128xi32, #tpu.memory_space<vmem>>
        %dma_start3A_46 = arith.constant 0 : i32
        %dma_start3A_47 = tpu.memref_slice %arg8[%dma_start3A_46] : memref<10240xf32, #tpu.memory_space<vmem_shared>> -> memref<10240xf32, #tpu.memory_space<vmem_shared>>
        tpu.enqueue_indirect_dma source(%arg11 : memref<128xf32, #tpu.memory_space<vmem>>) target(%dma_start3A_47 : memref<10240xf32, #tpu.memory_space<vmem_shared>>) offsets(%dma_start3A_45 : memref<128xi32, #tpu.memory_space<vmem>>) semaphore(%run_scoped3A_43 : memref<!tpu.dma_semaphore, #tpu.memory_space<semaphore_mem>>) {add = true}
        %dma_wait3A = arith.constant 0 : i32
        %dma_wait3A_48 = tpu.memref_slice %arg10[%run_scoped3A_36, %dma_wait3A] : memref<16x128xi32, #tpu.memory_space<vmem>> -> memref<1x128xi32, #tpu.memory_space<vmem>>
        %dma_wait3A_49 = tpu.memref_squeeze %dma_wait3A_48 : memref<1x128xi32, #tpu.memory_space<vmem>> -> memref<128xi32, #tpu.memory_space<vmem>>
        %dma_wait3A_50 = arith.constant 0 : i32
        %dma_wait3A_51 = tpu.memref_slice %arg8[%dma_wait3A_50] : memref<10240xf32, #tpu.memory_space<vmem_shared>> -> memref<10240xf32, #tpu.memory_space<vmem_shared>>
        tpu.wait_indirect_dma semaphore(%run_scoped3A_43 : memref<!tpu.dma_semaphore, #tpu.memory_space<semaphore_mem>>) src(%arg11 : memref<128xf32, #tpu.memory_space<vmem>>) dst(%dma_wait3A_51 : memref<10240xf32, #tpu.memory_space<vmem_shared>>)
        tpu.yield
      }) : () -> ()
      %run_scoped3A_37 = arith.constant 10 : i32
      "tpu.region"() ({
        %run_scoped3A_43 = tpu.sem_alloc : memref<!tpu.dma_semaphore, #tpu.memory_space<semaphore_mem>>
        %dma_start3A = arith.constant 0 : i32
        %dma_start3A_44 = tpu.memref_slice %arg10[%run_scoped3A_37, %dma_start3A] : memref<16x128xi32, #tpu.memory_space<vmem>> -> memref<1x128xi32, #tpu.memory_space<vmem>>
        %dma_start3A_45 = tpu.memref_squeeze %dma_start3A_44 : memref<1x128xi32, #tpu.memory_space<vmem>> -> memref<128xi32, #tpu.memory_space<vmem>>
        %dma_start3A_46 = arith.constant 0 : i32
        %dma_start3A_47 = tpu.memref_slice %arg8[%dma_start3A_46] : memref<10240xf32, #tpu.memory_space<vmem_shared>> -> memref<10240xf32, #tpu.memory_space<vmem_shared>>
        tpu.enqueue_indirect_dma source(%arg11 : memref<128xf32, #tpu.memory_space<vmem>>) target(%dma_start3A_47 : memref<10240xf32, #tpu.memory_space<vmem_shared>>) offsets(%dma_start3A_45 : memref<128xi32, #tpu.memory_space<vmem>>) semaphore(%run_scoped3A_43 : memref<!tpu.dma_semaphore, #tpu.memory_space<semaphore_mem>>) {add = true}
        %dma_wait3A = arith.constant 0 : i32
        %dma_wait3A_48 = tpu.memref_slice %arg10[%run_scoped3A_37, %dma_wait3A] : memref<16x128xi32, #tpu.memory_space<vmem>> -> memref<1x128xi32, #tpu.memory_space<vmem>>
        %dma_wait3A_49 = tpu.memref_squeeze %dma_wait3A_48 : memref<1x128xi32, #tpu.memory_space<vmem>> -> memref<128xi32, #tpu.memory_space<vmem>>
        %dma_wait3A_50 = arith.constant 0 : i32
        %dma_wait3A_51 = tpu.memref_slice %arg8[%dma_wait3A_50] : memref<10240xf32, #tpu.memory_space<vmem_shared>> -> memref<10240xf32, #tpu.memory_space<vmem_shared>>
        tpu.wait_indirect_dma semaphore(%run_scoped3A_43 : memref<!tpu.dma_semaphore, #tpu.memory_space<semaphore_mem>>) src(%arg11 : memref<128xf32, #tpu.memory_space<vmem>>) dst(%dma_wait3A_51 : memref<10240xf32, #tpu.memory_space<vmem_shared>>)
        tpu.yield
      }) : () -> ()
      %run_scoped3A_38 = arith.constant 11 : i32
      "tpu.region"() ({
        %run_scoped3A_43 = tpu.sem_alloc : memref<!tpu.dma_semaphore, #tpu.memory_space<semaphore_mem>>
        %dma_start3A = arith.constant 0 : i32
        %dma_start3A_44 = tpu.memref_slice %arg10[%run_scoped3A_38, %dma_start3A] : memref<16x128xi32, #tpu.memory_space<vmem>> -> memref<1x128xi32, #tpu.memory_space<vmem>>
        %dma_start3A_45 = tpu.memref_squeeze %dma_start3A_44 : memref<1x128xi32, #tpu.memory_space<vmem>> -> memref<128xi32, #tpu.memory_space<vmem>>
        %dma_start3A_46 = arith.constant 0 : i32
        %dma_start3A_47 = tpu.memref_slice %arg8[%dma_start3A_46] : memref<10240xf32, #tpu.memory_space<vmem_shared>> -> memref<10240xf32, #tpu.memory_space<vmem_shared>>
        tpu.enqueue_indirect_dma source(%arg11 : memref<128xf32, #tpu.memory_space<vmem>>) target(%dma_start3A_47 : memref<10240xf32, #tpu.memory_space<vmem_shared>>) offsets(%dma_start3A_45 : memref<128xi32, #tpu.memory_space<vmem>>) semaphore(%run_scoped3A_43 : memref<!tpu.dma_semaphore, #tpu.memory_space<semaphore_mem>>) {add = true}
        %dma_wait3A = arith.constant 0 : i32
        %dma_wait3A_48 = tpu.memref_slice %arg10[%run_scoped3A_38, %dma_wait3A] : memref<16x128xi32, #tpu.memory_space<vmem>> -> memref<1x128xi32, #tpu.memory_space<vmem>>
        %dma_wait3A_49 = tpu.memref_squeeze %dma_wait3A_48 : memref<1x128xi32, #tpu.memory_space<vmem>> -> memref<128xi32, #tpu.memory_space<vmem>>
        %dma_wait3A_50 = arith.constant 0 : i32
        %dma_wait3A_51 = tpu.memref_slice %arg8[%dma_wait3A_50] : memref<10240xf32, #tpu.memory_space<vmem_shared>> -> memref<10240xf32, #tpu.memory_space<vmem_shared>>
        tpu.wait_indirect_dma semaphore(%run_scoped3A_43 : memref<!tpu.dma_semaphore, #tpu.memory_space<semaphore_mem>>) src(%arg11 : memref<128xf32, #tpu.memory_space<vmem>>) dst(%dma_wait3A_51 : memref<10240xf32, #tpu.memory_space<vmem_shared>>)
        tpu.yield
      }) : () -> ()
      %run_scoped3A_39 = arith.constant 12 : i32
      "tpu.region"() ({
        %run_scoped3A_43 = tpu.sem_alloc : memref<!tpu.dma_semaphore, #tpu.memory_space<semaphore_mem>>
        %dma_start3A = arith.constant 0 : i32
        %dma_start3A_44 = tpu.memref_slice %arg10[%run_scoped3A_39, %dma_start3A] : memref<16x128xi32, #tpu.memory_space<vmem>> -> memref<1x128xi32, #tpu.memory_space<vmem>>
        %dma_start3A_45 = tpu.memref_squeeze %dma_start3A_44 : memref<1x128xi32, #tpu.memory_space<vmem>> -> memref<128xi32, #tpu.memory_space<vmem>>
        %dma_start3A_46 = arith.constant 0 : i32
        %dma_start3A_47 = tpu.memref_slice %arg8[%dma_start3A_46] : memref<10240xf32, #tpu.memory_space<vmem_shared>> -> memref<10240xf32, #tpu.memory_space<vmem_shared>>
        tpu.enqueue_indirect_dma source(%arg11 : memref<128xf32, #tpu.memory_space<vmem>>) target(%dma_start3A_47 : memref<10240xf32, #tpu.memory_space<vmem_shared>>) offsets(%dma_start3A_45 : memref<128xi32, #tpu.memory_space<vmem>>) semaphore(%run_scoped3A_43 : memref<!tpu.dma_semaphore, #tpu.memory_space<semaphore_mem>>) {add = true}
        %dma_wait3A = arith.constant 0 : i32
        %dma_wait3A_48 = tpu.memref_slice %arg10[%run_scoped3A_39, %dma_wait3A] : memref<16x128xi32, #tpu.memory_space<vmem>> -> memref<1x128xi32, #tpu.memory_space<vmem>>
        %dma_wait3A_49 = tpu.memref_squeeze %dma_wait3A_48 : memref<1x128xi32, #tpu.memory_space<vmem>> -> memref<128xi32, #tpu.memory_space<vmem>>
        %dma_wait3A_50 = arith.constant 0 : i32
        %dma_wait3A_51 = tpu.memref_slice %arg8[%dma_wait3A_50] : memref<10240xf32, #tpu.memory_space<vmem_shared>> -> memref<10240xf32, #tpu.memory_space<vmem_shared>>
        tpu.wait_indirect_dma semaphore(%run_scoped3A_43 : memref<!tpu.dma_semaphore, #tpu.memory_space<semaphore_mem>>) src(%arg11 : memref<128xf32, #tpu.memory_space<vmem>>) dst(%dma_wait3A_51 : memref<10240xf32, #tpu.memory_space<vmem_shared>>)
        tpu.yield
      }) : () -> ()
      %run_scoped3A_40 = arith.constant 13 : i32
      "tpu.region"() ({
        %run_scoped3A_43 = tpu.sem_alloc : memref<!tpu.dma_semaphore, #tpu.memory_space<semaphore_mem>>
        %dma_start3A = arith.constant 0 : i32
        %dma_start3A_44 = tpu.memref_slice %arg10[%run_scoped3A_40, %dma_start3A] : memref<16x128xi32, #tpu.memory_space<vmem>> -> memref<1x128xi32, #tpu.memory_space<vmem>>
        %dma_start3A_45 = tpu.memref_squeeze %dma_start3A_44 : memref<1x128xi32, #tpu.memory_space<vmem>> -> memref<128xi32, #tpu.memory_space<vmem>>
        %dma_start3A_46 = arith.constant 0 : i32
        %dma_start3A_47 = tpu.memref_slice %arg8[%dma_start3A_46] : memref<10240xf32, #tpu.memory_space<vmem_shared>> -> memref<10240xf32, #tpu.memory_space<vmem_shared>>
        tpu.enqueue_indirect_dma source(%arg11 : memref<128xf32, #tpu.memory_space<vmem>>) target(%dma_start3A_47 : memref<10240xf32, #tpu.memory_space<vmem_shared>>) offsets(%dma_start3A_45 : memref<128xi32, #tpu.memory_space<vmem>>) semaphore(%run_scoped3A_43 : memref<!tpu.dma_semaphore, #tpu.memory_space<semaphore_mem>>) {add = true}
        %dma_wait3A = arith.constant 0 : i32
        %dma_wait3A_48 = tpu.memref_slice %arg10[%run_scoped3A_40, %dma_wait3A] : memref<16x128xi32, #tpu.memory_space<vmem>> -> memref<1x128xi32, #tpu.memory_space<vmem>>
        %dma_wait3A_49 = tpu.memref_squeeze %dma_wait3A_48 : memref<1x128xi32, #tpu.memory_space<vmem>> -> memref<128xi32, #tpu.memory_space<vmem>>
        %dma_wait3A_50 = arith.constant 0 : i32
        %dma_wait3A_51 = tpu.memref_slice %arg8[%dma_wait3A_50] : memref<10240xf32, #tpu.memory_space<vmem_shared>> -> memref<10240xf32, #tpu.memory_space<vmem_shared>>
        tpu.wait_indirect_dma semaphore(%run_scoped3A_43 : memref<!tpu.dma_semaphore, #tpu.memory_space<semaphore_mem>>) src(%arg11 : memref<128xf32, #tpu.memory_space<vmem>>) dst(%dma_wait3A_51 : memref<10240xf32, #tpu.memory_space<vmem_shared>>)
        tpu.yield
      }) : () -> ()
      %run_scoped3A_41 = arith.constant 14 : i32
      "tpu.region"() ({
        %run_scoped3A_43 = tpu.sem_alloc : memref<!tpu.dma_semaphore, #tpu.memory_space<semaphore_mem>>
        %dma_start3A = arith.constant 0 : i32
        %dma_start3A_44 = tpu.memref_slice %arg10[%run_scoped3A_41, %dma_start3A] : memref<16x128xi32, #tpu.memory_space<vmem>> -> memref<1x128xi32, #tpu.memory_space<vmem>>
        %dma_start3A_45 = tpu.memref_squeeze %dma_start3A_44 : memref<1x128xi32, #tpu.memory_space<vmem>> -> memref<128xi32, #tpu.memory_space<vmem>>
        %dma_start3A_46 = arith.constant 0 : i32
        %dma_start3A_47 = tpu.memref_slice %arg8[%dma_start3A_46] : memref<10240xf32, #tpu.memory_space<vmem_shared>> -> memref<10240xf32, #tpu.memory_space<vmem_shared>>
        tpu.enqueue_indirect_dma source(%arg11 : memref<128xf32, #tpu.memory_space<vmem>>) target(%dma_start3A_47 : memref<10240xf32, #tpu.memory_space<vmem_shared>>) offsets(%dma_start3A_45 : memref<128xi32, #tpu.memory_space<vmem>>) semaphore(%run_scoped3A_43 : memref<!tpu.dma_semaphore, #tpu.memory_space<semaphore_mem>>) {add = true}
        %dma_wait3A = arith.constant 0 : i32
        %dma_wait3A_48 = tpu.memref_slice %arg10[%run_scoped3A_41, %dma_wait3A] : memref<16x128xi32, #tpu.memory_space<vmem>> -> memref<1x128xi32, #tpu.memory_space<vmem>>
        %dma_wait3A_49 = tpu.memref_squeeze %dma_wait3A_48 : memref<1x128xi32, #tpu.memory_space<vmem>> -> memref<128xi32, #tpu.memory_space<vmem>>
        %dma_wait3A_50 = arith.constant 0 : i32
        %dma_wait3A_51 = tpu.memref_slice %arg8[%dma_wait3A_50] : memref<10240xf32, #tpu.memory_space<vmem_shared>> -> memref<10240xf32, #tpu.memory_space<vmem_shared>>
        tpu.wait_indirect_dma semaphore(%run_scoped3A_43 : memref<!tpu.dma_semaphore, #tpu.memory_space<semaphore_mem>>) src(%arg11 : memref<128xf32, #tpu.memory_space<vmem>>) dst(%dma_wait3A_51 : memref<10240xf32, #tpu.memory_space<vmem_shared>>)
        tpu.yield
      }) : () -> ()
      %run_scoped3A_42 = arith.constant 15 : i32
      "tpu.region"() ({
        %run_scoped3A_43 = tpu.sem_alloc : memref<!tpu.dma_semaphore, #tpu.memory_space<semaphore_mem>>
        %dma_start3A = arith.constant 0 : i32
        %dma_start3A_44 = tpu.memref_slice %arg10[%run_scoped3A_42, %dma_start3A] : memref<16x128xi32, #tpu.memory_space<vmem>> -> memref<1x128xi32, #tpu.memory_space<vmem>>
        %dma_start3A_45 = tpu.memref_squeeze %dma_start3A_44 : memref<1x128xi32, #tpu.memory_space<vmem>> -> memref<128xi32, #tpu.memory_space<vmem>>
        %dma_start3A_46 = arith.constant 0 : i32
        %dma_start3A_47 = tpu.memref_slice %arg8[%dma_start3A_46] : memref<10240xf32, #tpu.memory_space<vmem_shared>> -> memref<10240xf32, #tpu.memory_space<vmem_shared>>
        tpu.enqueue_indirect_dma source(%arg11 : memref<128xf32, #tpu.memory_space<vmem>>) target(%dma_start3A_47 : memref<10240xf32, #tpu.memory_space<vmem_shared>>) offsets(%dma_start3A_45 : memref<128xi32, #tpu.memory_space<vmem>>) semaphore(%run_scoped3A_43 : memref<!tpu.dma_semaphore, #tpu.memory_space<semaphore_mem>>) {add = true}
        %dma_wait3A = arith.constant 0 : i32
        %dma_wait3A_48 = tpu.memref_slice %arg10[%run_scoped3A_42, %dma_wait3A] : memref<16x128xi32, #tpu.memory_space<vmem>> -> memref<1x128xi32, #tpu.memory_space<vmem>>
        %dma_wait3A_49 = tpu.memref_squeeze %dma_wait3A_48 : memref<1x128xi32, #tpu.memory_space<vmem>> -> memref<128xi32, #tpu.memory_space<vmem>>
        %dma_wait3A_50 = arith.constant 0 : i32
        %dma_wait3A_51 = tpu.memref_slice %arg8[%dma_wait3A_50] : memref<10240xf32, #tpu.memory_space<vmem_shared>> -> memref<10240xf32, #tpu.memory_space<vmem_shared>>
        tpu.wait_indirect_dma semaphore(%run_scoped3A_43 : memref<!tpu.dma_semaphore, #tpu.memory_space<semaphore_mem>>) src(%arg11 : memref<128xf32, #tpu.memory_space<vmem>>) dst(%dma_wait3A_51 : memref<10240xf32, #tpu.memory_space<vmem_shared>>)
        tpu.yield
      }) : () -> ()
    }
    %scan3A_9 = arith.constant 10 : i32
    "tpu.region"() ({
      %run_scoped3A_24 = tpu.sem_alloc : memref<!tpu.dma_semaphore, #tpu.memory_space<semaphore_mem>>
      %dma_start3A = arith.constant 0 : i32
      %dma_start3A_25 = arith.constant 0 : i32
      %dma_start3A_26 = tpu.memref_slice %arg10[%dma_start3A, %dma_start3A_25] : memref<16x128xi32, #tpu.memory_space<vmem>> -> memref<5x128xi32, #tpu.memory_space<vmem>>
      %dma_start3A_27 = arith.constant 0 : i32
      %dma_start3A_28 = arith.constant 0 : i32
      %dma_start3A_29 = tpu.memref_slice %arg3[%arg0, %arg1, %dma_start3A_27, %dma_start3A_28] : memref<2x16x5x128xi32, #tpu.memory_space<hbm>> -> memref<1x1x5x128xi32, #tpu.memory_space<hbm>>
      %dma_start3A_30 = tpu.memref_squeeze %dma_start3A_29 : memref<1x1x5x128xi32, #tpu.memory_space<hbm>> -> memref<5x128xi32, #tpu.memory_space<hbm>>
      %dma_start3A_31 = arith.constant 0 : i32
      %dma_start3A_32 = arith.constant 0 : i32
      %dma_start3A_33 = tpu.memref_slice %arg10[%dma_start3A_31, %dma_start3A_32] : memref<16x128xi32, #tpu.memory_space<vmem>> -> memref<5x128xi32, #tpu.memory_space<vmem>>
      %dma_start3A_34 = arith.constant 0 : i32
      %dma_start3A_35 = arith.constant 0 : i32
      %dma_start3A_36 = tpu.memref_slice %arg3[%arg0, %arg1, %dma_start3A_34, %dma_start3A_35] : memref<2x16x5x128xi32, #tpu.memory_space<hbm>> -> memref<1x1x5x128xi32, #tpu.memory_space<hbm>>
      %dma_start3A_37 = tpu.memref_squeeze %dma_start3A_36 : memref<1x1x5x128xi32, #tpu.memory_space<hbm>> -> memref<5x128xi32, #tpu.memory_space<hbm>>
      tpu.enqueue_dma source(%dma_start3A_37 : memref<5x128xi32, #tpu.memory_space<hbm>>) target(%dma_start3A_33 : memref<5x128xi32, #tpu.memory_space<vmem>>) target_semaphore(%run_scoped3A_24 : memref<!tpu.dma_semaphore, #tpu.memory_space<semaphore_mem>>)
      %dma_wait3A = arith.constant 0 : i32
      %dma_wait3A_38 = arith.constant 0 : i32
      %dma_wait3A_39 = tpu.memref_slice %arg10[%dma_wait3A, %dma_wait3A_38] : memref<16x128xi32, #tpu.memory_space<vmem>> -> memref<5x128xi32, #tpu.memory_space<vmem>>
      %dma_wait3A_40 = arith.constant 0 : i32
      %dma_wait3A_41 = arith.constant 0 : i32
      %dma_wait3A_42 = tpu.memref_slice %arg3[%arg0, %arg1, %dma_wait3A_40, %dma_wait3A_41] : memref<2x16x5x128xi32, #tpu.memory_space<hbm>> -> memref<1x1x5x128xi32, #tpu.memory_space<hbm>>
      %dma_wait3A_43 = tpu.memref_squeeze %dma_wait3A_42 : memref<1x1x5x128xi32, #tpu.memory_space<hbm>> -> memref<5x128xi32, #tpu.memory_space<hbm>>
      %dma_wait3A_44 = arith.constant 0 : i32
      %dma_wait3A_45 = arith.constant 0 : i32
      %dma_wait3A_46 = tpu.memref_slice %arg10[%dma_wait3A_44, %dma_wait3A_45] : memref<16x128xi32, #tpu.memory_space<vmem>> -> memref<5x128xi32, #tpu.memory_space<vmem>>
      %dma_wait3A_47 = arith.constant 0 : i32
      %dma_wait3A_48 = arith.constant 0 : i32
      %dma_wait3A_49 = tpu.memref_slice %arg3[%arg0, %arg1, %dma_wait3A_47, %dma_wait3A_48] : memref<2x16x5x128xi32, #tpu.memory_space<hbm>> -> memref<1x1x5x128xi32, #tpu.memory_space<hbm>>
      %dma_wait3A_50 = tpu.memref_squeeze %dma_wait3A_49 : memref<1x1x5x128xi32, #tpu.memory_space<hbm>> -> memref<5x128xi32, #tpu.memory_space<hbm>>
      tpu.wait_dma2 semaphore(%run_scoped3A_24 : memref<!tpu.dma_semaphore, #tpu.memory_space<semaphore_mem>>) src(%dma_wait3A_50 : memref<5x128xi32, #tpu.memory_space<hbm>>) dst(%dma_wait3A_46 : memref<5x128xi32, #tpu.memory_space<vmem>>)
      tpu.yield
    }) : () -> ()
    %run_scoped3A = arith.constant 0 : i32
    "tpu.region"() ({
      %run_scoped3A_24 = tpu.sem_alloc : memref<!tpu.dma_semaphore, #tpu.memory_space<semaphore_mem>>
      %dma_start3A = arith.constant 0 : i32
      %dma_start3A_25 = tpu.memref_slice %arg10[%run_scoped3A, %dma_start3A] : memref<16x128xi32, #tpu.memory_space<vmem>> -> memref<1x128xi32, #tpu.memory_space<vmem>>
      %dma_start3A_26 = tpu.memref_squeeze %dma_start3A_25 : memref<1x128xi32, #tpu.memory_space<vmem>> -> memref<128xi32, #tpu.memory_space<vmem>>
      %dma_start3A_27 = arith.constant 0 : i32
      %dma_start3A_28 = tpu.memref_slice %arg9[%dma_start3A_27] : memref<640xf32, #tpu.memory_space<vmem_shared>> -> memref<640xf32, #tpu.memory_space<vmem_shared>>
      tpu.enqueue_indirect_dma source(%arg11 : memref<128xf32, #tpu.memory_space<vmem>>) target(%dma_start3A_28 : memref<640xf32, #tpu.memory_space<vmem_shared>>) offsets(%dma_start3A_26 : memref<128xi32, #tpu.memory_space<vmem>>) semaphore(%run_scoped3A_24 : memref<!tpu.dma_semaphore, #tpu.memory_space<semaphore_mem>>) {add = true}
      %dma_wait3A = arith.constant 0 : i32
      %dma_wait3A_29 = tpu.memref_slice %arg10[%run_scoped3A, %dma_wait3A] : memref<16x128xi32, #tpu.memory_space<vmem>> -> memref<1x128xi32, #tpu.memory_space<vmem>>
      %dma_wait3A_30 = tpu.memref_squeeze %dma_wait3A_29 : memref<1x128xi32, #tpu.memory_space<vmem>> -> memref<128xi32, #tpu.memory_space<vmem>>
      %dma_wait3A_31 = arith.constant 0 : i32
      %dma_wait3A_32 = tpu.memref_slice %arg9[%dma_wait3A_31] : memref<640xf32, #tpu.memory_space<vmem_shared>> -> memref<640xf32, #tpu.memory_space<vmem_shared>>
      tpu.wait_indirect_dma semaphore(%run_scoped3A_24 : memref<!tpu.dma_semaphore, #tpu.memory_space<semaphore_mem>>) src(%arg11 : memref<128xf32, #tpu.memory_space<vmem>>) dst(%dma_wait3A_32 : memref<640xf32, #tpu.memory_space<vmem_shared>>)
      tpu.yield
    }) : () -> ()
    %run_scoped3A_10 = arith.constant 1 : i32
    "tpu.region"() ({
      %run_scoped3A_24 = tpu.sem_alloc : memref<!tpu.dma_semaphore, #tpu.memory_space<semaphore_mem>>
      %dma_start3A = arith.constant 0 : i32
      %dma_start3A_25 = tpu.memref_slice %arg10[%run_scoped3A_10, %dma_start3A] : memref<16x128xi32, #tpu.memory_space<vmem>> -> memref<1x128xi32, #tpu.memory_space<vmem>>
      %dma_start3A_26 = tpu.memref_squeeze %dma_start3A_25 : memref<1x128xi32, #tpu.memory_space<vmem>> -> memref<128xi32, #tpu.memory_space<vmem>>
      %dma_start3A_27 = arith.constant 0 : i32
      %dma_start3A_28 = tpu.memref_slice %arg9[%dma_start3A_27] : memref<640xf32, #tpu.memory_space<vmem_shared>> -> memref<640xf32, #tpu.memory_space<vmem_shared>>
      tpu.enqueue_indirect_dma source(%arg11 : memref<128xf32, #tpu.memory_space<vmem>>) target(%dma_start3A_28 : memref<640xf32, #tpu.memory_space<vmem_shared>>) offsets(%dma_start3A_26 : memref<128xi32, #tpu.memory_space<vmem>>) semaphore(%run_scoped3A_24 : memref<!tpu.dma_semaphore, #tpu.memory_space<semaphore_mem>>) {add = true}
      %dma_wait3A = arith.constant 0 : i32
      %dma_wait3A_29 = tpu.memref_slice %arg10[%run_scoped3A_10, %dma_wait3A] : memref<16x128xi32, #tpu.memory_space<vmem>> -> memref<1x128xi32, #tpu.memory_space<vmem>>
      %dma_wait3A_30 = tpu.memref_squeeze %dma_wait3A_29 : memref<1x128xi32, #tpu.memory_space<vmem>> -> memref<128xi32, #tpu.memory_space<vmem>>
      %dma_wait3A_31 = arith.constant 0 : i32
      %dma_wait3A_32 = tpu.memref_slice %arg9[%dma_wait3A_31] : memref<640xf32, #tpu.memory_space<vmem_shared>> -> memref<640xf32, #tpu.memory_space<vmem_shared>>
      tpu.wait_indirect_dma semaphore(%run_scoped3A_24 : memref<!tpu.dma_semaphore, #tpu.memory_space<semaphore_mem>>) src(%arg11 : memref<128xf32, #tpu.memory_space<vmem>>) dst(%dma_wait3A_32 : memref<640xf32, #tpu.memory_space<vmem_shared>>)
      tpu.yield
    }) : () -> ()
    %run_scoped3A_11 = arith.constant 2 : i32
    "tpu.region"() ({
      %run_scoped3A_24 = tpu.sem_alloc : memref<!tpu.dma_semaphore, #tpu.memory_space<semaphore_mem>>
      %dma_start3A = arith.constant 0 : i32
      %dma_start3A_25 = tpu.memref_slice %arg10[%run_scoped3A_11, %dma_start3A] : memref<16x128xi32, #tpu.memory_space<vmem>> -> memref<1x128xi32, #tpu.memory_space<vmem>>
      %dma_start3A_26 = tpu.memref_squeeze %dma_start3A_25 : memref<1x128xi32, #tpu.memory_space<vmem>> -> memref<128xi32, #tpu.memory_space<vmem>>
      %dma_start3A_27 = arith.constant 0 : i32
      %dma_start3A_28 = tpu.memref_slice %arg9[%dma_start3A_27] : memref<640xf32, #tpu.memory_space<vmem_shared>> -> memref<640xf32, #tpu.memory_space<vmem_shared>>
      tpu.enqueue_indirect_dma source(%arg11 : memref<128xf32, #tpu.memory_space<vmem>>) target(%dma_start3A_28 : memref<640xf32, #tpu.memory_space<vmem_shared>>) offsets(%dma_start3A_26 : memref<128xi32, #tpu.memory_space<vmem>>) semaphore(%run_scoped3A_24 : memref<!tpu.dma_semaphore, #tpu.memory_space<semaphore_mem>>) {add = true}
      %dma_wait3A = arith.constant 0 : i32
      %dma_wait3A_29 = tpu.memref_slice %arg10[%run_scoped3A_11, %dma_wait3A] : memref<16x128xi32, #tpu.memory_space<vmem>> -> memref<1x128xi32, #tpu.memory_space<vmem>>
      %dma_wait3A_30 = tpu.memref_squeeze %dma_wait3A_29 : memref<1x128xi32, #tpu.memory_space<vmem>> -> memref<128xi32, #tpu.memory_space<vmem>>
      %dma_wait3A_31 = arith.constant 0 : i32
      %dma_wait3A_32 = tpu.memref_slice %arg9[%dma_wait3A_31] : memref<640xf32, #tpu.memory_space<vmem_shared>> -> memref<640xf32, #tpu.memory_space<vmem_shared>>
      tpu.wait_indirect_dma semaphore(%run_scoped3A_24 : memref<!tpu.dma_semaphore, #tpu.memory_space<semaphore_mem>>) src(%arg11 : memref<128xf32, #tpu.memory_space<vmem>>) dst(%dma_wait3A_32 : memref<640xf32, #tpu.memory_space<vmem_shared>>)
      tpu.yield
    }) : () -> ()
    %run_scoped3A_12 = arith.constant 3 : i32
    "tpu.region"() ({
      %run_scoped3A_24 = tpu.sem_alloc : memref<!tpu.dma_semaphore, #tpu.memory_space<semaphore_mem>>
      %dma_start3A = arith.constant 0 : i32
      %dma_start3A_25 = tpu.memref_slice %arg10[%run_scoped3A_12, %dma_start3A] : memref<16x128xi32, #tpu.memory_space<vmem>> -> memref<1x128xi32, #tpu.memory_space<vmem>>
      %dma_start3A_26 = tpu.memref_squeeze %dma_start3A_25 : memref<1x128xi32, #tpu.memory_space<vmem>> -> memref<128xi32, #tpu.memory_space<vmem>>
      %dma_start3A_27 = arith.constant 0 : i32
      %dma_start3A_28 = tpu.memref_slice %arg9[%dma_start3A_27] : memref<640xf32, #tpu.memory_space<vmem_shared>> -> memref<640xf32, #tpu.memory_space<vmem_shared>>
      tpu.enqueue_indirect_dma source(%arg11 : memref<128xf32, #tpu.memory_space<vmem>>) target(%dma_start3A_28 : memref<640xf32, #tpu.memory_space<vmem_shared>>) offsets(%dma_start3A_26 : memref<128xi32, #tpu.memory_space<vmem>>) semaphore(%run_scoped3A_24 : memref<!tpu.dma_semaphore, #tpu.memory_space<semaphore_mem>>) {add = true}
      %dma_wait3A = arith.constant 0 : i32
      %dma_wait3A_29 = tpu.memref_slice %arg10[%run_scoped3A_12, %dma_wait3A] : memref<16x128xi32, #tpu.memory_space<vmem>> -> memref<1x128xi32, #tpu.memory_space<vmem>>
      %dma_wait3A_30 = tpu.memref_squeeze %dma_wait3A_29 : memref<1x128xi32, #tpu.memory_space<vmem>> -> memref<128xi32, #tpu.memory_space<vmem>>
      %dma_wait3A_31 = arith.constant 0 : i32
      %dma_wait3A_32 = tpu.memref_slice %arg9[%dma_wait3A_31] : memref<640xf32, #tpu.memory_space<vmem_shared>> -> memref<640xf32, #tpu.memory_space<vmem_shared>>
      tpu.wait_indirect_dma semaphore(%run_scoped3A_24 : memref<!tpu.dma_semaphore, #tpu.memory_space<semaphore_mem>>) src(%arg11 : memref<128xf32, #tpu.memory_space<vmem>>) dst(%dma_wait3A_32 : memref<640xf32, #tpu.memory_space<vmem_shared>>)
      tpu.yield
    }) : () -> ()
    %run_scoped3A_13 = arith.constant 4 : i32
    "tpu.region"() ({
      %run_scoped3A_24 = tpu.sem_alloc : memref<!tpu.dma_semaphore, #tpu.memory_space<semaphore_mem>>
      %dma_start3A = arith.constant 0 : i32
      %dma_start3A_25 = tpu.memref_slice %arg10[%run_scoped3A_13, %dma_start3A] : memref<16x128xi32, #tpu.memory_space<vmem>> -> memref<1x128xi32, #tpu.memory_space<vmem>>
      %dma_start3A_26 = tpu.memref_squeeze %dma_start3A_25 : memref<1x128xi32, #tpu.memory_space<vmem>> -> memref<128xi32, #tpu.memory_space<vmem>>
      %dma_start3A_27 = arith.constant 0 : i32
      %dma_start3A_28 = tpu.memref_slice %arg9[%dma_start3A_27] : memref<640xf32, #tpu.memory_space<vmem_shared>> -> memref<640xf32, #tpu.memory_space<vmem_shared>>
      tpu.enqueue_indirect_dma source(%arg11 : memref<128xf32, #tpu.memory_space<vmem>>) target(%dma_start3A_28 : memref<640xf32, #tpu.memory_space<vmem_shared>>) offsets(%dma_start3A_26 : memref<128xi32, #tpu.memory_space<vmem>>) semaphore(%run_scoped3A_24 : memref<!tpu.dma_semaphore, #tpu.memory_space<semaphore_mem>>) {add = true}
      %dma_wait3A = arith.constant 0 : i32
      %dma_wait3A_29 = tpu.memref_slice %arg10[%run_scoped3A_13, %dma_wait3A] : memref<16x128xi32, #tpu.memory_space<vmem>> -> memref<1x128xi32, #tpu.memory_space<vmem>>
      %dma_wait3A_30 = tpu.memref_squeeze %dma_wait3A_29 : memref<1x128xi32, #tpu.memory_space<vmem>> -> memref<128xi32, #tpu.memory_space<vmem>>
      %dma_wait3A_31 = arith.constant 0 : i32
      %dma_wait3A_32 = tpu.memref_slice %arg9[%dma_wait3A_31] : memref<640xf32, #tpu.memory_space<vmem_shared>> -> memref<640xf32, #tpu.memory_space<vmem_shared>>
      tpu.wait_indirect_dma semaphore(%run_scoped3A_24 : memref<!tpu.dma_semaphore, #tpu.memory_space<semaphore_mem>>) src(%arg11 : memref<128xf32, #tpu.memory_space<vmem>>) dst(%dma_wait3A_32 : memref<640xf32, #tpu.memory_space<vmem_shared>>)
      tpu.yield
    }) : () -> ()
    %barrier3A_14 = arith.constant 0 : index
    tpu.barrier barrier_id(%barrier3A_14)
    %mul3A_15 = arith.constant 640 : i32
    %mul3A_16 = arith.muli %arg1, %mul3A_15 : i32
    %mul3A_17 = arith.constant 640 : i32
    %mul3A_18 = arith.muli %arg1, %mul3A_17 : i32
    "tpu.region"() ({
      %run_scoped3A_24 = tpu.sem_alloc : memref<!tpu.dma_semaphore, #tpu.memory_space<semaphore_mem>>
      %dma_start3A = tpu.memref_slice %arg6[%arg0, %mul3A_18] : memref<2x10240xf32, #tpu.memory_space<hbm>> -> memref<1x640xf32, #tpu.memory_space<hbm>>
      %dma_start3A_25 = tpu.memref_squeeze %dma_start3A : memref<1x640xf32, #tpu.memory_space<hbm>> -> memref<640xf32, #tpu.memory_space<hbm>>
      %dma_start3A_26 = tpu.memref_slice %arg8[%mul3A_16] : memref<10240xf32, #tpu.memory_space<vmem_shared>> -> memref<640xf32, #tpu.memory_space<vmem_shared>>
      tpu.enqueue_dma source(%dma_start3A_26 : memref<640xf32, #tpu.memory_space<vmem_shared>>) target(%dma_start3A_25 : memref<640xf32, #tpu.memory_space<hbm>>) target_semaphore(%run_scoped3A_24 : memref<!tpu.dma_semaphore, #tpu.memory_space<semaphore_mem>>)
      %dma_wait3A = tpu.memref_slice %arg6[%arg0, %mul3A_18] : memref<2x10240xf32, #tpu.memory_space<hbm>> -> memref<1x640xf32, #tpu.memory_space<hbm>>
      %dma_wait3A_27 = tpu.memref_squeeze %dma_wait3A : memref<1x640xf32, #tpu.memory_space<hbm>> -> memref<640xf32, #tpu.memory_space<hbm>>
      %dma_wait3A_28 = tpu.memref_slice %arg8[%mul3A_16] : memref<10240xf32, #tpu.memory_space<vmem_shared>> -> memref<640xf32, #tpu.memory_space<vmem_shared>>
      tpu.wait_dma2 semaphore(%run_scoped3A_24 : memref<!tpu.dma_semaphore, #tpu.memory_space<semaphore_mem>>) src(%dma_wait3A_28 : memref<640xf32, #tpu.memory_space<vmem_shared>>) dst(%dma_wait3A_27 : memref<640xf32, #tpu.memory_space<hbm>>)
      tpu.yield
    }) : () -> ()
    %eq3A_19 = arith.constant 0 : i32
    %eq3A_20 = arith.cmpi eq, %arg1, %eq3A_19 : i32
    %convert_element_type3A_21 = arith.extui %eq3A_20 : i1 to i32
    %cond3A_22 = arith.constant 0 : i32
    %cond3A_23 = arith.cmpi ne, %convert_element_type3A_21, %cond3A_22 : i32
    scf.if %cond3A_23 {
      "tpu.region"() ({
        %run_scoped3A_24 = tpu.sem_alloc : memref<!tpu.dma_semaphore, #tpu.memory_space<semaphore_mem>>
        %dma_start3A = arith.constant 0 : i32
        %dma_start3A_25 = tpu.memref_slice %arg7[%arg0, %dma_start3A] : memref<2x640xf32, #tpu.memory_space<hbm>> -> memref<1x640xf32, #tpu.memory_space<hbm>>
        %dma_start3A_26 = tpu.memref_squeeze %dma_start3A_25 : memref<1x640xf32, #tpu.memory_space<hbm>> -> memref<640xf32, #tpu.memory_space<hbm>>
        tpu.enqueue_dma source(%arg9 : memref<640xf32, #tpu.memory_space<vmem_shared>>) target(%dma_start3A_26 : memref<640xf32, #tpu.memory_space<hbm>>) target_semaphore(%run_scoped3A_24 : memref<!tpu.dma_semaphore, #tpu.memory_space<semaphore_mem>>)
        %dma_wait3A = arith.constant 0 : i32
        %dma_wait3A_27 = tpu.memref_slice %arg7[%arg0, %dma_wait3A] : memref<2x640xf32, #tpu.memory_space<hbm>> -> memref<1x640xf32, #tpu.memory_space<hbm>>
        %dma_wait3A_28 = tpu.memref_squeeze %dma_wait3A_27 : memref<1x640xf32, #tpu.memory_space<hbm>> -> memref<640xf32, #tpu.memory_space<hbm>>
        tpu.wait_dma2 semaphore(%run_scoped3A_24 : memref<!tpu.dma_semaphore, #tpu.memory_space<semaphore_mem>>) src(%arg9 : memref<640xf32, #tpu.memory_space<vmem_shared>>) dst(%dma_wait3A_28 : memref<640xf32, #tpu.memory_space<hbm>>)
        tpu.yield
      }) : () -> ()
    } else {
    }
    return
  }
}

#map = affine_map<(d0, d1) -> (0, 0)>
#map1 = affine_map<(d0, d1) -> (0, 0, 0, 0)>
#map2 = affine_map<(d0, d1) -> (0, 0, 0)>
module attributes {stable_mosaic.version = 14 : i64} {
  func.func @_pool_body(%arg0: i32, %arg1: i32, %arg2: memref<20480x128xf32, #tpu.memory_space<hbm>>, %arg3: memref<2x16x5x128xi32, #tpu.memory_space<hbm>>, %arg4: memref<640x128xf32, #tpu.memory_space<hbm>>, %arg5: memref<2x640x128xf32, #tpu.memory_space<hbm>>, %arg6: memref<640x128xf32, #tpu.memory_space<vmem_shared>>, %arg7: memref<5x128xi32, #tpu.memory_space<vmem>>, %arg8: memref<128x128xf32, #tpu.memory_space<vmem>>) attributes {dimension_semantics = [#tpu.dimension_semantics<core_parallel>, #tpu.dimension_semantics<subcore_parallel>], iteration_bounds = array<i64: 2, 16>, scalar_prefetch = 0 : i64, scratch_operands = 3 : i64, tpu.core_type = #tpu.core_type<sc_vector_subcore>, window_params = [{transform_indices = #map}, {transform_indices = #map1}, {transform_indices = #map}, {transform_indices = #map2}]} {
    %mul3A = arith.constant 40 : i32
    %mul3A_0 = arith.muli %arg1, %mul3A : i32
    %mul3A_1 = arith.constant 40 : i32
    %mul3A_2 = arith.muli %arg1, %mul3A_1 : i32
    "tpu.region"() ({
      %run_scoped3A = tpu.sem_alloc : memref<!tpu.dma_semaphore, #tpu.memory_space<semaphore_mem>>
      %dma_start3A = arith.constant 0 : i32
      %dma_start3A_13 = tpu.memref_slice %arg6[%mul3A_2, %dma_start3A] : memref<640x128xf32, #tpu.memory_space<vmem_shared>> -> memref<40x128xf32, #tpu.memory_space<vmem_shared>>
      %dma_start3A_14 = arith.constant 0 : i32
      %dma_start3A_15 = tpu.memref_slice %arg4[%mul3A_0, %dma_start3A_14] : memref<640x128xf32, #tpu.memory_space<hbm>> -> memref<40x128xf32, #tpu.memory_space<hbm>>
      tpu.enqueue_dma source(%dma_start3A_15 : memref<40x128xf32, #tpu.memory_space<hbm>>) target(%dma_start3A_13 : memref<40x128xf32, #tpu.memory_space<vmem_shared>>) target_semaphore(%run_scoped3A : memref<!tpu.dma_semaphore, #tpu.memory_space<semaphore_mem>>)
      %dma_wait3A = arith.constant 0 : i32
      %dma_wait3A_16 = tpu.memref_slice %arg6[%mul3A_2, %dma_wait3A] : memref<640x128xf32, #tpu.memory_space<vmem_shared>> -> memref<40x128xf32, #tpu.memory_space<vmem_shared>>
      %dma_wait3A_17 = arith.constant 0 : i32
      %dma_wait3A_18 = tpu.memref_slice %arg4[%mul3A_0, %dma_wait3A_17] : memref<640x128xf32, #tpu.memory_space<hbm>> -> memref<40x128xf32, #tpu.memory_space<hbm>>
      tpu.wait_dma2 semaphore(%run_scoped3A : memref<!tpu.dma_semaphore, #tpu.memory_space<semaphore_mem>>) src(%dma_wait3A_18 : memref<40x128xf32, #tpu.memory_space<hbm>>) dst(%dma_wait3A_16 : memref<40x128xf32, #tpu.memory_space<vmem_shared>>)
      tpu.yield
    }) : () -> ()
    "tpu.region"() ({
      %run_scoped3A = tpu.sem_alloc : memref<!tpu.dma_semaphore, #tpu.memory_space<semaphore_mem>>
      %dma_start3A = arith.constant 0 : i32
      %dma_start3A_13 = arith.constant 0 : i32
      %dma_start3A_14 = tpu.memref_slice %arg3[%arg0, %arg1, %dma_start3A, %dma_start3A_13] : memref<2x16x5x128xi32, #tpu.memory_space<hbm>> -> memref<1x1x5x128xi32, #tpu.memory_space<hbm>>
      %dma_start3A_15 = tpu.memref_squeeze %dma_start3A_14 : memref<1x1x5x128xi32, #tpu.memory_space<hbm>> -> memref<5x128xi32, #tpu.memory_space<hbm>>
      %dma_start3A_16 = arith.constant 0 : i32
      %dma_start3A_17 = arith.constant 0 : i32
      %dma_start3A_18 = tpu.memref_slice %arg3[%arg0, %arg1, %dma_start3A_16, %dma_start3A_17] : memref<2x16x5x128xi32, #tpu.memory_space<hbm>> -> memref<1x1x5x128xi32, #tpu.memory_space<hbm>>
      %dma_start3A_19 = tpu.memref_squeeze %dma_start3A_18 : memref<1x1x5x128xi32, #tpu.memory_space<hbm>> -> memref<5x128xi32, #tpu.memory_space<hbm>>
      tpu.enqueue_dma source(%dma_start3A_19 : memref<5x128xi32, #tpu.memory_space<hbm>>) target(%arg7 : memref<5x128xi32, #tpu.memory_space<vmem>>) target_semaphore(%run_scoped3A : memref<!tpu.dma_semaphore, #tpu.memory_space<semaphore_mem>>)
      %dma_wait3A = arith.constant 0 : i32
      %dma_wait3A_20 = arith.constant 0 : i32
      %dma_wait3A_21 = tpu.memref_slice %arg3[%arg0, %arg1, %dma_wait3A, %dma_wait3A_20] : memref<2x16x5x128xi32, #tpu.memory_space<hbm>> -> memref<1x1x5x128xi32, #tpu.memory_space<hbm>>
      %dma_wait3A_22 = tpu.memref_squeeze %dma_wait3A_21 : memref<1x1x5x128xi32, #tpu.memory_space<hbm>> -> memref<5x128xi32, #tpu.memory_space<hbm>>
      %dma_wait3A_23 = arith.constant 0 : i32
      %dma_wait3A_24 = arith.constant 0 : i32
      %dma_wait3A_25 = tpu.memref_slice %arg3[%arg0, %arg1, %dma_wait3A_23, %dma_wait3A_24] : memref<2x16x5x128xi32, #tpu.memory_space<hbm>> -> memref<1x1x5x128xi32, #tpu.memory_space<hbm>>
      %dma_wait3A_26 = tpu.memref_squeeze %dma_wait3A_25 : memref<1x1x5x128xi32, #tpu.memory_space<hbm>> -> memref<5x128xi32, #tpu.memory_space<hbm>>
      tpu.wait_dma2 semaphore(%run_scoped3A : memref<!tpu.dma_semaphore, #tpu.memory_space<semaphore_mem>>) src(%dma_wait3A_26 : memref<5x128xi32, #tpu.memory_space<hbm>>) dst(%arg7 : memref<5x128xi32, #tpu.memory_space<vmem>>)
      tpu.yield
    }) : () -> ()
    %barrier3A = arith.constant 0 : index
    tpu.barrier barrier_id(%barrier3A)
    %scan3A = arith.constant 0 : i32
    %scan3A_3 = arith.constant 0 : i32
    %scan3A_4 = arith.constant 5 : i32
    %scan3A_5 = arith.addi %scan3A_3, %scan3A_4 : i32
    %scan3A_6 = arith.constant 1 : i32
    scf.for %scan3A_13 = %scan3A_3 to %scan3A_5 step %scan3A_6  : i32 {
      %mul3A_14 = arith.constant 10240 : i32
      %mul3A_15 = arith.muli %arg0, %mul3A_14 : i32
      %mul3A_16 = arith.constant 640 : i32
      %mul3A_17 = arith.muli %arg1, %mul3A_16 : i32
      %add3A = arith.addi %mul3A_15, %mul3A_17 : i32
      %mul3A_18 = arith.constant 128 : i32
      %mul3A_19 = arith.muli %scan3A_13, %mul3A_18 : i32
      %add3A_20 = arith.addi %add3A, %mul3A_19 : i32
      "tpu.region"() ({
        %run_scoped3A = tpu.sem_alloc : memref<!tpu.dma_semaphore, #tpu.memory_space<semaphore_mem>>
        %dma_start3A = arith.constant 0 : i32
        %dma_start3A_21 = tpu.memref_slice %arg2[%add3A_20, %dma_start3A] : memref<20480x128xf32, #tpu.memory_space<hbm>> -> memref<128x128xf32, #tpu.memory_space<hbm>>
        %dma_start3A_22 = arith.constant 0 : i32
        %dma_start3A_23 = tpu.memref_slice %arg2[%add3A_20, %dma_start3A_22] : memref<20480x128xf32, #tpu.memory_space<hbm>> -> memref<128x128xf32, #tpu.memory_space<hbm>>
        tpu.enqueue_dma source(%dma_start3A_23 : memref<128x128xf32, #tpu.memory_space<hbm>>) target(%arg8 : memref<128x128xf32, #tpu.memory_space<vmem>>) target_semaphore(%run_scoped3A : memref<!tpu.dma_semaphore, #tpu.memory_space<semaphore_mem>>)
        %dma_wait3A = arith.constant 0 : i32
        %dma_wait3A_24 = tpu.memref_slice %arg2[%add3A_20, %dma_wait3A] : memref<20480x128xf32, #tpu.memory_space<hbm>> -> memref<128x128xf32, #tpu.memory_space<hbm>>
        %dma_wait3A_25 = arith.constant 0 : i32
        %dma_wait3A_26 = tpu.memref_slice %arg2[%add3A_20, %dma_wait3A_25] : memref<20480x128xf32, #tpu.memory_space<hbm>> -> memref<128x128xf32, #tpu.memory_space<hbm>>
        tpu.wait_dma2 semaphore(%run_scoped3A : memref<!tpu.dma_semaphore, #tpu.memory_space<semaphore_mem>>) src(%dma_wait3A_26 : memref<128x128xf32, #tpu.memory_space<hbm>>) dst(%arg8 : memref<128x128xf32, #tpu.memory_space<vmem>>)
        tpu.yield
      }) : () -> ()
      "tpu.region"() ({
        %run_scoped3A = tpu.sem_alloc : memref<!tpu.dma_semaphore, #tpu.memory_space<semaphore_mem>>
        %dma_start3A = arith.constant 0 : i32
        %dma_start3A_21 = tpu.memref_slice %arg7[%scan3A_13, %dma_start3A] : memref<5x128xi32, #tpu.memory_space<vmem>> -> memref<1x128xi32, #tpu.memory_space<vmem>>
        %dma_start3A_22 = tpu.memref_squeeze %dma_start3A_21 : memref<1x128xi32, #tpu.memory_space<vmem>> -> memref<128xi32, #tpu.memory_space<vmem>>
        %dma_start3A_23 = arith.constant 0 : i32
        %dma_start3A_24 = arith.constant 0 : i32
        %dma_start3A_25 = tpu.memref_slice %arg6[%dma_start3A_23, %dma_start3A_24] : memref<640x128xf32, #tpu.memory_space<vmem_shared>> -> memref<640x128xf32, #tpu.memory_space<vmem_shared>>
        tpu.enqueue_indirect_dma source(%arg8 : memref<128x128xf32, #tpu.memory_space<vmem>>) target(%dma_start3A_25 : memref<640x128xf32, #tpu.memory_space<vmem_shared>>) offsets(%dma_start3A_22 : memref<128xi32, #tpu.memory_space<vmem>>) semaphore(%run_scoped3A : memref<!tpu.dma_semaphore, #tpu.memory_space<semaphore_mem>>) {add = true}
        %dma_wait3A = arith.constant 0 : i32
        %dma_wait3A_26 = tpu.memref_slice %arg7[%scan3A_13, %dma_wait3A] : memref<5x128xi32, #tpu.memory_space<vmem>> -> memref<1x128xi32, #tpu.memory_space<vmem>>
        %dma_wait3A_27 = tpu.memref_squeeze %dma_wait3A_26 : memref<1x128xi32, #tpu.memory_space<vmem>> -> memref<128xi32, #tpu.memory_space<vmem>>
        %dma_wait3A_28 = arith.constant 0 : i32
        %dma_wait3A_29 = arith.constant 0 : i32
        %dma_wait3A_30 = tpu.memref_slice %arg6[%dma_wait3A_28, %dma_wait3A_29] : memref<640x128xf32, #tpu.memory_space<vmem_shared>> -> memref<640x128xf32, #tpu.memory_space<vmem_shared>>
        tpu.wait_indirect_dma semaphore(%run_scoped3A : memref<!tpu.dma_semaphore, #tpu.memory_space<semaphore_mem>>) src(%arg8 : memref<128x128xf32, #tpu.memory_space<vmem>>) dst(%dma_wait3A_30 : memref<640x128xf32, #tpu.memory_space<vmem_shared>>)
        tpu.yield
      }) : () -> ()
    }
    %scan3A_7 = arith.constant 5 : i32
    %barrier3A_8 = arith.constant 0 : index
    tpu.barrier barrier_id(%barrier3A_8)
    %mul3A_9 = arith.constant 40 : i32
    %mul3A_10 = arith.muli %arg1, %mul3A_9 : i32
    %mul3A_11 = arith.constant 40 : i32
    %mul3A_12 = arith.muli %arg1, %mul3A_11 : i32
    "tpu.region"() ({
      %run_scoped3A = tpu.sem_alloc : memref<!tpu.dma_semaphore, #tpu.memory_space<semaphore_mem>>
      %dma_start3A = arith.constant 0 : i32
      %dma_start3A_13 = tpu.memref_slice %arg5[%arg0, %mul3A_12, %dma_start3A] : memref<2x640x128xf32, #tpu.memory_space<hbm>> -> memref<1x40x128xf32, #tpu.memory_space<hbm>>
      %dma_start3A_14 = tpu.memref_squeeze %dma_start3A_13 : memref<1x40x128xf32, #tpu.memory_space<hbm>> -> memref<40x128xf32, #tpu.memory_space<hbm>>
      %dma_start3A_15 = arith.constant 0 : i32
      %dma_start3A_16 = tpu.memref_slice %arg6[%mul3A_10, %dma_start3A_15] : memref<640x128xf32, #tpu.memory_space<vmem_shared>> -> memref<40x128xf32, #tpu.memory_space<vmem_shared>>
      tpu.enqueue_dma source(%dma_start3A_16 : memref<40x128xf32, #tpu.memory_space<vmem_shared>>) target(%dma_start3A_14 : memref<40x128xf32, #tpu.memory_space<hbm>>) target_semaphore(%run_scoped3A : memref<!tpu.dma_semaphore, #tpu.memory_space<semaphore_mem>>)
      %dma_wait3A = arith.constant 0 : i32
      %dma_wait3A_17 = tpu.memref_slice %arg5[%arg0, %mul3A_12, %dma_wait3A] : memref<2x640x128xf32, #tpu.memory_space<hbm>> -> memref<1x40x128xf32, #tpu.memory_space<hbm>>
      %dma_wait3A_18 = tpu.memref_squeeze %dma_wait3A_17 : memref<1x40x128xf32, #tpu.memory_space<hbm>> -> memref<40x128xf32, #tpu.memory_space<hbm>>
      %dma_wait3A_19 = arith.constant 0 : i32
      %dma_wait3A_20 = tpu.memref_slice %arg6[%mul3A_10, %dma_wait3A_19] : memref<640x128xf32, #tpu.memory_space<vmem_shared>> -> memref<40x128xf32, #tpu.memory_space<vmem_shared>>
      tpu.wait_dma2 semaphore(%run_scoped3A : memref<!tpu.dma_semaphore, #tpu.memory_space<semaphore_mem>>) src(%dma_wait3A_20 : memref<40x128xf32, #tpu.memory_space<vmem_shared>>) dst(%dma_wait3A_18 : memref<40x128xf32, #tpu.memory_space<hbm>>)
      tpu.yield
    }) : () -> ()
    return
  }
}

#map = affine_map<(d0, d1) -> (0, 0)>
#map1 = affine_map<(d0, d1) -> (0, 0, 0, 0)>
module attributes {stable_mosaic.version = 14 : i64} {
  func.func @_agg_body(%arg0: i32, %arg1: i32, %arg2: memref<20480x128xf32, #tpu.memory_space<hbm>>, %arg3: memref<2x16x160x128xi32, #tpu.memory_space<hbm>>, %arg4: memref<2x16x160x128xi32, #tpu.memory_space<hbm>>, %arg5: memref<20480x128xf32, #tpu.memory_space<hbm>>, %arg6: memref<10240x128xf32, #tpu.memory_space<vmem_shared>>, %arg7: memref<16x128xi32, #tpu.memory_space<vmem>>, %arg8: memref<16x128xi32, #tpu.memory_space<vmem>>, %arg9: memref<128x128xf32, #tpu.memory_space<vmem>>, %arg10: memref<128x128xf32, #tpu.memory_space<vmem>>, %arg11: memref<!tpu.dma_semaphore, #tpu.memory_space<semaphore_mem>>, %arg12: memref<!tpu.dma_semaphore, #tpu.memory_space<semaphore_mem>>) attributes {dimension_semantics = [#tpu.dimension_semantics<core_parallel>, #tpu.dimension_semantics<subcore_parallel>], iteration_bounds = array<i64: 2, 16>, scalar_prefetch = 0 : i64, scratch_operands = 7 : i64, tpu.core_type = #tpu.core_type<sc_vector_subcore>, window_params = [{transform_indices = #map}, {transform_indices = #map1}, {transform_indices = #map1}, {transform_indices = #map}]} {
    %mul3A = arith.constant 640 : i32
    %mul3A_0 = arith.muli %arg1, %mul3A : i32
    %mul3A_1 = arith.constant 10240 : i32
    %mul3A_2 = arith.muli %arg0, %mul3A_1 : i32
    %add3A = arith.addi %mul3A_2, %mul3A_0 : i32
    "tpu.region"() ({
      %run_scoped3A = tpu.sem_alloc : memref<!tpu.dma_semaphore, #tpu.memory_space<semaphore_mem>>
      %dma_start3A = arith.constant 0 : i32
      %dma_start3A_12 = tpu.memref_slice %arg6[%mul3A_0, %dma_start3A] : memref<10240x128xf32, #tpu.memory_space<vmem_shared>> -> memref<640x128xf32, #tpu.memory_space<vmem_shared>>
      %dma_start3A_13 = arith.constant 0 : i32
      %dma_start3A_14 = tpu.memref_slice %arg2[%add3A, %dma_start3A_13] : memref<20480x128xf32, #tpu.memory_space<hbm>> -> memref<640x128xf32, #tpu.memory_space<hbm>>
      tpu.enqueue_dma source(%dma_start3A_14 : memref<640x128xf32, #tpu.memory_space<hbm>>) target(%dma_start3A_12 : memref<640x128xf32, #tpu.memory_space<vmem_shared>>) target_semaphore(%run_scoped3A : memref<!tpu.dma_semaphore, #tpu.memory_space<semaphore_mem>>)
      %dma_wait3A = arith.constant 0 : i32
      %dma_wait3A_15 = tpu.memref_slice %arg6[%mul3A_0, %dma_wait3A] : memref<10240x128xf32, #tpu.memory_space<vmem_shared>> -> memref<640x128xf32, #tpu.memory_space<vmem_shared>>
      %dma_wait3A_16 = arith.constant 0 : i32
      %dma_wait3A_17 = tpu.memref_slice %arg2[%add3A, %dma_wait3A_16] : memref<20480x128xf32, #tpu.memory_space<hbm>> -> memref<640x128xf32, #tpu.memory_space<hbm>>
      tpu.wait_dma2 semaphore(%run_scoped3A : memref<!tpu.dma_semaphore, #tpu.memory_space<semaphore_mem>>) src(%dma_wait3A_17 : memref<640x128xf32, #tpu.memory_space<hbm>>) dst(%dma_wait3A_15 : memref<640x128xf32, #tpu.memory_space<vmem_shared>>)
      tpu.yield
    }) : () -> ()
    %barrier3A = arith.constant 0 : index
    tpu.barrier barrier_id(%barrier3A)
    %scan3A = arith.constant 0 : i32
    %scan3A_3 = arith.constant 0 : i32
    %scan3A_4 = arith.constant 10 : i32
    %scan3A_5 = arith.addi %scan3A_3, %scan3A_4 : i32
    %scan3A_6 = arith.constant 1 : i32
    scf.for %scan3A_12 = %scan3A_3 to %scan3A_5 step %scan3A_6  : i32 {
      %mul3A_13 = arith.constant 16 : i32
      %mul3A_14 = arith.muli %scan3A_12, %mul3A_13 : i32
      "tpu.region"() ({
        %run_scoped3A = tpu.sem_alloc : memref<!tpu.dma_semaphore, #tpu.memory_space<semaphore_mem>>
        %dma_start3A_463 = arith.constant 0 : i32
        %dma_start3A_464 = tpu.memref_slice %arg3[%arg0, %arg1, %mul3A_14, %dma_start3A_463] : memref<2x16x160x128xi32, #tpu.memory_space<hbm>> -> memref<1x1x16x128xi32, #tpu.memory_space<hbm>>
        %dma_start3A_465 = tpu.memref_squeeze %dma_start3A_464 : memref<1x1x16x128xi32, #tpu.memory_space<hbm>> -> memref<16x128xi32, #tpu.memory_space<hbm>>
        %dma_start3A_466 = arith.constant 0 : i32
        %dma_start3A_467 = tpu.memref_slice %arg3[%arg0, %arg1, %mul3A_14, %dma_start3A_466] : memref<2x16x160x128xi32, #tpu.memory_space<hbm>> -> memref<1x1x16x128xi32, #tpu.memory_space<hbm>>
        %dma_start3A_468 = tpu.memref_squeeze %dma_start3A_467 : memref<1x1x16x128xi32, #tpu.memory_space<hbm>> -> memref<16x128xi32, #tpu.memory_space<hbm>>
        tpu.enqueue_dma source(%dma_start3A_468 : memref<16x128xi32, #tpu.memory_space<hbm>>) target(%arg7 : memref<16x128xi32, #tpu.memory_space<vmem>>) target_semaphore(%run_scoped3A : memref<!tpu.dma_semaphore, #tpu.memory_space<semaphore_mem>>)
        %dma_wait3A_469 = arith.constant 0 : i32
        %dma_wait3A_470 = tpu.memref_slice %arg3[%arg0, %arg1, %mul3A_14, %dma_wait3A_469] : memref<2x16x160x128xi32, #tpu.memory_space<hbm>> -> memref<1x1x16x128xi32, #tpu.memory_space<hbm>>
        %dma_wait3A_471 = tpu.memref_squeeze %dma_wait3A_470 : memref<1x1x16x128xi32, #tpu.memory_space<hbm>> -> memref<16x128xi32, #tpu.memory_space<hbm>>
        %dma_wait3A_472 = arith.constant 0 : i32
        %dma_wait3A_473 = tpu.memref_slice %arg3[%arg0, %arg1, %mul3A_14, %dma_wait3A_472] : memref<2x16x160x128xi32, #tpu.memory_space<hbm>> -> memref<1x1x16x128xi32, #tpu.memory_space<hbm>>
        %dma_wait3A_474 = tpu.memref_squeeze %dma_wait3A_473 : memref<1x1x16x128xi32, #tpu.memory_space<hbm>> -> memref<16x128xi32, #tpu.memory_space<hbm>>
        tpu.wait_dma2 semaphore(%run_scoped3A : memref<!tpu.dma_semaphore, #tpu.memory_space<semaphore_mem>>) src(%dma_wait3A_474 : memref<16x128xi32, #tpu.memory_space<hbm>>) dst(%arg7 : memref<16x128xi32, #tpu.memory_space<vmem>>)
        tpu.yield
      }) : () -> ()
      %mul3A_15 = arith.constant 16 : i32
      %mul3A_16 = arith.muli %scan3A_12, %mul3A_15 : i32
      "tpu.region"() ({
        %run_scoped3A = tpu.sem_alloc : memref<!tpu.dma_semaphore, #tpu.memory_space<semaphore_mem>>
        %dma_start3A_463 = arith.constant 0 : i32
        %dma_start3A_464 = tpu.memref_slice %arg4[%arg0, %arg1, %mul3A_16, %dma_start3A_463] : memref<2x16x160x128xi32, #tpu.memory_space<hbm>> -> memref<1x1x16x128xi32, #tpu.memory_space<hbm>>
        %dma_start3A_465 = tpu.memref_squeeze %dma_start3A_464 : memref<1x1x16x128xi32, #tpu.memory_space<hbm>> -> memref<16x128xi32, #tpu.memory_space<hbm>>
        %dma_start3A_466 = arith.constant 0 : i32
        %dma_start3A_467 = tpu.memref_slice %arg4[%arg0, %arg1, %mul3A_16, %dma_start3A_466] : memref<2x16x160x128xi32, #tpu.memory_space<hbm>> -> memref<1x1x16x128xi32, #tpu.memory_space<hbm>>
        %dma_start3A_468 = tpu.memref_squeeze %dma_start3A_467 : memref<1x1x16x128xi32, #tpu.memory_space<hbm>> -> memref<16x128xi32, #tpu.memory_space<hbm>>
        tpu.enqueue_dma source(%dma_start3A_468 : memref<16x128xi32, #tpu.memory_space<hbm>>) target(%arg8 : memref<16x128xi32, #tpu.memory_space<vmem>>) target_semaphore(%run_scoped3A : memref<!tpu.dma_semaphore, #tpu.memory_space<semaphore_mem>>)
        %dma_wait3A_469 = arith.constant 0 : i32
        %dma_wait3A_470 = tpu.memref_slice %arg4[%arg0, %arg1, %mul3A_16, %dma_wait3A_469] : memref<2x16x160x128xi32, #tpu.memory_space<hbm>> -> memref<1x1x16x128xi32, #tpu.memory_space<hbm>>
        %dma_wait3A_471 = tpu.memref_squeeze %dma_wait3A_470 : memref<1x1x16x128xi32, #tpu.memory_space<hbm>> -> memref<16x128xi32, #tpu.memory_space<hbm>>
        %dma_wait3A_472 = arith.constant 0 : i32
        %dma_wait3A_473 = tpu.memref_slice %arg4[%arg0, %arg1, %mul3A_16, %dma_wait3A_472] : memref<2x16x160x128xi32, #tpu.memory_space<hbm>> -> memref<1x1x16x128xi32, #tpu.memory_space<hbm>>
        %dma_wait3A_474 = tpu.memref_squeeze %dma_wait3A_473 : memref<1x1x16x128xi32, #tpu.memory_space<hbm>> -> memref<16x128xi32, #tpu.memory_space<hbm>>
        tpu.wait_dma2 semaphore(%run_scoped3A : memref<!tpu.dma_semaphore, #tpu.memory_space<semaphore_mem>>) src(%dma_wait3A_474 : memref<16x128xi32, #tpu.memory_space<hbm>>) dst(%arg8 : memref<16x128xi32, #tpu.memory_space<vmem>>)
        tpu.yield
      }) : () -> ()
      %dma_start3A = arith.constant 0 : i32
      %dma_start3A_17 = arith.constant 0 : i32
      %dma_start3A_18 = tpu.memref_slice %arg7[%dma_start3A, %dma_start3A_17] : memref<16x128xi32, #tpu.memory_space<vmem>> -> memref<1x128xi32, #tpu.memory_space<vmem>>
      %dma_start3A_19 = tpu.memref_squeeze %dma_start3A_18 : memref<1x128xi32, #tpu.memory_space<vmem>> -> memref<128xi32, #tpu.memory_space<vmem>>
      %dma_start3A_20 = arith.constant 0 : i32
      %dma_start3A_21 = arith.constant 0 : i32
      %dma_start3A_22 = tpu.memref_slice %arg2[%dma_start3A_20, %dma_start3A_21] : memref<20480x128xf32, #tpu.memory_space<hbm>> -> memref<20480x128xf32, #tpu.memory_space<hbm>>
      tpu.enqueue_indirect_dma source(%dma_start3A_22 : memref<20480x128xf32, #tpu.memory_space<hbm>>) target(%arg9 : memref<128x128xf32, #tpu.memory_space<vmem>>) offsets(%dma_start3A_19 : memref<128xi32, #tpu.memory_space<vmem>>) semaphore(%arg11 : memref<!tpu.dma_semaphore, #tpu.memory_space<semaphore_mem>>)
      %dma_wait3A = arith.constant 0 : i32
      %dma_wait3A_23 = arith.constant 0 : i32
      %dma_wait3A_24 = tpu.memref_slice %arg7[%dma_wait3A, %dma_wait3A_23] : memref<16x128xi32, #tpu.memory_space<vmem>> -> memref<1x128xi32, #tpu.memory_space<vmem>>
      %dma_wait3A_25 = tpu.memref_squeeze %dma_wait3A_24 : memref<1x128xi32, #tpu.memory_space<vmem>> -> memref<128xi32, #tpu.memory_space<vmem>>
      %dma_wait3A_26 = arith.constant 0 : i32
      %dma_wait3A_27 = arith.constant 0 : i32
      %dma_wait3A_28 = tpu.memref_slice %arg2[%dma_wait3A_26, %dma_wait3A_27] : memref<20480x128xf32, #tpu.memory_space<hbm>> -> memref<20480x128xf32, #tpu.memory_space<hbm>>
      tpu.wait_indirect_dma semaphore(%arg11 : memref<!tpu.dma_semaphore, #tpu.memory_space<semaphore_mem>>) src(%dma_wait3A_28 : memref<20480x128xf32, #tpu.memory_space<hbm>>) dst(%arg9 : memref<128x128xf32, #tpu.memory_space<vmem>>)
      %dma_start3A_29 = arith.constant 1 : i32
      %dma_start3A_30 = arith.constant 0 : i32
      %dma_start3A_31 = tpu.memref_slice %arg7[%dma_start3A_29, %dma_start3A_30] : memref<16x128xi32, #tpu.memory_space<vmem>> -> memref<1x128xi32, #tpu.memory_space<vmem>>
      %dma_start3A_32 = tpu.memref_squeeze %dma_start3A_31 : memref<1x128xi32, #tpu.memory_space<vmem>> -> memref<128xi32, #tpu.memory_space<vmem>>
      %dma_start3A_33 = arith.constant 0 : i32
      %dma_start3A_34 = arith.constant 0 : i32
      %dma_start3A_35 = tpu.memref_slice %arg2[%dma_start3A_33, %dma_start3A_34] : memref<20480x128xf32, #tpu.memory_space<hbm>> -> memref<20480x128xf32, #tpu.memory_space<hbm>>
      tpu.enqueue_indirect_dma source(%dma_start3A_35 : memref<20480x128xf32, #tpu.memory_space<hbm>>) target(%arg10 : memref<128x128xf32, #tpu.memory_space<vmem>>) offsets(%dma_start3A_32 : memref<128xi32, #tpu.memory_space<vmem>>) semaphore(%arg11 : memref<!tpu.dma_semaphore, #tpu.memory_space<semaphore_mem>>)
      %dma_start3A_36 = arith.constant 0 : i32
      %dma_start3A_37 = arith.constant 0 : i32
      %dma_start3A_38 = tpu.memref_slice %arg8[%dma_start3A_36, %dma_start3A_37] : memref<16x128xi32, #tpu.memory_space<vmem>> -> memref<1x128xi32, #tpu.memory_space<vmem>>
      %dma_start3A_39 = tpu.memref_squeeze %dma_start3A_38 : memref<1x128xi32, #tpu.memory_space<vmem>> -> memref<128xi32, #tpu.memory_space<vmem>>
      %dma_start3A_40 = arith.constant 0 : i32
      %dma_start3A_41 = arith.constant 0 : i32
      %dma_start3A_42 = tpu.memref_slice %arg6[%dma_start3A_40, %dma_start3A_41] : memref<10240x128xf32, #tpu.memory_space<vmem_shared>> -> memref<10240x128xf32, #tpu.memory_space<vmem_shared>>
      tpu.enqueue_indirect_dma source(%arg9 : memref<128x128xf32, #tpu.memory_space<vmem>>) target(%dma_start3A_42 : memref<10240x128xf32, #tpu.memory_space<vmem_shared>>) offsets(%dma_start3A_39 : memref<128xi32, #tpu.memory_space<vmem>>) semaphore(%arg12 : memref<!tpu.dma_semaphore, #tpu.memory_space<semaphore_mem>>) {add = true}
      %dma_wait3A_43 = arith.constant 1 : i32
      %dma_wait3A_44 = arith.constant 0 : i32
      %dma_wait3A_45 = tpu.memref_slice %arg7[%dma_wait3A_43, %dma_wait3A_44] : memref<16x128xi32, #tpu.memory_space<vmem>> -> memref<1x128xi32, #tpu.memory_space<vmem>>
      %dma_wait3A_46 = tpu.memref_squeeze %dma_wait3A_45 : memref<1x128xi32, #tpu.memory_space<vmem>> -> memref<128xi32, #tpu.memory_space<vmem>>
      %dma_wait3A_47 = arith.constant 0 : i32
      %dma_wait3A_48 = arith.constant 0 : i32
      %dma_wait3A_49 = tpu.memref_slice %arg2[%dma_wait3A_47, %dma_wait3A_48] : memref<20480x128xf32, #tpu.memory_space<hbm>> -> memref<20480x128xf32, #tpu.memory_space<hbm>>
      tpu.wait_indirect_dma semaphore(%arg11 : memref<!tpu.dma_semaphore, #tpu.memory_space<semaphore_mem>>) src(%dma_wait3A_49 : memref<20480x128xf32, #tpu.memory_space<hbm>>) dst(%arg10 : memref<128x128xf32, #tpu.memory_space<vmem>>)
      %dma_wait3A_50 = arith.constant 0 : i32
      %dma_wait3A_51 = arith.constant 0 : i32
      %dma_wait3A_52 = tpu.memref_slice %arg8[%dma_wait3A_50, %dma_wait3A_51] : memref<16x128xi32, #tpu.memory_space<vmem>> -> memref<1x128xi32, #tpu.memory_space<vmem>>
      %dma_wait3A_53 = tpu.memref_squeeze %dma_wait3A_52 : memref<1x128xi32, #tpu.memory_space<vmem>> -> memref<128xi32, #tpu.memory_space<vmem>>
      %dma_wait3A_54 = arith.constant 0 : i32
      %dma_wait3A_55 = arith.constant 0 : i32
      %dma_wait3A_56 = tpu.memref_slice %arg6[%dma_wait3A_54, %dma_wait3A_55] : memref<10240x128xf32, #tpu.memory_space<vmem_shared>> -> memref<10240x128xf32, #tpu.memory_space<vmem_shared>>
      tpu.wait_indirect_dma semaphore(%arg12 : memref<!tpu.dma_semaphore, #tpu.memory_space<semaphore_mem>>) src(%arg9 : memref<128x128xf32, #tpu.memory_space<vmem>>) dst(%dma_wait3A_56 : memref<10240x128xf32, #tpu.memory_space<vmem_shared>>)
      %dma_start3A_57 = arith.constant 2 : i32
      %dma_start3A_58 = arith.constant 0 : i32
      %dma_start3A_59 = tpu.memref_slice %arg7[%dma_start3A_57, %dma_start3A_58] : memref<16x128xi32, #tpu.memory_space<vmem>> -> memref<1x128xi32, #tpu.memory_space<vmem>>
      %dma_start3A_60 = tpu.memref_squeeze %dma_start3A_59 : memref<1x128xi32, #tpu.memory_space<vmem>> -> memref<128xi32, #tpu.memory_space<vmem>>
      %dma_start3A_61 = arith.constant 0 : i32
      %dma_start3A_62 = arith.constant 0 : i32
      %dma_start3A_63 = tpu.memref_slice %arg2[%dma_start3A_61, %dma_start3A_62] : memref<20480x128xf32, #tpu.memory_space<hbm>> -> memref<20480x128xf32, #tpu.memory_space<hbm>>
      tpu.enqueue_indirect_dma source(%dma_start3A_63 : memref<20480x128xf32, #tpu.memory_space<hbm>>) target(%arg9 : memref<128x128xf32, #tpu.memory_space<vmem>>) offsets(%dma_start3A_60 : memref<128xi32, #tpu.memory_space<vmem>>) semaphore(%arg11 : memref<!tpu.dma_semaphore, #tpu.memory_space<semaphore_mem>>)
      %dma_start3A_64 = arith.constant 1 : i32
      %dma_start3A_65 = arith.constant 0 : i32
      %dma_start3A_66 = tpu.memref_slice %arg8[%dma_start3A_64, %dma_start3A_65] : memref<16x128xi32, #tpu.memory_space<vmem>> -> memref<1x128xi32, #tpu.memory_space<vmem>>
      %dma_start3A_67 = tpu.memref_squeeze %dma_start3A_66 : memref<1x128xi32, #tpu.memory_space<vmem>> -> memref<128xi32, #tpu.memory_space<vmem>>
      %dma_start3A_68 = arith.constant 0 : i32
      %dma_start3A_69 = arith.constant 0 : i32
      %dma_start3A_70 = tpu.memref_slice %arg6[%dma_start3A_68, %dma_start3A_69] : memref<10240x128xf32, #tpu.memory_space<vmem_shared>> -> memref<10240x128xf32, #tpu.memory_space<vmem_shared>>
      tpu.enqueue_indirect_dma source(%arg10 : memref<128x128xf32, #tpu.memory_space<vmem>>) target(%dma_start3A_70 : memref<10240x128xf32, #tpu.memory_space<vmem_shared>>) offsets(%dma_start3A_67 : memref<128xi32, #tpu.memory_space<vmem>>) semaphore(%arg12 : memref<!tpu.dma_semaphore, #tpu.memory_space<semaphore_mem>>) {add = true}
      %dma_wait3A_71 = arith.constant 2 : i32
      %dma_wait3A_72 = arith.constant 0 : i32
      %dma_wait3A_73 = tpu.memref_slice %arg7[%dma_wait3A_71, %dma_wait3A_72] : memref<16x128xi32, #tpu.memory_space<vmem>> -> memref<1x128xi32, #tpu.memory_space<vmem>>
      %dma_wait3A_74 = tpu.memref_squeeze %dma_wait3A_73 : memref<1x128xi32, #tpu.memory_space<vmem>> -> memref<128xi32, #tpu.memory_space<vmem>>
      %dma_wait3A_75 = arith.constant 0 : i32
      %dma_wait3A_76 = arith.constant 0 : i32
      %dma_wait3A_77 = tpu.memref_slice %arg2[%dma_wait3A_75, %dma_wait3A_76] : memref<20480x128xf32, #tpu.memory_space<hbm>> -> memref<20480x128xf32, #tpu.memory_space<hbm>>
      tpu.wait_indirect_dma semaphore(%arg11 : memref<!tpu.dma_semaphore, #tpu.memory_space<semaphore_mem>>) src(%dma_wait3A_77 : memref<20480x128xf32, #tpu.memory_space<hbm>>) dst(%arg9 : memref<128x128xf32, #tpu.memory_space<vmem>>)
      %dma_wait3A_78 = arith.constant 1 : i32
      %dma_wait3A_79 = arith.constant 0 : i32
      %dma_wait3A_80 = tpu.memref_slice %arg8[%dma_wait3A_78, %dma_wait3A_79] : memref<16x128xi32, #tpu.memory_space<vmem>> -> memref<1x128xi32, #tpu.memory_space<vmem>>
      %dma_wait3A_81 = tpu.memref_squeeze %dma_wait3A_80 : memref<1x128xi32, #tpu.memory_space<vmem>> -> memref<128xi32, #tpu.memory_space<vmem>>
      %dma_wait3A_82 = arith.constant 0 : i32
      %dma_wait3A_83 = arith.constant 0 : i32
      %dma_wait3A_84 = tpu.memref_slice %arg6[%dma_wait3A_82, %dma_wait3A_83] : memref<10240x128xf32, #tpu.memory_space<vmem_shared>> -> memref<10240x128xf32, #tpu.memory_space<vmem_shared>>
      tpu.wait_indirect_dma semaphore(%arg12 : memref<!tpu.dma_semaphore, #tpu.memory_space<semaphore_mem>>) src(%arg10 : memref<128x128xf32, #tpu.memory_space<vmem>>) dst(%dma_wait3A_84 : memref<10240x128xf32, #tpu.memory_space<vmem_shared>>)
      %dma_start3A_85 = arith.constant 3 : i32
      %dma_start3A_86 = arith.constant 0 : i32
      %dma_start3A_87 = tpu.memref_slice %arg7[%dma_start3A_85, %dma_start3A_86] : memref<16x128xi32, #tpu.memory_space<vmem>> -> memref<1x128xi32, #tpu.memory_space<vmem>>
      %dma_start3A_88 = tpu.memref_squeeze %dma_start3A_87 : memref<1x128xi32, #tpu.memory_space<vmem>> -> memref<128xi32, #tpu.memory_space<vmem>>
      %dma_start3A_89 = arith.constant 0 : i32
      %dma_start3A_90 = arith.constant 0 : i32
      %dma_start3A_91 = tpu.memref_slice %arg2[%dma_start3A_89, %dma_start3A_90] : memref<20480x128xf32, #tpu.memory_space<hbm>> -> memref<20480x128xf32, #tpu.memory_space<hbm>>
      tpu.enqueue_indirect_dma source(%dma_start3A_91 : memref<20480x128xf32, #tpu.memory_space<hbm>>) target(%arg10 : memref<128x128xf32, #tpu.memory_space<vmem>>) offsets(%dma_start3A_88 : memref<128xi32, #tpu.memory_space<vmem>>) semaphore(%arg11 : memref<!tpu.dma_semaphore, #tpu.memory_space<semaphore_mem>>)
      %dma_start3A_92 = arith.constant 2 : i32
      %dma_start3A_93 = arith.constant 0 : i32
      %dma_start3A_94 = tpu.memref_slice %arg8[%dma_start3A_92, %dma_start3A_93] : memref<16x128xi32, #tpu.memory_space<vmem>> -> memref<1x128xi32, #tpu.memory_space<vmem>>
      %dma_start3A_95 = tpu.memref_squeeze %dma_start3A_94 : memref<1x128xi32, #tpu.memory_space<vmem>> -> memref<128xi32, #tpu.memory_space<vmem>>
      %dma_start3A_96 = arith.constant 0 : i32
      %dma_start3A_97 = arith.constant 0 : i32
      %dma_start3A_98 = tpu.memref_slice %arg6[%dma_start3A_96, %dma_start3A_97] : memref<10240x128xf32, #tpu.memory_space<vmem_shared>> -> memref<10240x128xf32, #tpu.memory_space<vmem_shared>>
      tpu.enqueue_indirect_dma source(%arg9 : memref<128x128xf32, #tpu.memory_space<vmem>>) target(%dma_start3A_98 : memref<10240x128xf32, #tpu.memory_space<vmem_shared>>) offsets(%dma_start3A_95 : memref<128xi32, #tpu.memory_space<vmem>>) semaphore(%arg12 : memref<!tpu.dma_semaphore, #tpu.memory_space<semaphore_mem>>) {add = true}
      %dma_wait3A_99 = arith.constant 3 : i32
      %dma_wait3A_100 = arith.constant 0 : i32
      %dma_wait3A_101 = tpu.memref_slice %arg7[%dma_wait3A_99, %dma_wait3A_100] : memref<16x128xi32, #tpu.memory_space<vmem>> -> memref<1x128xi32, #tpu.memory_space<vmem>>
      %dma_wait3A_102 = tpu.memref_squeeze %dma_wait3A_101 : memref<1x128xi32, #tpu.memory_space<vmem>> -> memref<128xi32, #tpu.memory_space<vmem>>
      %dma_wait3A_103 = arith.constant 0 : i32
      %dma_wait3A_104 = arith.constant 0 : i32
      %dma_wait3A_105 = tpu.memref_slice %arg2[%dma_wait3A_103, %dma_wait3A_104] : memref<20480x128xf32, #tpu.memory_space<hbm>> -> memref<20480x128xf32, #tpu.memory_space<hbm>>
      tpu.wait_indirect_dma semaphore(%arg11 : memref<!tpu.dma_semaphore, #tpu.memory_space<semaphore_mem>>) src(%dma_wait3A_105 : memref<20480x128xf32, #tpu.memory_space<hbm>>) dst(%arg10 : memref<128x128xf32, #tpu.memory_space<vmem>>)
      %dma_wait3A_106 = arith.constant 2 : i32
      %dma_wait3A_107 = arith.constant 0 : i32
      %dma_wait3A_108 = tpu.memref_slice %arg8[%dma_wait3A_106, %dma_wait3A_107] : memref<16x128xi32, #tpu.memory_space<vmem>> -> memref<1x128xi32, #tpu.memory_space<vmem>>
      %dma_wait3A_109 = tpu.memref_squeeze %dma_wait3A_108 : memref<1x128xi32, #tpu.memory_space<vmem>> -> memref<128xi32, #tpu.memory_space<vmem>>
      %dma_wait3A_110 = arith.constant 0 : i32
      %dma_wait3A_111 = arith.constant 0 : i32
      %dma_wait3A_112 = tpu.memref_slice %arg6[%dma_wait3A_110, %dma_wait3A_111] : memref<10240x128xf32, #tpu.memory_space<vmem_shared>> -> memref<10240x128xf32, #tpu.memory_space<vmem_shared>>
      tpu.wait_indirect_dma semaphore(%arg12 : memref<!tpu.dma_semaphore, #tpu.memory_space<semaphore_mem>>) src(%arg9 : memref<128x128xf32, #tpu.memory_space<vmem>>) dst(%dma_wait3A_112 : memref<10240x128xf32, #tpu.memory_space<vmem_shared>>)
      %dma_start3A_113 = arith.constant 4 : i32
      %dma_start3A_114 = arith.constant 0 : i32
      %dma_start3A_115 = tpu.memref_slice %arg7[%dma_start3A_113, %dma_start3A_114] : memref<16x128xi32, #tpu.memory_space<vmem>> -> memref<1x128xi32, #tpu.memory_space<vmem>>
      %dma_start3A_116 = tpu.memref_squeeze %dma_start3A_115 : memref<1x128xi32, #tpu.memory_space<vmem>> -> memref<128xi32, #tpu.memory_space<vmem>>
      %dma_start3A_117 = arith.constant 0 : i32
      %dma_start3A_118 = arith.constant 0 : i32
      %dma_start3A_119 = tpu.memref_slice %arg2[%dma_start3A_117, %dma_start3A_118] : memref<20480x128xf32, #tpu.memory_space<hbm>> -> memref<20480x128xf32, #tpu.memory_space<hbm>>
      tpu.enqueue_indirect_dma source(%dma_start3A_119 : memref<20480x128xf32, #tpu.memory_space<hbm>>) target(%arg9 : memref<128x128xf32, #tpu.memory_space<vmem>>) offsets(%dma_start3A_116 : memref<128xi32, #tpu.memory_space<vmem>>) semaphore(%arg11 : memref<!tpu.dma_semaphore, #tpu.memory_space<semaphore_mem>>)
      %dma_start3A_120 = arith.constant 3 : i32
      %dma_start3A_121 = arith.constant 0 : i32
      %dma_start3A_122 = tpu.memref_slice %arg8[%dma_start3A_120, %dma_start3A_121] : memref<16x128xi32, #tpu.memory_space<vmem>> -> memref<1x128xi32, #tpu.memory_space<vmem>>
      %dma_start3A_123 = tpu.memref_squeeze %dma_start3A_122 : memref<1x128xi32, #tpu.memory_space<vmem>> -> memref<128xi32, #tpu.memory_space<vmem>>
      %dma_start3A_124 = arith.constant 0 : i32
      %dma_start3A_125 = arith.constant 0 : i32
      %dma_start3A_126 = tpu.memref_slice %arg6[%dma_start3A_124, %dma_start3A_125] : memref<10240x128xf32, #tpu.memory_space<vmem_shared>> -> memref<10240x128xf32, #tpu.memory_space<vmem_shared>>
      tpu.enqueue_indirect_dma source(%arg10 : memref<128x128xf32, #tpu.memory_space<vmem>>) target(%dma_start3A_126 : memref<10240x128xf32, #tpu.memory_space<vmem_shared>>) offsets(%dma_start3A_123 : memref<128xi32, #tpu.memory_space<vmem>>) semaphore(%arg12 : memref<!tpu.dma_semaphore, #tpu.memory_space<semaphore_mem>>) {add = true}
      %dma_wait3A_127 = arith.constant 4 : i32
      %dma_wait3A_128 = arith.constant 0 : i32
      %dma_wait3A_129 = tpu.memref_slice %arg7[%dma_wait3A_127, %dma_wait3A_128] : memref<16x128xi32, #tpu.memory_space<vmem>> -> memref<1x128xi32, #tpu.memory_space<vmem>>
      %dma_wait3A_130 = tpu.memref_squeeze %dma_wait3A_129 : memref<1x128xi32, #tpu.memory_space<vmem>> -> memref<128xi32, #tpu.memory_space<vmem>>
      %dma_wait3A_131 = arith.constant 0 : i32
      %dma_wait3A_132 = arith.constant 0 : i32
      %dma_wait3A_133 = tpu.memref_slice %arg2[%dma_wait3A_131, %dma_wait3A_132] : memref<20480x128xf32, #tpu.memory_space<hbm>> -> memref<20480x128xf32, #tpu.memory_space<hbm>>
      tpu.wait_indirect_dma semaphore(%arg11 : memref<!tpu.dma_semaphore, #tpu.memory_space<semaphore_mem>>) src(%dma_wait3A_133 : memref<20480x128xf32, #tpu.memory_space<hbm>>) dst(%arg9 : memref<128x128xf32, #tpu.memory_space<vmem>>)
      %dma_wait3A_134 = arith.constant 3 : i32
      %dma_wait3A_135 = arith.constant 0 : i32
      %dma_wait3A_136 = tpu.memref_slice %arg8[%dma_wait3A_134, %dma_wait3A_135] : memref<16x128xi32, #tpu.memory_space<vmem>> -> memref<1x128xi32, #tpu.memory_space<vmem>>
      %dma_wait3A_137 = tpu.memref_squeeze %dma_wait3A_136 : memref<1x128xi32, #tpu.memory_space<vmem>> -> memref<128xi32, #tpu.memory_space<vmem>>
      %dma_wait3A_138 = arith.constant 0 : i32
      %dma_wait3A_139 = arith.constant 0 : i32
      %dma_wait3A_140 = tpu.memref_slice %arg6[%dma_wait3A_138, %dma_wait3A_139] : memref<10240x128xf32, #tpu.memory_space<vmem_shared>> -> memref<10240x128xf32, #tpu.memory_space<vmem_shared>>
      tpu.wait_indirect_dma semaphore(%arg12 : memref<!tpu.dma_semaphore, #tpu.memory_space<semaphore_mem>>) src(%arg10 : memref<128x128xf32, #tpu.memory_space<vmem>>) dst(%dma_wait3A_140 : memref<10240x128xf32, #tpu.memory_space<vmem_shared>>)
      %dma_start3A_141 = arith.constant 5 : i32
      %dma_start3A_142 = arith.constant 0 : i32
      %dma_start3A_143 = tpu.memref_slice %arg7[%dma_start3A_141, %dma_start3A_142] : memref<16x128xi32, #tpu.memory_space<vmem>> -> memref<1x128xi32, #tpu.memory_space<vmem>>
      %dma_start3A_144 = tpu.memref_squeeze %dma_start3A_143 : memref<1x128xi32, #tpu.memory_space<vmem>> -> memref<128xi32, #tpu.memory_space<vmem>>
      %dma_start3A_145 = arith.constant 0 : i32
      %dma_start3A_146 = arith.constant 0 : i32
      %dma_start3A_147 = tpu.memref_slice %arg2[%dma_start3A_145, %dma_start3A_146] : memref<20480x128xf32, #tpu.memory_space<hbm>> -> memref<20480x128xf32, #tpu.memory_space<hbm>>
      tpu.enqueue_indirect_dma source(%dma_start3A_147 : memref<20480x128xf32, #tpu.memory_space<hbm>>) target(%arg10 : memref<128x128xf32, #tpu.memory_space<vmem>>) offsets(%dma_start3A_144 : memref<128xi32, #tpu.memory_space<vmem>>) semaphore(%arg11 : memref<!tpu.dma_semaphore, #tpu.memory_space<semaphore_mem>>)
      %dma_start3A_148 = arith.constant 4 : i32
      %dma_start3A_149 = arith.constant 0 : i32
      %dma_start3A_150 = tpu.memref_slice %arg8[%dma_start3A_148, %dma_start3A_149] : memref<16x128xi32, #tpu.memory_space<vmem>> -> memref<1x128xi32, #tpu.memory_space<vmem>>
      %dma_start3A_151 = tpu.memref_squeeze %dma_start3A_150 : memref<1x128xi32, #tpu.memory_space<vmem>> -> memref<128xi32, #tpu.memory_space<vmem>>
      %dma_start3A_152 = arith.constant 0 : i32
      %dma_start3A_153 = arith.constant 0 : i32
      %dma_start3A_154 = tpu.memref_slice %arg6[%dma_start3A_152, %dma_start3A_153] : memref<10240x128xf32, #tpu.memory_space<vmem_shared>> -> memref<10240x128xf32, #tpu.memory_space<vmem_shared>>
      tpu.enqueue_indirect_dma source(%arg9 : memref<128x128xf32, #tpu.memory_space<vmem>>) target(%dma_start3A_154 : memref<10240x128xf32, #tpu.memory_space<vmem_shared>>) offsets(%dma_start3A_151 : memref<128xi32, #tpu.memory_space<vmem>>) semaphore(%arg12 : memref<!tpu.dma_semaphore, #tpu.memory_space<semaphore_mem>>) {add = true}
      %dma_wait3A_155 = arith.constant 5 : i32
      %dma_wait3A_156 = arith.constant 0 : i32
      %dma_wait3A_157 = tpu.memref_slice %arg7[%dma_wait3A_155, %dma_wait3A_156] : memref<16x128xi32, #tpu.memory_space<vmem>> -> memref<1x128xi32, #tpu.memory_space<vmem>>
      %dma_wait3A_158 = tpu.memref_squeeze %dma_wait3A_157 : memref<1x128xi32, #tpu.memory_space<vmem>> -> memref<128xi32, #tpu.memory_space<vmem>>
      %dma_wait3A_159 = arith.constant 0 : i32
      %dma_wait3A_160 = arith.constant 0 : i32
      %dma_wait3A_161 = tpu.memref_slice %arg2[%dma_wait3A_159, %dma_wait3A_160] : memref<20480x128xf32, #tpu.memory_space<hbm>> -> memref<20480x128xf32, #tpu.memory_space<hbm>>
      tpu.wait_indirect_dma semaphore(%arg11 : memref<!tpu.dma_semaphore, #tpu.memory_space<semaphore_mem>>) src(%dma_wait3A_161 : memref<20480x128xf32, #tpu.memory_space<hbm>>) dst(%arg10 : memref<128x128xf32, #tpu.memory_space<vmem>>)
      %dma_wait3A_162 = arith.constant 4 : i32
      %dma_wait3A_163 = arith.constant 0 : i32
      %dma_wait3A_164 = tpu.memref_slice %arg8[%dma_wait3A_162, %dma_wait3A_163] : memref<16x128xi32, #tpu.memory_space<vmem>> -> memref<1x128xi32, #tpu.memory_space<vmem>>
      %dma_wait3A_165 = tpu.memref_squeeze %dma_wait3A_164 : memref<1x128xi32, #tpu.memory_space<vmem>> -> memref<128xi32, #tpu.memory_space<vmem>>
      %dma_wait3A_166 = arith.constant 0 : i32
      %dma_wait3A_167 = arith.constant 0 : i32
      %dma_wait3A_168 = tpu.memref_slice %arg6[%dma_wait3A_166, %dma_wait3A_167] : memref<10240x128xf32, #tpu.memory_space<vmem_shared>> -> memref<10240x128xf32, #tpu.memory_space<vmem_shared>>
      tpu.wait_indirect_dma semaphore(%arg12 : memref<!tpu.dma_semaphore, #tpu.memory_space<semaphore_mem>>) src(%arg9 : memref<128x128xf32, #tpu.memory_space<vmem>>) dst(%dma_wait3A_168 : memref<10240x128xf32, #tpu.memory_space<vmem_shared>>)
      %dma_start3A_169 = arith.constant 6 : i32
      %dma_start3A_170 = arith.constant 0 : i32
      %dma_start3A_171 = tpu.memref_slice %arg7[%dma_start3A_169, %dma_start3A_170] : memref<16x128xi32, #tpu.memory_space<vmem>> -> memref<1x128xi32, #tpu.memory_space<vmem>>
      %dma_start3A_172 = tpu.memref_squeeze %dma_start3A_171 : memref<1x128xi32, #tpu.memory_space<vmem>> -> memref<128xi32, #tpu.memory_space<vmem>>
      %dma_start3A_173 = arith.constant 0 : i32
      %dma_start3A_174 = arith.constant 0 : i32
      %dma_start3A_175 = tpu.memref_slice %arg2[%dma_start3A_173, %dma_start3A_174] : memref<20480x128xf32, #tpu.memory_space<hbm>> -> memref<20480x128xf32, #tpu.memory_space<hbm>>
      tpu.enqueue_indirect_dma source(%dma_start3A_175 : memref<20480x128xf32, #tpu.memory_space<hbm>>) target(%arg9 : memref<128x128xf32, #tpu.memory_space<vmem>>) offsets(%dma_start3A_172 : memref<128xi32, #tpu.memory_space<vmem>>) semaphore(%arg11 : memref<!tpu.dma_semaphore, #tpu.memory_space<semaphore_mem>>)
      %dma_start3A_176 = arith.constant 5 : i32
      %dma_start3A_177 = arith.constant 0 : i32
      %dma_start3A_178 = tpu.memref_slice %arg8[%dma_start3A_176, %dma_start3A_177] : memref<16x128xi32, #tpu.memory_space<vmem>> -> memref<1x128xi32, #tpu.memory_space<vmem>>
      %dma_start3A_179 = tpu.memref_squeeze %dma_start3A_178 : memref<1x128xi32, #tpu.memory_space<vmem>> -> memref<128xi32, #tpu.memory_space<vmem>>
      %dma_start3A_180 = arith.constant 0 : i32
      %dma_start3A_181 = arith.constant 0 : i32
      %dma_start3A_182 = tpu.memref_slice %arg6[%dma_start3A_180, %dma_start3A_181] : memref<10240x128xf32, #tpu.memory_space<vmem_shared>> -> memref<10240x128xf32, #tpu.memory_space<vmem_shared>>
      tpu.enqueue_indirect_dma source(%arg10 : memref<128x128xf32, #tpu.memory_space<vmem>>) target(%dma_start3A_182 : memref<10240x128xf32, #tpu.memory_space<vmem_shared>>) offsets(%dma_start3A_179 : memref<128xi32, #tpu.memory_space<vmem>>) semaphore(%arg12 : memref<!tpu.dma_semaphore, #tpu.memory_space<semaphore_mem>>) {add = true}
      %dma_wait3A_183 = arith.constant 6 : i32
      %dma_wait3A_184 = arith.constant 0 : i32
      %dma_wait3A_185 = tpu.memref_slice %arg7[%dma_wait3A_183, %dma_wait3A_184] : memref<16x128xi32, #tpu.memory_space<vmem>> -> memref<1x128xi32, #tpu.memory_space<vmem>>
      %dma_wait3A_186 = tpu.memref_squeeze %dma_wait3A_185 : memref<1x128xi32, #tpu.memory_space<vmem>> -> memref<128xi32, #tpu.memory_space<vmem>>
      %dma_wait3A_187 = arith.constant 0 : i32
      %dma_wait3A_188 = arith.constant 0 : i32
      %dma_wait3A_189 = tpu.memref_slice %arg2[%dma_wait3A_187, %dma_wait3A_188] : memref<20480x128xf32, #tpu.memory_space<hbm>> -> memref<20480x128xf32, #tpu.memory_space<hbm>>
      tpu.wait_indirect_dma semaphore(%arg11 : memref<!tpu.dma_semaphore, #tpu.memory_space<semaphore_mem>>) src(%dma_wait3A_189 : memref<20480x128xf32, #tpu.memory_space<hbm>>) dst(%arg9 : memref<128x128xf32, #tpu.memory_space<vmem>>)
      %dma_wait3A_190 = arith.constant 5 : i32
      %dma_wait3A_191 = arith.constant 0 : i32
      %dma_wait3A_192 = tpu.memref_slice %arg8[%dma_wait3A_190, %dma_wait3A_191] : memref<16x128xi32, #tpu.memory_space<vmem>> -> memref<1x128xi32, #tpu.memory_space<vmem>>
      %dma_wait3A_193 = tpu.memref_squeeze %dma_wait3A_192 : memref<1x128xi32, #tpu.memory_space<vmem>> -> memref<128xi32, #tpu.memory_space<vmem>>
      %dma_wait3A_194 = arith.constant 0 : i32
      %dma_wait3A_195 = arith.constant 0 : i32
      %dma_wait3A_196 = tpu.memref_slice %arg6[%dma_wait3A_194, %dma_wait3A_195] : memref<10240x128xf32, #tpu.memory_space<vmem_shared>> -> memref<10240x128xf32, #tpu.memory_space<vmem_shared>>
      tpu.wait_indirect_dma semaphore(%arg12 : memref<!tpu.dma_semaphore, #tpu.memory_space<semaphore_mem>>) src(%arg10 : memref<128x128xf32, #tpu.memory_space<vmem>>) dst(%dma_wait3A_196 : memref<10240x128xf32, #tpu.memory_space<vmem_shared>>)
      %dma_start3A_197 = arith.constant 7 : i32
      %dma_start3A_198 = arith.constant 0 : i32
      %dma_start3A_199 = tpu.memref_slice %arg7[%dma_start3A_197, %dma_start3A_198] : memref<16x128xi32, #tpu.memory_space<vmem>> -> memref<1x128xi32, #tpu.memory_space<vmem>>
      %dma_start3A_200 = tpu.memref_squeeze %dma_start3A_199 : memref<1x128xi32, #tpu.memory_space<vmem>> -> memref<128xi32, #tpu.memory_space<vmem>>
      %dma_start3A_201 = arith.constant 0 : i32
      %dma_start3A_202 = arith.constant 0 : i32
      %dma_start3A_203 = tpu.memref_slice %arg2[%dma_start3A_201, %dma_start3A_202] : memref<20480x128xf32, #tpu.memory_space<hbm>> -> memref<20480x128xf32, #tpu.memory_space<hbm>>
      tpu.enqueue_indirect_dma source(%dma_start3A_203 : memref<20480x128xf32, #tpu.memory_space<hbm>>) target(%arg10 : memref<128x128xf32, #tpu.memory_space<vmem>>) offsets(%dma_start3A_200 : memref<128xi32, #tpu.memory_space<vmem>>) semaphore(%arg11 : memref<!tpu.dma_semaphore, #tpu.memory_space<semaphore_mem>>)
      %dma_start3A_204 = arith.constant 6 : i32
      %dma_start3A_205 = arith.constant 0 : i32
      %dma_start3A_206 = tpu.memref_slice %arg8[%dma_start3A_204, %dma_start3A_205] : memref<16x128xi32, #tpu.memory_space<vmem>> -> memref<1x128xi32, #tpu.memory_space<vmem>>
      %dma_start3A_207 = tpu.memref_squeeze %dma_start3A_206 : memref<1x128xi32, #tpu.memory_space<vmem>> -> memref<128xi32, #tpu.memory_space<vmem>>
      %dma_start3A_208 = arith.constant 0 : i32
      %dma_start3A_209 = arith.constant 0 : i32
      %dma_start3A_210 = tpu.memref_slice %arg6[%dma_start3A_208, %dma_start3A_209] : memref<10240x128xf32, #tpu.memory_space<vmem_shared>> -> memref<10240x128xf32, #tpu.memory_space<vmem_shared>>
      tpu.enqueue_indirect_dma source(%arg9 : memref<128x128xf32, #tpu.memory_space<vmem>>) target(%dma_start3A_210 : memref<10240x128xf32, #tpu.memory_space<vmem_shared>>) offsets(%dma_start3A_207 : memref<128xi32, #tpu.memory_space<vmem>>) semaphore(%arg12 : memref<!tpu.dma_semaphore, #tpu.memory_space<semaphore_mem>>) {add = true}
      %dma_wait3A_211 = arith.constant 7 : i32
      %dma_wait3A_212 = arith.constant 0 : i32
      %dma_wait3A_213 = tpu.memref_slice %arg7[%dma_wait3A_211, %dma_wait3A_212] : memref<16x128xi32, #tpu.memory_space<vmem>> -> memref<1x128xi32, #tpu.memory_space<vmem>>
      %dma_wait3A_214 = tpu.memref_squeeze %dma_wait3A_213 : memref<1x128xi32, #tpu.memory_space<vmem>> -> memref<128xi32, #tpu.memory_space<vmem>>
      %dma_wait3A_215 = arith.constant 0 : i32
      %dma_wait3A_216 = arith.constant 0 : i32
      %dma_wait3A_217 = tpu.memref_slice %arg2[%dma_wait3A_215, %dma_wait3A_216] : memref<20480x128xf32, #tpu.memory_space<hbm>> -> memref<20480x128xf32, #tpu.memory_space<hbm>>
      tpu.wait_indirect_dma semaphore(%arg11 : memref<!tpu.dma_semaphore, #tpu.memory_space<semaphore_mem>>) src(%dma_wait3A_217 : memref<20480x128xf32, #tpu.memory_space<hbm>>) dst(%arg10 : memref<128x128xf32, #tpu.memory_space<vmem>>)
      %dma_wait3A_218 = arith.constant 6 : i32
      %dma_wait3A_219 = arith.constant 0 : i32
      %dma_wait3A_220 = tpu.memref_slice %arg8[%dma_wait3A_218, %dma_wait3A_219] : memref<16x128xi32, #tpu.memory_space<vmem>> -> memref<1x128xi32, #tpu.memory_space<vmem>>
      %dma_wait3A_221 = tpu.memref_squeeze %dma_wait3A_220 : memref<1x128xi32, #tpu.memory_space<vmem>> -> memref<128xi32, #tpu.memory_space<vmem>>
      %dma_wait3A_222 = arith.constant 0 : i32
      %dma_wait3A_223 = arith.constant 0 : i32
      %dma_wait3A_224 = tpu.memref_slice %arg6[%dma_wait3A_222, %dma_wait3A_223] : memref<10240x128xf32, #tpu.memory_space<vmem_shared>> -> memref<10240x128xf32, #tpu.memory_space<vmem_shared>>
      tpu.wait_indirect_dma semaphore(%arg12 : memref<!tpu.dma_semaphore, #tpu.memory_space<semaphore_mem>>) src(%arg9 : memref<128x128xf32, #tpu.memory_space<vmem>>) dst(%dma_wait3A_224 : memref<10240x128xf32, #tpu.memory_space<vmem_shared>>)
      %dma_start3A_225 = arith.constant 8 : i32
      %dma_start3A_226 = arith.constant 0 : i32
      %dma_start3A_227 = tpu.memref_slice %arg7[%dma_start3A_225, %dma_start3A_226] : memref<16x128xi32, #tpu.memory_space<vmem>> -> memref<1x128xi32, #tpu.memory_space<vmem>>
      %dma_start3A_228 = tpu.memref_squeeze %dma_start3A_227 : memref<1x128xi32, #tpu.memory_space<vmem>> -> memref<128xi32, #tpu.memory_space<vmem>>
      %dma_start3A_229 = arith.constant 0 : i32
      %dma_start3A_230 = arith.constant 0 : i32
      %dma_start3A_231 = tpu.memref_slice %arg2[%dma_start3A_229, %dma_start3A_230] : memref<20480x128xf32, #tpu.memory_space<hbm>> -> memref<20480x128xf32, #tpu.memory_space<hbm>>
      tpu.enqueue_indirect_dma source(%dma_start3A_231 : memref<20480x128xf32, #tpu.memory_space<hbm>>) target(%arg9 : memref<128x128xf32, #tpu.memory_space<vmem>>) offsets(%dma_start3A_228 : memref<128xi32, #tpu.memory_space<vmem>>) semaphore(%arg11 : memref<!tpu.dma_semaphore, #tpu.memory_space<semaphore_mem>>)
      %dma_start3A_232 = arith.constant 7 : i32
      %dma_start3A_233 = arith.constant 0 : i32
      %dma_start3A_234 = tpu.memref_slice %arg8[%dma_start3A_232, %dma_start3A_233] : memref<16x128xi32, #tpu.memory_space<vmem>> -> memref<1x128xi32, #tpu.memory_space<vmem>>
      %dma_start3A_235 = tpu.memref_squeeze %dma_start3A_234 : memref<1x128xi32, #tpu.memory_space<vmem>> -> memref<128xi32, #tpu.memory_space<vmem>>
      %dma_start3A_236 = arith.constant 0 : i32
      %dma_start3A_237 = arith.constant 0 : i32
      %dma_start3A_238 = tpu.memref_slice %arg6[%dma_start3A_236, %dma_start3A_237] : memref<10240x128xf32, #tpu.memory_space<vmem_shared>> -> memref<10240x128xf32, #tpu.memory_space<vmem_shared>>
      tpu.enqueue_indirect_dma source(%arg10 : memref<128x128xf32, #tpu.memory_space<vmem>>) target(%dma_start3A_238 : memref<10240x128xf32, #tpu.memory_space<vmem_shared>>) offsets(%dma_start3A_235 : memref<128xi32, #tpu.memory_space<vmem>>) semaphore(%arg12 : memref<!tpu.dma_semaphore, #tpu.memory_space<semaphore_mem>>) {add = true}
      %dma_wait3A_239 = arith.constant 8 : i32
      %dma_wait3A_240 = arith.constant 0 : i32
      %dma_wait3A_241 = tpu.memref_slice %arg7[%dma_wait3A_239, %dma_wait3A_240] : memref<16x128xi32, #tpu.memory_space<vmem>> -> memref<1x128xi32, #tpu.memory_space<vmem>>
      %dma_wait3A_242 = tpu.memref_squeeze %dma_wait3A_241 : memref<1x128xi32, #tpu.memory_space<vmem>> -> memref<128xi32, #tpu.memory_space<vmem>>
      %dma_wait3A_243 = arith.constant 0 : i32
      %dma_wait3A_244 = arith.constant 0 : i32
      %dma_wait3A_245 = tpu.memref_slice %arg2[%dma_wait3A_243, %dma_wait3A_244] : memref<20480x128xf32, #tpu.memory_space<hbm>> -> memref<20480x128xf32, #tpu.memory_space<hbm>>
      tpu.wait_indirect_dma semaphore(%arg11 : memref<!tpu.dma_semaphore, #tpu.memory_space<semaphore_mem>>) src(%dma_wait3A_245 : memref<20480x128xf32, #tpu.memory_space<hbm>>) dst(%arg9 : memref<128x128xf32, #tpu.memory_space<vmem>>)
      %dma_wait3A_246 = arith.constant 7 : i32
      %dma_wait3A_247 = arith.constant 0 : i32
      %dma_wait3A_248 = tpu.memref_slice %arg8[%dma_wait3A_246, %dma_wait3A_247] : memref<16x128xi32, #tpu.memory_space<vmem>> -> memref<1x128xi32, #tpu.memory_space<vmem>>
      %dma_wait3A_249 = tpu.memref_squeeze %dma_wait3A_248 : memref<1x128xi32, #tpu.memory_space<vmem>> -> memref<128xi32, #tpu.memory_space<vmem>>
      %dma_wait3A_250 = arith.constant 0 : i32
      %dma_wait3A_251 = arith.constant 0 : i32
      %dma_wait3A_252 = tpu.memref_slice %arg6[%dma_wait3A_250, %dma_wait3A_251] : memref<10240x128xf32, #tpu.memory_space<vmem_shared>> -> memref<10240x128xf32, #tpu.memory_space<vmem_shared>>
      tpu.wait_indirect_dma semaphore(%arg12 : memref<!tpu.dma_semaphore, #tpu.memory_space<semaphore_mem>>) src(%arg10 : memref<128x128xf32, #tpu.memory_space<vmem>>) dst(%dma_wait3A_252 : memref<10240x128xf32, #tpu.memory_space<vmem_shared>>)
      %dma_start3A_253 = arith.constant 9 : i32
      %dma_start3A_254 = arith.constant 0 : i32
      %dma_start3A_255 = tpu.memref_slice %arg7[%dma_start3A_253, %dma_start3A_254] : memref<16x128xi32, #tpu.memory_space<vmem>> -> memref<1x128xi32, #tpu.memory_space<vmem>>
      %dma_start3A_256 = tpu.memref_squeeze %dma_start3A_255 : memref<1x128xi32, #tpu.memory_space<vmem>> -> memref<128xi32, #tpu.memory_space<vmem>>
      %dma_start3A_257 = arith.constant 0 : i32
      %dma_start3A_258 = arith.constant 0 : i32
      %dma_start3A_259 = tpu.memref_slice %arg2[%dma_start3A_257, %dma_start3A_258] : memref<20480x128xf32, #tpu.memory_space<hbm>> -> memref<20480x128xf32, #tpu.memory_space<hbm>>
      tpu.enqueue_indirect_dma source(%dma_start3A_259 : memref<20480x128xf32, #tpu.memory_space<hbm>>) target(%arg10 : memref<128x128xf32, #tpu.memory_space<vmem>>) offsets(%dma_start3A_256 : memref<128xi32, #tpu.memory_space<vmem>>) semaphore(%arg11 : memref<!tpu.dma_semaphore, #tpu.memory_space<semaphore_mem>>)
      %dma_start3A_260 = arith.constant 8 : i32
      %dma_start3A_261 = arith.constant 0 : i32
      %dma_start3A_262 = tpu.memref_slice %arg8[%dma_start3A_260, %dma_start3A_261] : memref<16x128xi32, #tpu.memory_space<vmem>> -> memref<1x128xi32, #tpu.memory_space<vmem>>
      %dma_start3A_263 = tpu.memref_squeeze %dma_start3A_262 : memref<1x128xi32, #tpu.memory_space<vmem>> -> memref<128xi32, #tpu.memory_space<vmem>>
      %dma_start3A_264 = arith.constant 0 : i32
      %dma_start3A_265 = arith.constant 0 : i32
      %dma_start3A_266 = tpu.memref_slice %arg6[%dma_start3A_264, %dma_start3A_265] : memref<10240x128xf32, #tpu.memory_space<vmem_shared>> -> memref<10240x128xf32, #tpu.memory_space<vmem_shared>>
      tpu.enqueue_indirect_dma source(%arg9 : memref<128x128xf32, #tpu.memory_space<vmem>>) target(%dma_start3A_266 : memref<10240x128xf32, #tpu.memory_space<vmem_shared>>) offsets(%dma_start3A_263 : memref<128xi32, #tpu.memory_space<vmem>>) semaphore(%arg12 : memref<!tpu.dma_semaphore, #tpu.memory_space<semaphore_mem>>) {add = true}
      %dma_wait3A_267 = arith.constant 9 : i32
      %dma_wait3A_268 = arith.constant 0 : i32
      %dma_wait3A_269 = tpu.memref_slice %arg7[%dma_wait3A_267, %dma_wait3A_268] : memref<16x128xi32, #tpu.memory_space<vmem>> -> memref<1x128xi32, #tpu.memory_space<vmem>>
      %dma_wait3A_270 = tpu.memref_squeeze %dma_wait3A_269 : memref<1x128xi32, #tpu.memory_space<vmem>> -> memref<128xi32, #tpu.memory_space<vmem>>
      %dma_wait3A_271 = arith.constant 0 : i32
      %dma_wait3A_272 = arith.constant 0 : i32
      %dma_wait3A_273 = tpu.memref_slice %arg2[%dma_wait3A_271, %dma_wait3A_272] : memref<20480x128xf32, #tpu.memory_space<hbm>> -> memref<20480x128xf32, #tpu.memory_space<hbm>>
      tpu.wait_indirect_dma semaphore(%arg11 : memref<!tpu.dma_semaphore, #tpu.memory_space<semaphore_mem>>) src(%dma_wait3A_273 : memref<20480x128xf32, #tpu.memory_space<hbm>>) dst(%arg10 : memref<128x128xf32, #tpu.memory_space<vmem>>)
      %dma_wait3A_274 = arith.constant 8 : i32
      %dma_wait3A_275 = arith.constant 0 : i32
      %dma_wait3A_276 = tpu.memref_slice %arg8[%dma_wait3A_274, %dma_wait3A_275] : memref<16x128xi32, #tpu.memory_space<vmem>> -> memref<1x128xi32, #tpu.memory_space<vmem>>
      %dma_wait3A_277 = tpu.memref_squeeze %dma_wait3A_276 : memref<1x128xi32, #tpu.memory_space<vmem>> -> memref<128xi32, #tpu.memory_space<vmem>>
      %dma_wait3A_278 = arith.constant 0 : i32
      %dma_wait3A_279 = arith.constant 0 : i32
      %dma_wait3A_280 = tpu.memref_slice %arg6[%dma_wait3A_278, %dma_wait3A_279] : memref<10240x128xf32, #tpu.memory_space<vmem_shared>> -> memref<10240x128xf32, #tpu.memory_space<vmem_shared>>
      tpu.wait_indirect_dma semaphore(%arg12 : memref<!tpu.dma_semaphore, #tpu.memory_space<semaphore_mem>>) src(%arg9 : memref<128x128xf32, #tpu.memory_space<vmem>>) dst(%dma_wait3A_280 : memref<10240x128xf32, #tpu.memory_space<vmem_shared>>)
      %dma_start3A_281 = arith.constant 10 : i32
      %dma_start3A_282 = arith.constant 0 : i32
      %dma_start3A_283 = tpu.memref_slice %arg7[%dma_start3A_281, %dma_start3A_282] : memref<16x128xi32, #tpu.memory_space<vmem>> -> memref<1x128xi32, #tpu.memory_space<vmem>>
      %dma_start3A_284 = tpu.memref_squeeze %dma_start3A_283 : memref<1x128xi32, #tpu.memory_space<vmem>> -> memref<128xi32, #tpu.memory_space<vmem>>
      %dma_start3A_285 = arith.constant 0 : i32
      %dma_start3A_286 = arith.constant 0 : i32
      %dma_start3A_287 = tpu.memref_slice %arg2[%dma_start3A_285, %dma_start3A_286] : memref<20480x128xf32, #tpu.memory_space<hbm>> -> memref<20480x128xf32, #tpu.memory_space<hbm>>
      tpu.enqueue_indirect_dma source(%dma_start3A_287 : memref<20480x128xf32, #tpu.memory_space<hbm>>) target(%arg9 : memref<128x128xf32, #tpu.memory_space<vmem>>) offsets(%dma_start3A_284 : memref<128xi32, #tpu.memory_space<vmem>>) semaphore(%arg11 : memref<!tpu.dma_semaphore, #tpu.memory_space<semaphore_mem>>)
      %dma_start3A_288 = arith.constant 9 : i32
      %dma_start3A_289 = arith.constant 0 : i32
      %dma_start3A_290 = tpu.memref_slice %arg8[%dma_start3A_288, %dma_start3A_289] : memref<16x128xi32, #tpu.memory_space<vmem>> -> memref<1x128xi32, #tpu.memory_space<vmem>>
      %dma_start3A_291 = tpu.memref_squeeze %dma_start3A_290 : memref<1x128xi32, #tpu.memory_space<vmem>> -> memref<128xi32, #tpu.memory_space<vmem>>
      %dma_start3A_292 = arith.constant 0 : i32
      %dma_start3A_293 = arith.constant 0 : i32
      %dma_start3A_294 = tpu.memref_slice %arg6[%dma_start3A_292, %dma_start3A_293] : memref<10240x128xf32, #tpu.memory_space<vmem_shared>> -> memref<10240x128xf32, #tpu.memory_space<vmem_shared>>
      tpu.enqueue_indirect_dma source(%arg10 : memref<128x128xf32, #tpu.memory_space<vmem>>) target(%dma_start3A_294 : memref<10240x128xf32, #tpu.memory_space<vmem_shared>>) offsets(%dma_start3A_291 : memref<128xi32, #tpu.memory_space<vmem>>) semaphore(%arg12 : memref<!tpu.dma_semaphore, #tpu.memory_space<semaphore_mem>>) {add = true}
      %dma_wait3A_295 = arith.constant 10 : i32
      %dma_wait3A_296 = arith.constant 0 : i32
      %dma_wait3A_297 = tpu.memref_slice %arg7[%dma_wait3A_295, %dma_wait3A_296] : memref<16x128xi32, #tpu.memory_space<vmem>> -> memref<1x128xi32, #tpu.memory_space<vmem>>
      %dma_wait3A_298 = tpu.memref_squeeze %dma_wait3A_297 : memref<1x128xi32, #tpu.memory_space<vmem>> -> memref<128xi32, #tpu.memory_space<vmem>>
      %dma_wait3A_299 = arith.constant 0 : i32
      %dma_wait3A_300 = arith.constant 0 : i32
      %dma_wait3A_301 = tpu.memref_slice %arg2[%dma_wait3A_299, %dma_wait3A_300] : memref<20480x128xf32, #tpu.memory_space<hbm>> -> memref<20480x128xf32, #tpu.memory_space<hbm>>
      tpu.wait_indirect_dma semaphore(%arg11 : memref<!tpu.dma_semaphore, #tpu.memory_space<semaphore_mem>>) src(%dma_wait3A_301 : memref<20480x128xf32, #tpu.memory_space<hbm>>) dst(%arg9 : memref<128x128xf32, #tpu.memory_space<vmem>>)
      %dma_wait3A_302 = arith.constant 9 : i32
      %dma_wait3A_303 = arith.constant 0 : i32
      %dma_wait3A_304 = tpu.memref_slice %arg8[%dma_wait3A_302, %dma_wait3A_303] : memref<16x128xi32, #tpu.memory_space<vmem>> -> memref<1x128xi32, #tpu.memory_space<vmem>>
      %dma_wait3A_305 = tpu.memref_squeeze %dma_wait3A_304 : memref<1x128xi32, #tpu.memory_space<vmem>> -> memref<128xi32, #tpu.memory_space<vmem>>
      %dma_wait3A_306 = arith.constant 0 : i32
      %dma_wait3A_307 = arith.constant 0 : i32
      %dma_wait3A_308 = tpu.memref_slice %arg6[%dma_wait3A_306, %dma_wait3A_307] : memref<10240x128xf32, #tpu.memory_space<vmem_shared>> -> memref<10240x128xf32, #tpu.memory_space<vmem_shared>>
      tpu.wait_indirect_dma semaphore(%arg12 : memref<!tpu.dma_semaphore, #tpu.memory_space<semaphore_mem>>) src(%arg10 : memref<128x128xf32, #tpu.memory_space<vmem>>) dst(%dma_wait3A_308 : memref<10240x128xf32, #tpu.memory_space<vmem_shared>>)
      %dma_start3A_309 = arith.constant 11 : i32
      %dma_start3A_310 = arith.constant 0 : i32
      %dma_start3A_311 = tpu.memref_slice %arg7[%dma_start3A_309, %dma_start3A_310] : memref<16x128xi32, #tpu.memory_space<vmem>> -> memref<1x128xi32, #tpu.memory_space<vmem>>
      %dma_start3A_312 = tpu.memref_squeeze %dma_start3A_311 : memref<1x128xi32, #tpu.memory_space<vmem>> -> memref<128xi32, #tpu.memory_space<vmem>>
      %dma_start3A_313 = arith.constant 0 : i32
      %dma_start3A_314 = arith.constant 0 : i32
      %dma_start3A_315 = tpu.memref_slice %arg2[%dma_start3A_313, %dma_start3A_314] : memref<20480x128xf32, #tpu.memory_space<hbm>> -> memref<20480x128xf32, #tpu.memory_space<hbm>>
      tpu.enqueue_indirect_dma source(%dma_start3A_315 : memref<20480x128xf32, #tpu.memory_space<hbm>>) target(%arg10 : memref<128x128xf32, #tpu.memory_space<vmem>>) offsets(%dma_start3A_312 : memref<128xi32, #tpu.memory_space<vmem>>) semaphore(%arg11 : memref<!tpu.dma_semaphore, #tpu.memory_space<semaphore_mem>>)
      %dma_start3A_316 = arith.constant 10 : i32
      %dma_start3A_317 = arith.constant 0 : i32
      %dma_start3A_318 = tpu.memref_slice %arg8[%dma_start3A_316, %dma_start3A_317] : memref<16x128xi32, #tpu.memory_space<vmem>> -> memref<1x128xi32, #tpu.memory_space<vmem>>
      %dma_start3A_319 = tpu.memref_squeeze %dma_start3A_318 : memref<1x128xi32, #tpu.memory_space<vmem>> -> memref<128xi32, #tpu.memory_space<vmem>>
      %dma_start3A_320 = arith.constant 0 : i32
      %dma_start3A_321 = arith.constant 0 : i32
      %dma_start3A_322 = tpu.memref_slice %arg6[%dma_start3A_320, %dma_start3A_321] : memref<10240x128xf32, #tpu.memory_space<vmem_shared>> -> memref<10240x128xf32, #tpu.memory_space<vmem_shared>>
      tpu.enqueue_indirect_dma source(%arg9 : memref<128x128xf32, #tpu.memory_space<vmem>>) target(%dma_start3A_322 : memref<10240x128xf32, #tpu.memory_space<vmem_shared>>) offsets(%dma_start3A_319 : memref<128xi32, #tpu.memory_space<vmem>>) semaphore(%arg12 : memref<!tpu.dma_semaphore, #tpu.memory_space<semaphore_mem>>) {add = true}
      %dma_wait3A_323 = arith.constant 11 : i32
      %dma_wait3A_324 = arith.constant 0 : i32
      %dma_wait3A_325 = tpu.memref_slice %arg7[%dma_wait3A_323, %dma_wait3A_324] : memref<16x128xi32, #tpu.memory_space<vmem>> -> memref<1x128xi32, #tpu.memory_space<vmem>>
      %dma_wait3A_326 = tpu.memref_squeeze %dma_wait3A_325 : memref<1x128xi32, #tpu.memory_space<vmem>> -> memref<128xi32, #tpu.memory_space<vmem>>
      %dma_wait3A_327 = arith.constant 0 : i32
      %dma_wait3A_328 = arith.constant 0 : i32
      %dma_wait3A_329 = tpu.memref_slice %arg2[%dma_wait3A_327, %dma_wait3A_328] : memref<20480x128xf32, #tpu.memory_space<hbm>> -> memref<20480x128xf32, #tpu.memory_space<hbm>>
      tpu.wait_indirect_dma semaphore(%arg11 : memref<!tpu.dma_semaphore, #tpu.memory_space<semaphore_mem>>) src(%dma_wait3A_329 : memref<20480x128xf32, #tpu.memory_space<hbm>>) dst(%arg10 : memref<128x128xf32, #tpu.memory_space<vmem>>)
      %dma_wait3A_330 = arith.constant 10 : i32
      %dma_wait3A_331 = arith.constant 0 : i32
      %dma_wait3A_332 = tpu.memref_slice %arg8[%dma_wait3A_330, %dma_wait3A_331] : memref<16x128xi32, #tpu.memory_space<vmem>> -> memref<1x128xi32, #tpu.memory_space<vmem>>
      %dma_wait3A_333 = tpu.memref_squeeze %dma_wait3A_332 : memref<1x128xi32, #tpu.memory_space<vmem>> -> memref<128xi32, #tpu.memory_space<vmem>>
      %dma_wait3A_334 = arith.constant 0 : i32
      %dma_wait3A_335 = arith.constant 0 : i32
      %dma_wait3A_336 = tpu.memref_slice %arg6[%dma_wait3A_334, %dma_wait3A_335] : memref<10240x128xf32, #tpu.memory_space<vmem_shared>> -> memref<10240x128xf32, #tpu.memory_space<vmem_shared>>
      tpu.wait_indirect_dma semaphore(%arg12 : memref<!tpu.dma_semaphore, #tpu.memory_space<semaphore_mem>>) src(%arg9 : memref<128x128xf32, #tpu.memory_space<vmem>>) dst(%dma_wait3A_336 : memref<10240x128xf32, #tpu.memory_space<vmem_shared>>)
      %dma_start3A_337 = arith.constant 12 : i32
      %dma_start3A_338 = arith.constant 0 : i32
      %dma_start3A_339 = tpu.memref_slice %arg7[%dma_start3A_337, %dma_start3A_338] : memref<16x128xi32, #tpu.memory_space<vmem>> -> memref<1x128xi32, #tpu.memory_space<vmem>>
      %dma_start3A_340 = tpu.memref_squeeze %dma_start3A_339 : memref<1x128xi32, #tpu.memory_space<vmem>> -> memref<128xi32, #tpu.memory_space<vmem>>
      %dma_start3A_341 = arith.constant 0 : i32
      %dma_start3A_342 = arith.constant 0 : i32
      %dma_start3A_343 = tpu.memref_slice %arg2[%dma_start3A_341, %dma_start3A_342] : memref<20480x128xf32, #tpu.memory_space<hbm>> -> memref<20480x128xf32, #tpu.memory_space<hbm>>
      tpu.enqueue_indirect_dma source(%dma_start3A_343 : memref<20480x128xf32, #tpu.memory_space<hbm>>) target(%arg9 : memref<128x128xf32, #tpu.memory_space<vmem>>) offsets(%dma_start3A_340 : memref<128xi32, #tpu.memory_space<vmem>>) semaphore(%arg11 : memref<!tpu.dma_semaphore, #tpu.memory_space<semaphore_mem>>)
      %dma_start3A_344 = arith.constant 11 : i32
      %dma_start3A_345 = arith.constant 0 : i32
      %dma_start3A_346 = tpu.memref_slice %arg8[%dma_start3A_344, %dma_start3A_345] : memref<16x128xi32, #tpu.memory_space<vmem>> -> memref<1x128xi32, #tpu.memory_space<vmem>>
      %dma_start3A_347 = tpu.memref_squeeze %dma_start3A_346 : memref<1x128xi32, #tpu.memory_space<vmem>> -> memref<128xi32, #tpu.memory_space<vmem>>
      %dma_start3A_348 = arith.constant 0 : i32
      %dma_start3A_349 = arith.constant 0 : i32
      %dma_start3A_350 = tpu.memref_slice %arg6[%dma_start3A_348, %dma_start3A_349] : memref<10240x128xf32, #tpu.memory_space<vmem_shared>> -> memref<10240x128xf32, #tpu.memory_space<vmem_shared>>
      tpu.enqueue_indirect_dma source(%arg10 : memref<128x128xf32, #tpu.memory_space<vmem>>) target(%dma_start3A_350 : memref<10240x128xf32, #tpu.memory_space<vmem_shared>>) offsets(%dma_start3A_347 : memref<128xi32, #tpu.memory_space<vmem>>) semaphore(%arg12 : memref<!tpu.dma_semaphore, #tpu.memory_space<semaphore_mem>>) {add = true}
      %dma_wait3A_351 = arith.constant 12 : i32
      %dma_wait3A_352 = arith.constant 0 : i32
      %dma_wait3A_353 = tpu.memref_slice %arg7[%dma_wait3A_351, %dma_wait3A_352] : memref<16x128xi32, #tpu.memory_space<vmem>> -> memref<1x128xi32, #tpu.memory_space<vmem>>
      %dma_wait3A_354 = tpu.memref_squeeze %dma_wait3A_353 : memref<1x128xi32, #tpu.memory_space<vmem>> -> memref<128xi32, #tpu.memory_space<vmem>>
      %dma_wait3A_355 = arith.constant 0 : i32
      %dma_wait3A_356 = arith.constant 0 : i32
      %dma_wait3A_357 = tpu.memref_slice %arg2[%dma_wait3A_355, %dma_wait3A_356] : memref<20480x128xf32, #tpu.memory_space<hbm>> -> memref<20480x128xf32, #tpu.memory_space<hbm>>
      tpu.wait_indirect_dma semaphore(%arg11 : memref<!tpu.dma_semaphore, #tpu.memory_space<semaphore_mem>>) src(%dma_wait3A_357 : memref<20480x128xf32, #tpu.memory_space<hbm>>) dst(%arg9 : memref<128x128xf32, #tpu.memory_space<vmem>>)
      %dma_wait3A_358 = arith.constant 11 : i32
      %dma_wait3A_359 = arith.constant 0 : i32
      %dma_wait3A_360 = tpu.memref_slice %arg8[%dma_wait3A_358, %dma_wait3A_359] : memref<16x128xi32, #tpu.memory_space<vmem>> -> memref<1x128xi32, #tpu.memory_space<vmem>>
      %dma_wait3A_361 = tpu.memref_squeeze %dma_wait3A_360 : memref<1x128xi32, #tpu.memory_space<vmem>> -> memref<128xi32, #tpu.memory_space<vmem>>
      %dma_wait3A_362 = arith.constant 0 : i32
      %dma_wait3A_363 = arith.constant 0 : i32
      %dma_wait3A_364 = tpu.memref_slice %arg6[%dma_wait3A_362, %dma_wait3A_363] : memref<10240x128xf32, #tpu.memory_space<vmem_shared>> -> memref<10240x128xf32, #tpu.memory_space<vmem_shared>>
      tpu.wait_indirect_dma semaphore(%arg12 : memref<!tpu.dma_semaphore, #tpu.memory_space<semaphore_mem>>) src(%arg10 : memref<128x128xf32, #tpu.memory_space<vmem>>) dst(%dma_wait3A_364 : memref<10240x128xf32, #tpu.memory_space<vmem_shared>>)
      %dma_start3A_365 = arith.constant 13 : i32
      %dma_start3A_366 = arith.constant 0 : i32
      %dma_start3A_367 = tpu.memref_slice %arg7[%dma_start3A_365, %dma_start3A_366] : memref<16x128xi32, #tpu.memory_space<vmem>> -> memref<1x128xi32, #tpu.memory_space<vmem>>
      %dma_start3A_368 = tpu.memref_squeeze %dma_start3A_367 : memref<1x128xi32, #tpu.memory_space<vmem>> -> memref<128xi32, #tpu.memory_space<vmem>>
      %dma_start3A_369 = arith.constant 0 : i32
      %dma_start3A_370 = arith.constant 0 : i32
      %dma_start3A_371 = tpu.memref_slice %arg2[%dma_start3A_369, %dma_start3A_370] : memref<20480x128xf32, #tpu.memory_space<hbm>> -> memref<20480x128xf32, #tpu.memory_space<hbm>>
      tpu.enqueue_indirect_dma source(%dma_start3A_371 : memref<20480x128xf32, #tpu.memory_space<hbm>>) target(%arg10 : memref<128x128xf32, #tpu.memory_space<vmem>>) offsets(%dma_start3A_368 : memref<128xi32, #tpu.memory_space<vmem>>) semaphore(%arg11 : memref<!tpu.dma_semaphore, #tpu.memory_space<semaphore_mem>>)
      %dma_start3A_372 = arith.constant 12 : i32
      %dma_start3A_373 = arith.constant 0 : i32
      %dma_start3A_374 = tpu.memref_slice %arg8[%dma_start3A_372, %dma_start3A_373] : memref<16x128xi32, #tpu.memory_space<vmem>> -> memref<1x128xi32, #tpu.memory_space<vmem>>
      %dma_start3A_375 = tpu.memref_squeeze %dma_start3A_374 : memref<1x128xi32, #tpu.memory_space<vmem>> -> memref<128xi32, #tpu.memory_space<vmem>>
      %dma_start3A_376 = arith.constant 0 : i32
      %dma_start3A_377 = arith.constant 0 : i32
      %dma_start3A_378 = tpu.memref_slice %arg6[%dma_start3A_376, %dma_start3A_377] : memref<10240x128xf32, #tpu.memory_space<vmem_shared>> -> memref<10240x128xf32, #tpu.memory_space<vmem_shared>>
      tpu.enqueue_indirect_dma source(%arg9 : memref<128x128xf32, #tpu.memory_space<vmem>>) target(%dma_start3A_378 : memref<10240x128xf32, #tpu.memory_space<vmem_shared>>) offsets(%dma_start3A_375 : memref<128xi32, #tpu.memory_space<vmem>>) semaphore(%arg12 : memref<!tpu.dma_semaphore, #tpu.memory_space<semaphore_mem>>) {add = true}
      %dma_wait3A_379 = arith.constant 13 : i32
      %dma_wait3A_380 = arith.constant 0 : i32
      %dma_wait3A_381 = tpu.memref_slice %arg7[%dma_wait3A_379, %dma_wait3A_380] : memref<16x128xi32, #tpu.memory_space<vmem>> -> memref<1x128xi32, #tpu.memory_space<vmem>>
      %dma_wait3A_382 = tpu.memref_squeeze %dma_wait3A_381 : memref<1x128xi32, #tpu.memory_space<vmem>> -> memref<128xi32, #tpu.memory_space<vmem>>
      %dma_wait3A_383 = arith.constant 0 : i32
      %dma_wait3A_384 = arith.constant 0 : i32
      %dma_wait3A_385 = tpu.memref_slice %arg2[%dma_wait3A_383, %dma_wait3A_384] : memref<20480x128xf32, #tpu.memory_space<hbm>> -> memref<20480x128xf32, #tpu.memory_space<hbm>>
      tpu.wait_indirect_dma semaphore(%arg11 : memref<!tpu.dma_semaphore, #tpu.memory_space<semaphore_mem>>) src(%dma_wait3A_385 : memref<20480x128xf32, #tpu.memory_space<hbm>>) dst(%arg10 : memref<128x128xf32, #tpu.memory_space<vmem>>)
      %dma_wait3A_386 = arith.constant 12 : i32
      %dma_wait3A_387 = arith.constant 0 : i32
      %dma_wait3A_388 = tpu.memref_slice %arg8[%dma_wait3A_386, %dma_wait3A_387] : memref<16x128xi32, #tpu.memory_space<vmem>> -> memref<1x128xi32, #tpu.memory_space<vmem>>
      %dma_wait3A_389 = tpu.memref_squeeze %dma_wait3A_388 : memref<1x128xi32, #tpu.memory_space<vmem>> -> memref<128xi32, #tpu.memory_space<vmem>>
      %dma_wait3A_390 = arith.constant 0 : i32
      %dma_wait3A_391 = arith.constant 0 : i32
      %dma_wait3A_392 = tpu.memref_slice %arg6[%dma_wait3A_390, %dma_wait3A_391] : memref<10240x128xf32, #tpu.memory_space<vmem_shared>> -> memref<10240x128xf32, #tpu.memory_space<vmem_shared>>
      tpu.wait_indirect_dma semaphore(%arg12 : memref<!tpu.dma_semaphore, #tpu.memory_space<semaphore_mem>>) src(%arg9 : memref<128x128xf32, #tpu.memory_space<vmem>>) dst(%dma_wait3A_392 : memref<10240x128xf32, #tpu.memory_space<vmem_shared>>)
      %dma_start3A_393 = arith.constant 14 : i32
      %dma_start3A_394 = arith.constant 0 : i32
      %dma_start3A_395 = tpu.memref_slice %arg7[%dma_start3A_393, %dma_start3A_394] : memref<16x128xi32, #tpu.memory_space<vmem>> -> memref<1x128xi32, #tpu.memory_space<vmem>>
      %dma_start3A_396 = tpu.memref_squeeze %dma_start3A_395 : memref<1x128xi32, #tpu.memory_space<vmem>> -> memref<128xi32, #tpu.memory_space<vmem>>
      %dma_start3A_397 = arith.constant 0 : i32
      %dma_start3A_398 = arith.constant 0 : i32
      %dma_start3A_399 = tpu.memref_slice %arg2[%dma_start3A_397, %dma_start3A_398] : memref<20480x128xf32, #tpu.memory_space<hbm>> -> memref<20480x128xf32, #tpu.memory_space<hbm>>
      tpu.enqueue_indirect_dma source(%dma_start3A_399 : memref<20480x128xf32, #tpu.memory_space<hbm>>) target(%arg9 : memref<128x128xf32, #tpu.memory_space<vmem>>) offsets(%dma_start3A_396 : memref<128xi32, #tpu.memory_space<vmem>>) semaphore(%arg11 : memref<!tpu.dma_semaphore, #tpu.memory_space<semaphore_mem>>)
      %dma_start3A_400 = arith.constant 13 : i32
      %dma_start3A_401 = arith.constant 0 : i32
      %dma_start3A_402 = tpu.memref_slice %arg8[%dma_start3A_400, %dma_start3A_401] : memref<16x128xi32, #tpu.memory_space<vmem>> -> memref<1x128xi32, #tpu.memory_space<vmem>>
      %dma_start3A_403 = tpu.memref_squeeze %dma_start3A_402 : memref<1x128xi32, #tpu.memory_space<vmem>> -> memref<128xi32, #tpu.memory_space<vmem>>
      %dma_start3A_404 = arith.constant 0 : i32
      %dma_start3A_405 = arith.constant 0 : i32
      %dma_start3A_406 = tpu.memref_slice %arg6[%dma_start3A_404, %dma_start3A_405] : memref<10240x128xf32, #tpu.memory_space<vmem_shared>> -> memref<10240x128xf32, #tpu.memory_space<vmem_shared>>
      tpu.enqueue_indirect_dma source(%arg10 : memref<128x128xf32, #tpu.memory_space<vmem>>) target(%dma_start3A_406 : memref<10240x128xf32, #tpu.memory_space<vmem_shared>>) offsets(%dma_start3A_403 : memref<128xi32, #tpu.memory_space<vmem>>) semaphore(%arg12 : memref<!tpu.dma_semaphore, #tpu.memory_space<semaphore_mem>>) {add = true}
      %dma_wait3A_407 = arith.constant 14 : i32
      %dma_wait3A_408 = arith.constant 0 : i32
      %dma_wait3A_409 = tpu.memref_slice %arg7[%dma_wait3A_407, %dma_wait3A_408] : memref<16x128xi32, #tpu.memory_space<vmem>> -> memref<1x128xi32, #tpu.memory_space<vmem>>
      %dma_wait3A_410 = tpu.memref_squeeze %dma_wait3A_409 : memref<1x128xi32, #tpu.memory_space<vmem>> -> memref<128xi32, #tpu.memory_space<vmem>>
      %dma_wait3A_411 = arith.constant 0 : i32
      %dma_wait3A_412 = arith.constant 0 : i32
      %dma_wait3A_413 = tpu.memref_slice %arg2[%dma_wait3A_411, %dma_wait3A_412] : memref<20480x128xf32, #tpu.memory_space<hbm>> -> memref<20480x128xf32, #tpu.memory_space<hbm>>
      tpu.wait_indirect_dma semaphore(%arg11 : memref<!tpu.dma_semaphore, #tpu.memory_space<semaphore_mem>>) src(%dma_wait3A_413 : memref<20480x128xf32, #tpu.memory_space<hbm>>) dst(%arg9 : memref<128x128xf32, #tpu.memory_space<vmem>>)
      %dma_wait3A_414 = arith.constant 13 : i32
      %dma_wait3A_415 = arith.constant 0 : i32
      %dma_wait3A_416 = tpu.memref_slice %arg8[%dma_wait3A_414, %dma_wait3A_415] : memref<16x128xi32, #tpu.memory_space<vmem>> -> memref<1x128xi32, #tpu.memory_space<vmem>>
      %dma_wait3A_417 = tpu.memref_squeeze %dma_wait3A_416 : memref<1x128xi32, #tpu.memory_space<vmem>> -> memref<128xi32, #tpu.memory_space<vmem>>
      %dma_wait3A_418 = arith.constant 0 : i32
      %dma_wait3A_419 = arith.constant 0 : i32
      %dma_wait3A_420 = tpu.memref_slice %arg6[%dma_wait3A_418, %dma_wait3A_419] : memref<10240x128xf32, #tpu.memory_space<vmem_shared>> -> memref<10240x128xf32, #tpu.memory_space<vmem_shared>>
      tpu.wait_indirect_dma semaphore(%arg12 : memref<!tpu.dma_semaphore, #tpu.memory_space<semaphore_mem>>) src(%arg10 : memref<128x128xf32, #tpu.memory_space<vmem>>) dst(%dma_wait3A_420 : memref<10240x128xf32, #tpu.memory_space<vmem_shared>>)
      %dma_start3A_421 = arith.constant 15 : i32
      %dma_start3A_422 = arith.constant 0 : i32
      %dma_start3A_423 = tpu.memref_slice %arg7[%dma_start3A_421, %dma_start3A_422] : memref<16x128xi32, #tpu.memory_space<vmem>> -> memref<1x128xi32, #tpu.memory_space<vmem>>
      %dma_start3A_424 = tpu.memref_squeeze %dma_start3A_423 : memref<1x128xi32, #tpu.memory_space<vmem>> -> memref<128xi32, #tpu.memory_space<vmem>>
      %dma_start3A_425 = arith.constant 0 : i32
      %dma_start3A_426 = arith.constant 0 : i32
      %dma_start3A_427 = tpu.memref_slice %arg2[%dma_start3A_425, %dma_start3A_426] : memref<20480x128xf32, #tpu.memory_space<hbm>> -> memref<20480x128xf32, #tpu.memory_space<hbm>>
      tpu.enqueue_indirect_dma source(%dma_start3A_427 : memref<20480x128xf32, #tpu.memory_space<hbm>>) target(%arg10 : memref<128x128xf32, #tpu.memory_space<vmem>>) offsets(%dma_start3A_424 : memref<128xi32, #tpu.memory_space<vmem>>) semaphore(%arg11 : memref<!tpu.dma_semaphore, #tpu.memory_space<semaphore_mem>>)
      %dma_start3A_428 = arith.constant 14 : i32
      %dma_start3A_429 = arith.constant 0 : i32
      %dma_start3A_430 = tpu.memref_slice %arg8[%dma_start3A_428, %dma_start3A_429] : memref<16x128xi32, #tpu.memory_space<vmem>> -> memref<1x128xi32, #tpu.memory_space<vmem>>
      %dma_start3A_431 = tpu.memref_squeeze %dma_start3A_430 : memref<1x128xi32, #tpu.memory_space<vmem>> -> memref<128xi32, #tpu.memory_space<vmem>>
      %dma_start3A_432 = arith.constant 0 : i32
      %dma_start3A_433 = arith.constant 0 : i32
      %dma_start3A_434 = tpu.memref_slice %arg6[%dma_start3A_432, %dma_start3A_433] : memref<10240x128xf32, #tpu.memory_space<vmem_shared>> -> memref<10240x128xf32, #tpu.memory_space<vmem_shared>>
      tpu.enqueue_indirect_dma source(%arg9 : memref<128x128xf32, #tpu.memory_space<vmem>>) target(%dma_start3A_434 : memref<10240x128xf32, #tpu.memory_space<vmem_shared>>) offsets(%dma_start3A_431 : memref<128xi32, #tpu.memory_space<vmem>>) semaphore(%arg12 : memref<!tpu.dma_semaphore, #tpu.memory_space<semaphore_mem>>) {add = true}
      %dma_wait3A_435 = arith.constant 15 : i32
      %dma_wait3A_436 = arith.constant 0 : i32
      %dma_wait3A_437 = tpu.memref_slice %arg7[%dma_wait3A_435, %dma_wait3A_436] : memref<16x128xi32, #tpu.memory_space<vmem>> -> memref<1x128xi32, #tpu.memory_space<vmem>>
      %dma_wait3A_438 = tpu.memref_squeeze %dma_wait3A_437 : memref<1x128xi32, #tpu.memory_space<vmem>> -> memref<128xi32, #tpu.memory_space<vmem>>
      %dma_wait3A_439 = arith.constant 0 : i32
      %dma_wait3A_440 = arith.constant 0 : i32
      %dma_wait3A_441 = tpu.memref_slice %arg2[%dma_wait3A_439, %dma_wait3A_440] : memref<20480x128xf32, #tpu.memory_space<hbm>> -> memref<20480x128xf32, #tpu.memory_space<hbm>>
      tpu.wait_indirect_dma semaphore(%arg11 : memref<!tpu.dma_semaphore, #tpu.memory_space<semaphore_mem>>) src(%dma_wait3A_441 : memref<20480x128xf32, #tpu.memory_space<hbm>>) dst(%arg10 : memref<128x128xf32, #tpu.memory_space<vmem>>)
      %dma_wait3A_442 = arith.constant 14 : i32
      %dma_wait3A_443 = arith.constant 0 : i32
      %dma_wait3A_444 = tpu.memref_slice %arg8[%dma_wait3A_442, %dma_wait3A_443] : memref<16x128xi32, #tpu.memory_space<vmem>> -> memref<1x128xi32, #tpu.memory_space<vmem>>
      %dma_wait3A_445 = tpu.memref_squeeze %dma_wait3A_444 : memref<1x128xi32, #tpu.memory_space<vmem>> -> memref<128xi32, #tpu.memory_space<vmem>>
      %dma_wait3A_446 = arith.constant 0 : i32
      %dma_wait3A_447 = arith.constant 0 : i32
      %dma_wait3A_448 = tpu.memref_slice %arg6[%dma_wait3A_446, %dma_wait3A_447] : memref<10240x128xf32, #tpu.memory_space<vmem_shared>> -> memref<10240x128xf32, #tpu.memory_space<vmem_shared>>
      tpu.wait_indirect_dma semaphore(%arg12 : memref<!tpu.dma_semaphore, #tpu.memory_space<semaphore_mem>>) src(%arg9 : memref<128x128xf32, #tpu.memory_space<vmem>>) dst(%dma_wait3A_448 : memref<10240x128xf32, #tpu.memory_space<vmem_shared>>)
      %dma_start3A_449 = arith.constant 15 : i32
      %dma_start3A_450 = arith.constant 0 : i32
      %dma_start3A_451 = tpu.memref_slice %arg8[%dma_start3A_449, %dma_start3A_450] : memref<16x128xi32, #tpu.memory_space<vmem>> -> memref<1x128xi32, #tpu.memory_space<vmem>>
      %dma_start3A_452 = tpu.memref_squeeze %dma_start3A_451 : memref<1x128xi32, #tpu.memory_space<vmem>> -> memref<128xi32, #tpu.memory_space<vmem>>
      %dma_start3A_453 = arith.constant 0 : i32
      %dma_start3A_454 = arith.constant 0 : i32
      %dma_start3A_455 = tpu.memref_slice %arg6[%dma_start3A_453, %dma_start3A_454] : memref<10240x128xf32, #tpu.memory_space<vmem_shared>> -> memref<10240x128xf32, #tpu.memory_space<vmem_shared>>
      tpu.enqueue_indirect_dma source(%arg10 : memref<128x128xf32, #tpu.memory_space<vmem>>) target(%dma_start3A_455 : memref<10240x128xf32, #tpu.memory_space<vmem_shared>>) offsets(%dma_start3A_452 : memref<128xi32, #tpu.memory_space<vmem>>) semaphore(%arg12 : memref<!tpu.dma_semaphore, #tpu.memory_space<semaphore_mem>>) {add = true}
      %dma_wait3A_456 = arith.constant 15 : i32
      %dma_wait3A_457 = arith.constant 0 : i32
      %dma_wait3A_458 = tpu.memref_slice %arg8[%dma_wait3A_456, %dma_wait3A_457] : memref<16x128xi32, #tpu.memory_space<vmem>> -> memref<1x128xi32, #tpu.memory_space<vmem>>
      %dma_wait3A_459 = tpu.memref_squeeze %dma_wait3A_458 : memref<1x128xi32, #tpu.memory_space<vmem>> -> memref<128xi32, #tpu.memory_space<vmem>>
      %dma_wait3A_460 = arith.constant 0 : i32
      %dma_wait3A_461 = arith.constant 0 : i32
      %dma_wait3A_462 = tpu.memref_slice %arg6[%dma_wait3A_460, %dma_wait3A_461] : memref<10240x128xf32, #tpu.memory_space<vmem_shared>> -> memref<10240x128xf32, #tpu.memory_space<vmem_shared>>
      tpu.wait_indirect_dma semaphore(%arg12 : memref<!tpu.dma_semaphore, #tpu.memory_space<semaphore_mem>>) src(%arg10 : memref<128x128xf32, #tpu.memory_space<vmem>>) dst(%dma_wait3A_462 : memref<10240x128xf32, #tpu.memory_space<vmem_shared>>)
    }
    %scan3A_7 = arith.constant 10 : i32
    %barrier3A_8 = arith.constant 0 : index
    tpu.barrier barrier_id(%barrier3A_8)
    %mul3A_9 = arith.constant 10240 : i32
    %mul3A_10 = arith.muli %arg0, %mul3A_9 : i32
    %add3A_11 = arith.addi %mul3A_10, %mul3A_0 : i32
    "tpu.region"() ({
      %run_scoped3A = tpu.sem_alloc : memref<!tpu.dma_semaphore, #tpu.memory_space<semaphore_mem>>
      %dma_start3A = arith.constant 0 : i32
      %dma_start3A_12 = tpu.memref_slice %arg5[%add3A_11, %dma_start3A] : memref<20480x128xf32, #tpu.memory_space<hbm>> -> memref<640x128xf32, #tpu.memory_space<hbm>>
      %dma_start3A_13 = arith.constant 0 : i32
      %dma_start3A_14 = tpu.memref_slice %arg6[%mul3A_0, %dma_start3A_13] : memref<10240x128xf32, #tpu.memory_space<vmem_shared>> -> memref<640x128xf32, #tpu.memory_space<vmem_shared>>
      tpu.enqueue_dma source(%dma_start3A_14 : memref<640x128xf32, #tpu.memory_space<vmem_shared>>) target(%dma_start3A_12 : memref<640x128xf32, #tpu.memory_space<hbm>>) target_semaphore(%run_scoped3A : memref<!tpu.dma_semaphore, #tpu.memory_space<semaphore_mem>>)
      %dma_wait3A = arith.constant 0 : i32
      %dma_wait3A_15 = tpu.memref_slice %arg5[%add3A_11, %dma_wait3A] : memref<20480x128xf32, #tpu.memory_space<hbm>> -> memref<640x128xf32, #tpu.memory_space<hbm>>
      %dma_wait3A_16 = arith.constant 0 : i32
      %dma_wait3A_17 = tpu.memref_slice %arg6[%mul3A_0, %dma_wait3A_16] : memref<10240x128xf32, #tpu.memory_space<vmem_shared>> -> memref<640x128xf32, #tpu.memory_space<vmem_shared>>
      tpu.wait_dma2 semaphore(%run_scoped3A : memref<!tpu.dma_semaphore, #tpu.memory_space<semaphore_mem>>) src(%dma_wait3A_17 : memref<640x128xf32, #tpu.memory_space<vmem_shared>>) dst(%dma_wait3A_15 : memref<640x128xf32, #tpu.memory_space<hbm>>)
      tpu.yield
    }) : () -> ()
    return
  }
}

module attributes {stable_mosaic.version = 14 : i64} {
  func.func @_h1_body(%arg0: i32, %arg1: memref<256x128xf32, #tpu.memory_space<vmem>>, %arg2: memref<256x1xf32, #tpu.memory_space<vmem>>, %arg3: memref<128x128xf32, #tpu.memory_space<vmem>>, %arg4: memref<256x128xf32, #tpu.memory_space<vmem>>) attributes {dimension_semantics = [#tpu.dimension_semantics<arbitrary>], iteration_bounds = array<i64: 80>, scalar_prefetch = 0 : i64, scratch_operands = 0 : i64, tpu.core_type = #tpu.core_type<tc>, window_params = [{transform_indices = @transform_0, window_bounds = array<i64: 256, 128>}, {transform_indices = @transform_1, window_bounds = array<i64: 256, 1>}, {pipeline_mode = #tpu.pipeline_mode<synchronous>, transform_indices = @transform_2, window_bounds = array<i64: 128, 128>}, {transform_indices = @transform_3, window_bounds = array<i64: 256, 128>}]} {
    %get3A = arith.constant 0 : index
    %get3A_0 = arith.constant 0 : index
    %get3A_1 = vector.load %arg2[%get3A, %get3A_0] : memref<256x1xf32, #tpu.memory_space<vmem>>, vector<256x1xf32>
    %add3A = arith.constant 1.000000e+00 : f32
    %add3A_2 = vector.broadcast %add3A : f32 to vector<256x1xf32>
    %add3A_3 = arith.addf %get3A_1, %add3A_2 : vector<256x1xf32>
    %rsqrt3A = math.rsqrt %add3A_3 : vector<256x1xf32>
    %get3A_4 = arith.constant 0 : index
    %get3A_5 = arith.constant 0 : index
    %get3A_6 = vector.load %arg1[%get3A_4, %get3A_5] : memref<256x128xf32, #tpu.memory_space<vmem>>, vector<256x128xf32>
    %get3A_7 = arith.constant 0 : index
    %get3A_8 = arith.constant 0 : index
    %get3A_9 = vector.load %arg3[%get3A_7, %get3A_8] : memref<128x128xf32, #tpu.memory_space<vmem>>, vector<128x128xf32>
    %dot_general3A = arith.constant dense<0.000000e+00> : vector<256x128xf32>
    %dot_general3A_10 = tpu.matmul %get3A_6, %get3A_9, %dot_general3A {dimension_numbers = #tpu.dot_dimension_numbers<[1], [0], [0], [1], [0, 0, 1, 1], [], []>, transpose_lhs_hint = false} : vector<256x128xf32>, vector<128x128xf32>, vector<256x128xf32> -> vector<256x128xf32>
    %mul3A = vector.broadcast %rsqrt3A : vector<256x1xf32> to vector<256x128xf32>
    %mul3A_11 = arith.mulf %dot_general3A_10, %mul3A : vector<256x128xf32>
    %swap3A = arith.constant 0 : index
    %swap3A_12 = arith.constant 0 : index
    %swap3A_13 = vector.load %arg4[%swap3A, %swap3A_12] : memref<256x128xf32, #tpu.memory_space<vmem>>, vector<256x128xf32>
    tpu.vector_store %arg4[%swap3A, %swap3A_12], %mul3A_11 {strides = array<i32>} : memref<256x128xf32, #tpu.memory_space<vmem>>, vector<256x128xf32>,
    return
  }
  func.func @transform_0(%arg0: i32) -> (i32, i32) {
    %c0_i32 = arith.constant 0 : i32
    %c0_i32_0 = arith.constant 0 : i32
    return %arg0, %c0_i32 : i32, i32
  }
  func.func @transform_1(%arg0: i32) -> (i32, i32) {
    %c0_i32 = arith.constant 0 : i32
    %c0_i32_0 = arith.constant 0 : i32
    return %arg0, %c0_i32 : i32, i32
  }
  func.func @transform_2(%arg0: i32) -> (i32, i32) {
    %c0_i32 = arith.constant 0 : i32
    %c0_i32_0 = arith.constant 0 : i32
    %c0_i32_1 = arith.constant 0 : i32
    return %c0_i32, %c0_i32_0 : i32, i32
  }
  func.func @transform_3(%arg0: i32) -> (i32, i32) {
    %c0_i32 = arith.constant 0 : i32
    %c0_i32_0 = arith.constant 0 : i32
    return %arg0, %c0_i32 : i32, i32
  }
}

module attributes {stable_mosaic.version = 14 : i64} {
  func.func @_h2_body(%arg0: i32, %arg1: memref<256x128xf32, #tpu.memory_space<vmem>>, %arg2: memref<256x1xf32, #tpu.memory_space<vmem>>, %arg3: memref<128x128xf32, #tpu.memory_space<vmem>>, %arg4: memref<1x128xf32, #tpu.memory_space<vmem>>, %arg5: memref<256x128xf32, #tpu.memory_space<vmem>>) attributes {dimension_semantics = [#tpu.dimension_semantics<arbitrary>], iteration_bounds = array<i64: 80>, scalar_prefetch = 0 : i64, scratch_operands = 0 : i64, tpu.core_type = #tpu.core_type<tc>, window_params = [{transform_indices = @transform_0, window_bounds = array<i64: 256, 128>}, {transform_indices = @transform_1, window_bounds = array<i64: 256, 1>}, {pipeline_mode = #tpu.pipeline_mode<synchronous>, transform_indices = @transform_2, window_bounds = array<i64: 128, 128>}, {pipeline_mode = #tpu.pipeline_mode<synchronous>, transform_indices = @transform_3, window_bounds = array<i64: 1, 128>}, {transform_indices = @transform_4, window_bounds = array<i64: 256, 128>}]} {
    %get3A = arith.constant 0 : index
    %get3A_0 = arith.constant 0 : index
    %get3A_1 = vector.load %arg2[%get3A, %get3A_0] : memref<256x1xf32, #tpu.memory_space<vmem>>, vector<256x1xf32>
    %add3A = arith.constant 1.000000e+00 : f32
    %add3A_2 = vector.broadcast %add3A : f32 to vector<256x1xf32>
    %add3A_3 = arith.addf %get3A_1, %add3A_2 : vector<256x1xf32>
    %rsqrt3A = math.rsqrt %add3A_3 : vector<256x1xf32>
    %get3A_4 = arith.constant 0 : index
    %get3A_5 = arith.constant 0 : index
    %get3A_6 = vector.load %arg1[%get3A_4, %get3A_5] : memref<256x128xf32, #tpu.memory_space<vmem>>, vector<256x128xf32>
    %mul3A = vector.broadcast %rsqrt3A : vector<256x1xf32> to vector<256x128xf32>
    %mul3A_7 = arith.mulf %get3A_6, %mul3A : vector<256x128xf32>
    %get3A_8 = arith.constant 0 : index
    %get3A_9 = arith.constant 0 : index
    %get3A_10 = vector.load %arg4[%get3A_8, %get3A_9] : memref<1x128xf32, #tpu.memory_space<vmem>>, vector<1x128xf32>
    %add3A_11 = vector.broadcast %get3A_10 : vector<1x128xf32> to vector<256x128xf32>
    %add3A_12 = arith.addf %mul3A_7, %add3A_11 : vector<256x128xf32>
    %max3A = arith.constant 0.000000e+00 : f32
    %max3A_13 = vector.broadcast %max3A : f32 to vector<256x128xf32>
    %max3A_14 = arith.maximumf %add3A_12, %max3A_13 : vector<256x128xf32>
    %get3A_15 = arith.constant 0 : index
    %get3A_16 = arith.constant 0 : index
    %get3A_17 = vector.load %arg3[%get3A_15, %get3A_16] : memref<128x128xf32, #tpu.memory_space<vmem>>, vector<128x128xf32>
    %dot_general3A = arith.constant dense<0.000000e+00> : vector<256x128xf32>
    %dot_general3A_18 = tpu.matmul %max3A_14, %get3A_17, %dot_general3A {dimension_numbers = #tpu.dot_dimension_numbers<[1], [0], [0], [1], [0, 0, 1, 1], [], []>, transpose_lhs_hint = false} : vector<256x128xf32>, vector<128x128xf32>, vector<256x128xf32> -> vector<256x128xf32>
    %mul3A_19 = vector.broadcast %rsqrt3A : vector<256x1xf32> to vector<256x128xf32>
    %mul3A_20 = arith.mulf %dot_general3A_18, %mul3A_19 : vector<256x128xf32>
    %swap3A = arith.constant 0 : index
    %swap3A_21 = arith.constant 0 : index
    %swap3A_22 = vector.load %arg5[%swap3A, %swap3A_21] : memref<256x128xf32, #tpu.memory_space<vmem>>, vector<256x128xf32>
    tpu.vector_store %arg5[%swap3A, %swap3A_21], %mul3A_20 {strides = array<i32>} : memref<256x128xf32, #tpu.memory_space<vmem>>, vector<256x128xf32>,
    return
  }
  func.func @transform_0(%arg0: i32) -> (i32, i32) {
    %c0_i32 = arith.constant 0 : i32
    %c0_i32_0 = arith.constant 0 : i32
    return %arg0, %c0_i32 : i32, i32
  }
  func.func @transform_1(%arg0: i32) -> (i32, i32) {
    %c0_i32 = arith.constant 0 : i32
    %c0_i32_0 = arith.constant 0 : i32
    return %arg0, %c0_i32 : i32, i32
  }
  func.func @transform_2(%arg0: i32) -> (i32, i32) {
    %c0_i32 = arith.constant 0 : i32
    %c0_i32_0 = arith.constant 0 : i32
    %c0_i32_1 = arith.constant 0 : i32
    return %c0_i32, %c0_i32_0 : i32, i32
  }
  func.func @transform_3(%arg0: i32) -> (i32, i32) {
    %c0_i32 = arith.constant 0 : i32
    %c0_i32_0 = arith.constant 0 : i32
    %c0_i32_1 = arith.constant 0 : i32
    return %c0_i32, %c0_i32_0 : i32, i32
  }
  func.func @transform_4(%arg0: i32) -> (i32, i32) {
    %c0_i32 = arith.constant 0 : i32
    %c0_i32_0 = arith.constant 0 : i32
    return %arg0, %c0_i32 : i32, i32
  }
}

module attributes {stable_mosaic.version = 14 : i64} {
  func.func @_x2_body(%arg0: i32, %arg1: memref<256x128xf32, #tpu.memory_space<vmem>>, %arg2: memref<256x1xf32, #tpu.memory_space<vmem>>, %arg3: memref<1x128xf32, #tpu.memory_space<vmem>>, %arg4: memref<256x128xf32, #tpu.memory_space<vmem>>) attributes {dimension_semantics = [#tpu.dimension_semantics<arbitrary>], iteration_bounds = array<i64: 80>, scalar_prefetch = 0 : i64, scratch_operands = 0 : i64, tpu.core_type = #tpu.core_type<tc>, window_params = [{transform_indices = @transform_0, window_bounds = array<i64: 256, 128>}, {transform_indices = @transform_1, window_bounds = array<i64: 256, 1>}, {pipeline_mode = #tpu.pipeline_mode<synchronous>, transform_indices = @transform_2, window_bounds = array<i64: 1, 128>}, {transform_indices = @transform_3, window_bounds = array<i64: 256, 128>}]} {
    %get3A = arith.constant 0 : index
    %get3A_0 = arith.constant 0 : index
    %get3A_1 = vector.load %arg2[%get3A, %get3A_0] : memref<256x1xf32, #tpu.memory_space<vmem>>, vector<256x1xf32>
    %add3A = arith.constant 1.000000e+00 : f32
    %add3A_2 = vector.broadcast %add3A : f32 to vector<256x1xf32>
    %add3A_3 = arith.addf %get3A_1, %add3A_2 : vector<256x1xf32>
    %rsqrt3A = math.rsqrt %add3A_3 : vector<256x1xf32>
    %get3A_4 = arith.constant 0 : index
    %get3A_5 = arith.constant 0 : index
    %get3A_6 = vector.load %arg1[%get3A_4, %get3A_5] : memref<256x128xf32, #tpu.memory_space<vmem>>, vector<256x128xf32>
    %mul3A = vector.broadcast %rsqrt3A : vector<256x1xf32> to vector<256x128xf32>
    %mul3A_7 = arith.mulf %get3A_6, %mul3A : vector<256x128xf32>
    %get3A_8 = arith.constant 0 : index
    %get3A_9 = arith.constant 0 : index
    %get3A_10 = vector.load %arg3[%get3A_8, %get3A_9] : memref<1x128xf32, #tpu.memory_space<vmem>>, vector<1x128xf32>
    %add3A_11 = vector.broadcast %get3A_10 : vector<1x128xf32> to vector<256x128xf32>
    %add3A_12 = arith.addf %mul3A_7, %add3A_11 : vector<256x128xf32>
    %max3A = arith.constant 0.000000e+00 : f32
    %max3A_13 = vector.broadcast %max3A : f32 to vector<256x128xf32>
    %max3A_14 = arith.maximumf %add3A_12, %max3A_13 : vector<256x128xf32>
    %swap3A = arith.constant 0 : index
    %swap3A_15 = arith.constant 0 : index
    %swap3A_16 = vector.load %arg4[%swap3A, %swap3A_15] : memref<256x128xf32, #tpu.memory_space<vmem>>, vector<256x128xf32>
    tpu.vector_store %arg4[%swap3A, %swap3A_15], %max3A_14 {strides = array<i32>} : memref<256x128xf32, #tpu.memory_space<vmem>>, vector<256x128xf32>,
    return
  }
  func.func @transform_0(%arg0: i32) -> (i32, i32) {
    %c0_i32 = arith.constant 0 : i32
    %c0_i32_0 = arith.constant 0 : i32
    return %arg0, %c0_i32 : i32, i32
  }
  func.func @transform_1(%arg0: i32) -> (i32, i32) {
    %c0_i32 = arith.constant 0 : i32
    %c0_i32_0 = arith.constant 0 : i32
    return %arg0, %c0_i32 : i32, i32
  }
  func.func @transform_2(%arg0: i32) -> (i32, i32) {
    %c0_i32 = arith.constant 0 : i32
    %c0_i32_0 = arith.constant 0 : i32
    %c0_i32_1 = arith.constant 0 : i32
    return %c0_i32, %c0_i32_0 : i32, i32
  }
  func.func @transform_3(%arg0: i32) -> (i32, i32) {
    %c0_i32 = arith.constant 0 : i32
    %c0_i32_0 = arith.constant 0 : i32
    return %arg0, %c0_i32 : i32, i32
  }
}

module attributes {stable_mosaic.version = 14 : i64} {
  func.func @body(%arg0: memref<2048x1xf32, #tpu.memory_space<vmem>>, %arg1: memref<1x32xf32, #tpu.memory_space<vmem>>, %arg2: memref<1x32xf32, #tpu.memory_space<vmem>>, %arg3: memref<2048x32xf32, #tpu.memory_space<vmem>>) attributes {dimension_semantics = [], scalar_prefetch = 0 : i64, scratch_operands = 0 : i64, tpu.core_type = #tpu.core_type<tc>} {
    %get3A = arith.constant 0 : index
    %get3A_0 = arith.constant 0 : index
    %get3A_1 = vector.load %arg0[%get3A, %get3A_0] : memref<2048x1xf32, #tpu.memory_space<vmem>>, vector<2048x1xf32>
    %get3A_2 = arith.constant 0 : index
    %get3A_3 = arith.constant 0 : index
    %get3A_4 = vector.load %arg1[%get3A_2, %get3A_3] : memref<1x32xf32, #tpu.memory_space<vmem>>, vector<1x32xf32>
    %mul3A = vector.broadcast %get3A_1 : vector<2048x1xf32> to vector<2048x32xf32>
    %mul3A_5 = vector.broadcast %get3A_4 : vector<1x32xf32> to vector<2048x32xf32>
    %mul3A_6 = arith.mulf %mul3A, %mul3A_5 : vector<2048x32xf32>
    %get3A_7 = arith.constant 0 : index
    %get3A_8 = arith.constant 0 : index
    %get3A_9 = vector.load %arg2[%get3A_7, %get3A_8] : memref<1x32xf32, #tpu.memory_space<vmem>>, vector<1x32xf32>
    %add3A = vector.broadcast %get3A_9 : vector<1x32xf32> to vector<2048x32xf32>
    %add3A_10 = arith.addf %mul3A_6, %add3A : vector<2048x32xf32>
    %max3A = arith.constant 0.000000e+00 : f32
    %max3A_11 = vector.broadcast %max3A : f32 to vector<2048x32xf32>
    %max3A_12 = arith.maximumf %add3A_10, %max3A_11 : vector<2048x32xf32>
    %swap3A = arith.constant 0 : index
    %swap3A_13 = arith.constant 0 : index
    %swap3A_14 = vector.load %arg3[%swap3A, %swap3A_13] : memref<2048x32xf32, #tpu.memory_space<vmem>>, vector<2048x32xf32>
    tpu.vector_store %arg3[%swap3A, %swap3A_13], %max3A_12 {strides = array<i32>} : memref<2048x32xf32, #tpu.memory_space<vmem>>, vector<2048x32xf32>,
    return
  }
}

module attributes {stable_mosaic.version = 14 : i64} {
  func.func @body(%arg0: memref<1024x128xf32, #tpu.memory_space<vmem>>, %arg1: memref<1024x1xf32, #tpu.memory_space<vmem>>, %arg2: memref<128x128xf32, #tpu.memory_space<vmem>>, %arg3: memref<1x128xf32, #tpu.memory_space<vmem>>, %arg4: memref<1024x128xf32, #tpu.memory_space<vmem>>) attributes {dimension_semantics = [], scalar_prefetch = 0 : i64, scratch_operands = 0 : i64, tpu.core_type = #tpu.core_type<tc>} {
    %get3A = arith.constant 0 : index
    %get3A_0 = arith.constant 0 : index
    %get3A_1 = vector.load %arg0[%get3A, %get3A_0] : memref<1024x128xf32, #tpu.memory_space<vmem>>, vector<1024x128xf32>
    %get3A_2 = arith.constant 0 : index
    %get3A_3 = arith.constant 0 : index
    %get3A_4 = vector.load %arg1[%get3A_2, %get3A_3] : memref<1024x1xf32, #tpu.memory_space<vmem>>, vector<1024x1xf32>
    %max3A = arith.constant 1.000000e+00 : f32
    %max3A_5 = vector.broadcast %max3A : f32 to vector<1024x1xf32>
    %max3A_6 = arith.maximumf %get3A_4, %max3A_5 : vector<1024x1xf32>
    %div3A = vector.broadcast %max3A_6 : vector<1024x1xf32> to vector<1024x128xf32>
    %div3A_7 = arith.divf %get3A_1, %div3A : vector<1024x128xf32>
    %get3A_8 = arith.constant 0 : index
    %get3A_9 = arith.constant 0 : index
    %get3A_10 = vector.load %arg2[%get3A_8, %get3A_9] : memref<128x128xf32, #tpu.memory_space<vmem>>, vector<128x128xf32>
    %dot_general3A = arith.constant dense<0.000000e+00> : vector<1024x128xf32>
    %dot_general3A_11 = tpu.matmul %div3A_7, %get3A_10, %dot_general3A {dimension_numbers = #tpu.dot_dimension_numbers<[1], [0], [0], [1], [0, 0, 1, 1], [], []>, transpose_lhs_hint = false} : vector<1024x128xf32>, vector<128x128xf32>, vector<1024x128xf32> -> vector<1024x128xf32>
    %get3A_12 = arith.constant 0 : index
    %get3A_13 = arith.constant 0 : index
    %get3A_14 = vector.load %arg3[%get3A_12, %get3A_13] : memref<1x128xf32, #tpu.memory_space<vmem>>, vector<1x128xf32>
    %add3A = vector.broadcast %get3A_14 : vector<1x128xf32> to vector<1024x128xf32>
    %add3A_15 = arith.addf %dot_general3A_11, %add3A : vector<1024x128xf32>
    %max3A_16 = arith.constant 0.000000e+00 : f32
    %max3A_17 = vector.broadcast %max3A_16 : f32 to vector<1024x128xf32>
    %max3A_18 = arith.maximumf %add3A_15, %max3A_17 : vector<1024x128xf32>
    %swap3A = arith.constant 0 : index
    %swap3A_19 = arith.constant 0 : index
    %swap3A_20 = vector.load %arg4[%swap3A, %swap3A_19] : memref<1024x128xf32, #tpu.memory_space<vmem>>, vector<1024x128xf32>
    tpu.vector_store %arg4[%swap3A, %swap3A_19], %max3A_18 {strides = array<i32>} : memref<1024x128xf32, #tpu.memory_space<vmem>>, vector<1024x128xf32>,
    return
  }
}

module attributes {stable_mosaic.version = 14 : i64} {
  func.func @_msg_body(%arg0: i32, %arg1: memref<128x32xf32, #tpu.memory_space<vmem>>, %arg2: memref<128x128xf32, #tpu.memory_space<vmem>>, %arg3: memref<32x16384xf32, #tpu.memory_space<vmem>>, %arg4: memref<1x16384xf32, #tpu.memory_space<vmem>>, %arg5: memref<128x128xf32, #tpu.memory_space<vmem>>) attributes {dimension_semantics = [#tpu.dimension_semantics<arbitrary>], iteration_bounds = array<i64: 16>, scalar_prefetch = 0 : i64, scratch_operands = 0 : i64, tpu.core_type = #tpu.core_type<tc>, window_params = [{transform_indices = @transform_0, window_bounds = array<i64: 128, 32>}, {transform_indices = @transform_1, window_bounds = array<i64: 128, 128>}, {pipeline_mode = #tpu.pipeline_mode<synchronous>, transform_indices = @transform_2, window_bounds = array<i64: 32, 16384>}, {pipeline_mode = #tpu.pipeline_mode<synchronous>, transform_indices = @transform_3, window_bounds = array<i64: 1, 16384>}, {transform_indices = @transform_4, window_bounds = array<i64: 128, 128>}]} {
    %get3A = arith.constant 0 : index
    %get3A_0 = arith.constant 0 : index
    %get3A_1 = vector.load %arg1[%get3A, %get3A_0] : memref<128x32xf32, #tpu.memory_space<vmem>>, vector<128x32xf32>
    %get3A_2 = arith.constant 0 : index
    %get3A_3 = arith.constant 0 : index
    %get3A_4 = vector.load %arg3[%get3A_2, %get3A_3] : memref<32x16384xf32, #tpu.memory_space<vmem>>, vector<32x16384xf32>
    %dot_general3A = arith.constant dense<0.000000e+00> : vector<128x16384xf32>
    %dot_general3A_5 = tpu.matmul %get3A_1, %get3A_4, %dot_general3A {dimension_numbers = #tpu.dot_dimension_numbers<[1], [0], [0], [1], [0, 0, 1, 1], [], []>, transpose_lhs_hint = false} : vector<128x32xf32>, vector<32x16384xf32>, vector<128x16384xf32> -> vector<128x16384xf32>
    %get3A_6 = arith.constant 0 : index
    %get3A_7 = arith.constant 0 : index
    %get3A_8 = vector.load %arg4[%get3A_6, %get3A_7] : memref<1x16384xf32, #tpu.memory_space<vmem>>, vector<1x16384xf32>
    %add3A = vector.broadcast %get3A_8 : vector<1x16384xf32> to vector<128x16384xf32>
    %add3A_9 = arith.addf %dot_general3A_5, %add3A : vector<128x16384xf32>
    %get3A_10 = arith.constant 0 : index
    %get3A_11 = arith.constant 0 : index
    %get3A_12 = vector.load %arg2[%get3A_10, %get3A_11] : memref<128x128xf32, #tpu.memory_space<vmem>>, vector<128x128xf32>
    %convert_element_type3A = arith.truncf %get3A_12 : vector<128x128xf32> to vector<128x128xbf16>
    %convert_element_type3A_13 = arith.extf %convert_element_type3A : vector<128x128xbf16> to vector<128x128xf32>
    %broadcast_in_dim3A = arith.constant 0.000000e+00 : f32
    %broadcast_in_dim3A_14 = vector.broadcast %broadcast_in_dim3A : f32 to vector<128x128xf32>
    %slice3A = vector.extract_strided_slice %add3A_9 {offsets = [0, 0], sizes = [128, 128], strides = [1, 1]} : vector<128x16384xf32> to vector<128x128xf32>
    %convert_element_type3A_15 = arith.truncf %slice3A : vector<128x128xf32> to vector<128x128xbf16>
    %convert_element_type3A_16 = arith.extf %convert_element_type3A_15 : vector<128x128xbf16> to vector<128x128xf32>
    %slice3A_17 = vector.extract_strided_slice %convert_element_type3A_13 {offsets = [0, 0], sizes = [128, 1], strides = [1, 1]} : vector<128x128xf32> to vector<128x1xf32>
    %mul3A = vector.broadcast %slice3A_17 : vector<128x1xf32> to vector<128x128xf32>
    %mul3A_18 = arith.mulf %mul3A, %convert_element_type3A_16 : vector<128x128xf32>
    %add3A_19 = arith.addf %broadcast_in_dim3A_14, %mul3A_18 : vector<128x128xf32>
    %slice3A_20 = vector.extract_strided_slice %add3A_9 {offsets = [0, 128], sizes = [128, 128], strides = [1, 1]} : vector<128x16384xf32> to vector<128x128xf32>
    %convert_element_type3A_21 = arith.truncf %slice3A_20 : vector<128x128xf32> to vector<128x128xbf16>
    %convert_element_type3A_22 = arith.extf %convert_element_type3A_21 : vector<128x128xbf16> to vector<128x128xf32>
    %slice3A_23 = vector.extract_strided_slice %convert_element_type3A_13 {offsets = [0, 1], sizes = [128, 1], strides = [1, 1]} : vector<128x128xf32> to vector<128x1xf32>
    %mul3A_24 = vector.broadcast %slice3A_23 : vector<128x1xf32> to vector<128x128xf32>
    %mul3A_25 = arith.mulf %mul3A_24, %convert_element_type3A_22 : vector<128x128xf32>
    %add3A_26 = arith.addf %add3A_19, %mul3A_25 : vector<128x128xf32>
    %slice3A_27 = vector.extract_strided_slice %add3A_9 {offsets = [0, 256], sizes = [128, 128], strides = [1, 1]} : vector<128x16384xf32> to vector<128x128xf32>
    %convert_element_type3A_28 = arith.truncf %slice3A_27 : vector<128x128xf32> to vector<128x128xbf16>
    %convert_element_type3A_29 = arith.extf %convert_element_type3A_28 : vector<128x128xbf16> to vector<128x128xf32>
    %slice3A_30 = vector.extract_strided_slice %convert_element_type3A_13 {offsets = [0, 2], sizes = [128, 1], strides = [1, 1]} : vector<128x128xf32> to vector<128x1xf32>
    %mul3A_31 = vector.broadcast %slice3A_30 : vector<128x1xf32> to vector<128x128xf32>
    %mul3A_32 = arith.mulf %mul3A_31, %convert_element_type3A_29 : vector<128x128xf32>
    %add3A_33 = arith.addf %add3A_26, %mul3A_32 : vector<128x128xf32>
    %slice3A_34 = vector.extract_strided_slice %add3A_9 {offsets = [0, 384], sizes = [128, 128], strides = [1, 1]} : vector<128x16384xf32> to vector<128x128xf32>
    %convert_element_type3A_35 = arith.truncf %slice3A_34 : vector<128x128xf32> to vector<128x128xbf16>
    %convert_element_type3A_36 = arith.extf %convert_element_type3A_35 : vector<128x128xbf16> to vector<128x128xf32>
    %slice3A_37 = vector.extract_strided_slice %convert_element_type3A_13 {offsets = [0, 3], sizes = [128, 1], strides = [1, 1]} : vector<128x128xf32> to vector<128x1xf32>
    %mul3A_38 = vector.broadcast %slice3A_37 : vector<128x1xf32> to vector<128x128xf32>
    %mul3A_39 = arith.mulf %mul3A_38, %convert_element_type3A_36 : vector<128x128xf32>
    %add3A_40 = arith.addf %add3A_33, %mul3A_39 : vector<128x128xf32>
    %slice3A_41 = vector.extract_strided_slice %add3A_9 {offsets = [0, 512], sizes = [128, 128], strides = [1, 1]} : vector<128x16384xf32> to vector<128x128xf32>
    %convert_element_type3A_42 = arith.truncf %slice3A_41 : vector<128x128xf32> to vector<128x128xbf16>
    %convert_element_type3A_43 = arith.extf %convert_element_type3A_42 : vector<128x128xbf16> to vector<128x128xf32>
    %slice3A_44 = vector.extract_strided_slice %convert_element_type3A_13 {offsets = [0, 4], sizes = [128, 1], strides = [1, 1]} : vector<128x128xf32> to vector<128x1xf32>
    %mul3A_45 = vector.broadcast %slice3A_44 : vector<128x1xf32> to vector<128x128xf32>
    %mul3A_46 = arith.mulf %mul3A_45, %convert_element_type3A_43 : vector<128x128xf32>
    %add3A_47 = arith.addf %add3A_40, %mul3A_46 : vector<128x128xf32>
    %slice3A_48 = vector.extract_strided_slice %add3A_9 {offsets = [0, 640], sizes = [128, 128], strides = [1, 1]} : vector<128x16384xf32> to vector<128x128xf32>
    %convert_element_type3A_49 = arith.truncf %slice3A_48 : vector<128x128xf32> to vector<128x128xbf16>
    %convert_element_type3A_50 = arith.extf %convert_element_type3A_49 : vector<128x128xbf16> to vector<128x128xf32>
    %slice3A_51 = vector.extract_strided_slice %convert_element_type3A_13 {offsets = [0, 5], sizes = [128, 1], strides = [1, 1]} : vector<128x128xf32> to vector<128x1xf32>
    %mul3A_52 = vector.broadcast %slice3A_51 : vector<128x1xf32> to vector<128x128xf32>
    %mul3A_53 = arith.mulf %mul3A_52, %convert_element_type3A_50 : vector<128x128xf32>
    %add3A_54 = arith.addf %add3A_47, %mul3A_53 : vector<128x128xf32>
    %slice3A_55 = vector.extract_strided_slice %add3A_9 {offsets = [0, 768], sizes = [128, 128], strides = [1, 1]} : vector<128x16384xf32> to vector<128x128xf32>
    %convert_element_type3A_56 = arith.truncf %slice3A_55 : vector<128x128xf32> to vector<128x128xbf16>
    %convert_element_type3A_57 = arith.extf %convert_element_type3A_56 : vector<128x128xbf16> to vector<128x128xf32>
    %slice3A_58 = vector.extract_strided_slice %convert_element_type3A_13 {offsets = [0, 6], sizes = [128, 1], strides = [1, 1]} : vector<128x128xf32> to vector<128x1xf32>
    %mul3A_59 = vector.broadcast %slice3A_58 : vector<128x1xf32> to vector<128x128xf32>
    %mul3A_60 = arith.mulf %mul3A_59, %convert_element_type3A_57 : vector<128x128xf32>
    %add3A_61 = arith.addf %add3A_54, %mul3A_60 : vector<128x128xf32>
    %slice3A_62 = vector.extract_strided_slice %add3A_9 {offsets = [0, 896], sizes = [128, 128], strides = [1, 1]} : vector<128x16384xf32> to vector<128x128xf32>
    %convert_element_type3A_63 = arith.truncf %slice3A_62 : vector<128x128xf32> to vector<128x128xbf16>
    %convert_element_type3A_64 = arith.extf %convert_element_type3A_63 : vector<128x128xbf16> to vector<128x128xf32>
    %slice3A_65 = vector.extract_strided_slice %convert_element_type3A_13 {offsets = [0, 7], sizes = [128, 1], strides = [1, 1]} : vector<128x128xf32> to vector<128x1xf32>
    %mul3A_66 = vector.broadcast %slice3A_65 : vector<128x1xf32> to vector<128x128xf32>
    %mul3A_67 = arith.mulf %mul3A_66, %convert_element_type3A_64 : vector<128x128xf32>
    %add3A_68 = arith.addf %add3A_61, %mul3A_67 : vector<128x128xf32>
    %slice3A_69 = vector.extract_strided_slice %add3A_9 {offsets = [0, 1024], sizes = [128, 128], strides = [1, 1]} : vector<128x16384xf32> to vector<128x128xf32>
    %convert_element_type3A_70 = arith.truncf %slice3A_69 : vector<128x128xf32> to vector<128x128xbf16>
    %convert_element_type3A_71 = arith.extf %convert_element_type3A_70 : vector<128x128xbf16> to vector<128x128xf32>
    %slice3A_72 = vector.extract_strided_slice %convert_element_type3A_13 {offsets = [0, 8], sizes = [128, 1], strides = [1, 1]} : vector<128x128xf32> to vector<128x1xf32>
    %mul3A_73 = vector.broadcast %slice3A_72 : vector<128x1xf32> to vector<128x128xf32>
    %mul3A_74 = arith.mulf %mul3A_73, %convert_element_type3A_71 : vector<128x128xf32>
    %add3A_75 = arith.addf %add3A_68, %mul3A_74 : vector<128x128xf32>
    %slice3A_76 = vector.extract_strided_slice %add3A_9 {offsets = [0, 1152], sizes = [128, 128], strides = [1, 1]} : vector<128x16384xf32> to vector<128x128xf32>
    %convert_element_type3A_77 = arith.truncf %slice3A_76 : vector<128x128xf32> to vector<128x128xbf16>
    %convert_element_type3A_78 = arith.extf %convert_element_type3A_77 : vector<128x128xbf16> to vector<128x128xf32>
    %slice3A_79 = vector.extract_strided_slice %convert_element_type3A_13 {offsets = [0, 9], sizes = [128, 1], strides = [1, 1]} : vector<128x128xf32> to vector<128x1xf32>
    %mul3A_80 = vector.broadcast %slice3A_79 : vector<128x1xf32> to vector<128x128xf32>
    %mul3A_81 = arith.mulf %mul3A_80, %convert_element_type3A_78 : vector<128x128xf32>
    %add3A_82 = arith.addf %add3A_75, %mul3A_81 : vector<128x128xf32>
    %slice3A_83 = vector.extract_strided_slice %add3A_9 {offsets = [0, 1280], sizes = [128, 128], strides = [1, 1]} : vector<128x16384xf32> to vector<128x128xf32>
    %convert_element_type3A_84 = arith.truncf %slice3A_83 : vector<128x128xf32> to vector<128x128xbf16>
    %convert_element_type3A_85 = arith.extf %convert_element_type3A_84 : vector<128x128xbf16> to vector<128x128xf32>
    %slice3A_86 = vector.extract_strided_slice %convert_element_type3A_13 {offsets = [0, 10], sizes = [128, 1], strides = [1, 1]} : vector<128x128xf32> to vector<128x1xf32>
    %mul3A_87 = vector.broadcast %slice3A_86 : vector<128x1xf32> to vector<128x128xf32>
    %mul3A_88 = arith.mulf %mul3A_87, %convert_element_type3A_85 : vector<128x128xf32>
    %add3A_89 = arith.addf %add3A_82, %mul3A_88 : vector<128x128xf32>
    %slice3A_90 = vector.extract_strided_slice %add3A_9 {offsets = [0, 1408], sizes = [128, 128], strides = [1, 1]} : vector<128x16384xf32> to vector<128x128xf32>
    %convert_element_type3A_91 = arith.truncf %slice3A_90 : vector<128x128xf32> to vector<128x128xbf16>
    %convert_element_type3A_92 = arith.extf %convert_element_type3A_91 : vector<128x128xbf16> to vector<128x128xf32>
    %slice3A_93 = vector.extract_strided_slice %convert_element_type3A_13 {offsets = [0, 11], sizes = [128, 1], strides = [1, 1]} : vector<128x128xf32> to vector<128x1xf32>
    %mul3A_94 = vector.broadcast %slice3A_93 : vector<128x1xf32> to vector<128x128xf32>
    %mul3A_95 = arith.mulf %mul3A_94, %convert_element_type3A_92 : vector<128x128xf32>
    %add3A_96 = arith.addf %add3A_89, %mul3A_95 : vector<128x128xf32>
    %slice3A_97 = vector.extract_strided_slice %add3A_9 {offsets = [0, 1536], sizes = [128, 128], strides = [1, 1]} : vector<128x16384xf32> to vector<128x128xf32>
    %convert_element_type3A_98 = arith.truncf %slice3A_97 : vector<128x128xf32> to vector<128x128xbf16>
    %convert_element_type3A_99 = arith.extf %convert_element_type3A_98 : vector<128x128xbf16> to vector<128x128xf32>
    %slice3A_100 = vector.extract_strided_slice %convert_element_type3A_13 {offsets = [0, 12], sizes = [128, 1], strides = [1, 1]} : vector<128x128xf32> to vector<128x1xf32>
    %mul3A_101 = vector.broadcast %slice3A_100 : vector<128x1xf32> to vector<128x128xf32>
    %mul3A_102 = arith.mulf %mul3A_101, %convert_element_type3A_99 : vector<128x128xf32>
    %add3A_103 = arith.addf %add3A_96, %mul3A_102 : vector<128x128xf32>
    %slice3A_104 = vector.extract_strided_slice %add3A_9 {offsets = [0, 1664], sizes = [128, 128], strides = [1, 1]} : vector<128x16384xf32> to vector<128x128xf32>
    %convert_element_type3A_105 = arith.truncf %slice3A_104 : vector<128x128xf32> to vector<128x128xbf16>
    %convert_element_type3A_106 = arith.extf %convert_element_type3A_105 : vector<128x128xbf16> to vector<128x128xf32>
    %slice3A_107 = vector.extract_strided_slice %convert_element_type3A_13 {offsets = [0, 13], sizes = [128, 1], strides = [1, 1]} : vector<128x128xf32> to vector<128x1xf32>
    %mul3A_108 = vector.broadcast %slice3A_107 : vector<128x1xf32> to vector<128x128xf32>
    %mul3A_109 = arith.mulf %mul3A_108, %convert_element_type3A_106 : vector<128x128xf32>
    %add3A_110 = arith.addf %add3A_103, %mul3A_109 : vector<128x128xf32>
    %slice3A_111 = vector.extract_strided_slice %add3A_9 {offsets = [0, 1792], sizes = [128, 128], strides = [1, 1]} : vector<128x16384xf32> to vector<128x128xf32>
    %convert_element_type3A_112 = arith.truncf %slice3A_111 : vector<128x128xf32> to vector<128x128xbf16>
    %convert_element_type3A_113 = arith.extf %convert_element_type3A_112 : vector<128x128xbf16> to vector<128x128xf32>
    %slice3A_114 = vector.extract_strided_slice %convert_element_type3A_13 {offsets = [0, 14], sizes = [128, 1], strides = [1, 1]} : vector<128x128xf32> to vector<128x1xf32>
    %mul3A_115 = vector.broadcast %slice3A_114 : vector<128x1xf32> to vector<128x128xf32>
    %mul3A_116 = arith.mulf %mul3A_115, %convert_element_type3A_113 : vector<128x128xf32>
    %add3A_117 = arith.addf %add3A_110, %mul3A_116 : vector<128x128xf32>
    %slice3A_118 = vector.extract_strided_slice %add3A_9 {offsets = [0, 1920], sizes = [128, 128], strides = [1, 1]} : vector<128x16384xf32> to vector<128x128xf32>
    %convert_element_type3A_119 = arith.truncf %slice3A_118 : vector<128x128xf32> to vector<128x128xbf16>
    %convert_element_type3A_120 = arith.extf %convert_element_type3A_119 : vector<128x128xbf16> to vector<128x128xf32>
    %slice3A_121 = vector.extract_strided_slice %convert_element_type3A_13 {offsets = [0, 15], sizes = [128, 1], strides = [1, 1]} : vector<128x128xf32> to vector<128x1xf32>
    %mul3A_122 = vector.broadcast %slice3A_121 : vector<128x1xf32> to vector<128x128xf32>
    %mul3A_123 = arith.mulf %mul3A_122, %convert_element_type3A_120 : vector<128x128xf32>
    %add3A_124 = arith.addf %add3A_117, %mul3A_123 : vector<128x128xf32>
    %slice3A_125 = vector.extract_strided_slice %add3A_9 {offsets = [0, 2048], sizes = [128, 128], strides = [1, 1]} : vector<128x16384xf32> to vector<128x128xf32>
    %convert_element_type3A_126 = arith.truncf %slice3A_125 : vector<128x128xf32> to vector<128x128xbf16>
    %convert_element_type3A_127 = arith.extf %convert_element_type3A_126 : vector<128x128xbf16> to vector<128x128xf32>
    %slice3A_128 = vector.extract_strided_slice %convert_element_type3A_13 {offsets = [0, 16], sizes = [128, 1], strides = [1, 1]} : vector<128x128xf32> to vector<128x1xf32>
    %mul3A_129 = vector.broadcast %slice3A_128 : vector<128x1xf32> to vector<128x128xf32>
    %mul3A_130 = arith.mulf %mul3A_129, %convert_element_type3A_127 : vector<128x128xf32>
    %add3A_131 = arith.addf %add3A_124, %mul3A_130 : vector<128x128xf32>
    %slice3A_132 = vector.extract_strided_slice %add3A_9 {offsets = [0, 2176], sizes = [128, 128], strides = [1, 1]} : vector<128x16384xf32> to vector<128x128xf32>
    %convert_element_type3A_133 = arith.truncf %slice3A_132 : vector<128x128xf32> to vector<128x128xbf16>
    %convert_element_type3A_134 = arith.extf %convert_element_type3A_133 : vector<128x128xbf16> to vector<128x128xf32>
    %slice3A_135 = vector.extract_strided_slice %convert_element_type3A_13 {offsets = [0, 17], sizes = [128, 1], strides = [1, 1]} : vector<128x128xf32> to vector<128x1xf32>
    %mul3A_136 = vector.broadcast %slice3A_135 : vector<128x1xf32> to vector<128x128xf32>
    %mul3A_137 = arith.mulf %mul3A_136, %convert_element_type3A_134 : vector<128x128xf32>
    %add3A_138 = arith.addf %add3A_131, %mul3A_137 : vector<128x128xf32>
    %slice3A_139 = vector.extract_strided_slice %add3A_9 {offsets = [0, 2304], sizes = [128, 128], strides = [1, 1]} : vector<128x16384xf32> to vector<128x128xf32>
    %convert_element_type3A_140 = arith.truncf %slice3A_139 : vector<128x128xf32> to vector<128x128xbf16>
    %convert_element_type3A_141 = arith.extf %convert_element_type3A_140 : vector<128x128xbf16> to vector<128x128xf32>
    %slice3A_142 = vector.extract_strided_slice %convert_element_type3A_13 {offsets = [0, 18], sizes = [128, 1], strides = [1, 1]} : vector<128x128xf32> to vector<128x1xf32>
    %mul3A_143 = vector.broadcast %slice3A_142 : vector<128x1xf32> to vector<128x128xf32>
    %mul3A_144 = arith.mulf %mul3A_143, %convert_element_type3A_141 : vector<128x128xf32>
    %add3A_145 = arith.addf %add3A_138, %mul3A_144 : vector<128x128xf32>
    %slice3A_146 = vector.extract_strided_slice %add3A_9 {offsets = [0, 2432], sizes = [128, 128], strides = [1, 1]} : vector<128x16384xf32> to vector<128x128xf32>
    %convert_element_type3A_147 = arith.truncf %slice3A_146 : vector<128x128xf32> to vector<128x128xbf16>
    %convert_element_type3A_148 = arith.extf %convert_element_type3A_147 : vector<128x128xbf16> to vector<128x128xf32>
    %slice3A_149 = vector.extract_strided_slice %convert_element_type3A_13 {offsets = [0, 19], sizes = [128, 1], strides = [1, 1]} : vector<128x128xf32> to vector<128x1xf32>
    %mul3A_150 = vector.broadcast %slice3A_149 : vector<128x1xf32> to vector<128x128xf32>
    %mul3A_151 = arith.mulf %mul3A_150, %convert_element_type3A_148 : vector<128x128xf32>
    %add3A_152 = arith.addf %add3A_145, %mul3A_151 : vector<128x128xf32>
    %slice3A_153 = vector.extract_strided_slice %add3A_9 {offsets = [0, 2560], sizes = [128, 128], strides = [1, 1]} : vector<128x16384xf32> to vector<128x128xf32>
    %convert_element_type3A_154 = arith.truncf %slice3A_153 : vector<128x128xf32> to vector<128x128xbf16>
    %convert_element_type3A_155 = arith.extf %convert_element_type3A_154 : vector<128x128xbf16> to vector<128x128xf32>
    %slice3A_156 = vector.extract_strided_slice %convert_element_type3A_13 {offsets = [0, 20], sizes = [128, 1], strides = [1, 1]} : vector<128x128xf32> to vector<128x1xf32>
    %mul3A_157 = vector.broadcast %slice3A_156 : vector<128x1xf32> to vector<128x128xf32>
    %mul3A_158 = arith.mulf %mul3A_157, %convert_element_type3A_155 : vector<128x128xf32>
    %add3A_159 = arith.addf %add3A_152, %mul3A_158 : vector<128x128xf32>
    %slice3A_160 = vector.extract_strided_slice %add3A_9 {offsets = [0, 2688], sizes = [128, 128], strides = [1, 1]} : vector<128x16384xf32> to vector<128x128xf32>
    %convert_element_type3A_161 = arith.truncf %slice3A_160 : vector<128x128xf32> to vector<128x128xbf16>
    %convert_element_type3A_162 = arith.extf %convert_element_type3A_161 : vector<128x128xbf16> to vector<128x128xf32>
    %slice3A_163 = vector.extract_strided_slice %convert_element_type3A_13 {offsets = [0, 21], sizes = [128, 1], strides = [1, 1]} : vector<128x128xf32> to vector<128x1xf32>
    %mul3A_164 = vector.broadcast %slice3A_163 : vector<128x1xf32> to vector<128x128xf32>
    %mul3A_165 = arith.mulf %mul3A_164, %convert_element_type3A_162 : vector<128x128xf32>
    %add3A_166 = arith.addf %add3A_159, %mul3A_165 : vector<128x128xf32>
    %slice3A_167 = vector.extract_strided_slice %add3A_9 {offsets = [0, 2816], sizes = [128, 128], strides = [1, 1]} : vector<128x16384xf32> to vector<128x128xf32>
    %convert_element_type3A_168 = arith.truncf %slice3A_167 : vector<128x128xf32> to vector<128x128xbf16>
    %convert_element_type3A_169 = arith.extf %convert_element_type3A_168 : vector<128x128xbf16> to vector<128x128xf32>
    %slice3A_170 = vector.extract_strided_slice %convert_element_type3A_13 {offsets = [0, 22], sizes = [128, 1], strides = [1, 1]} : vector<128x128xf32> to vector<128x1xf32>
    %mul3A_171 = vector.broadcast %slice3A_170 : vector<128x1xf32> to vector<128x128xf32>
    %mul3A_172 = arith.mulf %mul3A_171, %convert_element_type3A_169 : vector<128x128xf32>
    %add3A_173 = arith.addf %add3A_166, %mul3A_172 : vector<128x128xf32>
    %slice3A_174 = vector.extract_strided_slice %add3A_9 {offsets = [0, 2944], sizes = [128, 128], strides = [1, 1]} : vector<128x16384xf32> to vector<128x128xf32>
    %convert_element_type3A_175 = arith.truncf %slice3A_174 : vector<128x128xf32> to vector<128x128xbf16>
    %convert_element_type3A_176 = arith.extf %convert_element_type3A_175 : vector<128x128xbf16> to vector<128x128xf32>
    %slice3A_177 = vector.extract_strided_slice %convert_element_type3A_13 {offsets = [0, 23], sizes = [128, 1], strides = [1, 1]} : vector<128x128xf32> to vector<128x1xf32>
    %mul3A_178 = vector.broadcast %slice3A_177 : vector<128x1xf32> to vector<128x128xf32>
    %mul3A_179 = arith.mulf %mul3A_178, %convert_element_type3A_176 : vector<128x128xf32>
    %add3A_180 = arith.addf %add3A_173, %mul3A_179 : vector<128x128xf32>
    %slice3A_181 = vector.extract_strided_slice %add3A_9 {offsets = [0, 3072], sizes = [128, 128], strides = [1, 1]} : vector<128x16384xf32> to vector<128x128xf32>
    %convert_element_type3A_182 = arith.truncf %slice3A_181 : vector<128x128xf32> to vector<128x128xbf16>
    %convert_element_type3A_183 = arith.extf %convert_element_type3A_182 : vector<128x128xbf16> to vector<128x128xf32>
    %slice3A_184 = vector.extract_strided_slice %convert_element_type3A_13 {offsets = [0, 24], sizes = [128, 1], strides = [1, 1]} : vector<128x128xf32> to vector<128x1xf32>
    %mul3A_185 = vector.broadcast %slice3A_184 : vector<128x1xf32> to vector<128x128xf32>
    %mul3A_186 = arith.mulf %mul3A_185, %convert_element_type3A_183 : vector<128x128xf32>
    %add3A_187 = arith.addf %add3A_180, %mul3A_186 : vector<128x128xf32>
    %slice3A_188 = vector.extract_strided_slice %add3A_9 {offsets = [0, 3200], sizes = [128, 128], strides = [1, 1]} : vector<128x16384xf32> to vector<128x128xf32>
    %convert_element_type3A_189 = arith.truncf %slice3A_188 : vector<128x128xf32> to vector<128x128xbf16>
    %convert_element_type3A_190 = arith.extf %convert_element_type3A_189 : vector<128x128xbf16> to vector<128x128xf32>
    %slice3A_191 = vector.extract_strided_slice %convert_element_type3A_13 {offsets = [0, 25], sizes = [128, 1], strides = [1, 1]} : vector<128x128xf32> to vector<128x1xf32>
    %mul3A_192 = vector.broadcast %slice3A_191 : vector<128x1xf32> to vector<128x128xf32>
    %mul3A_193 = arith.mulf %mul3A_192, %convert_element_type3A_190 : vector<128x128xf32>
    %add3A_194 = arith.addf %add3A_187, %mul3A_193 : vector<128x128xf32>
    %slice3A_195 = vector.extract_strided_slice %add3A_9 {offsets = [0, 3328], sizes = [128, 128], strides = [1, 1]} : vector<128x16384xf32> to vector<128x128xf32>
    %convert_element_type3A_196 = arith.truncf %slice3A_195 : vector<128x128xf32> to vector<128x128xbf16>
    %convert_element_type3A_197 = arith.extf %convert_element_type3A_196 : vector<128x128xbf16> to vector<128x128xf32>
    %slice3A_198 = vector.extract_strided_slice %convert_element_type3A_13 {offsets = [0, 26], sizes = [128, 1], strides = [1, 1]} : vector<128x128xf32> to vector<128x1xf32>
    %mul3A_199 = vector.broadcast %slice3A_198 : vector<128x1xf32> to vector<128x128xf32>
    %mul3A_200 = arith.mulf %mul3A_199, %convert_element_type3A_197 : vector<128x128xf32>
    %add3A_201 = arith.addf %add3A_194, %mul3A_200 : vector<128x128xf32>
    %slice3A_202 = vector.extract_strided_slice %add3A_9 {offsets = [0, 3456], sizes = [128, 128], strides = [1, 1]} : vector<128x16384xf32> to vector<128x128xf32>
    %convert_element_type3A_203 = arith.truncf %slice3A_202 : vector<128x128xf32> to vector<128x128xbf16>
    %convert_element_type3A_204 = arith.extf %convert_element_type3A_203 : vector<128x128xbf16> to vector<128x128xf32>
    %slice3A_205 = vector.extract_strided_slice %convert_element_type3A_13 {offsets = [0, 27], sizes = [128, 1], strides = [1, 1]} : vector<128x128xf32> to vector<128x1xf32>
    %mul3A_206 = vector.broadcast %slice3A_205 : vector<128x1xf32> to vector<128x128xf32>
    %mul3A_207 = arith.mulf %mul3A_206, %convert_element_type3A_204 : vector<128x128xf32>
    %add3A_208 = arith.addf %add3A_201, %mul3A_207 : vector<128x128xf32>
    %slice3A_209 = vector.extract_strided_slice %add3A_9 {offsets = [0, 3584], sizes = [128, 128], strides = [1, 1]} : vector<128x16384xf32> to vector<128x128xf32>
    %convert_element_type3A_210 = arith.truncf %slice3A_209 : vector<128x128xf32> to vector<128x128xbf16>
    %convert_element_type3A_211 = arith.extf %convert_element_type3A_210 : vector<128x128xbf16> to vector<128x128xf32>
    %slice3A_212 = vector.extract_strided_slice %convert_element_type3A_13 {offsets = [0, 28], sizes = [128, 1], strides = [1, 1]} : vector<128x128xf32> to vector<128x1xf32>
    %mul3A_213 = vector.broadcast %slice3A_212 : vector<128x1xf32> to vector<128x128xf32>
    %mul3A_214 = arith.mulf %mul3A_213, %convert_element_type3A_211 : vector<128x128xf32>
    %add3A_215 = arith.addf %add3A_208, %mul3A_214 : vector<128x128xf32>
    %slice3A_216 = vector.extract_strided_slice %add3A_9 {offsets = [0, 3712], sizes = [128, 128], strides = [1, 1]} : vector<128x16384xf32> to vector<128x128xf32>
    %convert_element_type3A_217 = arith.truncf %slice3A_216 : vector<128x128xf32> to vector<128x128xbf16>
    %convert_element_type3A_218 = arith.extf %convert_element_type3A_217 : vector<128x128xbf16> to vector<128x128xf32>
    %slice3A_219 = vector.extract_strided_slice %convert_element_type3A_13 {offsets = [0, 29], sizes = [128, 1], strides = [1, 1]} : vector<128x128xf32> to vector<128x1xf32>
    %mul3A_220 = vector.broadcast %slice3A_219 : vector<128x1xf32> to vector<128x128xf32>
    %mul3A_221 = arith.mulf %mul3A_220, %convert_element_type3A_218 : vector<128x128xf32>
    %add3A_222 = arith.addf %add3A_215, %mul3A_221 : vector<128x128xf32>
    %slice3A_223 = vector.extract_strided_slice %add3A_9 {offsets = [0, 3840], sizes = [128, 128], strides = [1, 1]} : vector<128x16384xf32> to vector<128x128xf32>
    %convert_element_type3A_224 = arith.truncf %slice3A_223 : vector<128x128xf32> to vector<128x128xbf16>
    %convert_element_type3A_225 = arith.extf %convert_element_type3A_224 : vector<128x128xbf16> to vector<128x128xf32>
    %slice3A_226 = vector.extract_strided_slice %convert_element_type3A_13 {offsets = [0, 30], sizes = [128, 1], strides = [1, 1]} : vector<128x128xf32> to vector<128x1xf32>
    %mul3A_227 = vector.broadcast %slice3A_226 : vector<128x1xf32> to vector<128x128xf32>
    %mul3A_228 = arith.mulf %mul3A_227, %convert_element_type3A_225 : vector<128x128xf32>
    %add3A_229 = arith.addf %add3A_222, %mul3A_228 : vector<128x128xf32>
    %slice3A_230 = vector.extract_strided_slice %add3A_9 {offsets = [0, 3968], sizes = [128, 128], strides = [1, 1]} : vector<128x16384xf32> to vector<128x128xf32>
    %convert_element_type3A_231 = arith.truncf %slice3A_230 : vector<128x128xf32> to vector<128x128xbf16>
    %convert_element_type3A_232 = arith.extf %convert_element_type3A_231 : vector<128x128xbf16> to vector<128x128xf32>
    %slice3A_233 = vector.extract_strided_slice %convert_element_type3A_13 {offsets = [0, 31], sizes = [128, 1], strides = [1, 1]} : vector<128x128xf32> to vector<128x1xf32>
    %mul3A_234 = vector.broadcast %slice3A_233 : vector<128x1xf32> to vector<128x128xf32>
    %mul3A_235 = arith.mulf %mul3A_234, %convert_element_type3A_232 : vector<128x128xf32>
    %add3A_236 = arith.addf %add3A_229, %mul3A_235 : vector<128x128xf32>
    %slice3A_237 = vector.extract_strided_slice %add3A_9 {offsets = [0, 4096], sizes = [128, 128], strides = [1, 1]} : vector<128x16384xf32> to vector<128x128xf32>
    %convert_element_type3A_238 = arith.truncf %slice3A_237 : vector<128x128xf32> to vector<128x128xbf16>
    %convert_element_type3A_239 = arith.extf %convert_element_type3A_238 : vector<128x128xbf16> to vector<128x128xf32>
    %slice3A_240 = vector.extract_strided_slice %convert_element_type3A_13 {offsets = [0, 32], sizes = [128, 1], strides = [1, 1]} : vector<128x128xf32> to vector<128x1xf32>
    %mul3A_241 = vector.broadcast %slice3A_240 : vector<128x1xf32> to vector<128x128xf32>
    %mul3A_242 = arith.mulf %mul3A_241, %convert_element_type3A_239 : vector<128x128xf32>
    %add3A_243 = arith.addf %add3A_236, %mul3A_242 : vector<128x128xf32>
    %slice3A_244 = vector.extract_strided_slice %add3A_9 {offsets = [0, 4224], sizes = [128, 128], strides = [1, 1]} : vector<128x16384xf32> to vector<128x128xf32>
    %convert_element_type3A_245 = arith.truncf %slice3A_244 : vector<128x128xf32> to vector<128x128xbf16>
    %convert_element_type3A_246 = arith.extf %convert_element_type3A_245 : vector<128x128xbf16> to vector<128x128xf32>
    %slice3A_247 = vector.extract_strided_slice %convert_element_type3A_13 {offsets = [0, 33], sizes = [128, 1], strides = [1, 1]} : vector<128x128xf32> to vector<128x1xf32>
    %mul3A_248 = vector.broadcast %slice3A_247 : vector<128x1xf32> to vector<128x128xf32>
    %mul3A_249 = arith.mulf %mul3A_248, %convert_element_type3A_246 : vector<128x128xf32>
    %add3A_250 = arith.addf %add3A_243, %mul3A_249 : vector<128x128xf32>
    %slice3A_251 = vector.extract_strided_slice %add3A_9 {offsets = [0, 4352], sizes = [128, 128], strides = [1, 1]} : vector<128x16384xf32> to vector<128x128xf32>
    %convert_element_type3A_252 = arith.truncf %slice3A_251 : vector<128x128xf32> to vector<128x128xbf16>
    %convert_element_type3A_253 = arith.extf %convert_element_type3A_252 : vector<128x128xbf16> to vector<128x128xf32>
    %slice3A_254 = vector.extract_strided_slice %convert_element_type3A_13 {offsets = [0, 34], sizes = [128, 1], strides = [1, 1]} : vector<128x128xf32> to vector<128x1xf32>
    %mul3A_255 = vector.broadcast %slice3A_254 : vector<128x1xf32> to vector<128x128xf32>
    %mul3A_256 = arith.mulf %mul3A_255, %convert_element_type3A_253 : vector<128x128xf32>
    %add3A_257 = arith.addf %add3A_250, %mul3A_256 : vector<128x128xf32>
    %slice3A_258 = vector.extract_strided_slice %add3A_9 {offsets = [0, 4480], sizes = [128, 128], strides = [1, 1]} : vector<128x16384xf32> to vector<128x128xf32>
    %convert_element_type3A_259 = arith.truncf %slice3A_258 : vector<128x128xf32> to vector<128x128xbf16>
    %convert_element_type3A_260 = arith.extf %convert_element_type3A_259 : vector<128x128xbf16> to vector<128x128xf32>
    %slice3A_261 = vector.extract_strided_slice %convert_element_type3A_13 {offsets = [0, 35], sizes = [128, 1], strides = [1, 1]} : vector<128x128xf32> to vector<128x1xf32>
    %mul3A_262 = vector.broadcast %slice3A_261 : vector<128x1xf32> to vector<128x128xf32>
    %mul3A_263 = arith.mulf %mul3A_262, %convert_element_type3A_260 : vector<128x128xf32>
    %add3A_264 = arith.addf %add3A_257, %mul3A_263 : vector<128x128xf32>
    %slice3A_265 = vector.extract_strided_slice %add3A_9 {offsets = [0, 4608], sizes = [128, 128], strides = [1, 1]} : vector<128x16384xf32> to vector<128x128xf32>
    %convert_element_type3A_266 = arith.truncf %slice3A_265 : vector<128x128xf32> to vector<128x128xbf16>
    %convert_element_type3A_267 = arith.extf %convert_element_type3A_266 : vector<128x128xbf16> to vector<128x128xf32>
    %slice3A_268 = vector.extract_strided_slice %convert_element_type3A_13 {offsets = [0, 36], sizes = [128, 1], strides = [1, 1]} : vector<128x128xf32> to vector<128x1xf32>
    %mul3A_269 = vector.broadcast %slice3A_268 : vector<128x1xf32> to vector<128x128xf32>
    %mul3A_270 = arith.mulf %mul3A_269, %convert_element_type3A_267 : vector<128x128xf32>
    %add3A_271 = arith.addf %add3A_264, %mul3A_270 : vector<128x128xf32>
    %slice3A_272 = vector.extract_strided_slice %add3A_9 {offsets = [0, 4736], sizes = [128, 128], strides = [1, 1]} : vector<128x16384xf32> to vector<128x128xf32>
    %convert_element_type3A_273 = arith.truncf %slice3A_272 : vector<128x128xf32> to vector<128x128xbf16>
    %convert_element_type3A_274 = arith.extf %convert_element_type3A_273 : vector<128x128xbf16> to vector<128x128xf32>
    %slice3A_275 = vector.extract_strided_slice %convert_element_type3A_13 {offsets = [0, 37], sizes = [128, 1], strides = [1, 1]} : vector<128x128xf32> to vector<128x1xf32>
    %mul3A_276 = vector.broadcast %slice3A_275 : vector<128x1xf32> to vector<128x128xf32>
    %mul3A_277 = arith.mulf %mul3A_276, %convert_element_type3A_274 : vector<128x128xf32>
    %add3A_278 = arith.addf %add3A_271, %mul3A_277 : vector<128x128xf32>
    %slice3A_279 = vector.extract_strided_slice %add3A_9 {offsets = [0, 4864], sizes = [128, 128], strides = [1, 1]} : vector<128x16384xf32> to vector<128x128xf32>
    %convert_element_type3A_280 = arith.truncf %slice3A_279 : vector<128x128xf32> to vector<128x128xbf16>
    %convert_element_type3A_281 = arith.extf %convert_element_type3A_280 : vector<128x128xbf16> to vector<128x128xf32>
    %slice3A_282 = vector.extract_strided_slice %convert_element_type3A_13 {offsets = [0, 38], sizes = [128, 1], strides = [1, 1]} : vector<128x128xf32> to vector<128x1xf32>
    %mul3A_283 = vector.broadcast %slice3A_282 : vector<128x1xf32> to vector<128x128xf32>
    %mul3A_284 = arith.mulf %mul3A_283, %convert_element_type3A_281 : vector<128x128xf32>
    %add3A_285 = arith.addf %add3A_278, %mul3A_284 : vector<128x128xf32>
    %slice3A_286 = vector.extract_strided_slice %add3A_9 {offsets = [0, 4992], sizes = [128, 128], strides = [1, 1]} : vector<128x16384xf32> to vector<128x128xf32>
    %convert_element_type3A_287 = arith.truncf %slice3A_286 : vector<128x128xf32> to vector<128x128xbf16>
    %convert_element_type3A_288 = arith.extf %convert_element_type3A_287 : vector<128x128xbf16> to vector<128x128xf32>
    %slice3A_289 = vector.extract_strided_slice %convert_element_type3A_13 {offsets = [0, 39], sizes = [128, 1], strides = [1, 1]} : vector<128x128xf32> to vector<128x1xf32>
    %mul3A_290 = vector.broadcast %slice3A_289 : vector<128x1xf32> to vector<128x128xf32>
    %mul3A_291 = arith.mulf %mul3A_290, %convert_element_type3A_288 : vector<128x128xf32>
    %add3A_292 = arith.addf %add3A_285, %mul3A_291 : vector<128x128xf32>
    %slice3A_293 = vector.extract_strided_slice %add3A_9 {offsets = [0, 5120], sizes = [128, 128], strides = [1, 1]} : vector<128x16384xf32> to vector<128x128xf32>
    %convert_element_type3A_294 = arith.truncf %slice3A_293 : vector<128x128xf32> to vector<128x128xbf16>
    %convert_element_type3A_295 = arith.extf %convert_element_type3A_294 : vector<128x128xbf16> to vector<128x128xf32>
    %slice3A_296 = vector.extract_strided_slice %convert_element_type3A_13 {offsets = [0, 40], sizes = [128, 1], strides = [1, 1]} : vector<128x128xf32> to vector<128x1xf32>
    %mul3A_297 = vector.broadcast %slice3A_296 : vector<128x1xf32> to vector<128x128xf32>
    %mul3A_298 = arith.mulf %mul3A_297, %convert_element_type3A_295 : vector<128x128xf32>
    %add3A_299 = arith.addf %add3A_292, %mul3A_298 : vector<128x128xf32>
    %slice3A_300 = vector.extract_strided_slice %add3A_9 {offsets = [0, 5248], sizes = [128, 128], strides = [1, 1]} : vector<128x16384xf32> to vector<128x128xf32>
    %convert_element_type3A_301 = arith.truncf %slice3A_300 : vector<128x128xf32> to vector<128x128xbf16>
    %convert_element_type3A_302 = arith.extf %convert_element_type3A_301 : vector<128x128xbf16> to vector<128x128xf32>
    %slice3A_303 = vector.extract_strided_slice %convert_element_type3A_13 {offsets = [0, 41], sizes = [128, 1], strides = [1, 1]} : vector<128x128xf32> to vector<128x1xf32>
    %mul3A_304 = vector.broadcast %slice3A_303 : vector<128x1xf32> to vector<128x128xf32>
    %mul3A_305 = arith.mulf %mul3A_304, %convert_element_type3A_302 : vector<128x128xf32>
    %add3A_306 = arith.addf %add3A_299, %mul3A_305 : vector<128x128xf32>
    %slice3A_307 = vector.extract_strided_slice %add3A_9 {offsets = [0, 5376], sizes = [128, 128], strides = [1, 1]} : vector<128x16384xf32> to vector<128x128xf32>
    %convert_element_type3A_308 = arith.truncf %slice3A_307 : vector<128x128xf32> to vector<128x128xbf16>
    %convert_element_type3A_309 = arith.extf %convert_element_type3A_308 : vector<128x128xbf16> to vector<128x128xf32>
    %slice3A_310 = vector.extract_strided_slice %convert_element_type3A_13 {offsets = [0, 42], sizes = [128, 1], strides = [1, 1]} : vector<128x128xf32> to vector<128x1xf32>
    %mul3A_311 = vector.broadcast %slice3A_310 : vector<128x1xf32> to vector<128x128xf32>
    %mul3A_312 = arith.mulf %mul3A_311, %convert_element_type3A_309 : vector<128x128xf32>
    %add3A_313 = arith.addf %add3A_306, %mul3A_312 : vector<128x128xf32>
    %slice3A_314 = vector.extract_strided_slice %add3A_9 {offsets = [0, 5504], sizes = [128, 128], strides = [1, 1]} : vector<128x16384xf32> to vector<128x128xf32>
    %convert_element_type3A_315 = arith.truncf %slice3A_314 : vector<128x128xf32> to vector<128x128xbf16>
    %convert_element_type3A_316 = arith.extf %convert_element_type3A_315 : vector<128x128xbf16> to vector<128x128xf32>
    %slice3A_317 = vector.extract_strided_slice %convert_element_type3A_13 {offsets = [0, 43], sizes = [128, 1], strides = [1, 1]} : vector<128x128xf32> to vector<128x1xf32>
    %mul3A_318 = vector.broadcast %slice3A_317 : vector<128x1xf32> to vector<128x128xf32>
    %mul3A_319 = arith.mulf %mul3A_318, %convert_element_type3A_316 : vector<128x128xf32>
    %add3A_320 = arith.addf %add3A_313, %mul3A_319 : vector<128x128xf32>
    %slice3A_321 = vector.extract_strided_slice %add3A_9 {offsets = [0, 5632], sizes = [128, 128], strides = [1, 1]} : vector<128x16384xf32> to vector<128x128xf32>
    %convert_element_type3A_322 = arith.truncf %slice3A_321 : vector<128x128xf32> to vector<128x128xbf16>
    %convert_element_type3A_323 = arith.extf %convert_element_type3A_322 : vector<128x128xbf16> to vector<128x128xf32>
    %slice3A_324 = vector.extract_strided_slice %convert_element_type3A_13 {offsets = [0, 44], sizes = [128, 1], strides = [1, 1]} : vector<128x128xf32> to vector<128x1xf32>
    %mul3A_325 = vector.broadcast %slice3A_324 : vector<128x1xf32> to vector<128x128xf32>
    %mul3A_326 = arith.mulf %mul3A_325, %convert_element_type3A_323 : vector<128x128xf32>
    %add3A_327 = arith.addf %add3A_320, %mul3A_326 : vector<128x128xf32>
    %slice3A_328 = vector.extract_strided_slice %add3A_9 {offsets = [0, 5760], sizes = [128, 128], strides = [1, 1]} : vector<128x16384xf32> to vector<128x128xf32>
    %convert_element_type3A_329 = arith.truncf %slice3A_328 : vector<128x128xf32> to vector<128x128xbf16>
    %convert_element_type3A_330 = arith.extf %convert_element_type3A_329 : vector<128x128xbf16> to vector<128x128xf32>
    %slice3A_331 = vector.extract_strided_slice %convert_element_type3A_13 {offsets = [0, 45], sizes = [128, 1], strides = [1, 1]} : vector<128x128xf32> to vector<128x1xf32>
    %mul3A_332 = vector.broadcast %slice3A_331 : vector<128x1xf32> to vector<128x128xf32>
    %mul3A_333 = arith.mulf %mul3A_332, %convert_element_type3A_330 : vector<128x128xf32>
    %add3A_334 = arith.addf %add3A_327, %mul3A_333 : vector<128x128xf32>
    %slice3A_335 = vector.extract_strided_slice %add3A_9 {offsets = [0, 5888], sizes = [128, 128], strides = [1, 1]} : vector<128x16384xf32> to vector<128x128xf32>
    %convert_element_type3A_336 = arith.truncf %slice3A_335 : vector<128x128xf32> to vector<128x128xbf16>
    %convert_element_type3A_337 = arith.extf %convert_element_type3A_336 : vector<128x128xbf16> to vector<128x128xf32>
    %slice3A_338 = vector.extract_strided_slice %convert_element_type3A_13 {offsets = [0, 46], sizes = [128, 1], strides = [1, 1]} : vector<128x128xf32> to vector<128x1xf32>
    %mul3A_339 = vector.broadcast %slice3A_338 : vector<128x1xf32> to vector<128x128xf32>
    %mul3A_340 = arith.mulf %mul3A_339, %convert_element_type3A_337 : vector<128x128xf32>
    %add3A_341 = arith.addf %add3A_334, %mul3A_340 : vector<128x128xf32>
    %slice3A_342 = vector.extract_strided_slice %add3A_9 {offsets = [0, 6016], sizes = [128, 128], strides = [1, 1]} : vector<128x16384xf32> to vector<128x128xf32>
    %convert_element_type3A_343 = arith.truncf %slice3A_342 : vector<128x128xf32> to vector<128x128xbf16>
    %convert_element_type3A_344 = arith.extf %convert_element_type3A_343 : vector<128x128xbf16> to vector<128x128xf32>
    %slice3A_345 = vector.extract_strided_slice %convert_element_type3A_13 {offsets = [0, 47], sizes = [128, 1], strides = [1, 1]} : vector<128x128xf32> to vector<128x1xf32>
    %mul3A_346 = vector.broadcast %slice3A_345 : vector<128x1xf32> to vector<128x128xf32>
    %mul3A_347 = arith.mulf %mul3A_346, %convert_element_type3A_344 : vector<128x128xf32>
    %add3A_348 = arith.addf %add3A_341, %mul3A_347 : vector<128x128xf32>
    %slice3A_349 = vector.extract_strided_slice %add3A_9 {offsets = [0, 6144], sizes = [128, 128], strides = [1, 1]} : vector<128x16384xf32> to vector<128x128xf32>
    %convert_element_type3A_350 = arith.truncf %slice3A_349 : vector<128x128xf32> to vector<128x128xbf16>
    %convert_element_type3A_351 = arith.extf %convert_element_type3A_350 : vector<128x128xbf16> to vector<128x128xf32>
    %slice3A_352 = vector.extract_strided_slice %convert_element_type3A_13 {offsets = [0, 48], sizes = [128, 1], strides = [1, 1]} : vector<128x128xf32> to vector<128x1xf32>
    %mul3A_353 = vector.broadcast %slice3A_352 : vector<128x1xf32> to vector<128x128xf32>
    %mul3A_354 = arith.mulf %mul3A_353, %convert_element_type3A_351 : vector<128x128xf32>
    %add3A_355 = arith.addf %add3A_348, %mul3A_354 : vector<128x128xf32>
    %slice3A_356 = vector.extract_strided_slice %add3A_9 {offsets = [0, 6272], sizes = [128, 128], strides = [1, 1]} : vector<128x16384xf32> to vector<128x128xf32>
    %convert_element_type3A_357 = arith.truncf %slice3A_356 : vector<128x128xf32> to vector<128x128xbf16>
    %convert_element_type3A_358 = arith.extf %convert_element_type3A_357 : vector<128x128xbf16> to vector<128x128xf32>
    %slice3A_359 = vector.extract_strided_slice %convert_element_type3A_13 {offsets = [0, 49], sizes = [128, 1], strides = [1, 1]} : vector<128x128xf32> to vector<128x1xf32>
    %mul3A_360 = vector.broadcast %slice3A_359 : vector<128x1xf32> to vector<128x128xf32>
    %mul3A_361 = arith.mulf %mul3A_360, %convert_element_type3A_358 : vector<128x128xf32>
    %add3A_362 = arith.addf %add3A_355, %mul3A_361 : vector<128x128xf32>
    %slice3A_363 = vector.extract_strided_slice %add3A_9 {offsets = [0, 6400], sizes = [128, 128], strides = [1, 1]} : vector<128x16384xf32> to vector<128x128xf32>
    %convert_element_type3A_364 = arith.truncf %slice3A_363 : vector<128x128xf32> to vector<128x128xbf16>
    %convert_element_type3A_365 = arith.extf %convert_element_type3A_364 : vector<128x128xbf16> to vector<128x128xf32>
    %slice3A_366 = vector.extract_strided_slice %convert_element_type3A_13 {offsets = [0, 50], sizes = [128, 1], strides = [1, 1]} : vector<128x128xf32> to vector<128x1xf32>
    %mul3A_367 = vector.broadcast %slice3A_366 : vector<128x1xf32> to vector<128x128xf32>
    %mul3A_368 = arith.mulf %mul3A_367, %convert_element_type3A_365 : vector<128x128xf32>
    %add3A_369 = arith.addf %add3A_362, %mul3A_368 : vector<128x128xf32>
    %slice3A_370 = vector.extract_strided_slice %add3A_9 {offsets = [0, 6528], sizes = [128, 128], strides = [1, 1]} : vector<128x16384xf32> to vector<128x128xf32>
    %convert_element_type3A_371 = arith.truncf %slice3A_370 : vector<128x128xf32> to vector<128x128xbf16>
    %convert_element_type3A_372 = arith.extf %convert_element_type3A_371 : vector<128x128xbf16> to vector<128x128xf32>
    %slice3A_373 = vector.extract_strided_slice %convert_element_type3A_13 {offsets = [0, 51], sizes = [128, 1], strides = [1, 1]} : vector<128x128xf32> to vector<128x1xf32>
    %mul3A_374 = vector.broadcast %slice3A_373 : vector<128x1xf32> to vector<128x128xf32>
    %mul3A_375 = arith.mulf %mul3A_374, %convert_element_type3A_372 : vector<128x128xf32>
    %add3A_376 = arith.addf %add3A_369, %mul3A_375 : vector<128x128xf32>
    %slice3A_377 = vector.extract_strided_slice %add3A_9 {offsets = [0, 6656], sizes = [128, 128], strides = [1, 1]} : vector<128x16384xf32> to vector<128x128xf32>
    %convert_element_type3A_378 = arith.truncf %slice3A_377 : vector<128x128xf32> to vector<128x128xbf16>
    %convert_element_type3A_379 = arith.extf %convert_element_type3A_378 : vector<128x128xbf16> to vector<128x128xf32>
    %slice3A_380 = vector.extract_strided_slice %convert_element_type3A_13 {offsets = [0, 52], sizes = [128, 1], strides = [1, 1]} : vector<128x128xf32> to vector<128x1xf32>
    %mul3A_381 = vector.broadcast %slice3A_380 : vector<128x1xf32> to vector<128x128xf32>
    %mul3A_382 = arith.mulf %mul3A_381, %convert_element_type3A_379 : vector<128x128xf32>
    %add3A_383 = arith.addf %add3A_376, %mul3A_382 : vector<128x128xf32>
    %slice3A_384 = vector.extract_strided_slice %add3A_9 {offsets = [0, 6784], sizes = [128, 128], strides = [1, 1]} : vector<128x16384xf32> to vector<128x128xf32>
    %convert_element_type3A_385 = arith.truncf %slice3A_384 : vector<128x128xf32> to vector<128x128xbf16>
    %convert_element_type3A_386 = arith.extf %convert_element_type3A_385 : vector<128x128xbf16> to vector<128x128xf32>
    %slice3A_387 = vector.extract_strided_slice %convert_element_type3A_13 {offsets = [0, 53], sizes = [128, 1], strides = [1, 1]} : vector<128x128xf32> to vector<128x1xf32>
    %mul3A_388 = vector.broadcast %slice3A_387 : vector<128x1xf32> to vector<128x128xf32>
    %mul3A_389 = arith.mulf %mul3A_388, %convert_element_type3A_386 : vector<128x128xf32>
    %add3A_390 = arith.addf %add3A_383, %mul3A_389 : vector<128x128xf32>
    %slice3A_391 = vector.extract_strided_slice %add3A_9 {offsets = [0, 6912], sizes = [128, 128], strides = [1, 1]} : vector<128x16384xf32> to vector<128x128xf32>
    %convert_element_type3A_392 = arith.truncf %slice3A_391 : vector<128x128xf32> to vector<128x128xbf16>
    %convert_element_type3A_393 = arith.extf %convert_element_type3A_392 : vector<128x128xbf16> to vector<128x128xf32>
    %slice3A_394 = vector.extract_strided_slice %convert_element_type3A_13 {offsets = [0, 54], sizes = [128, 1], strides = [1, 1]} : vector<128x128xf32> to vector<128x1xf32>
    %mul3A_395 = vector.broadcast %slice3A_394 : vector<128x1xf32> to vector<128x128xf32>
    %mul3A_396 = arith.mulf %mul3A_395, %convert_element_type3A_393 : vector<128x128xf32>
    %add3A_397 = arith.addf %add3A_390, %mul3A_396 : vector<128x128xf32>
    %slice3A_398 = vector.extract_strided_slice %add3A_9 {offsets = [0, 7040], sizes = [128, 128], strides = [1, 1]} : vector<128x16384xf32> to vector<128x128xf32>
    %convert_element_type3A_399 = arith.truncf %slice3A_398 : vector<128x128xf32> to vector<128x128xbf16>
    %convert_element_type3A_400 = arith.extf %convert_element_type3A_399 : vector<128x128xbf16> to vector<128x128xf32>
    %slice3A_401 = vector.extract_strided_slice %convert_element_type3A_13 {offsets = [0, 55], sizes = [128, 1], strides = [1, 1]} : vector<128x128xf32> to vector<128x1xf32>
    %mul3A_402 = vector.broadcast %slice3A_401 : vector<128x1xf32> to vector<128x128xf32>
    %mul3A_403 = arith.mulf %mul3A_402, %convert_element_type3A_400 : vector<128x128xf32>
    %add3A_404 = arith.addf %add3A_397, %mul3A_403 : vector<128x128xf32>
    %slice3A_405 = vector.extract_strided_slice %add3A_9 {offsets = [0, 7168], sizes = [128, 128], strides = [1, 1]} : vector<128x16384xf32> to vector<128x128xf32>
    %convert_element_type3A_406 = arith.truncf %slice3A_405 : vector<128x128xf32> to vector<128x128xbf16>
    %convert_element_type3A_407 = arith.extf %convert_element_type3A_406 : vector<128x128xbf16> to vector<128x128xf32>
    %slice3A_408 = vector.extract_strided_slice %convert_element_type3A_13 {offsets = [0, 56], sizes = [128, 1], strides = [1, 1]} : vector<128x128xf32> to vector<128x1xf32>
    %mul3A_409 = vector.broadcast %slice3A_408 : vector<128x1xf32> to vector<128x128xf32>
    %mul3A_410 = arith.mulf %mul3A_409, %convert_element_type3A_407 : vector<128x128xf32>
    %add3A_411 = arith.addf %add3A_404, %mul3A_410 : vector<128x128xf32>
    %slice3A_412 = vector.extract_strided_slice %add3A_9 {offsets = [0, 7296], sizes = [128, 128], strides = [1, 1]} : vector<128x16384xf32> to vector<128x128xf32>
    %convert_element_type3A_413 = arith.truncf %slice3A_412 : vector<128x128xf32> to vector<128x128xbf16>
    %convert_element_type3A_414 = arith.extf %convert_element_type3A_413 : vector<128x128xbf16> to vector<128x128xf32>
    %slice3A_415 = vector.extract_strided_slice %convert_element_type3A_13 {offsets = [0, 57], sizes = [128, 1], strides = [1, 1]} : vector<128x128xf32> to vector<128x1xf32>
    %mul3A_416 = vector.broadcast %slice3A_415 : vector<128x1xf32> to vector<128x128xf32>
    %mul3A_417 = arith.mulf %mul3A_416, %convert_element_type3A_414 : vector<128x128xf32>
    %add3A_418 = arith.addf %add3A_411, %mul3A_417 : vector<128x128xf32>
    %slice3A_419 = vector.extract_strided_slice %add3A_9 {offsets = [0, 7424], sizes = [128, 128], strides = [1, 1]} : vector<128x16384xf32> to vector<128x128xf32>
    %convert_element_type3A_420 = arith.truncf %slice3A_419 : vector<128x128xf32> to vector<128x128xbf16>
    %convert_element_type3A_421 = arith.extf %convert_element_type3A_420 : vector<128x128xbf16> to vector<128x128xf32>
    %slice3A_422 = vector.extract_strided_slice %convert_element_type3A_13 {offsets = [0, 58], sizes = [128, 1], strides = [1, 1]} : vector<128x128xf32> to vector<128x1xf32>
    %mul3A_423 = vector.broadcast %slice3A_422 : vector<128x1xf32> to vector<128x128xf32>
    %mul3A_424 = arith.mulf %mul3A_423, %convert_element_type3A_421 : vector<128x128xf32>
    %add3A_425 = arith.addf %add3A_418, %mul3A_424 : vector<128x128xf32>
    %slice3A_426 = vector.extract_strided_slice %add3A_9 {offsets = [0, 7552], sizes = [128, 128], strides = [1, 1]} : vector<128x16384xf32> to vector<128x128xf32>
    %convert_element_type3A_427 = arith.truncf %slice3A_426 : vector<128x128xf32> to vector<128x128xbf16>
    %convert_element_type3A_428 = arith.extf %convert_element_type3A_427 : vector<128x128xbf16> to vector<128x128xf32>
    %slice3A_429 = vector.extract_strided_slice %convert_element_type3A_13 {offsets = [0, 59], sizes = [128, 1], strides = [1, 1]} : vector<128x128xf32> to vector<128x1xf32>
    %mul3A_430 = vector.broadcast %slice3A_429 : vector<128x1xf32> to vector<128x128xf32>
    %mul3A_431 = arith.mulf %mul3A_430, %convert_element_type3A_428 : vector<128x128xf32>
    %add3A_432 = arith.addf %add3A_425, %mul3A_431 : vector<128x128xf32>
    %slice3A_433 = vector.extract_strided_slice %add3A_9 {offsets = [0, 7680], sizes = [128, 128], strides = [1, 1]} : vector<128x16384xf32> to vector<128x128xf32>
    %convert_element_type3A_434 = arith.truncf %slice3A_433 : vector<128x128xf32> to vector<128x128xbf16>
    %convert_element_type3A_435 = arith.extf %convert_element_type3A_434 : vector<128x128xbf16> to vector<128x128xf32>
    %slice3A_436 = vector.extract_strided_slice %convert_element_type3A_13 {offsets = [0, 60], sizes = [128, 1], strides = [1, 1]} : vector<128x128xf32> to vector<128x1xf32>
    %mul3A_437 = vector.broadcast %slice3A_436 : vector<128x1xf32> to vector<128x128xf32>
    %mul3A_438 = arith.mulf %mul3A_437, %convert_element_type3A_435 : vector<128x128xf32>
    %add3A_439 = arith.addf %add3A_432, %mul3A_438 : vector<128x128xf32>
    %slice3A_440 = vector.extract_strided_slice %add3A_9 {offsets = [0, 7808], sizes = [128, 128], strides = [1, 1]} : vector<128x16384xf32> to vector<128x128xf32>
    %convert_element_type3A_441 = arith.truncf %slice3A_440 : vector<128x128xf32> to vector<128x128xbf16>
    %convert_element_type3A_442 = arith.extf %convert_element_type3A_441 : vector<128x128xbf16> to vector<128x128xf32>
    %slice3A_443 = vector.extract_strided_slice %convert_element_type3A_13 {offsets = [0, 61], sizes = [128, 1], strides = [1, 1]} : vector<128x128xf32> to vector<128x1xf32>
    %mul3A_444 = vector.broadcast %slice3A_443 : vector<128x1xf32> to vector<128x128xf32>
    %mul3A_445 = arith.mulf %mul3A_444, %convert_element_type3A_442 : vector<128x128xf32>
    %add3A_446 = arith.addf %add3A_439, %mul3A_445 : vector<128x128xf32>
    %slice3A_447 = vector.extract_strided_slice %add3A_9 {offsets = [0, 7936], sizes = [128, 128], strides = [1, 1]} : vector<128x16384xf32> to vector<128x128xf32>
    %convert_element_type3A_448 = arith.truncf %slice3A_447 : vector<128x128xf32> to vector<128x128xbf16>
    %convert_element_type3A_449 = arith.extf %convert_element_type3A_448 : vector<128x128xbf16> to vector<128x128xf32>
    %slice3A_450 = vector.extract_strided_slice %convert_element_type3A_13 {offsets = [0, 62], sizes = [128, 1], strides = [1, 1]} : vector<128x128xf32> to vector<128x1xf32>
    %mul3A_451 = vector.broadcast %slice3A_450 : vector<128x1xf32> to vector<128x128xf32>
    %mul3A_452 = arith.mulf %mul3A_451, %convert_element_type3A_449 : vector<128x128xf32>
    %add3A_453 = arith.addf %add3A_446, %mul3A_452 : vector<128x128xf32>
    %slice3A_454 = vector.extract_strided_slice %add3A_9 {offsets = [0, 8064], sizes = [128, 128], strides = [1, 1]} : vector<128x16384xf32> to vector<128x128xf32>
    %convert_element_type3A_455 = arith.truncf %slice3A_454 : vector<128x128xf32> to vector<128x128xbf16>
    %convert_element_type3A_456 = arith.extf %convert_element_type3A_455 : vector<128x128xbf16> to vector<128x128xf32>
    %slice3A_457 = vector.extract_strided_slice %convert_element_type3A_13 {offsets = [0, 63], sizes = [128, 1], strides = [1, 1]} : vector<128x128xf32> to vector<128x1xf32>
    %mul3A_458 = vector.broadcast %slice3A_457 : vector<128x1xf32> to vector<128x128xf32>
    %mul3A_459 = arith.mulf %mul3A_458, %convert_element_type3A_456 : vector<128x128xf32>
    %add3A_460 = arith.addf %add3A_453, %mul3A_459 : vector<128x128xf32>
    %slice3A_461 = vector.extract_strided_slice %add3A_9 {offsets = [0, 8192], sizes = [128, 128], strides = [1, 1]} : vector<128x16384xf32> to vector<128x128xf32>
    %convert_element_type3A_462 = arith.truncf %slice3A_461 : vector<128x128xf32> to vector<128x128xbf16>
    %convert_element_type3A_463 = arith.extf %convert_element_type3A_462 : vector<128x128xbf16> to vector<128x128xf32>
    %slice3A_464 = vector.extract_strided_slice %convert_element_type3A_13 {offsets = [0, 64], sizes = [128, 1], strides = [1, 1]} : vector<128x128xf32> to vector<128x1xf32>
    %mul3A_465 = vector.broadcast %slice3A_464 : vector<128x1xf32> to vector<128x128xf32>
    %mul3A_466 = arith.mulf %mul3A_465, %convert_element_type3A_463 : vector<128x128xf32>
    %add3A_467 = arith.addf %add3A_460, %mul3A_466 : vector<128x128xf32>
    %slice3A_468 = vector.extract_strided_slice %add3A_9 {offsets = [0, 8320], sizes = [128, 128], strides = [1, 1]} : vector<128x16384xf32> to vector<128x128xf32>
    %convert_element_type3A_469 = arith.truncf %slice3A_468 : vector<128x128xf32> to vector<128x128xbf16>
    %convert_element_type3A_470 = arith.extf %convert_element_type3A_469 : vector<128x128xbf16> to vector<128x128xf32>
    %slice3A_471 = vector.extract_strided_slice %convert_element_type3A_13 {offsets = [0, 65], sizes = [128, 1], strides = [1, 1]} : vector<128x128xf32> to vector<128x1xf32>
    %mul3A_472 = vector.broadcast %slice3A_471 : vector<128x1xf32> to vector<128x128xf32>
    %mul3A_473 = arith.mulf %mul3A_472, %convert_element_type3A_470 : vector<128x128xf32>
    %add3A_474 = arith.addf %add3A_467, %mul3A_473 : vector<128x128xf32>
    %slice3A_475 = vector.extract_strided_slice %add3A_9 {offsets = [0, 8448], sizes = [128, 128], strides = [1, 1]} : vector<128x16384xf32> to vector<128x128xf32>
    %convert_element_type3A_476 = arith.truncf %slice3A_475 : vector<128x128xf32> to vector<128x128xbf16>
    %convert_element_type3A_477 = arith.extf %convert_element_type3A_476 : vector<128x128xbf16> to vector<128x128xf32>
    %slice3A_478 = vector.extract_strided_slice %convert_element_type3A_13 {offsets = [0, 66], sizes = [128, 1], strides = [1, 1]} : vector<128x128xf32> to vector<128x1xf32>
    %mul3A_479 = vector.broadcast %slice3A_478 : vector<128x1xf32> to vector<128x128xf32>
    %mul3A_480 = arith.mulf %mul3A_479, %convert_element_type3A_477 : vector<128x128xf32>
    %add3A_481 = arith.addf %add3A_474, %mul3A_480 : vector<128x128xf32>
    %slice3A_482 = vector.extract_strided_slice %add3A_9 {offsets = [0, 8576], sizes = [128, 128], strides = [1, 1]} : vector<128x16384xf32> to vector<128x128xf32>
    %convert_element_type3A_483 = arith.truncf %slice3A_482 : vector<128x128xf32> to vector<128x128xbf16>
    %convert_element_type3A_484 = arith.extf %convert_element_type3A_483 : vector<128x128xbf16> to vector<128x128xf32>
    %slice3A_485 = vector.extract_strided_slice %convert_element_type3A_13 {offsets = [0, 67], sizes = [128, 1], strides = [1, 1]} : vector<128x128xf32> to vector<128x1xf32>
    %mul3A_486 = vector.broadcast %slice3A_485 : vector<128x1xf32> to vector<128x128xf32>
    %mul3A_487 = arith.mulf %mul3A_486, %convert_element_type3A_484 : vector<128x128xf32>
    %add3A_488 = arith.addf %add3A_481, %mul3A_487 : vector<128x128xf32>
    %slice3A_489 = vector.extract_strided_slice %add3A_9 {offsets = [0, 8704], sizes = [128, 128], strides = [1, 1]} : vector<128x16384xf32> to vector<128x128xf32>
    %convert_element_type3A_490 = arith.truncf %slice3A_489 : vector<128x128xf32> to vector<128x128xbf16>
    %convert_element_type3A_491 = arith.extf %convert_element_type3A_490 : vector<128x128xbf16> to vector<128x128xf32>
    %slice3A_492 = vector.extract_strided_slice %convert_element_type3A_13 {offsets = [0, 68], sizes = [128, 1], strides = [1, 1]} : vector<128x128xf32> to vector<128x1xf32>
    %mul3A_493 = vector.broadcast %slice3A_492 : vector<128x1xf32> to vector<128x128xf32>
    %mul3A_494 = arith.mulf %mul3A_493, %convert_element_type3A_491 : vector<128x128xf32>
    %add3A_495 = arith.addf %add3A_488, %mul3A_494 : vector<128x128xf32>
    %slice3A_496 = vector.extract_strided_slice %add3A_9 {offsets = [0, 8832], sizes = [128, 128], strides = [1, 1]} : vector<128x16384xf32> to vector<128x128xf32>
    %convert_element_type3A_497 = arith.truncf %slice3A_496 : vector<128x128xf32> to vector<128x128xbf16>
    %convert_element_type3A_498 = arith.extf %convert_element_type3A_497 : vector<128x128xbf16> to vector<128x128xf32>
    %slice3A_499 = vector.extract_strided_slice %convert_element_type3A_13 {offsets = [0, 69], sizes = [128, 1], strides = [1, 1]} : vector<128x128xf32> to vector<128x1xf32>
    %mul3A_500 = vector.broadcast %slice3A_499 : vector<128x1xf32> to vector<128x128xf32>
    %mul3A_501 = arith.mulf %mul3A_500, %convert_element_type3A_498 : vector<128x128xf32>
    %add3A_502 = arith.addf %add3A_495, %mul3A_501 : vector<128x128xf32>
    %slice3A_503 = vector.extract_strided_slice %add3A_9 {offsets = [0, 8960], sizes = [128, 128], strides = [1, 1]} : vector<128x16384xf32> to vector<128x128xf32>
    %convert_element_type3A_504 = arith.truncf %slice3A_503 : vector<128x128xf32> to vector<128x128xbf16>
    %convert_element_type3A_505 = arith.extf %convert_element_type3A_504 : vector<128x128xbf16> to vector<128x128xf32>
    %slice3A_506 = vector.extract_strided_slice %convert_element_type3A_13 {offsets = [0, 70], sizes = [128, 1], strides = [1, 1]} : vector<128x128xf32> to vector<128x1xf32>
    %mul3A_507 = vector.broadcast %slice3A_506 : vector<128x1xf32> to vector<128x128xf32>
    %mul3A_508 = arith.mulf %mul3A_507, %convert_element_type3A_505 : vector<128x128xf32>
    %add3A_509 = arith.addf %add3A_502, %mul3A_508 : vector<128x128xf32>
    %slice3A_510 = vector.extract_strided_slice %add3A_9 {offsets = [0, 9088], sizes = [128, 128], strides = [1, 1]} : vector<128x16384xf32> to vector<128x128xf32>
    %convert_element_type3A_511 = arith.truncf %slice3A_510 : vector<128x128xf32> to vector<128x128xbf16>
    %convert_element_type3A_512 = arith.extf %convert_element_type3A_511 : vector<128x128xbf16> to vector<128x128xf32>
    %slice3A_513 = vector.extract_strided_slice %convert_element_type3A_13 {offsets = [0, 71], sizes = [128, 1], strides = [1, 1]} : vector<128x128xf32> to vector<128x1xf32>
    %mul3A_514 = vector.broadcast %slice3A_513 : vector<128x1xf32> to vector<128x128xf32>
    %mul3A_515 = arith.mulf %mul3A_514, %convert_element_type3A_512 : vector<128x128xf32>
    %add3A_516 = arith.addf %add3A_509, %mul3A_515 : vector<128x128xf32>
    %slice3A_517 = vector.extract_strided_slice %add3A_9 {offsets = [0, 9216], sizes = [128, 128], strides = [1, 1]} : vector<128x16384xf32> to vector<128x128xf32>
    %convert_element_type3A_518 = arith.truncf %slice3A_517 : vector<128x128xf32> to vector<128x128xbf16>
    %convert_element_type3A_519 = arith.extf %convert_element_type3A_518 : vector<128x128xbf16> to vector<128x128xf32>
    %slice3A_520 = vector.extract_strided_slice %convert_element_type3A_13 {offsets = [0, 72], sizes = [128, 1], strides = [1, 1]} : vector<128x128xf32> to vector<128x1xf32>
    %mul3A_521 = vector.broadcast %slice3A_520 : vector<128x1xf32> to vector<128x128xf32>
    %mul3A_522 = arith.mulf %mul3A_521, %convert_element_type3A_519 : vector<128x128xf32>
    %add3A_523 = arith.addf %add3A_516, %mul3A_522 : vector<128x128xf32>
    %slice3A_524 = vector.extract_strided_slice %add3A_9 {offsets = [0, 9344], sizes = [128, 128], strides = [1, 1]} : vector<128x16384xf32> to vector<128x128xf32>
    %convert_element_type3A_525 = arith.truncf %slice3A_524 : vector<128x128xf32> to vector<128x128xbf16>
    %convert_element_type3A_526 = arith.extf %convert_element_type3A_525 : vector<128x128xbf16> to vector<128x128xf32>
    %slice3A_527 = vector.extract_strided_slice %convert_element_type3A_13 {offsets = [0, 73], sizes = [128, 1], strides = [1, 1]} : vector<128x128xf32> to vector<128x1xf32>
    %mul3A_528 = vector.broadcast %slice3A_527 : vector<128x1xf32> to vector<128x128xf32>
    %mul3A_529 = arith.mulf %mul3A_528, %convert_element_type3A_526 : vector<128x128xf32>
    %add3A_530 = arith.addf %add3A_523, %mul3A_529 : vector<128x128xf32>
    %slice3A_531 = vector.extract_strided_slice %add3A_9 {offsets = [0, 9472], sizes = [128, 128], strides = [1, 1]} : vector<128x16384xf32> to vector<128x128xf32>
    %convert_element_type3A_532 = arith.truncf %slice3A_531 : vector<128x128xf32> to vector<128x128xbf16>
    %convert_element_type3A_533 = arith.extf %convert_element_type3A_532 : vector<128x128xbf16> to vector<128x128xf32>
    %slice3A_534 = vector.extract_strided_slice %convert_element_type3A_13 {offsets = [0, 74], sizes = [128, 1], strides = [1, 1]} : vector<128x128xf32> to vector<128x1xf32>
    %mul3A_535 = vector.broadcast %slice3A_534 : vector<128x1xf32> to vector<128x128xf32>
    %mul3A_536 = arith.mulf %mul3A_535, %convert_element_type3A_533 : vector<128x128xf32>
    %add3A_537 = arith.addf %add3A_530, %mul3A_536 : vector<128x128xf32>
    %slice3A_538 = vector.extract_strided_slice %add3A_9 {offsets = [0, 9600], sizes = [128, 128], strides = [1, 1]} : vector<128x16384xf32> to vector<128x128xf32>
    %convert_element_type3A_539 = arith.truncf %slice3A_538 : vector<128x128xf32> to vector<128x128xbf16>
    %convert_element_type3A_540 = arith.extf %convert_element_type3A_539 : vector<128x128xbf16> to vector<128x128xf32>
    %slice3A_541 = vector.extract_strided_slice %convert_element_type3A_13 {offsets = [0, 75], sizes = [128, 1], strides = [1, 1]} : vector<128x128xf32> to vector<128x1xf32>
    %mul3A_542 = vector.broadcast %slice3A_541 : vector<128x1xf32> to vector<128x128xf32>
    %mul3A_543 = arith.mulf %mul3A_542, %convert_element_type3A_540 : vector<128x128xf32>
    %add3A_544 = arith.addf %add3A_537, %mul3A_543 : vector<128x128xf32>
    %slice3A_545 = vector.extract_strided_slice %add3A_9 {offsets = [0, 9728], sizes = [128, 128], strides = [1, 1]} : vector<128x16384xf32> to vector<128x128xf32>
    %convert_element_type3A_546 = arith.truncf %slice3A_545 : vector<128x128xf32> to vector<128x128xbf16>
    %convert_element_type3A_547 = arith.extf %convert_element_type3A_546 : vector<128x128xbf16> to vector<128x128xf32>
    %slice3A_548 = vector.extract_strided_slice %convert_element_type3A_13 {offsets = [0, 76], sizes = [128, 1], strides = [1, 1]} : vector<128x128xf32> to vector<128x1xf32>
    %mul3A_549 = vector.broadcast %slice3A_548 : vector<128x1xf32> to vector<128x128xf32>
    %mul3A_550 = arith.mulf %mul3A_549, %convert_element_type3A_547 : vector<128x128xf32>
    %add3A_551 = arith.addf %add3A_544, %mul3A_550 : vector<128x128xf32>
    %slice3A_552 = vector.extract_strided_slice %add3A_9 {offsets = [0, 9856], sizes = [128, 128], strides = [1, 1]} : vector<128x16384xf32> to vector<128x128xf32>
    %convert_element_type3A_553 = arith.truncf %slice3A_552 : vector<128x128xf32> to vector<128x128xbf16>
    %convert_element_type3A_554 = arith.extf %convert_element_type3A_553 : vector<128x128xbf16> to vector<128x128xf32>
    %slice3A_555 = vector.extract_strided_slice %convert_element_type3A_13 {offsets = [0, 77], sizes = [128, 1], strides = [1, 1]} : vector<128x128xf32> to vector<128x1xf32>
    %mul3A_556 = vector.broadcast %slice3A_555 : vector<128x1xf32> to vector<128x128xf32>
    %mul3A_557 = arith.mulf %mul3A_556, %convert_element_type3A_554 : vector<128x128xf32>
    %add3A_558 = arith.addf %add3A_551, %mul3A_557 : vector<128x128xf32>
    %slice3A_559 = vector.extract_strided_slice %add3A_9 {offsets = [0, 9984], sizes = [128, 128], strides = [1, 1]} : vector<128x16384xf32> to vector<128x128xf32>
    %convert_element_type3A_560 = arith.truncf %slice3A_559 : vector<128x128xf32> to vector<128x128xbf16>
    %convert_element_type3A_561 = arith.extf %convert_element_type3A_560 : vector<128x128xbf16> to vector<128x128xf32>
    %slice3A_562 = vector.extract_strided_slice %convert_element_type3A_13 {offsets = [0, 78], sizes = [128, 1], strides = [1, 1]} : vector<128x128xf32> to vector<128x1xf32>
    %mul3A_563 = vector.broadcast %slice3A_562 : vector<128x1xf32> to vector<128x128xf32>
    %mul3A_564 = arith.mulf %mul3A_563, %convert_element_type3A_561 : vector<128x128xf32>
    %add3A_565 = arith.addf %add3A_558, %mul3A_564 : vector<128x128xf32>
    %slice3A_566 = vector.extract_strided_slice %add3A_9 {offsets = [0, 10112], sizes = [128, 128], strides = [1, 1]} : vector<128x16384xf32> to vector<128x128xf32>
    %convert_element_type3A_567 = arith.truncf %slice3A_566 : vector<128x128xf32> to vector<128x128xbf16>
    %convert_element_type3A_568 = arith.extf %convert_element_type3A_567 : vector<128x128xbf16> to vector<128x128xf32>
    %slice3A_569 = vector.extract_strided_slice %convert_element_type3A_13 {offsets = [0, 79], sizes = [128, 1], strides = [1, 1]} : vector<128x128xf32> to vector<128x1xf32>
    %mul3A_570 = vector.broadcast %slice3A_569 : vector<128x1xf32> to vector<128x128xf32>
    %mul3A_571 = arith.mulf %mul3A_570, %convert_element_type3A_568 : vector<128x128xf32>
    %add3A_572 = arith.addf %add3A_565, %mul3A_571 : vector<128x128xf32>
    %slice3A_573 = vector.extract_strided_slice %add3A_9 {offsets = [0, 10240], sizes = [128, 128], strides = [1, 1]} : vector<128x16384xf32> to vector<128x128xf32>
    %convert_element_type3A_574 = arith.truncf %slice3A_573 : vector<128x128xf32> to vector<128x128xbf16>
    %convert_element_type3A_575 = arith.extf %convert_element_type3A_574 : vector<128x128xbf16> to vector<128x128xf32>
    %slice3A_576 = vector.extract_strided_slice %convert_element_type3A_13 {offsets = [0, 80], sizes = [128, 1], strides = [1, 1]} : vector<128x128xf32> to vector<128x1xf32>
    %mul3A_577 = vector.broadcast %slice3A_576 : vector<128x1xf32> to vector<128x128xf32>
    %mul3A_578 = arith.mulf %mul3A_577, %convert_element_type3A_575 : vector<128x128xf32>
    %add3A_579 = arith.addf %add3A_572, %mul3A_578 : vector<128x128xf32>
    %slice3A_580 = vector.extract_strided_slice %add3A_9 {offsets = [0, 10368], sizes = [128, 128], strides = [1, 1]} : vector<128x16384xf32> to vector<128x128xf32>
    %convert_element_type3A_581 = arith.truncf %slice3A_580 : vector<128x128xf32> to vector<128x128xbf16>
    %convert_element_type3A_582 = arith.extf %convert_element_type3A_581 : vector<128x128xbf16> to vector<128x128xf32>
    %slice3A_583 = vector.extract_strided_slice %convert_element_type3A_13 {offsets = [0, 81], sizes = [128, 1], strides = [1, 1]} : vector<128x128xf32> to vector<128x1xf32>
    %mul3A_584 = vector.broadcast %slice3A_583 : vector<128x1xf32> to vector<128x128xf32>
    %mul3A_585 = arith.mulf %mul3A_584, %convert_element_type3A_582 : vector<128x128xf32>
    %add3A_586 = arith.addf %add3A_579, %mul3A_585 : vector<128x128xf32>
    %slice3A_587 = vector.extract_strided_slice %add3A_9 {offsets = [0, 10496], sizes = [128, 128], strides = [1, 1]} : vector<128x16384xf32> to vector<128x128xf32>
    %convert_element_type3A_588 = arith.truncf %slice3A_587 : vector<128x128xf32> to vector<128x128xbf16>
    %convert_element_type3A_589 = arith.extf %convert_element_type3A_588 : vector<128x128xbf16> to vector<128x128xf32>
    %slice3A_590 = vector.extract_strided_slice %convert_element_type3A_13 {offsets = [0, 82], sizes = [128, 1], strides = [1, 1]} : vector<128x128xf32> to vector<128x1xf32>
    %mul3A_591 = vector.broadcast %slice3A_590 : vector<128x1xf32> to vector<128x128xf32>
    %mul3A_592 = arith.mulf %mul3A_591, %convert_element_type3A_589 : vector<128x128xf32>
    %add3A_593 = arith.addf %add3A_586, %mul3A_592 : vector<128x128xf32>
    %slice3A_594 = vector.extract_strided_slice %add3A_9 {offsets = [0, 10624], sizes = [128, 128], strides = [1, 1]} : vector<128x16384xf32> to vector<128x128xf32>
    %convert_element_type3A_595 = arith.truncf %slice3A_594 : vector<128x128xf32> to vector<128x128xbf16>
    %convert_element_type3A_596 = arith.extf %convert_element_type3A_595 : vector<128x128xbf16> to vector<128x128xf32>
    %slice3A_597 = vector.extract_strided_slice %convert_element_type3A_13 {offsets = [0, 83], sizes = [128, 1], strides = [1, 1]} : vector<128x128xf32> to vector<128x1xf32>
    %mul3A_598 = vector.broadcast %slice3A_597 : vector<128x1xf32> to vector<128x128xf32>
    %mul3A_599 = arith.mulf %mul3A_598, %convert_element_type3A_596 : vector<128x128xf32>
    %add3A_600 = arith.addf %add3A_593, %mul3A_599 : vector<128x128xf32>
    %slice3A_601 = vector.extract_strided_slice %add3A_9 {offsets = [0, 10752], sizes = [128, 128], strides = [1, 1]} : vector<128x16384xf32> to vector<128x128xf32>
    %convert_element_type3A_602 = arith.truncf %slice3A_601 : vector<128x128xf32> to vector<128x128xbf16>
    %convert_element_type3A_603 = arith.extf %convert_element_type3A_602 : vector<128x128xbf16> to vector<128x128xf32>
    %slice3A_604 = vector.extract_strided_slice %convert_element_type3A_13 {offsets = [0, 84], sizes = [128, 1], strides = [1, 1]} : vector<128x128xf32> to vector<128x1xf32>
    %mul3A_605 = vector.broadcast %slice3A_604 : vector<128x1xf32> to vector<128x128xf32>
    %mul3A_606 = arith.mulf %mul3A_605, %convert_element_type3A_603 : vector<128x128xf32>
    %add3A_607 = arith.addf %add3A_600, %mul3A_606 : vector<128x128xf32>
    %slice3A_608 = vector.extract_strided_slice %add3A_9 {offsets = [0, 10880], sizes = [128, 128], strides = [1, 1]} : vector<128x16384xf32> to vector<128x128xf32>
    %convert_element_type3A_609 = arith.truncf %slice3A_608 : vector<128x128xf32> to vector<128x128xbf16>
    %convert_element_type3A_610 = arith.extf %convert_element_type3A_609 : vector<128x128xbf16> to vector<128x128xf32>
    %slice3A_611 = vector.extract_strided_slice %convert_element_type3A_13 {offsets = [0, 85], sizes = [128, 1], strides = [1, 1]} : vector<128x128xf32> to vector<128x1xf32>
    %mul3A_612 = vector.broadcast %slice3A_611 : vector<128x1xf32> to vector<128x128xf32>
    %mul3A_613 = arith.mulf %mul3A_612, %convert_element_type3A_610 : vector<128x128xf32>
    %add3A_614 = arith.addf %add3A_607, %mul3A_613 : vector<128x128xf32>
    %slice3A_615 = vector.extract_strided_slice %add3A_9 {offsets = [0, 11008], sizes = [128, 128], strides = [1, 1]} : vector<128x16384xf32> to vector<128x128xf32>
    %convert_element_type3A_616 = arith.truncf %slice3A_615 : vector<128x128xf32> to vector<128x128xbf16>
    %convert_element_type3A_617 = arith.extf %convert_element_type3A_616 : vector<128x128xbf16> to vector<128x128xf32>
    %slice3A_618 = vector.extract_strided_slice %convert_element_type3A_13 {offsets = [0, 86], sizes = [128, 1], strides = [1, 1]} : vector<128x128xf32> to vector<128x1xf32>
    %mul3A_619 = vector.broadcast %slice3A_618 : vector<128x1xf32> to vector<128x128xf32>
    %mul3A_620 = arith.mulf %mul3A_619, %convert_element_type3A_617 : vector<128x128xf32>
    %add3A_621 = arith.addf %add3A_614, %mul3A_620 : vector<128x128xf32>
    %slice3A_622 = vector.extract_strided_slice %add3A_9 {offsets = [0, 11136], sizes = [128, 128], strides = [1, 1]} : vector<128x16384xf32> to vector<128x128xf32>
    %convert_element_type3A_623 = arith.truncf %slice3A_622 : vector<128x128xf32> to vector<128x128xbf16>
    %convert_element_type3A_624 = arith.extf %convert_element_type3A_623 : vector<128x128xbf16> to vector<128x128xf32>
    %slice3A_625 = vector.extract_strided_slice %convert_element_type3A_13 {offsets = [0, 87], sizes = [128, 1], strides = [1, 1]} : vector<128x128xf32> to vector<128x1xf32>
    %mul3A_626 = vector.broadcast %slice3A_625 : vector<128x1xf32> to vector<128x128xf32>
    %mul3A_627 = arith.mulf %mul3A_626, %convert_element_type3A_624 : vector<128x128xf32>
    %add3A_628 = arith.addf %add3A_621, %mul3A_627 : vector<128x128xf32>
    %slice3A_629 = vector.extract_strided_slice %add3A_9 {offsets = [0, 11264], sizes = [128, 128], strides = [1, 1]} : vector<128x16384xf32> to vector<128x128xf32>
    %convert_element_type3A_630 = arith.truncf %slice3A_629 : vector<128x128xf32> to vector<128x128xbf16>
    %convert_element_type3A_631 = arith.extf %convert_element_type3A_630 : vector<128x128xbf16> to vector<128x128xf32>
    %slice3A_632 = vector.extract_strided_slice %convert_element_type3A_13 {offsets = [0, 88], sizes = [128, 1], strides = [1, 1]} : vector<128x128xf32> to vector<128x1xf32>
    %mul3A_633 = vector.broadcast %slice3A_632 : vector<128x1xf32> to vector<128x128xf32>
    %mul3A_634 = arith.mulf %mul3A_633, %convert_element_type3A_631 : vector<128x128xf32>
    %add3A_635 = arith.addf %add3A_628, %mul3A_634 : vector<128x128xf32>
    %slice3A_636 = vector.extract_strided_slice %add3A_9 {offsets = [0, 11392], sizes = [128, 128], strides = [1, 1]} : vector<128x16384xf32> to vector<128x128xf32>
    %convert_element_type3A_637 = arith.truncf %slice3A_636 : vector<128x128xf32> to vector<128x128xbf16>
    %convert_element_type3A_638 = arith.extf %convert_element_type3A_637 : vector<128x128xbf16> to vector<128x128xf32>
    %slice3A_639 = vector.extract_strided_slice %convert_element_type3A_13 {offsets = [0, 89], sizes = [128, 1], strides = [1, 1]} : vector<128x128xf32> to vector<128x1xf32>
    %mul3A_640 = vector.broadcast %slice3A_639 : vector<128x1xf32> to vector<128x128xf32>
    %mul3A_641 = arith.mulf %mul3A_640, %convert_element_type3A_638 : vector<128x128xf32>
    %add3A_642 = arith.addf %add3A_635, %mul3A_641 : vector<128x128xf32>
    %slice3A_643 = vector.extract_strided_slice %add3A_9 {offsets = [0, 11520], sizes = [128, 128], strides = [1, 1]} : vector<128x16384xf32> to vector<128x128xf32>
    %convert_element_type3A_644 = arith.truncf %slice3A_643 : vector<128x128xf32> to vector<128x128xbf16>
    %convert_element_type3A_645 = arith.extf %convert_element_type3A_644 : vector<128x128xbf16> to vector<128x128xf32>
    %slice3A_646 = vector.extract_strided_slice %convert_element_type3A_13 {offsets = [0, 90], sizes = [128, 1], strides = [1, 1]} : vector<128x128xf32> to vector<128x1xf32>
    %mul3A_647 = vector.broadcast %slice3A_646 : vector<128x1xf32> to vector<128x128xf32>
    %mul3A_648 = arith.mulf %mul3A_647, %convert_element_type3A_645 : vector<128x128xf32>
    %add3A_649 = arith.addf %add3A_642, %mul3A_648 : vector<128x128xf32>
    %slice3A_650 = vector.extract_strided_slice %add3A_9 {offsets = [0, 11648], sizes = [128, 128], strides = [1, 1]} : vector<128x16384xf32> to vector<128x128xf32>
    %convert_element_type3A_651 = arith.truncf %slice3A_650 : vector<128x128xf32> to vector<128x128xbf16>
    %convert_element_type3A_652 = arith.extf %convert_element_type3A_651 : vector<128x128xbf16> to vector<128x128xf32>
    %slice3A_653 = vector.extract_strided_slice %convert_element_type3A_13 {offsets = [0, 91], sizes = [128, 1], strides = [1, 1]} : vector<128x128xf32> to vector<128x1xf32>
    %mul3A_654 = vector.broadcast %slice3A_653 : vector<128x1xf32> to vector<128x128xf32>
    %mul3A_655 = arith.mulf %mul3A_654, %convert_element_type3A_652 : vector<128x128xf32>
    %add3A_656 = arith.addf %add3A_649, %mul3A_655 : vector<128x128xf32>
    %slice3A_657 = vector.extract_strided_slice %add3A_9 {offsets = [0, 11776], sizes = [128, 128], strides = [1, 1]} : vector<128x16384xf32> to vector<128x128xf32>
    %convert_element_type3A_658 = arith.truncf %slice3A_657 : vector<128x128xf32> to vector<128x128xbf16>
    %convert_element_type3A_659 = arith.extf %convert_element_type3A_658 : vector<128x128xbf16> to vector<128x128xf32>
    %slice3A_660 = vector.extract_strided_slice %convert_element_type3A_13 {offsets = [0, 92], sizes = [128, 1], strides = [1, 1]} : vector<128x128xf32> to vector<128x1xf32>
    %mul3A_661 = vector.broadcast %slice3A_660 : vector<128x1xf32> to vector<128x128xf32>
    %mul3A_662 = arith.mulf %mul3A_661, %convert_element_type3A_659 : vector<128x128xf32>
    %add3A_663 = arith.addf %add3A_656, %mul3A_662 : vector<128x128xf32>
    %slice3A_664 = vector.extract_strided_slice %add3A_9 {offsets = [0, 11904], sizes = [128, 128], strides = [1, 1]} : vector<128x16384xf32> to vector<128x128xf32>
    %convert_element_type3A_665 = arith.truncf %slice3A_664 : vector<128x128xf32> to vector<128x128xbf16>
    %convert_element_type3A_666 = arith.extf %convert_element_type3A_665 : vector<128x128xbf16> to vector<128x128xf32>
    %slice3A_667 = vector.extract_strided_slice %convert_element_type3A_13 {offsets = [0, 93], sizes = [128, 1], strides = [1, 1]} : vector<128x128xf32> to vector<128x1xf32>
    %mul3A_668 = vector.broadcast %slice3A_667 : vector<128x1xf32> to vector<128x128xf32>
    %mul3A_669 = arith.mulf %mul3A_668, %convert_element_type3A_666 : vector<128x128xf32>
    %add3A_670 = arith.addf %add3A_663, %mul3A_669 : vector<128x128xf32>
    %slice3A_671 = vector.extract_strided_slice %add3A_9 {offsets = [0, 12032], sizes = [128, 128], strides = [1, 1]} : vector<128x16384xf32> to vector<128x128xf32>
    %convert_element_type3A_672 = arith.truncf %slice3A_671 : vector<128x128xf32> to vector<128x128xbf16>
    %convert_element_type3A_673 = arith.extf %convert_element_type3A_672 : vector<128x128xbf16> to vector<128x128xf32>
    %slice3A_674 = vector.extract_strided_slice %convert_element_type3A_13 {offsets = [0, 94], sizes = [128, 1], strides = [1, 1]} : vector<128x128xf32> to vector<128x1xf32>
    %mul3A_675 = vector.broadcast %slice3A_674 : vector<128x1xf32> to vector<128x128xf32>
    %mul3A_676 = arith.mulf %mul3A_675, %convert_element_type3A_673 : vector<128x128xf32>
    %add3A_677 = arith.addf %add3A_670, %mul3A_676 : vector<128x128xf32>
    %slice3A_678 = vector.extract_strided_slice %add3A_9 {offsets = [0, 12160], sizes = [128, 128], strides = [1, 1]} : vector<128x16384xf32> to vector<128x128xf32>
    %convert_element_type3A_679 = arith.truncf %slice3A_678 : vector<128x128xf32> to vector<128x128xbf16>
    %convert_element_type3A_680 = arith.extf %convert_element_type3A_679 : vector<128x128xbf16> to vector<128x128xf32>
    %slice3A_681 = vector.extract_strided_slice %convert_element_type3A_13 {offsets = [0, 95], sizes = [128, 1], strides = [1, 1]} : vector<128x128xf32> to vector<128x1xf32>
    %mul3A_682 = vector.broadcast %slice3A_681 : vector<128x1xf32> to vector<128x128xf32>
    %mul3A_683 = arith.mulf %mul3A_682, %convert_element_type3A_680 : vector<128x128xf32>
    %add3A_684 = arith.addf %add3A_677, %mul3A_683 : vector<128x128xf32>
    %slice3A_685 = vector.extract_strided_slice %add3A_9 {offsets = [0, 12288], sizes = [128, 128], strides = [1, 1]} : vector<128x16384xf32> to vector<128x128xf32>
    %convert_element_type3A_686 = arith.truncf %slice3A_685 : vector<128x128xf32> to vector<128x128xbf16>
    %convert_element_type3A_687 = arith.extf %convert_element_type3A_686 : vector<128x128xbf16> to vector<128x128xf32>
    %slice3A_688 = vector.extract_strided_slice %convert_element_type3A_13 {offsets = [0, 96], sizes = [128, 1], strides = [1, 1]} : vector<128x128xf32> to vector<128x1xf32>
    %mul3A_689 = vector.broadcast %slice3A_688 : vector<128x1xf32> to vector<128x128xf32>
    %mul3A_690 = arith.mulf %mul3A_689, %convert_element_type3A_687 : vector<128x128xf32>
    %add3A_691 = arith.addf %add3A_684, %mul3A_690 : vector<128x128xf32>
    %slice3A_692 = vector.extract_strided_slice %add3A_9 {offsets = [0, 12416], sizes = [128, 128], strides = [1, 1]} : vector<128x16384xf32> to vector<128x128xf32>
    %convert_element_type3A_693 = arith.truncf %slice3A_692 : vector<128x128xf32> to vector<128x128xbf16>
    %convert_element_type3A_694 = arith.extf %convert_element_type3A_693 : vector<128x128xbf16> to vector<128x128xf32>
    %slice3A_695 = vector.extract_strided_slice %convert_element_type3A_13 {offsets = [0, 97], sizes = [128, 1], strides = [1, 1]} : vector<128x128xf32> to vector<128x1xf32>
    %mul3A_696 = vector.broadcast %slice3A_695 : vector<128x1xf32> to vector<128x128xf32>
    %mul3A_697 = arith.mulf %mul3A_696, %convert_element_type3A_694 : vector<128x128xf32>
    %add3A_698 = arith.addf %add3A_691, %mul3A_697 : vector<128x128xf32>
    %slice3A_699 = vector.extract_strided_slice %add3A_9 {offsets = [0, 12544], sizes = [128, 128], strides = [1, 1]} : vector<128x16384xf32> to vector<128x128xf32>
    %convert_element_type3A_700 = arith.truncf %slice3A_699 : vector<128x128xf32> to vector<128x128xbf16>
    %convert_element_type3A_701 = arith.extf %convert_element_type3A_700 : vector<128x128xbf16> to vector<128x128xf32>
    %slice3A_702 = vector.extract_strided_slice %convert_element_type3A_13 {offsets = [0, 98], sizes = [128, 1], strides = [1, 1]} : vector<128x128xf32> to vector<128x1xf32>
    %mul3A_703 = vector.broadcast %slice3A_702 : vector<128x1xf32> to vector<128x128xf32>
    %mul3A_704 = arith.mulf %mul3A_703, %convert_element_type3A_701 : vector<128x128xf32>
    %add3A_705 = arith.addf %add3A_698, %mul3A_704 : vector<128x128xf32>
    %slice3A_706 = vector.extract_strided_slice %add3A_9 {offsets = [0, 12672], sizes = [128, 128], strides = [1, 1]} : vector<128x16384xf32> to vector<128x128xf32>
    %convert_element_type3A_707 = arith.truncf %slice3A_706 : vector<128x128xf32> to vector<128x128xbf16>
    %convert_element_type3A_708 = arith.extf %convert_element_type3A_707 : vector<128x128xbf16> to vector<128x128xf32>
    %slice3A_709 = vector.extract_strided_slice %convert_element_type3A_13 {offsets = [0, 99], sizes = [128, 1], strides = [1, 1]} : vector<128x128xf32> to vector<128x1xf32>
    %mul3A_710 = vector.broadcast %slice3A_709 : vector<128x1xf32> to vector<128x128xf32>
    %mul3A_711 = arith.mulf %mul3A_710, %convert_element_type3A_708 : vector<128x128xf32>
    %add3A_712 = arith.addf %add3A_705, %mul3A_711 : vector<128x128xf32>
    %slice3A_713 = vector.extract_strided_slice %add3A_9 {offsets = [0, 12800], sizes = [128, 128], strides = [1, 1]} : vector<128x16384xf32> to vector<128x128xf32>
    %convert_element_type3A_714 = arith.truncf %slice3A_713 : vector<128x128xf32> to vector<128x128xbf16>
    %convert_element_type3A_715 = arith.extf %convert_element_type3A_714 : vector<128x128xbf16> to vector<128x128xf32>
    %slice3A_716 = vector.extract_strided_slice %convert_element_type3A_13 {offsets = [0, 100], sizes = [128, 1], strides = [1, 1]} : vector<128x128xf32> to vector<128x1xf32>
    %mul3A_717 = vector.broadcast %slice3A_716 : vector<128x1xf32> to vector<128x128xf32>
    %mul3A_718 = arith.mulf %mul3A_717, %convert_element_type3A_715 : vector<128x128xf32>
    %add3A_719 = arith.addf %add3A_712, %mul3A_718 : vector<128x128xf32>
    %slice3A_720 = vector.extract_strided_slice %add3A_9 {offsets = [0, 12928], sizes = [128, 128], strides = [1, 1]} : vector<128x16384xf32> to vector<128x128xf32>
    %convert_element_type3A_721 = arith.truncf %slice3A_720 : vector<128x128xf32> to vector<128x128xbf16>
    %convert_element_type3A_722 = arith.extf %convert_element_type3A_721 : vector<128x128xbf16> to vector<128x128xf32>
    %slice3A_723 = vector.extract_strided_slice %convert_element_type3A_13 {offsets = [0, 101], sizes = [128, 1], strides = [1, 1]} : vector<128x128xf32> to vector<128x1xf32>
    %mul3A_724 = vector.broadcast %slice3A_723 : vector<128x1xf32> to vector<128x128xf32>
    %mul3A_725 = arith.mulf %mul3A_724, %convert_element_type3A_722 : vector<128x128xf32>
    %add3A_726 = arith.addf %add3A_719, %mul3A_725 : vector<128x128xf32>
    %slice3A_727 = vector.extract_strided_slice %add3A_9 {offsets = [0, 13056], sizes = [128, 128], strides = [1, 1]} : vector<128x16384xf32> to vector<128x128xf32>
    %convert_element_type3A_728 = arith.truncf %slice3A_727 : vector<128x128xf32> to vector<128x128xbf16>
    %convert_element_type3A_729 = arith.extf %convert_element_type3A_728 : vector<128x128xbf16> to vector<128x128xf32>
    %slice3A_730 = vector.extract_strided_slice %convert_element_type3A_13 {offsets = [0, 102], sizes = [128, 1], strides = [1, 1]} : vector<128x128xf32> to vector<128x1xf32>
    %mul3A_731 = vector.broadcast %slice3A_730 : vector<128x1xf32> to vector<128x128xf32>
    %mul3A_732 = arith.mulf %mul3A_731, %convert_element_type3A_729 : vector<128x128xf32>
    %add3A_733 = arith.addf %add3A_726, %mul3A_732 : vector<128x128xf32>
    %slice3A_734 = vector.extract_strided_slice %add3A_9 {offsets = [0, 13184], sizes = [128, 128], strides = [1, 1]} : vector<128x16384xf32> to vector<128x128xf32>
    %convert_element_type3A_735 = arith.truncf %slice3A_734 : vector<128x128xf32> to vector<128x128xbf16>
    %convert_element_type3A_736 = arith.extf %convert_element_type3A_735 : vector<128x128xbf16> to vector<128x128xf32>
    %slice3A_737 = vector.extract_strided_slice %convert_element_type3A_13 {offsets = [0, 103], sizes = [128, 1], strides = [1, 1]} : vector<128x128xf32> to vector<128x1xf32>
    %mul3A_738 = vector.broadcast %slice3A_737 : vector<128x1xf32> to vector<128x128xf32>
    %mul3A_739 = arith.mulf %mul3A_738, %convert_element_type3A_736 : vector<128x128xf32>
    %add3A_740 = arith.addf %add3A_733, %mul3A_739 : vector<128x128xf32>
    %slice3A_741 = vector.extract_strided_slice %add3A_9 {offsets = [0, 13312], sizes = [128, 128], strides = [1, 1]} : vector<128x16384xf32> to vector<128x128xf32>
    %convert_element_type3A_742 = arith.truncf %slice3A_741 : vector<128x128xf32> to vector<128x128xbf16>
    %convert_element_type3A_743 = arith.extf %convert_element_type3A_742 : vector<128x128xbf16> to vector<128x128xf32>
    %slice3A_744 = vector.extract_strided_slice %convert_element_type3A_13 {offsets = [0, 104], sizes = [128, 1], strides = [1, 1]} : vector<128x128xf32> to vector<128x1xf32>
    %mul3A_745 = vector.broadcast %slice3A_744 : vector<128x1xf32> to vector<128x128xf32>
    %mul3A_746 = arith.mulf %mul3A_745, %convert_element_type3A_743 : vector<128x128xf32>
    %add3A_747 = arith.addf %add3A_740, %mul3A_746 : vector<128x128xf32>
    %slice3A_748 = vector.extract_strided_slice %add3A_9 {offsets = [0, 13440], sizes = [128, 128], strides = [1, 1]} : vector<128x16384xf32> to vector<128x128xf32>
    %convert_element_type3A_749 = arith.truncf %slice3A_748 : vector<128x128xf32> to vector<128x128xbf16>
    %convert_element_type3A_750 = arith.extf %convert_element_type3A_749 : vector<128x128xbf16> to vector<128x128xf32>
    %slice3A_751 = vector.extract_strided_slice %convert_element_type3A_13 {offsets = [0, 105], sizes = [128, 1], strides = [1, 1]} : vector<128x128xf32> to vector<128x1xf32>
    %mul3A_752 = vector.broadcast %slice3A_751 : vector<128x1xf32> to vector<128x128xf32>
    %mul3A_753 = arith.mulf %mul3A_752, %convert_element_type3A_750 : vector<128x128xf32>
    %add3A_754 = arith.addf %add3A_747, %mul3A_753 : vector<128x128xf32>
    %slice3A_755 = vector.extract_strided_slice %add3A_9 {offsets = [0, 13568], sizes = [128, 128], strides = [1, 1]} : vector<128x16384xf32> to vector<128x128xf32>
    %convert_element_type3A_756 = arith.truncf %slice3A_755 : vector<128x128xf32> to vector<128x128xbf16>
    %convert_element_type3A_757 = arith.extf %convert_element_type3A_756 : vector<128x128xbf16> to vector<128x128xf32>
    %slice3A_758 = vector.extract_strided_slice %convert_element_type3A_13 {offsets = [0, 106], sizes = [128, 1], strides = [1, 1]} : vector<128x128xf32> to vector<128x1xf32>
    %mul3A_759 = vector.broadcast %slice3A_758 : vector<128x1xf32> to vector<128x128xf32>
    %mul3A_760 = arith.mulf %mul3A_759, %convert_element_type3A_757 : vector<128x128xf32>
    %add3A_761 = arith.addf %add3A_754, %mul3A_760 : vector<128x128xf32>
    %slice3A_762 = vector.extract_strided_slice %add3A_9 {offsets = [0, 13696], sizes = [128, 128], strides = [1, 1]} : vector<128x16384xf32> to vector<128x128xf32>
    %convert_element_type3A_763 = arith.truncf %slice3A_762 : vector<128x128xf32> to vector<128x128xbf16>
    %convert_element_type3A_764 = arith.extf %convert_element_type3A_763 : vector<128x128xbf16> to vector<128x128xf32>
    %slice3A_765 = vector.extract_strided_slice %convert_element_type3A_13 {offsets = [0, 107], sizes = [128, 1], strides = [1, 1]} : vector<128x128xf32> to vector<128x1xf32>
    %mul3A_766 = vector.broadcast %slice3A_765 : vector<128x1xf32> to vector<128x128xf32>
    %mul3A_767 = arith.mulf %mul3A_766, %convert_element_type3A_764 : vector<128x128xf32>
    %add3A_768 = arith.addf %add3A_761, %mul3A_767 : vector<128x128xf32>
    %slice3A_769 = vector.extract_strided_slice %add3A_9 {offsets = [0, 13824], sizes = [128, 128], strides = [1, 1]} : vector<128x16384xf32> to vector<128x128xf32>
    %convert_element_type3A_770 = arith.truncf %slice3A_769 : vector<128x128xf32> to vector<128x128xbf16>
    %convert_element_type3A_771 = arith.extf %convert_element_type3A_770 : vector<128x128xbf16> to vector<128x128xf32>
    %slice3A_772 = vector.extract_strided_slice %convert_element_type3A_13 {offsets = [0, 108], sizes = [128, 1], strides = [1, 1]} : vector<128x128xf32> to vector<128x1xf32>
    %mul3A_773 = vector.broadcast %slice3A_772 : vector<128x1xf32> to vector<128x128xf32>
    %mul3A_774 = arith.mulf %mul3A_773, %convert_element_type3A_771 : vector<128x128xf32>
    %add3A_775 = arith.addf %add3A_768, %mul3A_774 : vector<128x128xf32>
    %slice3A_776 = vector.extract_strided_slice %add3A_9 {offsets = [0, 13952], sizes = [128, 128], strides = [1, 1]} : vector<128x16384xf32> to vector<128x128xf32>
    %convert_element_type3A_777 = arith.truncf %slice3A_776 : vector<128x128xf32> to vector<128x128xbf16>
    %convert_element_type3A_778 = arith.extf %convert_element_type3A_777 : vector<128x128xbf16> to vector<128x128xf32>
    %slice3A_779 = vector.extract_strided_slice %convert_element_type3A_13 {offsets = [0, 109], sizes = [128, 1], strides = [1, 1]} : vector<128x128xf32> to vector<128x1xf32>
    %mul3A_780 = vector.broadcast %slice3A_779 : vector<128x1xf32> to vector<128x128xf32>
    %mul3A_781 = arith.mulf %mul3A_780, %convert_element_type3A_778 : vector<128x128xf32>
    %add3A_782 = arith.addf %add3A_775, %mul3A_781 : vector<128x128xf32>
    %slice3A_783 = vector.extract_strided_slice %add3A_9 {offsets = [0, 14080], sizes = [128, 128], strides = [1, 1]} : vector<128x16384xf32> to vector<128x128xf32>
    %convert_element_type3A_784 = arith.truncf %slice3A_783 : vector<128x128xf32> to vector<128x128xbf16>
    %convert_element_type3A_785 = arith.extf %convert_element_type3A_784 : vector<128x128xbf16> to vector<128x128xf32>
    %slice3A_786 = vector.extract_strided_slice %convert_element_type3A_13 {offsets = [0, 110], sizes = [128, 1], strides = [1, 1]} : vector<128x128xf32> to vector<128x1xf32>
    %mul3A_787 = vector.broadcast %slice3A_786 : vector<128x1xf32> to vector<128x128xf32>
    %mul3A_788 = arith.mulf %mul3A_787, %convert_element_type3A_785 : vector<128x128xf32>
    %add3A_789 = arith.addf %add3A_782, %mul3A_788 : vector<128x128xf32>
    %slice3A_790 = vector.extract_strided_slice %add3A_9 {offsets = [0, 14208], sizes = [128, 128], strides = [1, 1]} : vector<128x16384xf32> to vector<128x128xf32>
    %convert_element_type3A_791 = arith.truncf %slice3A_790 : vector<128x128xf32> to vector<128x128xbf16>
    %convert_element_type3A_792 = arith.extf %convert_element_type3A_791 : vector<128x128xbf16> to vector<128x128xf32>
    %slice3A_793 = vector.extract_strided_slice %convert_element_type3A_13 {offsets = [0, 111], sizes = [128, 1], strides = [1, 1]} : vector<128x128xf32> to vector<128x1xf32>
    %mul3A_794 = vector.broadcast %slice3A_793 : vector<128x1xf32> to vector<128x128xf32>
    %mul3A_795 = arith.mulf %mul3A_794, %convert_element_type3A_792 : vector<128x128xf32>
    %add3A_796 = arith.addf %add3A_789, %mul3A_795 : vector<128x128xf32>
    %slice3A_797 = vector.extract_strided_slice %add3A_9 {offsets = [0, 14336], sizes = [128, 128], strides = [1, 1]} : vector<128x16384xf32> to vector<128x128xf32>
    %convert_element_type3A_798 = arith.truncf %slice3A_797 : vector<128x128xf32> to vector<128x128xbf16>
    %convert_element_type3A_799 = arith.extf %convert_element_type3A_798 : vector<128x128xbf16> to vector<128x128xf32>
    %slice3A_800 = vector.extract_strided_slice %convert_element_type3A_13 {offsets = [0, 112], sizes = [128, 1], strides = [1, 1]} : vector<128x128xf32> to vector<128x1xf32>
    %mul3A_801 = vector.broadcast %slice3A_800 : vector<128x1xf32> to vector<128x128xf32>
    %mul3A_802 = arith.mulf %mul3A_801, %convert_element_type3A_799 : vector<128x128xf32>
    %add3A_803 = arith.addf %add3A_796, %mul3A_802 : vector<128x128xf32>
    %slice3A_804 = vector.extract_strided_slice %add3A_9 {offsets = [0, 14464], sizes = [128, 128], strides = [1, 1]} : vector<128x16384xf32> to vector<128x128xf32>
    %convert_element_type3A_805 = arith.truncf %slice3A_804 : vector<128x128xf32> to vector<128x128xbf16>
    %convert_element_type3A_806 = arith.extf %convert_element_type3A_805 : vector<128x128xbf16> to vector<128x128xf32>
    %slice3A_807 = vector.extract_strided_slice %convert_element_type3A_13 {offsets = [0, 113], sizes = [128, 1], strides = [1, 1]} : vector<128x128xf32> to vector<128x1xf32>
    %mul3A_808 = vector.broadcast %slice3A_807 : vector<128x1xf32> to vector<128x128xf32>
    %mul3A_809 = arith.mulf %mul3A_808, %convert_element_type3A_806 : vector<128x128xf32>
    %add3A_810 = arith.addf %add3A_803, %mul3A_809 : vector<128x128xf32>
    %slice3A_811 = vector.extract_strided_slice %add3A_9 {offsets = [0, 14592], sizes = [128, 128], strides = [1, 1]} : vector<128x16384xf32> to vector<128x128xf32>
    %convert_element_type3A_812 = arith.truncf %slice3A_811 : vector<128x128xf32> to vector<128x128xbf16>
    %convert_element_type3A_813 = arith.extf %convert_element_type3A_812 : vector<128x128xbf16> to vector<128x128xf32>
    %slice3A_814 = vector.extract_strided_slice %convert_element_type3A_13 {offsets = [0, 114], sizes = [128, 1], strides = [1, 1]} : vector<128x128xf32> to vector<128x1xf32>
    %mul3A_815 = vector.broadcast %slice3A_814 : vector<128x1xf32> to vector<128x128xf32>
    %mul3A_816 = arith.mulf %mul3A_815, %convert_element_type3A_813 : vector<128x128xf32>
    %add3A_817 = arith.addf %add3A_810, %mul3A_816 : vector<128x128xf32>
    %slice3A_818 = vector.extract_strided_slice %add3A_9 {offsets = [0, 14720], sizes = [128, 128], strides = [1, 1]} : vector<128x16384xf32> to vector<128x128xf32>
    %convert_element_type3A_819 = arith.truncf %slice3A_818 : vector<128x128xf32> to vector<128x128xbf16>
    %convert_element_type3A_820 = arith.extf %convert_element_type3A_819 : vector<128x128xbf16> to vector<128x128xf32>
    %slice3A_821 = vector.extract_strided_slice %convert_element_type3A_13 {offsets = [0, 115], sizes = [128, 1], strides = [1, 1]} : vector<128x128xf32> to vector<128x1xf32>
    %mul3A_822 = vector.broadcast %slice3A_821 : vector<128x1xf32> to vector<128x128xf32>
    %mul3A_823 = arith.mulf %mul3A_822, %convert_element_type3A_820 : vector<128x128xf32>
    %add3A_824 = arith.addf %add3A_817, %mul3A_823 : vector<128x128xf32>
    %slice3A_825 = vector.extract_strided_slice %add3A_9 {offsets = [0, 14848], sizes = [128, 128], strides = [1, 1]} : vector<128x16384xf32> to vector<128x128xf32>
    %convert_element_type3A_826 = arith.truncf %slice3A_825 : vector<128x128xf32> to vector<128x128xbf16>
    %convert_element_type3A_827 = arith.extf %convert_element_type3A_826 : vector<128x128xbf16> to vector<128x128xf32>
    %slice3A_828 = vector.extract_strided_slice %convert_element_type3A_13 {offsets = [0, 116], sizes = [128, 1], strides = [1, 1]} : vector<128x128xf32> to vector<128x1xf32>
    %mul3A_829 = vector.broadcast %slice3A_828 : vector<128x1xf32> to vector<128x128xf32>
    %mul3A_830 = arith.mulf %mul3A_829, %convert_element_type3A_827 : vector<128x128xf32>
    %add3A_831 = arith.addf %add3A_824, %mul3A_830 : vector<128x128xf32>
    %slice3A_832 = vector.extract_strided_slice %add3A_9 {offsets = [0, 14976], sizes = [128, 128], strides = [1, 1]} : vector<128x16384xf32> to vector<128x128xf32>
    %convert_element_type3A_833 = arith.truncf %slice3A_832 : vector<128x128xf32> to vector<128x128xbf16>
    %convert_element_type3A_834 = arith.extf %convert_element_type3A_833 : vector<128x128xbf16> to vector<128x128xf32>
    %slice3A_835 = vector.extract_strided_slice %convert_element_type3A_13 {offsets = [0, 117], sizes = [128, 1], strides = [1, 1]} : vector<128x128xf32> to vector<128x1xf32>
    %mul3A_836 = vector.broadcast %slice3A_835 : vector<128x1xf32> to vector<128x128xf32>
    %mul3A_837 = arith.mulf %mul3A_836, %convert_element_type3A_834 : vector<128x128xf32>
    %add3A_838 = arith.addf %add3A_831, %mul3A_837 : vector<128x128xf32>
    %slice3A_839 = vector.extract_strided_slice %add3A_9 {offsets = [0, 15104], sizes = [128, 128], strides = [1, 1]} : vector<128x16384xf32> to vector<128x128xf32>
    %convert_element_type3A_840 = arith.truncf %slice3A_839 : vector<128x128xf32> to vector<128x128xbf16>
    %convert_element_type3A_841 = arith.extf %convert_element_type3A_840 : vector<128x128xbf16> to vector<128x128xf32>
    %slice3A_842 = vector.extract_strided_slice %convert_element_type3A_13 {offsets = [0, 118], sizes = [128, 1], strides = [1, 1]} : vector<128x128xf32> to vector<128x1xf32>
    %mul3A_843 = vector.broadcast %slice3A_842 : vector<128x1xf32> to vector<128x128xf32>
    %mul3A_844 = arith.mulf %mul3A_843, %convert_element_type3A_841 : vector<128x128xf32>
    %add3A_845 = arith.addf %add3A_838, %mul3A_844 : vector<128x128xf32>
    %slice3A_846 = vector.extract_strided_slice %add3A_9 {offsets = [0, 15232], sizes = [128, 128], strides = [1, 1]} : vector<128x16384xf32> to vector<128x128xf32>
    %convert_element_type3A_847 = arith.truncf %slice3A_846 : vector<128x128xf32> to vector<128x128xbf16>
    %convert_element_type3A_848 = arith.extf %convert_element_type3A_847 : vector<128x128xbf16> to vector<128x128xf32>
    %slice3A_849 = vector.extract_strided_slice %convert_element_type3A_13 {offsets = [0, 119], sizes = [128, 1], strides = [1, 1]} : vector<128x128xf32> to vector<128x1xf32>
    %mul3A_850 = vector.broadcast %slice3A_849 : vector<128x1xf32> to vector<128x128xf32>
    %mul3A_851 = arith.mulf %mul3A_850, %convert_element_type3A_848 : vector<128x128xf32>
    %add3A_852 = arith.addf %add3A_845, %mul3A_851 : vector<128x128xf32>
    %slice3A_853 = vector.extract_strided_slice %add3A_9 {offsets = [0, 15360], sizes = [128, 128], strides = [1, 1]} : vector<128x16384xf32> to vector<128x128xf32>
    %convert_element_type3A_854 = arith.truncf %slice3A_853 : vector<128x128xf32> to vector<128x128xbf16>
    %convert_element_type3A_855 = arith.extf %convert_element_type3A_854 : vector<128x128xbf16> to vector<128x128xf32>
    %slice3A_856 = vector.extract_strided_slice %convert_element_type3A_13 {offsets = [0, 120], sizes = [128, 1], strides = [1, 1]} : vector<128x128xf32> to vector<128x1xf32>
    %mul3A_857 = vector.broadcast %slice3A_856 : vector<128x1xf32> to vector<128x128xf32>
    %mul3A_858 = arith.mulf %mul3A_857, %convert_element_type3A_855 : vector<128x128xf32>
    %add3A_859 = arith.addf %add3A_852, %mul3A_858 : vector<128x128xf32>
    %slice3A_860 = vector.extract_strided_slice %add3A_9 {offsets = [0, 15488], sizes = [128, 128], strides = [1, 1]} : vector<128x16384xf32> to vector<128x128xf32>
    %convert_element_type3A_861 = arith.truncf %slice3A_860 : vector<128x128xf32> to vector<128x128xbf16>
    %convert_element_type3A_862 = arith.extf %convert_element_type3A_861 : vector<128x128xbf16> to vector<128x128xf32>
    %slice3A_863 = vector.extract_strided_slice %convert_element_type3A_13 {offsets = [0, 121], sizes = [128, 1], strides = [1, 1]} : vector<128x128xf32> to vector<128x1xf32>
    %mul3A_864 = vector.broadcast %slice3A_863 : vector<128x1xf32> to vector<128x128xf32>
    %mul3A_865 = arith.mulf %mul3A_864, %convert_element_type3A_862 : vector<128x128xf32>
    %add3A_866 = arith.addf %add3A_859, %mul3A_865 : vector<128x128xf32>
    %slice3A_867 = vector.extract_strided_slice %add3A_9 {offsets = [0, 15616], sizes = [128, 128], strides = [1, 1]} : vector<128x16384xf32> to vector<128x128xf32>
    %convert_element_type3A_868 = arith.truncf %slice3A_867 : vector<128x128xf32> to vector<128x128xbf16>
    %convert_element_type3A_869 = arith.extf %convert_element_type3A_868 : vector<128x128xbf16> to vector<128x128xf32>
    %slice3A_870 = vector.extract_strided_slice %convert_element_type3A_13 {offsets = [0, 122], sizes = [128, 1], strides = [1, 1]} : vector<128x128xf32> to vector<128x1xf32>
    %mul3A_871 = vector.broadcast %slice3A_870 : vector<128x1xf32> to vector<128x128xf32>
    %mul3A_872 = arith.mulf %mul3A_871, %convert_element_type3A_869 : vector<128x128xf32>
    %add3A_873 = arith.addf %add3A_866, %mul3A_872 : vector<128x128xf32>
    %slice3A_874 = vector.extract_strided_slice %add3A_9 {offsets = [0, 15744], sizes = [128, 128], strides = [1, 1]} : vector<128x16384xf32> to vector<128x128xf32>
    %convert_element_type3A_875 = arith.truncf %slice3A_874 : vector<128x128xf32> to vector<128x128xbf16>
    %convert_element_type3A_876 = arith.extf %convert_element_type3A_875 : vector<128x128xbf16> to vector<128x128xf32>
    %slice3A_877 = vector.extract_strided_slice %convert_element_type3A_13 {offsets = [0, 123], sizes = [128, 1], strides = [1, 1]} : vector<128x128xf32> to vector<128x1xf32>
    %mul3A_878 = vector.broadcast %slice3A_877 : vector<128x1xf32> to vector<128x128xf32>
    %mul3A_879 = arith.mulf %mul3A_878, %convert_element_type3A_876 : vector<128x128xf32>
    %add3A_880 = arith.addf %add3A_873, %mul3A_879 : vector<128x128xf32>
    %slice3A_881 = vector.extract_strided_slice %add3A_9 {offsets = [0, 15872], sizes = [128, 128], strides = [1, 1]} : vector<128x16384xf32> to vector<128x128xf32>
    %convert_element_type3A_882 = arith.truncf %slice3A_881 : vector<128x128xf32> to vector<128x128xbf16>
    %convert_element_type3A_883 = arith.extf %convert_element_type3A_882 : vector<128x128xbf16> to vector<128x128xf32>
    %slice3A_884 = vector.extract_strided_slice %convert_element_type3A_13 {offsets = [0, 124], sizes = [128, 1], strides = [1, 1]} : vector<128x128xf32> to vector<128x1xf32>
    %mul3A_885 = vector.broadcast %slice3A_884 : vector<128x1xf32> to vector<128x128xf32>
    %mul3A_886 = arith.mulf %mul3A_885, %convert_element_type3A_883 : vector<128x128xf32>
    %add3A_887 = arith.addf %add3A_880, %mul3A_886 : vector<128x128xf32>
    %slice3A_888 = vector.extract_strided_slice %add3A_9 {offsets = [0, 16000], sizes = [128, 128], strides = [1, 1]} : vector<128x16384xf32> to vector<128x128xf32>
    %convert_element_type3A_889 = arith.truncf %slice3A_888 : vector<128x128xf32> to vector<128x128xbf16>
    %convert_element_type3A_890 = arith.extf %convert_element_type3A_889 : vector<128x128xbf16> to vector<128x128xf32>
    %slice3A_891 = vector.extract_strided_slice %convert_element_type3A_13 {offsets = [0, 125], sizes = [128, 1], strides = [1, 1]} : vector<128x128xf32> to vector<128x1xf32>
    %mul3A_892 = vector.broadcast %slice3A_891 : vector<128x1xf32> to vector<128x128xf32>
    %mul3A_893 = arith.mulf %mul3A_892, %convert_element_type3A_890 : vector<128x128xf32>
    %add3A_894 = arith.addf %add3A_887, %mul3A_893 : vector<128x128xf32>
    %slice3A_895 = vector.extract_strided_slice %add3A_9 {offsets = [0, 16128], sizes = [128, 128], strides = [1, 1]} : vector<128x16384xf32> to vector<128x128xf32>
    %convert_element_type3A_896 = arith.truncf %slice3A_895 : vector<128x128xf32> to vector<128x128xbf16>
    %convert_element_type3A_897 = arith.extf %convert_element_type3A_896 : vector<128x128xbf16> to vector<128x128xf32>
    %slice3A_898 = vector.extract_strided_slice %convert_element_type3A_13 {offsets = [0, 126], sizes = [128, 1], strides = [1, 1]} : vector<128x128xf32> to vector<128x1xf32>
    %mul3A_899 = vector.broadcast %slice3A_898 : vector<128x1xf32> to vector<128x128xf32>
    %mul3A_900 = arith.mulf %mul3A_899, %convert_element_type3A_897 : vector<128x128xf32>
    %add3A_901 = arith.addf %add3A_894, %mul3A_900 : vector<128x128xf32>
    %slice3A_902 = vector.extract_strided_slice %add3A_9 {offsets = [0, 16256], sizes = [128, 128], strides = [1, 1]} : vector<128x16384xf32> to vector<128x128xf32>
    %convert_element_type3A_903 = arith.truncf %slice3A_902 : vector<128x128xf32> to vector<128x128xbf16>
    %convert_element_type3A_904 = arith.extf %convert_element_type3A_903 : vector<128x128xbf16> to vector<128x128xf32>
    %slice3A_905 = vector.extract_strided_slice %convert_element_type3A_13 {offsets = [0, 127], sizes = [128, 1], strides = [1, 1]} : vector<128x128xf32> to vector<128x1xf32>
    %mul3A_906 = vector.broadcast %slice3A_905 : vector<128x1xf32> to vector<128x128xf32>
    %mul3A_907 = arith.mulf %mul3A_906, %convert_element_type3A_904 : vector<128x128xf32>
    %add3A_908 = arith.addf %add3A_901, %mul3A_907 : vector<128x128xf32>
    %swap3A = arith.constant 0 : index
    %swap3A_909 = arith.constant 0 : index
    %swap3A_910 = vector.load %arg5[%swap3A, %swap3A_909] : memref<128x128xf32, #tpu.memory_space<vmem>>, vector<128x128xf32>
    tpu.vector_store %arg5[%swap3A, %swap3A_909], %add3A_908 {strides = array<i32>} : memref<128x128xf32, #tpu.memory_space<vmem>>, vector<128x128xf32>,
    return
  }
  func.func @transform_0(%arg0: i32) -> (i32, i32) {
    %c0_i32 = arith.constant 0 : i32
    %c0_i32_0 = arith.constant 0 : i32
    return %arg0, %c0_i32 : i32, i32
  }
  func.func @transform_1(%arg0: i32) -> (i32, i32) {
    %jit3A = arith.constant 8 : i32
    %eq3A = arith.constant 0 : i32
    %eq3A_0 = arith.cmpi eq, %jit3A, %eq3A : i32
    %jit3A_1 = arith.constant 1 : i32
    %select_n3A = arith.select %eq3A_0, %jit3A_1, %jit3A : i32
    %rem3A = arith.remsi %arg0, %select_n3A : i32
    %ne3A = arith.constant 0 : i32
    %ne3A_2 = arith.cmpi ne, %rem3A, %ne3A : i32
    %lt3A = arith.constant 0 : i32
    %lt3A_3 = arith.cmpi slt, %rem3A, %lt3A : i32
    %lt3A_4 = arith.constant 0 : i32
    %lt3A_5 = arith.cmpi slt, %select_n3A, %lt3A_4 : i32
    %ne3A_6 = arith.xori %lt3A_3, %lt3A_5 : i1
    %and3A = arith.andi %ne3A_6, %ne3A_2 : i1
    %add3A = arith.addi %rem3A, %select_n3A : i32
    %select_n3A_7 = arith.select %and3A, %add3A, %rem3A : i32
    %c0_i32 = arith.constant 0 : i32
    %c0_i32_8 = arith.constant 0 : i32
    return %select_n3A_7, %c0_i32 : i32, i32
  }
  func.func @transform_2(%arg0: i32) -> (i32, i32) {
    %c0_i32 = arith.constant 0 : i32
    %c0_i32_0 = arith.constant 0 : i32
    %c0_i32_1 = arith.constant 0 : i32
    return %c0_i32, %c0_i32_0 : i32, i32
  }
  func.func @transform_3(%arg0: i32) -> (i32, i32) {
    %c0_i32 = arith.constant 0 : i32
    %c0_i32_0 = arith.constant 0 : i32
    %c0_i32_1 = arith.constant 0 : i32
    return %c0_i32, %c0_i32_0 : i32, i32
  }
  func.func @transform_4(%arg0: i32) -> (i32, i32) {
    %c0_i32 = arith.constant 0 : i32
    %c0_i32_0 = arith.constant 0 : i32
    return %arg0, %c0_i32 : i32, i32
  }
}

module attributes {stable_mosaic.version = 14 : i64} {
  func.func @_sys_body(%arg0: memref<1024x128xf32, #tpu.memory_space<vmem>>, %arg1: memref<1024x1xf32, #tpu.memory_space<vmem>>, %arg2: memref<2048x128xf32, #tpu.memory_space<vmem>>, %arg3: memref<128x128xf32, #tpu.memory_space<vmem>>, %arg4: memref<1x128xf32, #tpu.memory_space<vmem>>, %arg5: memref<128x128xf32, #tpu.memory_space<vmem>>, %arg6: memref<1x128xf32, #tpu.memory_space<vmem>>, %arg7: memref<128x384xf32, #tpu.memory_space<vmem>>, %arg8: memref<128x384xf32, #tpu.memory_space<vmem>>, %arg9: memref<1x384xf32, #tpu.memory_space<vmem>>, %arg10: memref<1x384xf32, #tpu.memory_space<vmem>>, %arg11: memref<256x128xf32, #tpu.memory_space<vmem>>, %arg12: memref<1x128xf32, #tpu.memory_space<vmem>>, %arg13: memref<128x128xf32, #tpu.memory_space<vmem>>, %arg14: memref<1x128xf32, #tpu.memory_space<vmem>>, %arg15: memref<128x1xf32, #tpu.memory_space<vmem>>, %arg16: memref<1x1xf32, #tpu.memory_space<vmem>>, %arg17: memref<512x1xf32, #tpu.memory_space<vmem>>) attributes {dimension_semantics = [], scalar_prefetch = 0 : i64, scratch_operands = 0 : i64, tpu.core_type = #tpu.core_type<tc>} {
    %get3A = arith.constant 0 : index
    %get3A_0 = arith.constant 0 : index
    %get3A_1 = vector.load %arg0[%get3A, %get3A_0] : memref<1024x128xf32, #tpu.memory_space<vmem>>, vector<1024x128xf32>
    %get3A_2 = arith.constant 0 : index
    %get3A_3 = arith.constant 0 : index
    %get3A_4 = vector.load %arg1[%get3A_2, %get3A_3] : memref<1024x1xf32, #tpu.memory_space<vmem>>, vector<1024x1xf32>
    %max3A = arith.constant 1.000000e+00 : f32
    %max3A_5 = vector.broadcast %max3A : f32 to vector<1024x1xf32>
    %max3A_6 = arith.maximumf %get3A_4, %max3A_5 : vector<1024x1xf32>
    %div3A = vector.broadcast %max3A_6 : vector<1024x1xf32> to vector<1024x128xf32>
    %div3A_7 = arith.divf %get3A_1, %div3A : vector<1024x128xf32>
    %get3A_8 = arith.constant 0 : index
    %get3A_9 = arith.constant 0 : index
    %get3A_10 = vector.load %arg3[%get3A_8, %get3A_9] : memref<128x128xf32, #tpu.memory_space<vmem>>, vector<128x128xf32>
    %dot_general3A = arith.constant dense<0.000000e+00> : vector<1024x128xf32>
    %dot_general3A_11 = tpu.matmul %div3A_7, %get3A_10, %dot_general3A {dimension_numbers = #tpu.dot_dimension_numbers<[1], [0], [0], [1], [0, 0, 1, 1], [], []>, transpose_lhs_hint = false} : vector<1024x128xf32>, vector<128x128xf32>, vector<1024x128xf32> -> vector<1024x128xf32>
    %get3A_12 = arith.constant 0 : index
    %get3A_13 = arith.constant 0 : index
    %get3A_14 = vector.load %arg4[%get3A_12, %get3A_13] : memref<1x128xf32, #tpu.memory_space<vmem>>, vector<1x128xf32>
    %add3A = vector.broadcast %get3A_14 : vector<1x128xf32> to vector<1024x128xf32>
    %add3A_15 = arith.addf %dot_general3A_11, %add3A : vector<1024x128xf32>
    %max3A_16 = arith.constant 0.000000e+00 : f32
    %max3A_17 = vector.broadcast %max3A_16 : f32 to vector<1024x128xf32>
    %max3A_18 = arith.maximumf %add3A_15, %max3A_17 : vector<1024x128xf32>
    %get3A_19 = arith.constant 0 : index
    %get3A_20 = arith.constant 0 : index
    %get3A_21 = vector.load %arg2[%get3A_19, %get3A_20] : memref<2048x128xf32, #tpu.memory_space<vmem>>, vector<2048x128xf32>
    %slice3A = vector.extract_strided_slice %get3A_21 {offsets = [512, 0], sizes = [512, 128], strides = [1, 1]} : vector<2048x128xf32> to vector<512x128xf32>
    %slice3A_22 = vector.extract_strided_slice %get3A_21 {offsets = [1024, 0], sizes = [512, 128], strides = [1, 1]} : vector<2048x128xf32> to vector<512x128xf32>
    %add3A_23 = arith.addf %slice3A, %slice3A_22 : vector<512x128xf32>
    %slice3A_24 = vector.extract_strided_slice %get3A_21 {offsets = [0, 0], sizes = [512, 128], strides = [1, 1]} : vector<2048x128xf32> to vector<512x128xf32>
    %slice3A_25 = vector.extract_strided_slice %get3A_21 {offsets = [1536, 0], sizes = [512, 128], strides = [1, 1]} : vector<2048x128xf32> to vector<512x128xf32>
    %add3A_26 = arith.addf %slice3A_24, %slice3A_25 : vector<512x128xf32>
    %concatenate3A = tpu.concatenate %add3A_23, %add3A_26 in 0 : vector<512x128xf32>, vector<512x128xf32> -> vector<1024x128xf32>
    %get3A_27 = arith.constant 0 : index
    %get3A_28 = arith.constant 0 : index
    %get3A_29 = vector.load %arg5[%get3A_27, %get3A_28] : memref<128x128xf32, #tpu.memory_space<vmem>>, vector<128x128xf32>
    %dot_general3A_30 = arith.constant dense<0.000000e+00> : vector<1024x128xf32>
    %dot_general3A_31 = tpu.matmul %max3A_18, %get3A_29, %dot_general3A_30 {dimension_numbers = #tpu.dot_dimension_numbers<[1], [0], [0], [1], [0, 0, 1, 1], [], []>, transpose_lhs_hint = false} : vector<1024x128xf32>, vector<128x128xf32>, vector<1024x128xf32> -> vector<1024x128xf32>
    %add3A_32 = arith.addf %dot_general3A_31, %concatenate3A : vector<1024x128xf32>
    %get3A_33 = arith.constant 0 : index
    %get3A_34 = arith.constant 0 : index
    %get3A_35 = vector.load %arg6[%get3A_33, %get3A_34] : memref<1x128xf32, #tpu.memory_space<vmem>>, vector<1x128xf32>
    %add3A_36 = vector.broadcast %get3A_35 : vector<1x128xf32> to vector<1024x128xf32>
    %add3A_37 = arith.addf %add3A_32, %add3A_36 : vector<1024x128xf32>
    %max3A_38 = arith.constant 0.000000e+00 : f32
    %max3A_39 = vector.broadcast %max3A_38 : f32 to vector<1024x128xf32>
    %max3A_40 = arith.maximumf %add3A_37, %max3A_39 : vector<1024x128xf32>
    %get3A_41 = arith.constant 0 : index
    %get3A_42 = arith.constant 0 : index
    %get3A_43 = vector.load %arg7[%get3A_41, %get3A_42] : memref<128x384xf32, #tpu.memory_space<vmem>>, vector<128x384xf32>
    %dot_general3A_44 = arith.constant dense<0.000000e+00> : vector<1024x384xf32>
    %dot_general3A_45 = tpu.matmul %max3A_40, %get3A_43, %dot_general3A_44 {dimension_numbers = #tpu.dot_dimension_numbers<[1], [0], [0], [1], [0, 0, 1, 1], [], []>, transpose_lhs_hint = false} : vector<1024x128xf32>, vector<128x384xf32>, vector<1024x384xf32> -> vector<1024x384xf32>
    %get3A_46 = arith.constant 0 : index
    %get3A_47 = arith.constant 0 : index
    %get3A_48 = vector.load %arg9[%get3A_46, %get3A_47] : memref<1x384xf32, #tpu.memory_space<vmem>>, vector<1x384xf32>
    %add3A_49 = vector.broadcast %get3A_48 : vector<1x384xf32> to vector<1024x384xf32>
    %add3A_50 = arith.addf %dot_general3A_45, %add3A_49 : vector<1024x384xf32>
    %get3A_51 = arith.constant 0 : index
    %get3A_52 = arith.constant 0 : index
    %get3A_53 = vector.load %arg8[%get3A_51, %get3A_52] : memref<128x384xf32, #tpu.memory_space<vmem>>, vector<128x384xf32>
    %dot_general3A_54 = arith.constant dense<0.000000e+00> : vector<1024x384xf32>
    %dot_general3A_55 = tpu.matmul %max3A_18, %get3A_53, %dot_general3A_54 {dimension_numbers = #tpu.dot_dimension_numbers<[1], [0], [0], [1], [0, 0, 1, 1], [], []>, transpose_lhs_hint = false} : vector<1024x128xf32>, vector<128x384xf32>, vector<1024x384xf32> -> vector<1024x384xf32>
    %get3A_56 = arith.constant 0 : index
    %get3A_57 = arith.constant 0 : index
    %get3A_58 = vector.load %arg10[%get3A_56, %get3A_57] : memref<1x384xf32, #tpu.memory_space<vmem>>, vector<1x384xf32>
    %add3A_59 = vector.broadcast %get3A_58 : vector<1x384xf32> to vector<1024x384xf32>
    %add3A_60 = arith.addf %dot_general3A_55, %add3A_59 : vector<1024x384xf32>
    %slice3A_61 = vector.extract_strided_slice %add3A_50 {offsets = [0, 0], sizes = [1024, 128], strides = [1, 1]} : vector<1024x384xf32> to vector<1024x128xf32>
    %slice3A_62 = vector.extract_strided_slice %add3A_60 {offsets = [0, 0], sizes = [1024, 128], strides = [1, 1]} : vector<1024x384xf32> to vector<1024x128xf32>
    %add3A_63 = arith.addf %slice3A_61, %slice3A_62 : vector<1024x128xf32>
    %logistic3A = arith.negf %add3A_63 : vector<1024x128xf32>
    %logistic3A_64 = math.exp %logistic3A : vector<1024x128xf32>
    %logistic3A_65 = arith.constant 1.000000e+00 : f32
    %logistic3A_66 = vector.broadcast %logistic3A_65 : f32 to vector<1024x128xf32>
    %logistic3A_67 = arith.addf %logistic3A_66, %logistic3A_64 : vector<1024x128xf32>
    %logistic3A_68 = arith.divf %logistic3A_66, %logistic3A_67 : vector<1024x128xf32>
    %slice3A_69 = vector.extract_strided_slice %add3A_50 {offsets = [0, 128], sizes = [1024, 128], strides = [1, 1]} : vector<1024x384xf32> to vector<1024x128xf32>
    %slice3A_70 = vector.extract_strided_slice %add3A_60 {offsets = [0, 128], sizes = [1024, 128], strides = [1, 1]} : vector<1024x384xf32> to vector<1024x128xf32>
    %add3A_71 = arith.addf %slice3A_69, %slice3A_70 : vector<1024x128xf32>
    %logistic3A_72 = arith.negf %add3A_71 : vector<1024x128xf32>
    %logistic3A_73 = math.exp %logistic3A_72 : vector<1024x128xf32>
    %logistic3A_74 = arith.constant 1.000000e+00 : f32
    %logistic3A_75 = vector.broadcast %logistic3A_74 : f32 to vector<1024x128xf32>
    %logistic3A_76 = arith.addf %logistic3A_75, %logistic3A_73 : vector<1024x128xf32>
    %logistic3A_77 = arith.divf %logistic3A_75, %logistic3A_76 : vector<1024x128xf32>
    %slice3A_78 = vector.extract_strided_slice %add3A_50 {offsets = [0, 256], sizes = [1024, 128], strides = [1, 1]} : vector<1024x384xf32> to vector<1024x128xf32>
    %slice3A_79 = vector.extract_strided_slice %add3A_60 {offsets = [0, 256], sizes = [1024, 128], strides = [1, 1]} : vector<1024x384xf32> to vector<1024x128xf32>
    %mul3A = arith.mulf %logistic3A_68, %slice3A_79 : vector<1024x128xf32>
    %add3A_80 = arith.addf %slice3A_78, %mul3A : vector<1024x128xf32>
    %tanh3A = math.tanh %add3A_80 : vector<1024x128xf32>
    %sub3A = arith.constant 1.000000e+00 : f32
    %sub3A_81 = vector.broadcast %sub3A : f32 to vector<1024x128xf32>
    %sub3A_82 = arith.subf %sub3A_81, %logistic3A_77 : vector<1024x128xf32>
    %mul3A_83 = arith.mulf %sub3A_82, %tanh3A : vector<1024x128xf32>
    %mul3A_84 = arith.mulf %logistic3A_77, %max3A_18 : vector<1024x128xf32>
    %add3A_85 = arith.addf %mul3A_83, %mul3A_84 : vector<1024x128xf32>
    %slice3A_86 = vector.extract_strided_slice %add3A_85 {offsets = [0, 0], sizes = [512, 128], strides = [1, 1]} : vector<1024x128xf32> to vector<512x128xf32>
    %slice3A_87 = vector.extract_strided_slice %add3A_85 {offsets = [512, 0], sizes = [512, 128], strides = [1, 1]} : vector<1024x128xf32> to vector<512x128xf32>
    %concatenate3A_88 = tpu.concatenate %slice3A_86, %slice3A_87 in 1 : vector<512x128xf32>, vector<512x128xf32> -> vector<512x256xf32>
    %get3A_89 = arith.constant 0 : index
    %get3A_90 = arith.constant 0 : index
    %get3A_91 = vector.load %arg11[%get3A_89, %get3A_90] : memref<256x128xf32, #tpu.memory_space<vmem>>, vector<256x128xf32>
    %dot_general3A_92 = arith.constant dense<0.000000e+00> : vector<512x128xf32>
    %dot_general3A_93 = tpu.matmul %concatenate3A_88, %get3A_91, %dot_general3A_92 {dimension_numbers = #tpu.dot_dimension_numbers<[1], [0], [0], [1], [0, 0, 1, 1], [], []>, transpose_lhs_hint = false} : vector<512x256xf32>, vector<256x128xf32>, vector<512x128xf32> -> vector<512x128xf32>
    %get3A_94 = arith.constant 0 : index
    %get3A_95 = arith.constant 0 : index
    %get3A_96 = vector.load %arg12[%get3A_94, %get3A_95] : memref<1x128xf32, #tpu.memory_space<vmem>>, vector<1x128xf32>
    %add3A_97 = vector.broadcast %get3A_96 : vector<1x128xf32> to vector<512x128xf32>
    %add3A_98 = arith.addf %dot_general3A_93, %add3A_97 : vector<512x128xf32>
    %max3A_99 = arith.constant 0.000000e+00 : f32
    %max3A_100 = vector.broadcast %max3A_99 : f32 to vector<512x128xf32>
    %max3A_101 = arith.maximumf %add3A_98, %max3A_100 : vector<512x128xf32>
    %get3A_102 = arith.constant 0 : index
    %get3A_103 = arith.constant 0 : index
    %get3A_104 = vector.load %arg13[%get3A_102, %get3A_103] : memref<128x128xf32, #tpu.memory_space<vmem>>, vector<128x128xf32>
    %dot_general3A_105 = arith.constant dense<0.000000e+00> : vector<512x128xf32>
    %dot_general3A_106 = tpu.matmul %max3A_101, %get3A_104, %dot_general3A_105 {dimension_numbers = #tpu.dot_dimension_numbers<[1], [0], [0], [1], [0, 0, 1, 1], [], []>, transpose_lhs_hint = false} : vector<512x128xf32>, vector<128x128xf32>, vector<512x128xf32> -> vector<512x128xf32>
    %get3A_107 = arith.constant 0 : index
    %get3A_108 = arith.constant 0 : index
    %get3A_109 = vector.load %arg14[%get3A_107, %get3A_108] : memref<1x128xf32, #tpu.memory_space<vmem>>, vector<1x128xf32>
    %add3A_110 = vector.broadcast %get3A_109 : vector<1x128xf32> to vector<512x128xf32>
    %add3A_111 = arith.addf %dot_general3A_106, %add3A_110 : vector<512x128xf32>
    %max3A_112 = arith.constant 0.000000e+00 : f32
    %max3A_113 = vector.broadcast %max3A_112 : f32 to vector<512x128xf32>
    %max3A_114 = arith.maximumf %add3A_111, %max3A_113 : vector<512x128xf32>
    %get3A_115 = arith.constant 0 : index
    %get3A_116 = arith.constant 0 : index
    %get3A_117 = vector.load %arg15[%get3A_115, %get3A_116] : memref<128x1xf32, #tpu.memory_space<vmem>>, vector<128x1xf32>
    %dot_general3A_118 = arith.constant dense<0.000000e+00> : vector<512x1xf32>
    %dot_general3A_119 = tpu.matmul %max3A_114, %get3A_117, %dot_general3A_118 {dimension_numbers = #tpu.dot_dimension_numbers<[1], [0], [0], [1], [0, 0, 1, 1], [], []>, transpose_lhs_hint = false} : vector<512x128xf32>, vector<128x1xf32>, vector<512x1xf32> -> vector<512x1xf32>
    %get3A_120 = arith.constant 0 : index
    %get3A_121 = arith.constant 0 : index
    %get3A_122 = vector.load %arg16[%get3A_120, %get3A_121] : memref<1x1xf32, #tpu.memory_space<vmem>>, vector<1x1xf32>
    %add3A_123 = vector.broadcast %get3A_122 : vector<1x1xf32> to vector<512x1xf32>
    %add3A_124 = arith.addf %dot_general3A_119, %add3A_123 : vector<512x1xf32>
    %swap3A = arith.constant 0 : index
    %swap3A_125 = arith.constant 0 : index
    %swap3A_126 = vector.load %arg17[%swap3A, %swap3A_125] : memref<512x1xf32, #tpu.memory_space<vmem>>, vector<512x1xf32>
    tpu.vector_store %arg17[%swap3A, %swap3A_125], %add3A_124 {strides = array<i32>} : memref<512x1xf32, #tpu.memory_space<vmem>>, vector<512x1xf32>,
    return
  }
}

</mosaic_0001>

<sc_bundles>
// kernel: kernel.13.cloned.1.call-start
scs
__scs_entry_jumppad:
0x0: {  	(pc) =	sbr.rel $0x88, $3  }
0x1: {  	(tag) =	ssettag $0x0;
	lr =	simm.s32 $0x1  }
0x2: {  	[smem:$0x3F83] =	sst lr;
	_ =	strace $0xD0000000  }
0x3: {  	_ = 	snop  }
0x4: {  	_ = 	snop  }
0x5: {  	_ = 	snop  }
0x6: {  	_ = 	snop  }
0x7: {  	_ = 	snop  }
__scs_overlays_trampoline_lowered:
0x8: {  	[smem:$0x3F92] =	sst s0  }
0x9: {  	[smem:$0x3F93] =	sst s1  }
0xa: {  	[smem:$0x3F94] =	sst s2  }
0xb: {  	[smem:$0x3F95] =	sst s3  }
0xc: {  	[smem:$0x3F96] =	sst s4  }
0xd: {  	[smem:$0x3F97] =	sst s5  }
0xe: {  	[smem:$0x3F98] =	sst s6  }
0xf: {  	[smem:$0x3F99] =	sst s7  }
0x10: {  	[smem:$0x3F9A] =	sst s8  }
0x11: {  	[smem:$0x3F9B] =	sst s9;
	s0 =	simm.s32 @!p0 $0x0  }
0x12: {  	s1 =	sld [smem:$0x3F81];
	s0 =	simm.s32 @p0 $0x1  }
0x13: {  	[smem:$0x3F9C] =	sst s0;
	s0 =	simm.s32 @!p1 $0x0  }
0x14: {  	s2 =	sld [smem:$0x3F80];
	s0 =	simm.s32 @p1 $0x1  }
0x15: {  	[smem:$0x3F9D] =	sst s0;
	s0 =	simm.s32 @!p2 $0x0  }
0x16: {  	s3 =	sld [smem:$0x3FDB];
	s0 =	simm.s32 @p2 $0x1  }
0x17: {  	s4 =	simm.s32 $0x1BF5;
	[smem:$0x3F9F] =	sst s0  }
0x18: {  	s0 =	sld [smem:$0x3F82];
	_ =	swait.ge [sflag:s4], $0x0  }
0x19: {  	s7 =	sld [smem:$0x3F83]  }
0x1a: {  	s8 =	sadd.s32 $0xFFFFE003, lr  }
0x1b: {  	s9 =	sadd.s32 $0xFFFFFEF7, lr;
	s5 =	simm.s32 $0xFFFFFFFF;
	p2 =	slt.u32 s8, $0xFFFFF086  }
0x1c: {  	p1 =	slt.u32 s9, $0xF7A;
	s5 =	simm.s32 @!p2 $0x0  }
0x1d: {  	s5 =	simm.s32 @p1 $0x1;
	p0 =	seq.s32 s7, s2  }
0x1e: {  	s7 =	smul.u32 @!p0 $0xF7A, s2;
	p2 =	seq.s32 @!p0 s5, $0x0  }
0x1f: {  	s9 =	smul.u32 $0xF7A, s1;
	s8 =	simm.s32 @!p0 $0x1BF5;
	p2 =	por !p2, p0  }
0x20: {  	[sflag:s8] =	ssyncset.s32 @!p0 $0xFFFFF086;
	s6 =	sadd.s32 @!p0 s3, s7;
	s7 =	simm.s32 @!p0 $0x108  }
0x21: {  	s3 =	sadd.s32 s3, s9;
	s6 =	sadd.s32 @!p0 $0x88, s6;
	s7 =	simm.s32 @p2 $0x1082  }
0x22: {  	[simem:s7], [sflag:s8] =	dma.local @!p0 [hbm:s6], $0xF7A  }
0x23: {  	s9 =	sor.u32 $0xD0000000, s2;
	s6 =	simm.s32 $0x108;
	_ =	swait.ge @!p0 [sflag:s8], $0x0  }
0x24: {  	s3 =	sadd.s32 $0x88, s3;
	s6 =	simm.s32 @!p1 $0x1082;
	[sflag:s4] =	ssyncset.s32 $0xFFFFF086  }
0x25: {  	[simem:s6], [sflag:s4] =	dma.local [hbm:s3], $0xF7A  }
0x26: {  	[smem:$0x3F83] =	sst s1;
	(tag) =	ssettag s2;
	_ =	strace s9  }
0x27: {  	s1 =	sld [smem:$0x3F93]  }
0x28: {  	s2 =	sld [smem:$0x3F94]  }
0x29: {  	s4 =	sld [smem:$0x3F96]  }
0x2a: {  	p0 =	seq.s32 s5, $0x0;
	s5 =	sld [smem:$0x3F97]  }
0x2b: {  	s6 =	sld [smem:$0x3F98]  }
0x2c: {  	s7 =	sld [smem:$0x3F99]  }
0x2d: {  	s3 =	simm.s32 $0x108;
	s8 =	sld [smem:$0x3F9A]  }
0x2e: {  	s3 =	simm.s32 @!p0 $0x1082;
	s9 =	sld [smem:$0x3F9B]  }
0x2f: {  	lr =	sadd.s32 s0, s3;
	s0 =	sld [smem:$0x3F92]  }
0x30: {  	s3 =	sld [smem:$0x3F95]  }
0x31: {  	[smem:$0x3F9E] =	sst s10  }
0x32: {  	s10 =	sld [smem:$0x3F9C];
	_ =	sdelay $0x3  }
0x33: {  	p0 =	seq.s32 s10, $0x1;
	s10 =	sld [smem:$0x3F9E];
	_ =	sdelay $0x3  }
0x34: {  	[smem:$0x3F9E] =	sst s10  }
0x35: {  	s10 =	sld [smem:$0x3F9D];
	_ =	sdelay $0x3  }
0x36: {  	p1 =	seq.s32 s10, $0x1;
	s10 =	sld [smem:$0x3F9E];
	_ =	sdelay $0x3  }
0x37: {  	[smem:$0x3F9E] =	sst s10  }
0x38: {  	s10 =	sld [smem:$0x3F9F]  }
0x39: {  	_ = 	snop;
	(pc) =	sbr.ind lr, $3  }
0x3a: {  	_ = 	snop  }
0x3b: {  	_ = 	snop  }
0x3c: {  	p2 =	seq.s32 s10, $0x1;
	s10 =	sld [smem:$0x3F9E]  }
0x3d: {  	_ =	shalt  }
0x3e: {  	_ =	shalt  }
0x3f: {  	_ =	shalt  }
0x40: {  	_ =	shalt  }
0x41: {  	_ =	shalt  }
0x42: {  	_ =	shalt  }
0x43: {  	_ =	shalt  }
0x44: {  	_ =	shalt  }
0x45: {  	_ =	shalt  }
0x46: {  	_ =	shalt  }
0x47: {  	_ =	shalt  }
0x48: {  	_ =	shalt  }
0x49: {  	_ =	shalt  }
0x4a: {  	_ =	shalt  }
0x4b: {  	_ =	shalt  }
0x4c: {  	_ =	shalt  }
0x4d: {  	_ =	shalt  }
0x4e: {  	_ =	shalt  }
0x4f: {  	_ =	shalt  }
0x50: {  	_ =	shalt  }
0x51: {  	_ =	shalt  }
0x52: {  	_ =	shalt  }
0x53: {  	_ =	shalt  }
0x54: {  	_ =	shalt  }
0x55: {  	_ =	shalt  }
0x56: {  	_ =	shalt  }
0x57: {  	_ =	shalt  }
0x58: {  	_ =	shalt  }
0x59: {  	_ =	shalt  }
0x5a: {  	_ =	shalt  }
0x5b: {  	_ =	shalt  }
0x5c: {  	_ =	shalt  }
0x5d: {  	_ =	shalt  }
0x5e: {  	_ =	shalt  }
0x5f: {  	_ =	shalt  }
0x60: {  	_ =	shalt  }
0x61: {  	_ =	shalt  }
0x62: {  	_ =	shalt  }
0x63: {  	_ =	shalt  }
0x64: {  	_ =	shalt  }
0x65: {  	_ =	shalt  }
0x66: {  	_ =	shalt  }
0x67: {  	_ =	shalt  }
0x68: {  	_ =	shalt  }
0x69: {  	_ =	shalt  }
0x6a: {  	_ =	shalt  }
0x6b: {  	_ =	shalt  }
0x6c: {  	_ =	shalt  }
0x6d: {  	_ =	shalt  }
0x6e: {  	_ =	shalt  }
0x6f: {  	_ =	shalt  }
0x70: {  	_ =	shalt  }
0x71: {  	_ =	shalt  }
0x72: {  	_ =	shalt  }
0x73: {  	_ =	shalt  }
0x74: {  	_ =	shalt  }
0x75: {  	_ =	shalt  }
0x76: {  	_ =	shalt  }
0x77: {  	_ =	shalt  }
0x78: {  	_ =	shalt  }
0x79: {  	_ =	shalt  }
0x7a: {  	_ =	shalt  }
0x7b: {  	_ =	shalt  }
0x7c: {  	_ =	shalt  }
0x7d: {  	_ =	shalt  }
0x7e: {  	_ =	shalt  }
0x7f: {  	_ =	shalt  }
0x80: {  	_ =	shalt  }
0x81: {  	_ =	shalt  }
0x82: {  	_ =	shalt  }
0x83: {  	_ =	shalt  }
0x84: {  	_ =	shalt  }
0x85: {  	_ =	shalt  }
0x86: {  	_ =	shalt  }
0x87: {  	_ =	shalt  }
.Lfunc_end0:
.L_simem_size_0:
called_computation_lowered:
.L_overlay_start_0:
0x88: {  	s2 =	sld [smem:$0x3FD9]  }
0x89: {  	s3 =	sld [smem:$0x3FFE];
	_ =	sdelay $0x1  }
0x8a: {  	s1 =	srdreg.scid  }
0x8b: {  	s0 =	sand.u32 $0x1, s1  }
0x8c: {  	s17 =	sshll.u32 s0, $0xA;
	s2 =	sadd.s32 s3, s2  }
0x8d: {  	s2 =	sadd.s32 s2, s17  }
0x8e: {  	[smem:$0x3FAA] =	sst s2  }
0x8f: {  	_ = 	snop  }
0x90: {  	s2 =	sld [smem:$0x3FD0];
	(tm) =	ssettm $0x1  }
0x91: {  	s18 =	sld [smem:$0x3FFB];
	_ =	sdelay $0x3  }
0x92: {  	_ =	strace s18  }
0x93: {  	s3 =	sld [smem:$0x3FFC];
	_ =	sdelay $0x3  }
0x94: {  	_ =	strace s3  }
0x95: {  	s3 =	sld [smem:$0x3FFD];
	_ =	sdelay $0x3  }
0x96: {  	_ =	strace s3  }
0x97: {  	_ =	strace $0x8FFFFFFF  }
0x98: {  	s19 =	sld [smem:$0x3FDB];
	_ =	sdelay $0x1  }
0x99: {  	s4 =	simm.s32 $_scs_section_size  }
0x9a: {  	s5 =	simm.s32 $_size__tile_overlayer_lowered;
	s6 =	simm.s32 $_tile_overlayer_lowered  }
0x9b: {  	s22 =	simm.s32 $0x1BFF;
	s21 =	sshll.u32 s6, $0x1;
	s3 =	sadd.s32 s4, s19  }
0x9c: {  	s7 =	simm.s32 $0x0;
	s20 =	sshll.u32 s5, $0x1;
	s5 =	sadd.s32 s21, s3  }
0x9d: {  	[timem:s7], [sflag:s22] =	dma.local [hbm:s5], s20  }
0x9e: {  	_ =	swait.ge [sflag:s22], s20  }
0x9f: {  	s4 =	ssub.s32 $0x0, s20;
	[sflag:s22] =	ssyncset.done $0x0  }
0xa0: {  	[sflag:s22] =	ssyncadd.s32 s4;
	_ =	sdelay $0x1  }
0xa1: {  	s23 =	simm.s32 $0x1B8B  }
0xa2: {  	_ =	swait.ge [sflag:s23], $0x1  }
0xa3: {  	[sflag:s23] =	ssyncset.done $0x0  }
0xa4: {  	s25 =	simm.s32 $0x1B8E;
	s24 =	sld [smem:$0x3FFE];
	[sflag:s23] =	ssyncadd.s32 $0xFFFFFFFF  }
0xa5: {  	s26 =	simm.s32 $execute0_lowered;
	[smem:$0x3FD2] =	sst s25  }
0xa6: {  	s5 =	sshll.u32 s26, $0x1;
	_ =	strace $0x80000046;
	[dreg:$0x1] =	wrdreg $0xFFFFFFFF  }
0xa7: {  	s28 =	simm.s32 $_size_execute0_lowered;
	s3 =	sadd.s32 s3, s5;
	[dreg:$0x0] =	wrdreg $0x0  }
0xa8: {  	s5 =	sshll.u32 s28, $0x1;
	[dreg:$0x2] =	wrdreg s3  }
0xa9: {  	[dreg:$0x3] =	wrdreg s5  }
0xaa: {  	[dreg:$0x4] =	wrdreg $0xC0  }
0xab: {  	_ =	task [dreg:s7], $0x5FFFF  }
0xac: {  	[dreg:$0x1] =	wrdreg $0xFFFFFFFF  }
0xad: {  	[dreg:$0x0] =	wrdreg $0x60  }
0xae: {  	[dreg:$0x2] =	wrdreg s24  }
0xaf: {  	[dreg:$0x3] =	wrdreg s2  }
0xb0: {  	[dreg:$0x4] =	wrdreg $0x0  }
0xb1: {  	[dreg:$0x5] =	wrdreg $0x2800  }
0xb2: {  	[dreg:$0x6] =	wrdreg $0x9  }
0xb3: {  	_ =	task.clear_ibuf [dreg:s7], $0x7FFFF;
	_ =	strace $0x90000046  }
0xb4: {  	s29 =	simm.s32 $0x9;
	_ =	strace $0x80000048  }
0xb5: {  	_ =	swait.ge [sflag:s29], $0x1  }
0xb6: {  	[sflag:s29] =	ssyncadd.s32 $0xFFFFFFFF  }
0xb7: {  	_ =	strace $0x90000048  }
0xb8: {  	_ =	sfence  }
0xb9: {  	s30 =	sld [smem:$0x0];
	_ =	sdelay $0x2  }
0xba: {  	s31 =	sshll.u32 s1, $0xD;
	s1 =	sshrl.u32 s1, $0x2  }
0xbb: {  	s3 =	sand.u32 $0x4000, s31;
	s1 =	sadd.s32 s1, s30  }
0xbc: {  	s0 =	sor.u32 s3, s0;
	s1 =	sshll.u32 s1, $0x11  }
0xbd: {  	s0 =	sor.u32 s1, s0  }
0xbe: {  	s0 =	sadd.s32 $0x8F2B, s0  }
0xbf: {  	[sflag:s0] =	ssyncadd.remote.s32 $0x1  }
0xc0: {  	_ =	sfence.sel $0xFFFF  }
0xc1: {  	[dreg:$0x0] =	wrdreg $0xFFFFFFFF;
	(pc) =	sbr.abs _section_cstart, $3  }
0xc2: {  	[dreg:$0x1] =	wrdreg $0xFFFFFFFF  }
0xc3: {  	_ =	task.clear_ibuf [dreg:s7], $0x2FFFF;
	_ =	strace $0x9FFFFFFF  }
0xc4: {  	(tm) =	ssettm $0x7FFFFFFF  }
0xc5: {  	_ =	shalt  }
tec
execute0_lowered:
.L_overlay_start_1:
0x0: {  	(tag) =	ssettag $0x1  }
0x1: {  	s0 =	rddreg [dreg:$0x0]  }
0x2: {  	s1 =	rddreg [dreg:$0x2];
	s2 =	srdreg.scid  }
0x3: {  	s3 =	rddreg [dreg:$0x3];
	s5 =	stileid.u32;
	s4 =	simm.s32 $0x0  }
0x4: {  	s17 =	simm.s32 $0x2A8;
	s18 =	simm.s32 $0x80;
	s28 =	simm.s32 $0x728  }
0x5: {  	s29 =	simm.s32 $0x7A8;
	s30 =	simm.s32 $0x828;
	s31 =	simm.s32 $0x8A8  }
0x6: {  	s2 =	sand.u32 $0x1, s2;
	s7 =	smul.u32 $0x5000, s5;
	[smem:$0x7FF] =	sst s4  }
0x7: {  	s8 =	smul.u32 $0x500, s5;
	s9 =	sshll.u32 s5, $0x7;
	s13 =	sadd.s32 $0x1BA00, s0  }
0x8: {  	s12 =	smul.u32 $0x280, s5;
	p0 =	sne.s32 s5, $0x0;
	s26 =	sshll.u32 s5, $0x6  }
0x9: {  	s5 =	simm.s32 $0x0;
	s6 =	smul.u32 $0x50000, s2;
	_ =	strace $0x80000047  }
0xa: {  	s19 =	sshll.u32 s2, $0x7;
	s20 =	sadd.s32 s9, s0;
	s21 =	ssub.s32 $0x2, s2  }
0xb: {  	s10 =	sshll.u32 s2, $0x4;
	s2 =	sshll.u32 s2, $0xB;
	[dreg:$0x5] =	wrdreg s13  }
0xc: {  	s14 =	sor.u32 $0x1C01, s26;
	s16 =	sshrl.u32 @!p0 s3, $0x3;
	s26 =	simm.s32 $0x6A8  }
0xd: {  	s11 =	sshrl.u32 s21, $0x1;
	s15 =	sadd.s32 s12, s1;
	s22 =	sshrl.u32 s12, $0x3  }
0xe: {  	s2 =	sadd.s32 s2, s20;
	s12 =	simm.s32 $0xAA8;
	s20 =	simm.s32 $0x3A8  }
0xf: {  	s6 =	sadd.s32 s7, s6;
	s7 =	sor.u32 s19, s8;
	s9 =	ssub.s32 s21, s11  }
0x10: {  	s23 =	sadd.s32 s13, s22;
	s2 =	sadd.s32 $0x1AA00, s2;
	s13 =	simm.s32 $0x1  }
0x11: {  	s15 =	sshrl.u32 s15, $0x3;
	s19 =	simm.s32 $0x328;
	s21 =	simm.s32 $0x428  }
0x12: {  	s22 =	simm.s32 $0x4A8;
	s6 =	sshrl.u32 s6, $0x3;
	[dreg:$0x6] =	wrdreg s23  }
0x13: {  	s7 =	sshrl.u32 s7, $0x3;
	[dreg:$0x7] =	wrdreg s2;
	s25 =	smax.u32 s9, $0x1  }
0x14: {  	s23 =	simm.s32 $0x528;
	s2 =	simm.s32 $0x928;
	s6 =	sadd.s32 s6, s0  }
0x15: {  	s7 =	sadd.s32 s7, s0;
	s0 =	sadd.s32 s10, s0;
	[dreg:$0xa] =	wrdreg s25  }
0x16: {  	s25 =	simm.s32 $0x628;
	s24 =	sadd.s32 $0x1C000, s7;
	s0 =	sadd.s32 $0x1CA00, s0  }
0x17: {  	s11 =	sadd.s32 $0x6A00, s6;
	s6 =	simm.s32 $0xA28;
	[dreg:$0x8] =	wrdreg s24  }
0x18: {  	[dreg:$0x9] =	wrdreg s0;
	s24 =	simm.s32 $0x5A8;
	s0 =	simm.s32 $0x9A8  }
.LBB2_1:
0x19: {  	s7 =	rddreg [dreg:$0x1]  }
0x1a: {  	[tilespmem:s12], [sflag:$0x1] =	stream.linear.gather [hbm4b:s7+s4], $0x80, $0x38;
	[tilespmem:$0xB28] =	vst v63  }
0x1b: {  	_ =	swait.ge [sflag:s13], $0x80  }
0x1c: {  	[sflag:s13] =	ssyncset.done $0x0  }
0x1d: {  	s9 =	rddreg [dreg:$0x6];
	[sflag:s13] =	ssyncadd.s32 $0xFFFFFF80  }
0x1e: {  	[spmem:s15], [sflag:s14] =	dma.local [hbm:s9], $0x50  }
0x1f: {  	_ =	swait.ge [sflag:s13], $0x50  }
0x20: {  	[sflag:s13] =	ssyncset.done $0x0  }
0x21: {  	s7 =	rddreg [dreg:$0x5];
	[sflag:s13] =	ssyncadd.s32 $0xFFFFFFB0  }
0x22: {  	[spmem:s16], [sflag:s14] =	dma.local @!p0 [hbm:s7], $0x50  }
0x23: {  	s7 =	simm.s32 @!p0 $0x1  }
0x24: {  	_ =	swait.ge @!p0 [sflag:s7], $0x50  }
0x25: {  	[sflag:s7] =	ssyncset.done @!p0 $0x0  }
0x26: {  	[sflag:s7] =	ssyncadd.s32 @!p0 $0xFFFFFFB0  }
0x27: {  	s10 =	sadd.s32 $0x0, s11;
	[bflag:$0x0] =	sbarrier.arrive $0xFFFF  }
0x28: {  	[tilespmem:s17], [sflag:$0x1] =	stream.linear.gather [hbm4b:s10+s4], $0x800, $0x38;
	[tilespmem:$0xB28] =	vst v63  }
0x29: {  	_ =	swait.ge [sflag:s13], $0x800  }
0x2a: {  	[sflag:s13] =	ssyncset.done $0x0  }
0x2b: {  	[sflag:s13] =	ssyncadd.s32 $0xFFFFF800  }
0x2c: {  	[spmem:s1] =	stream.indirect.scatter.add.f32 [tilespmem:s12], [sflag:$0x1], $0x1, s17, s18, $0xb8;
	[tilespmem:$0xB28] =	vst v63  }
0x2d: {  	_ =	swait.ge [sflag:s13], $0x80  }
0x2e: {  	[sflag:s13] =	ssyncset.done $0x0  }
0x2f: {  	[sflag:s13] =	ssyncadd.s32 $0xFFFFFF80  }
0x30: {  	[spmem:s1] =	stream.indirect.scatter.add.f32 [tilespmem:s12], [sflag:$0x1], $0x1, s19, s18, $0xb8;
	[tilespmem:$0xB28] =	vst v63  }
0x31: {  	_ =	swait.ge [sflag:s13], $0x80  }
0x32: {  	[sflag:s13] =	ssyncset.done $0x0  }
0x33: {  	[sflag:s13] =	ssyncadd.s32 $0xFFFFFF80  }
0x34: {  	[spmem:s1] =	stream.indirect.scatter.add.f32 [tilespmem:s12], [sflag:$0x1], $0x1, s20, s18, $0xb8;
	[tilespmem:$0xB28] =	vst v63  }
0x35: {  	_ =	swait.ge [sflag:s13], $0x80  }
0x36: {  	[sflag:s13] =	ssyncset.done $0x0  }
0x37: {  	[sflag:s13] =	ssyncadd.s32 $0xFFFFFF80  }
0x38: {  	[spmem:s1] =	stream.indirect.scatter.add.f32 [tilespmem:s12], [sflag:$0x1], $0x1, s21, s18, $0xb8;
	[tilespmem:$0xB28] =	vst v63  }
0x39: {  	_ =	swait.ge [sflag:s13], $0x80  }
0x3a: {  	[sflag:s13] =	ssyncset.done $0x0  }
0x3b: {  	[sflag:s13] =	ssyncadd.s32 $0xFFFFFF80  }
0x3c: {  	[spmem:s1] =	stream.indirect.scatter.add.f32 [tilespmem:s12], [sflag:$0x1], $0x1, s22, s18, $0xb8;
	[tilespmem:$0xB28] =	vst v63  }
0x3d: {  	_ =	swait.ge [sflag:s13], $0x80  }
0x3e: {  	[sflag:s13] =	ssyncset.done $0x0  }
0x3f: {  	[sflag:s13] =	ssyncadd.s32 $0xFFFFFF80  }
0x40: {  	[spmem:s1] =	stream.indirect.scatter.add.f32 [tilespmem:s12], [sflag:$0x1], $0x1, s23, s18, $0xb8;
	[tilespmem:$0xB28] =	vst v63  }
0x41: {  	_ =	swait.ge [sflag:s13], $0x80  }
0x42: {  	[sflag:s13] =	ssyncset.done $0x0  }
0x43: {  	[sflag:s13] =	ssyncadd.s32 $0xFFFFFF80  }
0x44: {  	[spmem:s1] =	stream.indirect.scatter.add.f32 [tilespmem:s12], [sflag:$0x1], $0x1, s24, s18, $0xb8;
	[tilespmem:$0xB28] =	vst v63  }
0x45: {  	_ =	swait.ge [sflag:s13], $0x80  }
0x46: {  	[sflag:s13] =	ssyncset.done $0x0  }
0x47: {  	[sflag:s13] =	ssyncadd.s32 $0xFFFFFF80  }
0x48: {  	[spmem:s1] =	stream.indirect.scatter.add.f32 [tilespmem:s12], [sflag:$0x1], $0x1, s25, s18, $0xb8;
	[tilespmem:$0xB28] =	vst v63  }
0x49: {  	_ =	swait.ge [sflag:s13], $0x80  }
0x4a: {  	[sflag:s13] =	ssyncset.done $0x0  }
0x4b: {  	[sflag:s13] =	ssyncadd.s32 $0xFFFFFF80  }
0x4c: {  	[spmem:s1] =	stream.indirect.scatter.add.f32 [tilespmem:s12], [sflag:$0x1], $0x1, s26, s18, $0xb8;
	[tilespmem:$0xB28] =	vst v63  }
0x4d: {  	_ =	swait.ge [sflag:s13], $0x80  }
0x4e: {  	[sflag:s13] =	ssyncset.done $0x0  }
0x4f: {  	[sflag:s13] =	ssyncadd.s32 $0xFFFFFF80  }
0x50: {  	[spmem:s1] =	stream.indirect.scatter.add.f32 [tilespmem:s12], [sflag:$0x1], $0x1, s28, s18, $0xb8;
	[tilespmem:$0xB28] =	vst v63  }
0x51: {  	_ =	swait.ge [sflag:s13], $0x80  }
0x52: {  	[sflag:s13] =	ssyncset.done $0x0  }
0x53: {  	[sflag:s13] =	ssyncadd.s32 $0xFFFFFF80  }
0x54: {  	[spmem:s1] =	stream.indirect.scatter.add.f32 [tilespmem:s12], [sflag:$0x1], $0x1, s29, s18, $0xb8;
	[tilespmem:$0xB28] =	vst v63  }
0x55: {  	_ =	swait.ge [sflag:s13], $0x80  }
0x56: {  	[sflag:s13] =	ssyncset.done $0x0  }
0x57: {  	[sflag:s13] =	ssyncadd.s32 $0xFFFFFF80  }
0x58: {  	[spmem:s1] =	stream.indirect.scatter.add.f32 [tilespmem:s12], [sflag:$0x1], $0x1, s30, s18, $0xb8;
	[tilespmem:$0xB28] =	vst v63  }
0x59: {  	_ =	swait.ge [sflag:s13], $0x80  }
0x5a: {  	[sflag:s13] =	ssyncset.done $0x0  }
0x5b: {  	[sflag:s13] =	ssyncadd.s32 $0xFFFFFF80  }
0x5c: {  	[spmem:s1] =	stream.indirect.scatter.add.f32 [tilespmem:s12], [sflag:$0x1], $0x1, s31, s18, $0xb8;
	[tilespmem:$0xB28] =	vst v63  }
0x5d: {  	_ =	swait.ge [sflag:s13], $0x80  }
0x5e: {  	[sflag:s13] =	ssyncset.done $0x0  }
0x5f: {  	[sflag:s13] =	ssyncadd.s32 $0xFFFFFF80  }
0x60: {  	[spmem:s1] =	stream.indirect.scatter.add.f32 [tilespmem:s12], [sflag:$0x1], $0x1, s2, s18, $0xb8;
	[tilespmem:$0xB28] =	vst v63  }
0x61: {  	_ =	swait.ge [sflag:s13], $0x80  }
0x62: {  	[sflag:s13] =	ssyncset.done $0x0  }
0x63: {  	[sflag:s13] =	ssyncadd.s32 $0xFFFFFF80  }
0x64: {  	[spmem:s1] =	stream.indirect.scatter.add.f32 [tilespmem:s12], [sflag:$0x1], $0x1, s0, s18, $0xb8;
	[tilespmem:$0xB28] =	vst v63  }
0x65: {  	_ =	swait.ge [sflag:s13], $0x80  }
0x66: {  	[sflag:s13] =	ssyncset.done $0x0  }
0x67: {  	[sflag:s13] =	ssyncadd.s32 $0xFFFFFF80  }
0x68: {  	[spmem:s1] =	stream.indirect.scatter.add.f32 [tilespmem:s12], [sflag:$0x1], $0x1, s6, s18, $0xb8;
	[tilespmem:$0xB28] =	vst v63  }
0x69: {  	_ =	swait.ge [sflag:s13], $0x80  }
0x6a: {  	s8 =	simm.s32 $0x200;
	s7 =	simm.s32 $0x100;
	[sflag:s13] =	ssyncset.done $0x0  }
.LBB2_2:
0x6b: {  	s10 =	sadd.s32 s7, s11  }
0x6c: {  	[sflag:s13] =	ssyncadd.s32 $0xFFFFFF80;
	s7 =	smov.u32 s8;
	s9 =	sadd.s32 $0x100, s8  }
0x6d: {  	[tilespmem:s17], [sflag:$0x1] =	stream.linear.gather [hbm4b:s10+s4], $0x800, $0x38;
	[tilespmem:$0xB28] =	vst v63  }
0x6e: {  	p1 =	sne.s32 s8, $0x900;
	_ =	swait.ge [sflag:s13], $0x800  }
0x6f: {  	[sflag:s13] =	ssyncset.done $0x0  }
0x70: {  	[sflag:s13] =	ssyncadd.s32 $0xFFFFF800  }
0x71: {  	[spmem:s1] =	stream.indirect.scatter.add.f32 [tilespmem:s12], [sflag:$0x1], $0x1, s17, s18, $0xb8;
	[tilespmem:$0xB28] =	vst v63  }
0x72: {  	_ =	swait.ge [sflag:s13], $0x80  }
0x73: {  	[sflag:s13] =	ssyncset.done $0x0  }
0x74: {  	[sflag:s13] =	ssyncadd.s32 $0xFFFFFF80  }
0x75: {  	[spmem:s1] =	stream.indirect.scatter.add.f32 [tilespmem:s12], [sflag:$0x1], $0x1, s19, s18, $0xb8;
	[tilespmem:$0xB28] =	vst v63  }
0x76: {  	_ =	swait.ge [sflag:s13], $0x80  }
0x77: {  	[sflag:s13] =	ssyncset.done $0x0  }
0x78: {  	[sflag:s13] =	ssyncadd.s32 $0xFFFFFF80  }
0x79: {  	[spmem:s1] =	stream.indirect.scatter.add.f32 [tilespmem:s12], [sflag:$0x1], $0x1, s20, s18, $0xb8;
	[tilespmem:$0xB28] =	vst v63  }
0x7a: {  	_ =	swait.ge [sflag:s13], $0x80  }
0x7b: {  	[sflag:s13] =	ssyncset.done $0x0  }
0x7c: {  	[sflag:s13] =	ssyncadd.s32 $0xFFFFFF80  }
0x7d: {  	[spmem:s1] =	stream.indirect.scatter.add.f32 [tilespmem:s12], [sflag:$0x1], $0x1, s21, s18, $0xb8;
	[tilespmem:$0xB28] =	vst v63  }
0x7e: {  	_ =	swait.ge [sflag:s13], $0x80  }
0x7f: {  	[sflag:s13] =	ssyncset.done $0x0  }
0x80: {  	[sflag:s13] =	ssyncadd.s32 $0xFFFFFF80  }
0x81: {  	[spmem:s1] =	stream.indirect.scatter.add.f32 [tilespmem:s12], [sflag:$0x1], $0x1, s22, s18, $0xb8;
	[tilespmem:$0xB28] =	vst v63  }
0x82: {  	_ =	swait.ge [sflag:s13], $0x80  }
0x83: {  	[sflag:s13] =	ssyncset.done $0x0  }
0x84: {  	[sflag:s13] =	ssyncadd.s32 $0xFFFFFF80  }
0x85: {  	[spmem:s1] =	stream.indirect.scatter.add.f32 [tilespmem:s12], [sflag:$0x1], $0x1, s23, s18, $0xb8;
	[tilespmem:$0xB28] =	vst v63  }
0x86: {  	_ =	swait.ge [sflag:s13], $0x80  }
0x87: {  	[sflag:s13] =	ssyncset.done $0x0  }
0x88: {  	[sflag:s13] =	ssyncadd.s32 $0xFFFFFF80  }
0x89: {  	[spmem:s1] =	stream.indirect.scatter.add.f32 [tilespmem:s12], [sflag:$0x1], $0x1, s24, s18, $0xb8;
	[tilespmem:$0xB28] =	vst v63  }
0x8a: {  	_ =	swait.ge [sflag:s13], $0x80  }
0x8b: {  	[sflag:s13] =	ssyncset.done $0x0  }
0x8c: {  	[sflag:s13] =	ssyncadd.s32 $0xFFFFFF80  }
0x8d: {  	[spmem:s1] =	stream.indirect.scatter.add.f32 [tilespmem:s12], [sflag:$0x1], $0x1, s25, s18, $0xb8;
	[tilespmem:$0xB28] =	vst v63  }
0x8e: {  	_ =	swait.ge [sflag:s13], $0x80  }
0x8f: {  	[sflag:s13] =	ssyncset.done $0x0  }
0x90: {  	[sflag:s13] =	ssyncadd.s32 $0xFFFFFF80  }
0x91: {  	[spmem:s1] =	stream.indirect.scatter.add.f32 [tilespmem:s12], [sflag:$0x1], $0x1, s26, s18, $0xb8;
	[tilespmem:$0xB28] =	vst v63  }
0x92: {  	_ =	swait.ge [sflag:s13], $0x80  }
0x93: {  	[sflag:s13] =	ssyncset.done $0x0  }
0x94: {  	[sflag:s13] =	ssyncadd.s32 $0xFFFFFF80  }
0x95: {  	[spmem:s1] =	stream.indirect.scatter.add.f32 [tilespmem:s12], [sflag:$0x1], $0x1, s28, s18, $0xb8;
	[tilespmem:$0xB28] =	vst v63  }
0x96: {  	_ =	swait.ge [sflag:s13], $0x80  }
0x97: {  	[sflag:s13] =	ssyncset.done $0x0  }
0x98: {  	[sflag:s13] =	ssyncadd.s32 $0xFFFFFF80  }
0x99: {  	[spmem:s1] =	stream.indirect.scatter.add.f32 [tilespmem:s12], [sflag:$0x1], $0x1, s29, s18, $0xb8;
	[tilespmem:$0xB28] =	vst v63  }
0x9a: {  	_ =	swait.ge [sflag:s13], $0x80  }
0x9b: {  	[sflag:s13] =	ssyncset.done $0x0  }
0x9c: {  	[sflag:s13] =	ssyncadd.s32 $0xFFFFFF80  }
0x9d: {  	[spmem:s1] =	stream.indirect.scatter.add.f32 [tilespmem:s12], [sflag:$0x1], $0x1, s30, s18, $0xb8;
	[tilespmem:$0xB28] =	vst v63  }
0x9e: {  	_ =	swait.ge [sflag:s13], $0x80  }
0x9f: {  	[sflag:s13] =	ssyncset.done $0x0  }
0xa0: {  	[sflag:s13] =	ssyncadd.s32 $0xFFFFFF80  }
0xa1: {  	[spmem:s1] =	stream.indirect.scatter.add.f32 [tilespmem:s12], [sflag:$0x1], $0x1, s31, s18, $0xb8;
	[tilespmem:$0xB28] =	vst v63  }
0xa2: {  	_ =	swait.ge [sflag:s13], $0x80  }
0xa3: {  	[sflag:s13] =	ssyncset.done $0x0  }
0xa4: {  	[sflag:s13] =	ssyncadd.s32 $0xFFFFFF80  }
0xa5: {  	[spmem:s1] =	stream.indirect.scatter.add.f32 [tilespmem:s12], [sflag:$0x1], $0x1, s2, s18, $0xb8;
	[tilespmem:$0xB28] =	vst v63  }
0xa6: {  	_ =	swait.ge [sflag:s13], $0x80  }
0xa7: {  	[sflag:s13] =	ssyncset.done $0x0  }
0xa8: {  	[sflag:s13] =	ssyncadd.s32 $0xFFFFFF80  }
0xa9: {  	[spmem:s1] =	stream.indirect.scatter.add.f32 [tilespmem:s12], [sflag:$0x1], $0x1, s0, s18, $0xb8;
	[tilespmem:$0xB28] =	vst v63  }
0xaa: {  	_ =	swait.ge [sflag:s13], $0x80  }
.Ltmp0:
0xab: {  	[sflag:s13] =	ssyncset.done $0x0;
	(pc) =	sbr.rel @p1 .LBB2_2-.Ltmp0, $4  }
0xac: {  	[sflag:s13] =	ssyncadd.s32 $0xFFFFFF80  }
0xad: {  	[spmem:s1] =	stream.indirect.scatter.add.f32 [tilespmem:s12], [sflag:$0x1], $0x1, s6, s18, $0xb8;
	[tilespmem:$0xB28] =	vst v63  }
0xae: {  	_ =	swait.ge [sflag:s13], $0x80  }
0xaf: {  	s8 =	smov.u32 s9;
	[sflag:s13] =	ssyncset.done $0x0  }
0xb0: {  	s7 =	sadd.s32 s7, s11;
	[sflag:s13] =	ssyncadd.s32 $0xFFFFFF80  }
0xb1: {  	[tilespmem:s17], [sflag:$0x1] =	stream.linear.gather [hbm4b:s7+s4], $0x800, $0x38;
	[tilespmem:$0xB28] =	vst v63  }
0xb2: {  	_ =	swait.ge [sflag:s13], $0x800  }
0xb3: {  	[sflag:s13] =	ssyncset.done $0x0  }
0xb4: {  	[sflag:s13] =	ssyncadd.s32 $0xFFFFF800  }
0xb5: {  	[spmem:s1] =	stream.indirect.scatter.add.f32 [tilespmem:s12], [sflag:$0x1], $0x1, s17, s18, $0xb8;
	[tilespmem:$0xB28] =	vst v63  }
0xb6: {  	_ =	swait.ge [sflag:s13], $0x80  }
0xb7: {  	[sflag:s13] =	ssyncset.done $0x0  }
0xb8: {  	[sflag:s13] =	ssyncadd.s32 $0xFFFFFF80  }
0xb9: {  	[spmem:s1] =	stream.indirect.scatter.add.f32 [tilespmem:s12], [sflag:$0x1], $0x1, s19, s18, $0xb8;
	[tilespmem:$0xB28] =	vst v63  }
0xba: {  	_ =	swait.ge [sflag:s13], $0x80  }
0xbb: {  	[sflag:s13] =	ssyncset.done $0x0  }
0xbc: {  	[sflag:s13] =	ssyncadd.s32 $0xFFFFFF80  }
0xbd: {  	[spmem:s1] =	stream.indirect.scatter.add.f32 [tilespmem:s12], [sflag:$0x1], $0x1, s20, s18, $0xb8;
	[tilespmem:$0xB28] =	vst v63  }
0xbe: {  	_ =	swait.ge [sflag:s13], $0x80  }
0xbf: {  	[sflag:s13] =	ssyncset.done $0x0  }
0xc0: {  	[sflag:s13] =	ssyncadd.s32 $0xFFFFFF80  }
0xc1: {  	[spmem:s1] =	stream.indirect.scatter.add.f32 [tilespmem:s12], [sflag:$0x1], $0x1, s21, s18, $0xb8;
	[tilespmem:$0xB28] =	vst v63  }
0xc2: {  	_ =	swait.ge [sflag:s13], $0x80  }
0xc3: {  	[sflag:s13] =	ssyncset.done $0x0  }
0xc4: {  	[sflag:s13] =	ssyncadd.s32 $0xFFFFFF80  }
0xc5: {  	[spmem:s1] =	stream.indirect.scatter.add.f32 [tilespmem:s12], [sflag:$0x1], $0x1, s22, s18, $0xb8;
	[tilespmem:$0xB28] =	vst v63  }
0xc6: {  	_ =	swait.ge [sflag:s13], $0x80  }
0xc7: {  	[sflag:s13] =	ssyncset.done $0x0  }
0xc8: {  	[sflag:s13] =	ssyncadd.s32 $0xFFFFFF80  }
0xc9: {  	[spmem:s1] =	stream.indirect.scatter.add.f32 [tilespmem:s12], [sflag:$0x1], $0x1, s23, s18, $0xb8;
	[tilespmem:$0xB28] =	vst v63  }
0xca: {  	_ =	swait.ge [sflag:s13], $0x80  }
0xcb: {  	[sflag:s13] =	ssyncset.done $0x0  }
0xcc: {  	[sflag:s13] =	ssyncadd.s32 $0xFFFFFF80  }
0xcd: {  	[spmem:s1] =	stream.indirect.scatter.add.f32 [tilespmem:s12], [sflag:$0x1], $0x1, s24, s18, $0xb8;
	[tilespmem:$0xB28] =	vst v63  }
0xce: {  	_ =	swait.ge [sflag:s13], $0x80  }
0xcf: {  	[sflag:s13] =	ssyncset.done $0x0  }
0xd0: {  	[sflag:s13] =	ssyncadd.s32 $0xFFFFFF80  }
0xd1: {  	[spmem:s1] =	stream.indirect.scatter.add.f32 [tilespmem:s12], [sflag:$0x1], $0x1, s25, s18, $0xb8;
	[tilespmem:$0xB28] =	vst v63  }
0xd2: {  	_ =	swait.ge [sflag:s13], $0x80  }
0xd3: {  	[sflag:s13] =	ssyncset.done $0x0  }
0xd4: {  	[sflag:s13] =	ssyncadd.s32 $0xFFFFFF80  }
0xd5: {  	[spmem:s1] =	stream.indirect.scatter.add.f32 [tilespmem:s12], [sflag:$0x1], $0x1, s26, s18, $0xb8;
	[tilespmem:$0xB28] =	vst v63  }
0xd6: {  	_ =	swait.ge [sflag:s13], $0x80  }
0xd7: {  	[sflag:s13] =	ssyncset.done $0x0  }
0xd8: {  	[sflag:s13] =	ssyncadd.s32 $0xFFFFFF80  }
0xd9: {  	[spmem:s1] =	stream.indirect.scatter.add.f32 [tilespmem:s12], [sflag:$0x1], $0x1, s28, s18, $0xb8;
	[tilespmem:$0xB28] =	vst v63  }
0xda: {  	_ =	swait.ge [sflag:s13], $0x80  }
0xdb: {  	[sflag:s13] =	ssyncset.done $0x0  }
0xdc: {  	[sflag:s13] =	ssyncadd.s32 $0xFFFFFF80  }
0xdd: {  	[spmem:s1] =	stream.indirect.scatter.add.f32 [tilespmem:s12], [sflag:$0x1], $0x1, s29, s18, $0xb8;
	[tilespmem:$0xB28] =	vst v63  }
0xde: {  	_ =	swait.ge [sflag:s13], $0x80  }
0xdf: {  	[sflag:s13] =	ssyncset.done $0x0  }
0xe0: {  	[sflag:s13] =	ssyncadd.s32 $0xFFFFFF80  }
0xe1: {  	[spmem:s1] =	stream.indirect.scatter.add.f32 [tilespmem:s12], [sflag:$0x1], $0x1, s30, s18, $0xb8;
	[tilespmem:$0xB28] =	vst v63  }
0xe2: {  	_ =	swait.ge [sflag:s13], $0x80  }
0xe3: {  	[sflag:s13] =	ssyncset.done $0x0  }
0xe4: {  	[sflag:s13] =	ssyncadd.s32 $0xFFFFFF80  }
0xe5: {  	[spmem:s1] =	stream.indirect.scatter.add.f32 [tilespmem:s12], [sflag:$0x1], $0x1, s31, s18, $0xb8;
	[tilespmem:$0xB28] =	vst v63  }
0xe6: {  	_ =	swait.ge [sflag:s13], $0x80  }
0xe7: {  	[sflag:s13] =	ssyncset.done $0x0  }
0xe8: {  	[sflag:s13] =	ssyncadd.s32 $0xFFFFFF80  }
0xe9: {  	[spmem:s1] =	stream.indirect.scatter.add.f32 [tilespmem:s12], [sflag:$0x1], $0x1, s2, s18, $0xb8;
	[tilespmem:$0xB28] =	vst v63  }
0xea: {  	_ =	swait.ge [sflag:s13], $0x80  }
0xeb: {  	[sflag:s13] =	ssyncset.done $0x0  }
0xec: {  	[sflag:s13] =	ssyncadd.s32 $0xFFFFFF80  }
0xed: {  	[spmem:s1] =	stream.indirect.scatter.add.f32 [tilespmem:s12], [sflag:$0x1], $0x1, s0, s18, $0xb8;
	[tilespmem:$0xB28] =	vst v63  }
0xee: {  	_ =	swait.ge [sflag:s13], $0x80  }
0xef: {  	[sflag:s13] =	ssyncset.done $0x0  }
0xf0: {  	[sflag:s13] =	ssyncadd.s32 $0xFFFFFF80  }
0xf1: {  	[spmem:s1] =	stream.indirect.scatter.add.f32 [tilespmem:s12], [sflag:$0x1], $0x1, s6, s18, $0xb8;
	[tilespmem:$0xB28] =	vst v63  }
0xf2: {  	_ =	swait.ge [sflag:s13], $0x80  }
0xf3: {  	[sflag:s13] =	ssyncset.done $0x0  }
0xf4: {  	s9 =	rddreg [dreg:$0x7];
	[sflag:s13] =	ssyncadd.s32 $0xFFFFFF80  }
0xf5: {  	[tilespmem:s17], [sflag:$0x1] =	stream.linear.gather [hbm4b:s9+s4], $0x280, $0x38;
	[tilespmem:$0xB28] =	vst v63  }
0xf6: {  	_ =	swait.ge [sflag:s13], $0x280  }
0xf7: {  	[sflag:s13] =	ssyncset.done $0x0  }
0xf8: {  	[sflag:s13] =	ssyncadd.s32 $0xFFFFFD80  }
0xf9: {  	[spmem:s3] =	stream.indirect.scatter.add.f32 [tilespmem:s12], [sflag:$0x1], $0x1, s17, s18, $0xb8;
	[tilespmem:$0xB28] =	vst v63  }
0xfa: {  	_ =	swait.ge [sflag:s13], $0x80  }
0xfb: {  	[sflag:s13] =	ssyncset.done $0x0  }
0xfc: {  	[sflag:s13] =	ssyncadd.s32 $0xFFFFFF80  }
0xfd: {  	[spmem:s3] =	stream.indirect.scatter.add.f32 [tilespmem:s12], [sflag:$0x1], $0x1, s19, s18, $0xb8;
	[tilespmem:$0xB28] =	vst v63  }
0xfe: {  	_ =	swait.ge [sflag:s13], $0x80  }
0xff: {  	[sflag:s13] =	ssyncset.done $0x0  }
0x100: {  	[sflag:s13] =	ssyncadd.s32 $0xFFFFFF80  }
0x101: {  	[spmem:s3] =	stream.indirect.scatter.add.f32 [tilespmem:s12], [sflag:$0x1], $0x1, s20, s18, $0xb8;
	[tilespmem:$0xB28] =	vst v63  }
0x102: {  	_ =	swait.ge [sflag:s13], $0x80  }
0x103: {  	[sflag:s13] =	ssyncset.done $0x0  }
0x104: {  	[sflag:s13] =	ssyncadd.s32 $0xFFFFFF80  }
0x105: {  	[spmem:s3] =	stream.indirect.scatter.add.f32 [tilespmem:s12], [sflag:$0x1], $0x1, s21, s18, $0xb8;
	[tilespmem:$0xB28] =	vst v63  }
0x106: {  	_ =	swait.ge [sflag:s13], $0x80  }
0x107: {  	[sflag:s13] =	ssyncset.done $0x0  }
0x108: {  	[sflag:s13] =	ssyncadd.s32 $0xFFFFFF80  }
0x109: {  	[spmem:s3] =	stream.indirect.scatter.add.f32 [tilespmem:s12], [sflag:$0x1], $0x1, s22, s18, $0xb8;
	[tilespmem:$0xB28] =	vst v63  }
0x10a: {  	_ =	swait.ge [sflag:s13], $0x80  }
0x10b: {  	[sflag:s13] =	ssyncset.done $0x0  }
0x10c: {  	[sflag:s13] =	ssyncadd.s32 $0xFFFFFF80  }
0x10d: {  	[bflag:$0x0] =	sbarrier.arrive $0xFFFF  }
0x10e: {  	s8 =	simm.s32 $0x20;
	s9 =	simm.s32 $0x10;
	s10 =	rddreg [dreg:$0x8]  }
0x10f: {  	[hbm:s10@s8], [sflag:s14] =	dma.strided [spmem:s15@s9], $0x50, s13, $0x10   }
0x110: {  	_ =	swait.ge [sflag:s13], $0x50  }
0x111: {  	s7 =	simm.s32 @!p0 $0x1;
	s8 =	simm.s32 @!p0 $0x20;
	[sflag:s13] =	ssyncset.done $0x0  }
0x112: {  	s9 =	simm.s32 @!p0 $0x10;
	s10 =	rddreg [dreg:$0x9];
	[sflag:s13] =	ssyncadd.s32 $0xFFFFFFB0  }
0x113: {  	[hbm:s10@s8], [sflag:s14] =	dma.strided @!p0 [spmem:s16@s9], $0x50, s7, $0x10   }
0x114: {  	_ =	swait.ge @!p0 [sflag:s7], $0x50  }
0x115: {  	s5 =	sadd.s32 $0x1, s5;
	s10 =	rddreg [dreg:$0xa]  }
0x116: {  	p1 =	sne.s32 s5, s10  }
.Ltmp1:
0x117: {  	_ = 	snop;
	(pc) =	sbr.rel @p1 .LBB2_1-.Ltmp1, $3  }
0x118: {  	_ =	sdelay $0x1  }
0x119: {  	[sflag:s7] =	ssyncset.done @!p0 $0x0  }
0x11a: {  	[sflag:s7] =	ssyncadd.s32 @!p0 $0xFFFFFFB0  }
0x11b: {  	_ =	sfence.sel $0x180000  }
0x11c: {  	[bflag:$0x0] =	sbarrier.arrive $0xFFFF  }
0x11d: {  	_ =	strace $0x90000047  }
0x11e: {  	[bflag:$0x2] =	sbarrier.arrive $0xFFFF  }
0x11f: {  	s0 =	rddreg [dreg:$0x4]  }
0x120: {  	s0 =	sadd.s32 @!p0 $0x100000, s0  }
0x121: {  	[sflag:s0] =	ssyncadd.tile.s32 @!p0 $0x1;
	_ =	shalt  }
.Lfunc_end2:
_tile_overlayer_lowered:
.L_overlay_start_2:
0x122: {  	(tag) =	ssettag $0x2  }
0x123: {  	s0 =	rddreg [dreg:$0x0];
	s2 =	stileid.u32  }
0x124: {  	s1 =	rddreg [dreg:$0x1];
	p0 =	sne.s32 s2, $0x0  }
0x125: {  	s3 =	rddreg [dreg:$0x2];
	[bflag:$0x3] =	sbarrier.arrive $0xFFFF;
	s2 =	simm.s32 @!p0 $0x1C01  }
0x126: {  	[timem:s3], [sflag:s2] =	dma.local @!p0 [hbm:s0], s1  }
0x127: {  	s0 =	simm.s32 @!p0 $0x1  }
0x128: {  	_ =	swait.ge @!p0 [sflag:s0], s1  }
0x129: {  	s1 =	ssub.s32 @!p0 $0x0, s1;
	[sflag:s0] =	ssyncset.done @!p0 $0x0  }
0x12a: {  	[sflag:s0] =	ssyncadd.s32 @!p0 s1  }
0x12b: {  	[bflag:$0x3] =	sbarrier.arrive $0xFFFF  }
0x12c: {  	_ =	shalt  }

// kernel: kernel.16.cloned.1.call-start
scs
__scs_entry_jumppad:
0x0: {  	(pc) =	sbr.rel $0x88, $3  }
0x1: {  	(tag) =	ssettag $0x0;
	lr =	simm.s32 $0x1  }
0x2: {  	[smem:$0x3F83] =	sst lr;
	_ =	strace $0xD0000000  }
0x3: {  	_ = 	snop  }
0x4: {  	_ = 	snop  }
0x5: {  	_ = 	snop  }
0x6: {  	_ = 	snop  }
0x7: {  	_ = 	snop  }
__scs_overlays_trampoline_lowered:
0x8: {  	[smem:$0x3F92] =	sst s0  }
0x9: {  	[smem:$0x3F93] =	sst s1  }
0xa: {  	[smem:$0x3F94] =	sst s2  }
0xb: {  	[smem:$0x3F95] =	sst s3  }
0xc: {  	[smem:$0x3F96] =	sst s4  }
0xd: {  	[smem:$0x3F97] =	sst s5  }
0xe: {  	[smem:$0x3F98] =	sst s6  }
0xf: {  	[smem:$0x3F99] =	sst s7  }
0x10: {  	[smem:$0x3F9A] =	sst s8  }
0x11: {  	[smem:$0x3F9B] =	sst s9;
	s0 =	simm.s32 @!p0 $0x0  }
0x12: {  	s1 =	sld [smem:$0x3F81];
	s0 =	simm.s32 @p0 $0x1  }
0x13: {  	[smem:$0x3F9C] =	sst s0;
	s0 =	simm.s32 @!p1 $0x0  }
0x14: {  	s2 =	sld [smem:$0x3F80];
	s0 =	simm.s32 @p1 $0x1  }
0x15: {  	[smem:$0x3F9D] =	sst s0;
	s0 =	simm.s32 @!p2 $0x0  }
0x16: {  	s3 =	sld [smem:$0x3FDB];
	s0 =	simm.s32 @p2 $0x1  }
0x17: {  	s4 =	simm.s32 $0x1BF5;
	[smem:$0x3F9F] =	sst s0  }
0x18: {  	s0 =	sld [smem:$0x3F82];
	_ =	swait.ge [sflag:s4], $0x0  }
0x19: {  	s7 =	sld [smem:$0x3F83]  }
0x1a: {  	s8 =	sadd.s32 $0xFFFFE003, lr  }
0x1b: {  	s9 =	sadd.s32 $0xFFFFFEF7, lr;
	s5 =	simm.s32 $0xFFFFFFFF;
	p2 =	slt.u32 s8, $0xFFFFF086  }
0x1c: {  	p1 =	slt.u32 s9, $0xF7A;
	s5 =	simm.s32 @!p2 $0x0  }
0x1d: {  	s5 =	simm.s32 @p1 $0x1;
	p0 =	seq.s32 s7, s2  }
0x1e: {  	s7 =	smul.u32 @!p0 $0xF7A, s2;
	p2 =	seq.s32 @!p0 s5, $0x0  }
0x1f: {  	s9 =	smul.u32 $0xF7A, s1;
	s8 =	simm.s32 @!p0 $0x1BF5;
	p2 =	por !p2, p0  }
0x20: {  	[sflag:s8] =	ssyncset.s32 @!p0 $0xFFFFF086;
	s6 =	sadd.s32 @!p0 s3, s7;
	s7 =	simm.s32 @!p0 $0x108  }
0x21: {  	s3 =	sadd.s32 s3, s9;
	s6 =	sadd.s32 @!p0 $0x88, s6;
	s7 =	simm.s32 @p2 $0x1082  }
0x22: {  	[simem:s7], [sflag:s8] =	dma.local @!p0 [hbm:s6], $0xF7A  }
0x23: {  	s9 =	sor.u32 $0xD0000000, s2;
	s6 =	simm.s32 $0x108;
	_ =	swait.ge @!p0 [sflag:s8], $0x0  }
0x24: {  	s3 =	sadd.s32 $0x88, s3;
	s6 =	simm.s32 @!p1 $0x1082;
	[sflag:s4] =	ssyncset.s32 $0xFFFFF086  }
0x25: {  	[simem:s6], [sflag:s4] =	dma.local [hbm:s3], $0xF7A  }
0x26: {  	[smem:$0x3F83] =	sst s1;
	(tag) =	ssettag s2;
	_ =	strace s9  }
0x27: {  	s1 =	sld [smem:$0x3F93]  }
0x28: {  	s2 =	sld [smem:$0x3F94]  }
0x29: {  	s4 =	sld [smem:$0x3F96]  }
0x2a: {  	p0 =	seq.s32 s5, $0x0;
	s5 =	sld [smem:$0x3F97]  }
0x2b: {  	s6 =	sld [smem:$0x3F98]  }
0x2c: {  	s7 =	sld [smem:$0x3F99]  }
0x2d: {  	s3 =	simm.s32 $0x108;
	s8 =	sld [smem:$0x3F9A]  }
0x2e: {  	s3 =	simm.s32 @!p0 $0x1082;
	s9 =	sld [smem:$0x3F9B]  }
0x2f: {  	lr =	sadd.s32 s0, s3;
	s0 =	sld [smem:$0x3F92]  }
0x30: {  	s3 =	sld [smem:$0x3F95]  }
0x31: {  	[smem:$0x3F9E] =	sst s10  }
0x32: {  	s10 =	sld [smem:$0x3F9C];
	_ =	sdelay $0x3  }
0x33: {  	p0 =	seq.s32 s10, $0x1;
	s10 =	sld [smem:$0x3F9E];
	_ =	sdelay $0x3  }
0x34: {  	[smem:$0x3F9E] =	sst s10  }
0x35: {  	s10 =	sld [smem:$0x3F9D];
	_ =	sdelay $0x3  }
0x36: {  	p1 =	seq.s32 s10, $0x1;
	s10 =	sld [smem:$0x3F9E];
	_ =	sdelay $0x3  }
0x37: {  	[smem:$0x3F9E] =	sst s10  }
0x38: {  	s10 =	sld [smem:$0x3F9F]  }
0x39: {  	_ = 	snop;
	(pc) =	sbr.ind lr, $3  }
0x3a: {  	_ = 	snop  }
0x3b: {  	_ = 	snop  }
0x3c: {  	p2 =	seq.s32 s10, $0x1;
	s10 =	sld [smem:$0x3F9E]  }
0x3d: {  	_ =	shalt  }
0x3e: {  	_ =	shalt  }
0x3f: {  	_ =	shalt  }
0x40: {  	_ =	shalt  }
0x41: {  	_ =	shalt  }
0x42: {  	_ =	shalt  }
0x43: {  	_ =	shalt  }
0x44: {  	_ =	shalt  }
0x45: {  	_ =	shalt  }
0x46: {  	_ =	shalt  }
0x47: {  	_ =	shalt  }
0x48: {  	_ =	shalt  }
0x49: {  	_ =	shalt  }
0x4a: {  	_ =	shalt  }
0x4b: {  	_ =	shalt  }
0x4c: {  	_ =	shalt  }
0x4d: {  	_ =	shalt  }
0x4e: {  	_ =	shalt  }
0x4f: {  	_ =	shalt  }
0x50: {  	_ =	shalt  }
0x51: {  	_ =	shalt  }
0x52: {  	_ =	shalt  }
0x53: {  	_ =	shalt  }
0x54: {  	_ =	shalt  }
0x55: {  	_ =	shalt  }
0x56: {  	_ =	shalt  }
0x57: {  	_ =	shalt  }
0x58: {  	_ =	shalt  }
0x59: {  	_ =	shalt  }
0x5a: {  	_ =	shalt  }
0x5b: {  	_ =	shalt  }
0x5c: {  	_ =	shalt  }
0x5d: {  	_ =	shalt  }
0x5e: {  	_ =	shalt  }
0x5f: {  	_ =	shalt  }
0x60: {  	_ =	shalt  }
0x61: {  	_ =	shalt  }
0x62: {  	_ =	shalt  }
0x63: {  	_ =	shalt  }
0x64: {  	_ =	shalt  }
0x65: {  	_ =	shalt  }
0x66: {  	_ =	shalt  }
0x67: {  	_ =	shalt  }
0x68: {  	_ =	shalt  }
0x69: {  	_ =	shalt  }
0x6a: {  	_ =	shalt  }
0x6b: {  	_ =	shalt  }
0x6c: {  	_ =	shalt  }
0x6d: {  	_ =	shalt  }
0x6e: {  	_ =	shalt  }
0x6f: {  	_ =	shalt  }
0x70: {  	_ =	shalt  }
0x71: {  	_ =	shalt  }
0x72: {  	_ =	shalt  }
0x73: {  	_ =	shalt  }
0x74: {  	_ =	shalt  }
0x75: {  	_ =	shalt  }
0x76: {  	_ =	shalt  }
0x77: {  	_ =	shalt  }
0x78: {  	_ =	shalt  }
0x79: {  	_ =	shalt  }
0x7a: {  	_ =	shalt  }
0x7b: {  	_ =	shalt  }
0x7c: {  	_ =	shalt  }
0x7d: {  	_ =	shalt  }
0x7e: {  	_ =	shalt  }
0x7f: {  	_ =	shalt  }
0x80: {  	_ =	shalt  }
0x81: {  	_ =	shalt  }
0x82: {  	_ =	shalt  }
0x83: {  	_ =	shalt  }
0x84: {  	_ =	shalt  }
0x85: {  	_ =	shalt  }
0x86: {  	_ =	shalt  }
0x87: {  	_ =	shalt  }
.Lfunc_end0:
.L_simem_size_0:
called_computation.1_lowered:
.L_overlay_start_0:
0x88: {  	s2 =	sld [smem:$0x3FD9]  }
0x89: {  	s3 =	sld [smem:$0x3FFE];
	_ =	sdelay $0x1  }
0x8a: {  	s1 =	srdreg.scid  }
0x8b: {  	s0 =	sand.u32 $0x1, s1  }
0x8c: {  	s16 =	sshll.u32 s0, $0xA;
	s2 =	sadd.s32 s3, s2  }
0x8d: {  	s2 =	sadd.s32 s2, s16  }
0x8e: {  	[smem:$0x3FAA] =	sst s2  }
0x8f: {  	_ = 	snop  }
0x90: {  	(tm) =	ssettm $0x1  }
0x91: {  	s17 =	sld [smem:$0x3FFB];
	_ =	sdelay $0x3  }
0x92: {  	_ =	strace s17  }
0x93: {  	s2 =	sld [smem:$0x3FFC];
	_ =	sdelay $0x3  }
0x94: {  	_ =	strace s2  }
0x95: {  	s2 =	sld [smem:$0x3FFD];
	_ =	sdelay $0x3  }
0x96: {  	_ =	strace s2  }
0x97: {  	_ =	strace $0x8FFFFFFF  }
0x98: {  	s18 =	sld [smem:$0x3FDB];
	_ =	sdelay $0x1  }
0x99: {  	s19 =	simm.s32 $_scs_section_size  }
0x9a: {  	s4 =	simm.s32 $_size__tile_overlayer_lowered;
	s5 =	simm.s32 $_tile_overlayer_lowered  }
0x9b: {  	s22 =	simm.s32 $0x1BFF;
	s21 =	sshll.u32 s5, $0x1;
	s2 =	sadd.s32 s19, s18  }
0x9c: {  	s6 =	simm.s32 $0x0;
	s20 =	sshll.u32 s4, $0x1;
	s4 =	sadd.s32 s21, s2  }
0x9d: {  	[timem:s6], [sflag:s22] =	dma.local [hbm:s4], s20  }
0x9e: {  	_ =	swait.ge [sflag:s22], s20  }
0x9f: {  	s3 =	ssub.s32 $0x0, s20;
	[sflag:s22] =	ssyncset.done $0x0  }
0xa0: {  	[sflag:s22] =	ssyncadd.s32 s3;
	_ =	sdelay $0x1  }
0xa1: {  	s23 =	simm.s32 $0x1B8B  }
0xa2: {  	_ =	swait.ge [sflag:s23], $0x1  }
0xa3: {  	[sflag:s23] =	ssyncset.done $0x0  }
0xa4: {  	s25 =	simm.s32 $0x1B8E;
	s24 =	sld [smem:$0x3FFE];
	[sflag:s23] =	ssyncadd.s32 $0xFFFFFFFF  }
0xa5: {  	s26 =	simm.s32 $execute0_lowered;
	[smem:$0x3FD2] =	sst s25  }
0xa6: {  	s4 =	sshll.u32 s26, $0x1;
	_ =	strace $0x80000049;
	[dreg:$0x1] =	wrdreg $0xFFFFFFFF  }
0xa7: {  	s28 =	simm.s32 $_size_execute0_lowered;
	s2 =	sadd.s32 s2, s4;
	[dreg:$0x0] =	wrdreg $0x0  }
0xa8: {  	s4 =	sshll.u32 s28, $0x1;
	[dreg:$0x2] =	wrdreg s2  }
0xa9: {  	[dreg:$0x3] =	wrdreg s4  }
0xaa: {  	[dreg:$0x4] =	wrdreg $0xC0  }
0xab: {  	_ =	task [dreg:s6], $0x5FFFF  }
0xac: {  	[dreg:$0x1] =	wrdreg $0xFFFFFFFF  }
0xad: {  	[dreg:$0x0] =	wrdreg $0x60  }
0xae: {  	[dreg:$0x2] =	wrdreg s24  }
0xaf: {  	[dreg:$0x3] =	wrdreg $0x0  }
0xb0: {  	[dreg:$0x4] =	wrdreg $0x9  }
0xb1: {  	_ =	task.clear_ibuf [dreg:s6], $0x5FFFF;
	_ =	strace $0x90000049  }
0xb2: {  	s29 =	simm.s32 $0x9;
	_ =	strace $0x8000004B  }
0xb3: {  	_ =	swait.ge [sflag:s29], $0x1  }
0xb4: {  	[sflag:s29] =	ssyncadd.s32 $0xFFFFFFFF  }
0xb5: {  	_ =	strace $0x9000004B  }
0xb6: {  	_ =	sfence  }
0xb7: {  	s30 =	sld [smem:$0x0];
	_ =	sdelay $0x2  }
0xb8: {  	s31 =	sshll.u32 s1, $0xD;
	s1 =	sshrl.u32 s1, $0x2  }
0xb9: {  	s3 =	sand.u32 $0x4000, s31;
	s1 =	sadd.s32 s1, s30  }
0xba: {  	s0 =	sor.u32 s3, s0;
	s1 =	sshll.u32 s1, $0x11  }
0xbb: {  	s0 =	sor.u32 s1, s0  }
0xbc: {  	s0 =	sadd.s32 $0x8F2B, s0  }
0xbd: {  	[sflag:s0] =	ssyncadd.remote.s32 $0x1  }
0xbe: {  	_ =	sfence.sel $0xFFFF  }
0xbf: {  	[dreg:$0x0] =	wrdreg $0xFFFFFFFF;
	(pc) =	sbr.abs _section_cstart, $3  }
0xc0: {  	[dreg:$0x1] =	wrdreg $0xFFFFFFFF  }
0xc1: {  	_ =	task.clear_ibuf [dreg:s6], $0x2FFFF;
	_ =	strace $0x9FFFFFFF  }
0xc2: {  	(tm) =	ssettm $0x7FFFFFFF  }
0xc3: {  	_ =	shalt  }
tec
execute0_lowered:
.L_overlay_start_1:
0x0: {  	(tag) =	ssettag $0x1  }
0x1: {  	s0 =	srdreg.scid  }
0x2: {  	s1 =	rddreg [dreg:$0x0];
	s9 =	stileid.u32  }
0x3: {  	s2 =	rddreg [dreg:$0x1];
	s3 =	simm.s32 $0x0;
	s12 =	simm.s32 $0x14080  }
0x4: {  	s14 =	simm.s32 $0x14100;
	s15 =	simm.s32 $0x14880;
	s16 =	simm.s32 $0x14180  }
0x5: {  	s17 =	simm.s32 $0x14900;
	s18 =	simm.s32 $0x14200;
	[smem:$0x7FF] =	sst s3  }
0x6: {  	s19 =	simm.s32 $0x14980;
	_ =	strace $0x8000004A;
	[dreg:$0x5] =	wrdreg s12  }
0x7: {  	s20 =	simm.s32 $0x14280;
	s21 =	simm.s32 $0x14A00;
	[dreg:$0x6] =	wrdreg s14  }
0x8: {  	s22 =	simm.s32 $0x14300;
	s23 =	simm.s32 $0x14A80;
	[dreg:$0x7] =	wrdreg s15  }
0x9: {  	s24 =	simm.s32 $0x14380;
	s25 =	simm.s32 $0x14B00;
	[dreg:$0x8] =	wrdreg s16  }
0xa: {  	s26 =	simm.s32 $0x14400;
	s28 =	simm.s32 $0x14680;
	[dreg:$0x9] =	wrdreg s17  }
0xb: {  	s29 =	simm.s32 $0x14E00;
	s30 =	simm.s32 $0x14700;
	[dreg:$0xa] =	wrdreg s18  }
0xc: {  	s31 =	simm.s32 $0x14E80;
	s5 =	smul.u32 $0x5000, s9;
	[dreg:$0xb] =	wrdreg s19  }
0xd: {  	s0 =	sand.u32 $0x1, s0;
	s7 =	smul.u32 $0x280, s9;
	[dreg:$0xc] =	wrdreg s20  }
0xe: {  	s10 =	smul.u32 $0x50000, s9;
	s13 =	sshll.u32 s9, $0x6;
	[dreg:$0xd] =	wrdreg s21  }
0xf: {  	s9 =	simm.s32 $0x0;
	s4 =	smul.u32 $0x50000, s0;
	[dreg:$0xe] =	wrdreg s22  }
0x10: {  	s6 =	smul.u32 $0x2800, s0;
	s0 =	ssub.s32 $0x2, s0;
	[dreg:$0xf] =	wrdreg s23  }
0x11: {  	s12 =	simm.s32 $0x14800;
	s14 =	simm.s32 $0x15000;
	[dreg:$0x10] =	wrdreg s24  }
0x12: {  	s15 =	simm.s32 $0x1;
	s16 =	simm.s32 $0x19000;
	[dreg:$0x11] =	wrdreg s25  }
0x13: {  	s17 =	simm.s32 $0x2;
	[dreg:$0x12] =	wrdreg s26;
	s18 =	simm.s32 $0x14B80  }
0x14: {  	s19 =	simm.s32 $0x14480;
	s20 =	simm.s32 $0x14C00;
	s21 =	simm.s32 $0x14500  }
0x15: {  	s22 =	simm.s32 $0x14C80;
	s23 =	simm.s32 $0x14580;
	s8 =	sshrl.u32 s0, $0x1  }
0x16: {  	s5 =	sadd.s32 s5, s4;
	s4 =	sadd.s32 $0x80C00, s1;
	s6 =	sadd.s32 s7, s6  }
0x17: {  	s0 =	ssub.s32 s0, s8;
	s7 =	sshrl.u32 s10, $0x2;
	s8 =	sor.u32 $0x1C03, s13  }
0x18: {  	s5 =	sshrl.u32 s5, $0x3;
	s6 =	sshll.u32 s6, $0x4;
	s7 =	sadd.s32 s7, s2  }
0x19: {  	s0 =	smax.u32 s0, $0x1;
	[dreg:$0x14] =	wrdreg s8;
	s5 =	sadd.s32 s5, s1  }
0x1a: {  	s1 =	sadd.s32 s6, s1;
	s6 =	sadd.s32 s4, s6;
	[dreg:$0x16] =	wrdreg s0  }
0x1b: {  	s24 =	simm.s32 $0x14D00;
	s7 =	sshrl.u32 s7, $0x3;
	[dreg:$0x13] =	wrdreg s6  }
0x1c: {  	s25 =	simm.s32 $0x14600;
	s11 =	sadd.s32 $0x6A00, s5;
	[dreg:$0x17] =	wrdreg s7  }
0x1d: {  	s26 =	simm.s32 $0x14D80;
	s5 =	sadd.s32 $0x1CC00, s5;
	[dreg:$0x3] =	wrdreg s11  }
0x1e: {  	s10 =	simm.s32 $0x3;
	s1 =	sadd.s32 $0xD0C00, s1;
	[dreg:$0x4] =	wrdreg s5  }
0x1f: {  	s13 =	simm.s32 $0x80;
	s0 =	simm.s32 $0x14F00;
	[dreg:$0x15] =	wrdreg s1  }
0x20: {  	s11 =	simm.s32 $0x14000;
	s1 =	simm.s32 $0x14780;
	s5 =	simm.s32 $0x14F80  }
.LBB2_1:
0x21: {  	[dreg:$0x18] =	wrdreg s9  }
0x22: {  	s6 =	rddreg [dreg:$0x13]  }
0x23: {  	[spmem:s7], [sflag:s8] =	dma.local [hbm:s6], $0x2800  }
0x24: {  	_ =	swait.ge [sflag:s10], $0x2800  }
0x25: {  	[sflag:s10] =	ssyncset.done $0x0  }
0x26: {  	[sflag:s10] =	ssyncadd.s32 $0xFFFFD800  }
0x27: {  	[bflag:$0x0] =	sbarrier.arrive $0xFFFF  }
0x28: {  	s9 =	rddreg [dreg:$0x4]  }
0x29: {  	s6 =	sadd.s32 $0x0, s9  }
0x2a: {  	[tilespmem:s11], [sflag:$0x3] =	stream.linear.gather [hbm4b:s6+s3], $0x800, $0x38;
	[tilespmem:$0x1D000] =	vst v63  }
0x2b: {  	_ =	swait.ge [sflag:s10], $0x800  }
0x2c: {  	s7 =	rddreg [dreg:$0x3];
	[sflag:s10] =	ssyncset.done $0x0  }
0x2d: {  	[sflag:s10] =	ssyncadd.s32 $0xFFFFF800;
	s6 =	sadd.s32 $0x0, s7  }
0x2e: {  	[tilespmem:s12], [sflag:$0x3] =	stream.linear.gather [hbm4b:s6+s3], $0x800, $0x38;
	[tilespmem:$0x1D000] =	vst v63  }
0x2f: {  	_ =	swait.ge [sflag:s10], $0x800  }
0x30: {  	[sflag:s10] =	ssyncset.done $0x0  }
0x31: {  	[sflag:s10] =	ssyncadd.s32 $0xFFFFF800  }
0x32: {  	[tilespmem:s14], [sflag:$0x1] =	stream.indirect.gather [hbm4b:s4+s13], $0x80, s11, s13, $0xb8;
	[tilespmem:$0x1D000] =	vst v63  }
0x33: {  	_ =	swait.ge [sflag:s15], $0x4000  }
0x34: {  	[sflag:s15] =	ssyncset.done $0x0  }
0x35: {  	s8 =	rddreg [dreg:$0x5];
	[sflag:s15] =	ssyncadd.s32 $0xFFFFC000  }
0x36: {  	[tilespmem:s16], [sflag:$0x1] =	stream.indirect.gather [hbm4b:s4+s13], $0x80, s8, s13, $0xb8;
	[tilespmem:$0x1D000] =	vst v63  }
0x37: {  	_ = 	snop  }
0x38: {  	[spmem:s2] =	stream.indirect.scatter.add.f32 [tilespmem:s14], [sflag:$0x2], $0x80, s12, s13, $0xb8;
	[tilespmem:$0x1D000] =	vst v63  }
0x39: {  	_ =	swait.ge [sflag:s15], $0x4000  }
0x3a: {  	[sflag:s15] =	ssyncset.done $0x0  }
0x3b: {  	[sflag:s15] =	ssyncadd.s32 $0xFFFFC000  }
0x3c: {  	_ =	swait.ge [sflag:s17], $0x4000  }
0x3d: {  	[sflag:s17] =	ssyncset.done $0x0  }
0x3e: {  	s9 =	rddreg [dreg:$0x6];
	[sflag:s17] =	ssyncadd.s32 $0xFFFFC000  }
0x3f: {  	[tilespmem:s14], [sflag:$0x1] =	stream.indirect.gather [hbm4b:s4+s13], $0x80, s9, s13, $0xb8;
	[tilespmem:$0x1D000] =	vst v63  }
0x40: {  	s7 =	rddreg [dreg:$0x7]  }
0x41: {  	[spmem:s2] =	stream.indirect.scatter.add.f32 [tilespmem:s16], [sflag:$0x2], $0x80, s7, s13, $0xb8;
	[tilespmem:$0x1D000] =	vst v63  }
0x42: {  	_ =	swait.ge [sflag:s15], $0x4000  }
0x43: {  	[sflag:s15] =	ssyncset.done $0x0  }
0x44: {  	[sflag:s15] =	ssyncadd.s32 $0xFFFFC000  }
0x45: {  	_ =	swait.ge [sflag:s17], $0x4000  }
0x46: {  	[sflag:s17] =	ssyncset.done $0x0  }
0x47: {  	s9 =	rddreg [dreg:$0x8];
	[sflag:s17] =	ssyncadd.s32 $0xFFFFC000  }
0x48: {  	[tilespmem:s16], [sflag:$0x1] =	stream.indirect.gather [hbm4b:s4+s13], $0x80, s9, s13, $0xb8;
	[tilespmem:$0x1D000] =	vst v63  }
0x49: {  	s7 =	rddreg [dreg:$0x9]  }
0x4a: {  	[spmem:s2] =	stream.indirect.scatter.add.f32 [tilespmem:s14], [sflag:$0x2], $0x80, s7, s13, $0xb8;
	[tilespmem:$0x1D000] =	vst v63  }
0x4b: {  	_ =	swait.ge [sflag:s15], $0x4000  }
0x4c: {  	[sflag:s15] =	ssyncset.done $0x0  }
0x4d: {  	[sflag:s15] =	ssyncadd.s32 $0xFFFFC000  }
0x4e: {  	_ =	swait.ge [sflag:s17], $0x4000  }
0x4f: {  	[sflag:s17] =	ssyncset.done $0x0  }
0x50: {  	s9 =	rddreg [dreg:$0xa];
	[sflag:s17] =	ssyncadd.s32 $0xFFFFC000  }
0x51: {  	[tilespmem:s14], [sflag:$0x1] =	stream.indirect.gather [hbm4b:s4+s13], $0x80, s9, s13, $0xb8;
	[tilespmem:$0x1D000] =	vst v63  }
0x52: {  	s7 =	rddreg [dreg:$0xb]  }
0x53: {  	[spmem:s2] =	stream.indirect.scatter.add.f32 [tilespmem:s16], [sflag:$0x2], $0x80, s7, s13, $0xb8;
	[tilespmem:$0x1D000] =	vst v63  }
0x54: {  	_ =	swait.ge [sflag:s15], $0x4000  }
0x55: {  	[sflag:s15] =	ssyncset.done $0x0  }
0x56: {  	[sflag:s15] =	ssyncadd.s32 $0xFFFFC000  }
0x57: {  	_ =	swait.ge [sflag:s17], $0x4000  }
0x58: {  	[sflag:s17] =	ssyncset.done $0x0  }
0x59: {  	s9 =	rddreg [dreg:$0xc];
	[sflag:s17] =	ssyncadd.s32 $0xFFFFC000  }
0x5a: {  	[tilespmem:s16], [sflag:$0x1] =	stream.indirect.gather [hbm4b:s4+s13], $0x80, s9, s13, $0xb8;
	[tilespmem:$0x1D000] =	vst v63  }
0x5b: {  	s7 =	rddreg [dreg:$0xd]  }
0x5c: {  	[spmem:s2] =	stream.indirect.scatter.add.f32 [tilespmem:s14], [sflag:$0x2], $0x80, s7, s13, $0xb8;
	[tilespmem:$0x1D000] =	vst v63  }
0x5d: {  	_ =	swait.ge [sflag:s15], $0x4000  }
0x5e: {  	[sflag:s15] =	ssyncset.done $0x0  }
0x5f: {  	[sflag:s15] =	ssyncadd.s32 $0xFFFFC000  }
0x60: {  	_ =	swait.ge [sflag:s17], $0x4000  }
0x61: {  	[sflag:s17] =	ssyncset.done $0x0  }
0x62: {  	s9 =	rddreg [dreg:$0xe];
	[sflag:s17] =	ssyncadd.s32 $0xFFFFC000  }
0x63: {  	[tilespmem:s14], [sflag:$0x1] =	stream.indirect.gather [hbm4b:s4+s13], $0x80, s9, s13, $0xb8;
	[tilespmem:$0x1D000] =	vst v63  }
0x64: {  	s7 =	rddreg [dreg:$0xf]  }
0x65: {  	[spmem:s2] =	stream.indirect.scatter.add.f32 [tilespmem:s16], [sflag:$0x2], $0x80, s7, s13, $0xb8;
	[tilespmem:$0x1D000] =	vst v63  }
0x66: {  	_ =	swait.ge [sflag:s15], $0x4000  }
0x67: {  	[sflag:s15] =	ssyncset.done $0x0  }
0x68: {  	[sflag:s15] =	ssyncadd.s32 $0xFFFFC000  }
0x69: {  	_ =	swait.ge [sflag:s17], $0x4000  }
0x6a: {  	[sflag:s17] =	ssyncset.done $0x0  }
0x6b: {  	s9 =	rddreg [dreg:$0x10];
	[sflag:s17] =	ssyncadd.s32 $0xFFFFC000  }
0x6c: {  	[tilespmem:s16], [sflag:$0x1] =	stream.indirect.gather [hbm4b:s4+s13], $0x80, s9, s13, $0xb8;
	[tilespmem:$0x1D000] =	vst v63  }
0x6d: {  	s7 =	rddreg [dreg:$0x11]  }
0x6e: {  	[spmem:s2] =	stream.indirect.scatter.add.f32 [tilespmem:s14], [sflag:$0x2], $0x80, s7, s13, $0xb8;
	[tilespmem:$0x1D000] =	vst v63  }
0x6f: {  	_ =	swait.ge [sflag:s15], $0x4000  }
0x70: {  	[sflag:s15] =	ssyncset.done $0x0  }
0x71: {  	[sflag:s15] =	ssyncadd.s32 $0xFFFFC000  }
0x72: {  	_ =	swait.ge [sflag:s17], $0x4000  }
0x73: {  	[sflag:s17] =	ssyncset.done $0x0  }
0x74: {  	s9 =	rddreg [dreg:$0x12];
	[sflag:s17] =	ssyncadd.s32 $0xFFFFC000  }
0x75: {  	[tilespmem:s14], [sflag:$0x1] =	stream.indirect.gather [hbm4b:s4+s13], $0x80, s9, s13, $0xb8;
	[tilespmem:$0x1D000] =	vst v63  }
0x76: {  	_ = 	snop  }
0x77: {  	[spmem:s2] =	stream.indirect.scatter.add.f32 [tilespmem:s16], [sflag:$0x2], $0x80, s18, s13, $0xb8;
	[tilespmem:$0x1D000] =	vst v63  }
0x78: {  	_ =	swait.ge [sflag:s15], $0x4000  }
0x79: {  	[sflag:s15] =	ssyncset.done $0x0  }
0x7a: {  	[sflag:s15] =	ssyncadd.s32 $0xFFFFC000  }
0x7b: {  	_ =	swait.ge [sflag:s17], $0x4000  }
0x7c: {  	[sflag:s17] =	ssyncset.done $0x0  }
0x7d: {  	[sflag:s17] =	ssyncadd.s32 $0xFFFFC000  }
0x7e: {  	[tilespmem:s16], [sflag:$0x1] =	stream.indirect.gather [hbm4b:s4+s13], $0x80, s19, s13, $0xb8;
	[tilespmem:$0x1D000] =	vst v63  }
0x7f: {  	_ = 	snop  }
0x80: {  	[spmem:s2] =	stream.indirect.scatter.add.f32 [tilespmem:s14], [sflag:$0x2], $0x80, s20, s13, $0xb8;
	[tilespmem:$0x1D000] =	vst v63  }
0x81: {  	_ =	swait.ge [sflag:s15], $0x4000  }
0x82: {  	[sflag:s15] =	ssyncset.done $0x0  }
0x83: {  	[sflag:s15] =	ssyncadd.s32 $0xFFFFC000  }
0x84: {  	_ =	swait.ge [sflag:s17], $0x4000  }
0x85: {  	[sflag:s17] =	ssyncset.done $0x0  }
0x86: {  	[sflag:s17] =	ssyncadd.s32 $0xFFFFC000  }
0x87: {  	[tilespmem:s14], [sflag:$0x1] =	stream.indirect.gather [hbm4b:s4+s13], $0x80, s21, s13, $0xb8;
	[tilespmem:$0x1D000] =	vst v63  }
0x88: {  	_ = 	snop  }
0x89: {  	[spmem:s2] =	stream.indirect.scatter.add.f32 [tilespmem:s16], [sflag:$0x2], $0x80, s22, s13, $0xb8;
	[tilespmem:$0x1D000] =	vst v63  }
0x8a: {  	_ =	swait.ge [sflag:s15], $0x4000  }
0x8b: {  	[sflag:s15] =	ssyncset.done $0x0  }
0x8c: {  	[sflag:s15] =	ssyncadd.s32 $0xFFFFC000  }
0x8d: {  	_ =	swait.ge [sflag:s17], $0x4000  }
0x8e: {  	[sflag:s17] =	ssyncset.done $0x0  }
0x8f: {  	[sflag:s17] =	ssyncadd.s32 $0xFFFFC000  }
0x90: {  	[tilespmem:s16], [sflag:$0x1] =	stream.indirect.gather [hbm4b:s4+s13], $0x80, s23, s13, $0xb8;
	[tilespmem:$0x1D000] =	vst v63  }
0x91: {  	_ = 	snop  }
0x92: {  	[spmem:s2] =	stream.indirect.scatter.add.f32 [tilespmem:s14], [sflag:$0x2], $0x80, s24, s13, $0xb8;
	[tilespmem:$0x1D000] =	vst v63  }
0x93: {  	_ =	swait.ge [sflag:s15], $0x4000  }
0x94: {  	[sflag:s15] =	ssyncset.done $0x0  }
0x95: {  	[sflag:s15] =	ssyncadd.s32 $0xFFFFC000  }
0x96: {  	_ =	swait.ge [sflag:s17], $0x4000  }
0x97: {  	[sflag:s17] =	ssyncset.done $0x0  }
0x98: {  	[sflag:s17] =	ssyncadd.s32 $0xFFFFC000  }
0x99: {  	[tilespmem:s14], [sflag:$0x1] =	stream.indirect.gather [hbm4b:s4+s13], $0x80, s25, s13, $0xb8;
	[tilespmem:$0x1D000] =	vst v63  }
0x9a: {  	_ = 	snop  }
0x9b: {  	[spmem:s2] =	stream.indirect.scatter.add.f32 [tilespmem:s16], [sflag:$0x2], $0x80, s26, s13, $0xb8;
	[tilespmem:$0x1D000] =	vst v63  }
0x9c: {  	_ =	swait.ge [sflag:s15], $0x4000  }
0x9d: {  	[sflag:s15] =	ssyncset.done $0x0  }
0x9e: {  	[sflag:s15] =	ssyncadd.s32 $0xFFFFC000  }
0x9f: {  	_ =	swait.ge [sflag:s17], $0x4000  }
0xa0: {  	[sflag:s17] =	ssyncset.done $0x0  }
0xa1: {  	[sflag:s17] =	ssyncadd.s32 $0xFFFFC000  }
0xa2: {  	[tilespmem:s16], [sflag:$0x1] =	stream.indirect.gather [hbm4b:s4+s13], $0x80, s28, s13, $0xb8;
	[tilespmem:$0x1D000] =	vst v63  }
0xa3: {  	_ = 	snop  }
0xa4: {  	[spmem:s2] =	stream.indirect.scatter.add.f32 [tilespmem:s14], [sflag:$0x2], $0x80, s29, s13, $0xb8;
	[tilespmem:$0x1D000] =	vst v63  }
0xa5: {  	_ =	swait.ge [sflag:s15], $0x4000  }
0xa6: {  	[sflag:s15] =	ssyncset.done $0x0  }
0xa7: {  	[sflag:s15] =	ssyncadd.s32 $0xFFFFC000  }
0xa8: {  	_ =	swait.ge [sflag:s17], $0x4000  }
0xa9: {  	[sflag:s17] =	ssyncset.done $0x0  }
0xaa: {  	[sflag:s17] =	ssyncadd.s32 $0xFFFFC000  }
0xab: {  	[tilespmem:s14], [sflag:$0x1] =	stream.indirect.gather [hbm4b:s4+s13], $0x80, s30, s13, $0xb8;
	[tilespmem:$0x1D000] =	vst v63  }
0xac: {  	_ = 	snop  }
0xad: {  	[spmem:s2] =	stream.indirect.scatter.add.f32 [tilespmem:s16], [sflag:$0x2], $0x80, s31, s13, $0xb8;
	[tilespmem:$0x1D000] =	vst v63  }
0xae: {  	_ =	swait.ge [sflag:s15], $0x4000  }
0xaf: {  	[sflag:s15] =	ssyncset.done $0x0  }
0xb0: {  	[sflag:s15] =	ssyncadd.s32 $0xFFFFC000  }
0xb1: {  	_ =	swait.ge [sflag:s17], $0x4000  }
0xb2: {  	[sflag:s17] =	ssyncset.done $0x0  }
0xb3: {  	[sflag:s17] =	ssyncadd.s32 $0xFFFFC000  }
0xb4: {  	[tilespmem:s16], [sflag:$0x1] =	stream.indirect.gather [hbm4b:s4+s13], $0x80, s1, s13, $0xb8;
	[tilespmem:$0x1D000] =	vst v63  }
0xb5: {  	_ = 	snop  }
0xb6: {  	[spmem:s2] =	stream.indirect.scatter.add.f32 [tilespmem:s14], [sflag:$0x2], $0x80, s0, s13, $0xb8;
	[tilespmem:$0x1D000] =	vst v63  }
0xb7: {  	_ =	swait.ge [sflag:s15], $0x4000  }
0xb8: {  	[sflag:s15] =	ssyncset.done $0x0  }
0xb9: {  	[sflag:s15] =	ssyncadd.s32 $0xFFFFC000  }
0xba: {  	_ =	swait.ge [sflag:s17], $0x4000  }
0xbb: {  	[sflag:s17] =	ssyncset.done $0x0  }
0xbc: {  	[sflag:s17] =	ssyncadd.s32 $0xFFFFC000  }
0xbd: {  	[spmem:s2] =	stream.indirect.scatter.add.f32 [tilespmem:s16], [sflag:$0x2], $0x80, s5, s13, $0xb8;
	[tilespmem:$0x1D000] =	vst v63  }
0xbe: {  	s6 =	simm.s32 $0x200;
	_ =	swait.ge [sflag:s17], $0x4000  }
0xbf: {  	s8 =	simm.s32 $0x100;
	s9 =	rddreg [dreg:$0x4];
	[sflag:s17] =	ssyncset.done $0x0  }
.LBB2_2:
0xc0: {  	[sflag:s17] =	ssyncadd.s32 $0xFFFFC000;
	s9 =	sadd.s32 s8, s9  }
0xc1: {  	[tilespmem:s11], [sflag:$0x3] =	stream.linear.gather [hbm4b:s9+s3], $0x800, $0x38;
	[tilespmem:$0x1D000] =	vst v63  }
0xc2: {  	_ =	swait.ge [sflag:s10], $0x800  }
0xc3: {  	s9 =	rddreg [dreg:$0x3];
	[sflag:s10] =	ssyncset.done $0x0  }
0xc4: {  	[sflag:s10] =	ssyncadd.s32 $0xFFFFF800;
	s9 =	sadd.s32 s8, s9  }
0xc5: {  	[tilespmem:s12], [sflag:$0x3] =	stream.linear.gather [hbm4b:s9+s3], $0x800, $0x38;
	[tilespmem:$0x1D000] =	vst v63  }
0xc6: {  	_ =	swait.ge [sflag:s10], $0x800  }
0xc7: {  	[sflag:s10] =	ssyncset.done $0x0  }
0xc8: {  	[sflag:s10] =	ssyncadd.s32 $0xFFFFF800  }
0xc9: {  	[tilespmem:s14], [sflag:$0x1] =	stream.indirect.gather [hbm4b:s4+s13], $0x80, s11, s13, $0xb8;
	[tilespmem:$0x1D000] =	vst v63  }
0xca: {  	_ =	swait.ge [sflag:s15], $0x4000  }
0xcb: {  	[sflag:s15] =	ssyncset.done $0x0  }
0xcc: {  	s9 =	rddreg [dreg:$0x5];
	[sflag:s15] =	ssyncadd.s32 $0xFFFFC000  }
0xcd: {  	[tilespmem:s16], [sflag:$0x1] =	stream.indirect.gather [hbm4b:s4+s13], $0x80, s9, s13, $0xb8;
	[tilespmem:$0x1D000] =	vst v63  }
0xce: {  	_ = 	snop  }
0xcf: {  	[spmem:s2] =	stream.indirect.scatter.add.f32 [tilespmem:s14], [sflag:$0x2], $0x80, s12, s13, $0xb8;
	[tilespmem:$0x1D000] =	vst v63  }
0xd0: {  	_ =	swait.ge [sflag:s15], $0x4000  }
0xd1: {  	[sflag:s15] =	ssyncset.done $0x0  }
0xd2: {  	[sflag:s15] =	ssyncadd.s32 $0xFFFFC000  }
0xd3: {  	_ =	swait.ge [sflag:s17], $0x4000  }
0xd4: {  	s7 =	smov.u32 s6;
	[sflag:s17] =	ssyncset.done $0x0  }
0xd5: {  	s8 =	smov.u32 s7;
	s7 =	rddreg [dreg:$0x6];
	[sflag:s17] =	ssyncadd.s32 $0xFFFFC000  }
0xd6: {  	[tilespmem:s14], [sflag:$0x1] =	stream.indirect.gather [hbm4b:s4+s13], $0x80, s7, s13, $0xb8;
	[tilespmem:$0x1D000] =	vst v63  }
0xd7: {  	s9 =	rddreg [dreg:$0x7]  }
0xd8: {  	[spmem:s2] =	stream.indirect.scatter.add.f32 [tilespmem:s16], [sflag:$0x2], $0x80, s9, s13, $0xb8;
	[tilespmem:$0x1D000] =	vst v63  }
0xd9: {  	_ =	swait.ge [sflag:s15], $0x4000  }
0xda: {  	[sflag:s15] =	ssyncset.done $0x0  }
0xdb: {  	[sflag:s15] =	ssyncadd.s32 $0xFFFFC000  }
0xdc: {  	_ =	swait.ge [sflag:s17], $0x4000  }
0xdd: {  	[sflag:s17] =	ssyncset.done $0x0  }
0xde: {  	s7 =	rddreg [dreg:$0x8];
	[sflag:s17] =	ssyncadd.s32 $0xFFFFC000  }
0xdf: {  	[tilespmem:s16], [sflag:$0x1] =	stream.indirect.gather [hbm4b:s4+s13], $0x80, s7, s13, $0xb8;
	[tilespmem:$0x1D000] =	vst v63  }
0xe0: {  	s9 =	rddreg [dreg:$0x9]  }
0xe1: {  	[spmem:s2] =	stream.indirect.scatter.add.f32 [tilespmem:s14], [sflag:$0x2], $0x80, s9, s13, $0xb8;
	[tilespmem:$0x1D000] =	vst v63  }
0xe2: {  	_ =	swait.ge [sflag:s15], $0x4000  }
0xe3: {  	[sflag:s15] =	ssyncset.done $0x0  }
0xe4: {  	[sflag:s15] =	ssyncadd.s32 $0xFFFFC000  }
0xe5: {  	_ =	swait.ge [sflag:s17], $0x4000  }
0xe6: {  	[sflag:s17] =	ssyncset.done $0x0  }
0xe7: {  	s7 =	rddreg [dreg:$0xa];
	[sflag:s17] =	ssyncadd.s32 $0xFFFFC000  }
0xe8: {  	[tilespmem:s14], [sflag:$0x1] =	stream.indirect.gather [hbm4b:s4+s13], $0x80, s7, s13, $0xb8;
	[tilespmem:$0x1D000] =	vst v63  }
0xe9: {  	s9 =	rddreg [dreg:$0xb]  }
0xea: {  	[spmem:s2] =	stream.indirect.scatter.add.f32 [tilespmem:s16], [sflag:$0x2], $0x80, s9, s13, $0xb8;
	[tilespmem:$0x1D000] =	vst v63  }
0xeb: {  	_ =	swait.ge [sflag:s15], $0x4000  }
0xec: {  	[sflag:s15] =	ssyncset.done $0x0  }
0xed: {  	[sflag:s15] =	ssyncadd.s32 $0xFFFFC000  }
0xee: {  	_ =	swait.ge [sflag:s17], $0x4000  }
0xef: {  	[sflag:s17] =	ssyncset.done $0x0  }
0xf0: {  	s7 =	rddreg [dreg:$0xc];
	[sflag:s17] =	ssyncadd.s32 $0xFFFFC000  }
0xf1: {  	[tilespmem:s16], [sflag:$0x1] =	stream.indirect.gather [hbm4b:s4+s13], $0x80, s7, s13, $0xb8;
	[tilespmem:$0x1D000] =	vst v63  }
0xf2: {  	s9 =	rddreg [dreg:$0xd]  }
0xf3: {  	[spmem:s2] =	stream.indirect.scatter.add.f32 [tilespmem:s14], [sflag:$0x2], $0x80, s9, s13, $0xb8;
	[tilespmem:$0x1D000] =	vst v63  }
0xf4: {  	_ =	swait.ge [sflag:s15], $0x4000  }
0xf5: {  	[sflag:s15] =	ssyncset.done $0x0  }
0xf6: {  	[sflag:s15] =	ssyncadd.s32 $0xFFFFC000  }
0xf7: {  	_ =	swait.ge [sflag:s17], $0x4000  }
0xf8: {  	[sflag:s17] =	ssyncset.done $0x0  }
0xf9: {  	s7 =	rddreg [dreg:$0xe];
	[sflag:s17] =	ssyncadd.s32 $0xFFFFC000  }
0xfa: {  	[tilespmem:s14], [sflag:$0x1] =	stream.indirect.gather [hbm4b:s4+s13], $0x80, s7, s13, $0xb8;
	[tilespmem:$0x1D000] =	vst v63  }
0xfb: {  	s9 =	rddreg [dreg:$0xf]  }
0xfc: {  	[spmem:s2] =	stream.indirect.scatter.add.f32 [tilespmem:s16], [sflag:$0x2], $0x80, s9, s13, $0xb8;
	[tilespmem:$0x1D000] =	vst v63  }
0xfd: {  	_ =	swait.ge [sflag:s15], $0x4000  }
0xfe: {  	[sflag:s15] =	ssyncset.done $0x0  }
0xff: {  	[sflag:s15] =	ssyncadd.s32 $0xFFFFC000  }
0x100: {  	_ =	swait.ge [sflag:s17], $0x4000  }
0x101: {  	[sflag:s17] =	ssyncset.done $0x0  }
0x102: {  	s7 =	rddreg [dreg:$0x10];
	[sflag:s17] =	ssyncadd.s32 $0xFFFFC000  }
0x103: {  	[tilespmem:s16], [sflag:$0x1] =	stream.indirect.gather [hbm4b:s4+s13], $0x80, s7, s13, $0xb8;
	[tilespmem:$0x1D000] =	vst v63  }
0x104: {  	s9 =	rddreg [dreg:$0x11]  }
0x105: {  	[spmem:s2] =	stream.indirect.scatter.add.f32 [tilespmem:s14], [sflag:$0x2], $0x80, s9, s13, $0xb8;
	[tilespmem:$0x1D000] =	vst v63  }
0x106: {  	_ =	swait.ge [sflag:s15], $0x4000  }
0x107: {  	[sflag:s15] =	ssyncset.done $0x0  }
0x108: {  	[sflag:s15] =	ssyncadd.s32 $0xFFFFC000  }
0x109: {  	_ =	swait.ge [sflag:s17], $0x4000  }
0x10a: {  	[sflag:s17] =	ssyncset.done $0x0  }
0x10b: {  	s9 =	rddreg [dreg:$0x12];
	[sflag:s17] =	ssyncadd.s32 $0xFFFFC000  }
0x10c: {  	[tilespmem:s14], [sflag:$0x1] =	stream.indirect.gather [hbm4b:s4+s13], $0x80, s9, s13, $0xb8;
	[tilespmem:$0x1D000] =	vst v63  }
0x10d: {  	_ = 	snop  }
0x10e: {  	[spmem:s2] =	stream.indirect.scatter.add.f32 [tilespmem:s16], [sflag:$0x2], $0x80, s18, s13, $0xb8;
	[tilespmem:$0x1D000] =	vst v63  }
0x10f: {  	_ =	swait.ge [sflag:s15], $0x4000  }
0x110: {  	[sflag:s15] =	ssyncset.done $0x0  }
0x111: {  	[sflag:s15] =	ssyncadd.s32 $0xFFFFC000  }
0x112: {  	_ =	swait.ge [sflag:s17], $0x4000  }
0x113: {  	[sflag:s17] =	ssyncset.done $0x0  }
0x114: {  	[sflag:s17] =	ssyncadd.s32 $0xFFFFC000  }
0x115: {  	[tilespmem:s16], [sflag:$0x1] =	stream.indirect.gather [hbm4b:s4+s13], $0x80, s19, s13, $0xb8;
	[tilespmem:$0x1D000] =	vst v63  }
0x116: {  	_ = 	snop  }
0x117: {  	[spmem:s2] =	stream.indirect.scatter.add.f32 [tilespmem:s14], [sflag:$0x2], $0x80, s20, s13, $0xb8;
	[tilespmem:$0x1D000] =	vst v63  }
0x118: {  	_ =	swait.ge [sflag:s15], $0x4000  }
0x119: {  	[sflag:s15] =	ssyncset.done $0x0  }
0x11a: {  	[sflag:s15] =	ssyncadd.s32 $0xFFFFC000  }
0x11b: {  	_ =	swait.ge [sflag:s17], $0x4000  }
0x11c: {  	[sflag:s17] =	ssyncset.done $0x0  }
0x11d: {  	[sflag:s17] =	ssyncadd.s32 $0xFFFFC000  }
0x11e: {  	[tilespmem:s14], [sflag:$0x1] =	stream.indirect.gather [hbm4b:s4+s13], $0x80, s21, s13, $0xb8;
	[tilespmem:$0x1D000] =	vst v63  }
0x11f: {  	_ = 	snop  }
0x120: {  	[spmem:s2] =	stream.indirect.scatter.add.f32 [tilespmem:s16], [sflag:$0x2], $0x80, s22, s13, $0xb8;
	[tilespmem:$0x1D000] =	vst v63  }
0x121: {  	_ =	swait.ge [sflag:s15], $0x4000  }
0x122: {  	[sflag:s15] =	ssyncset.done $0x0  }
0x123: {  	[sflag:s15] =	ssyncadd.s32 $0xFFFFC000  }
0x124: {  	_ =	swait.ge [sflag:s17], $0x4000  }
0x125: {  	[sflag:s17] =	ssyncset.done $0x0  }
0x126: {  	[sflag:s17] =	ssyncadd.s32 $0xFFFFC000  }
0x127: {  	[tilespmem:s16], [sflag:$0x1] =	stream.indirect.gather [hbm4b:s4+s13], $0x80, s23, s13, $0xb8;
	[tilespmem:$0x1D000] =	vst v63  }
0x128: {  	_ = 	snop  }
0x129: {  	[spmem:s2] =	stream.indirect.scatter.add.f32 [tilespmem:s14], [sflag:$0x2], $0x80, s24, s13, $0xb8;
	[tilespmem:$0x1D000] =	vst v63  }
0x12a: {  	_ =	swait.ge [sflag:s15], $0x4000  }
0x12b: {  	[sflag:s15] =	ssyncset.done $0x0  }
0x12c: {  	[sflag:s15] =	ssyncadd.s32 $0xFFFFC000  }
0x12d: {  	_ =	swait.ge [sflag:s17], $0x4000  }
0x12e: {  	[sflag:s17] =	ssyncset.done $0x0  }
0x12f: {  	[sflag:s17] =	ssyncadd.s32 $0xFFFFC000  }
0x130: {  	[tilespmem:s14], [sflag:$0x1] =	stream.indirect.gather [hbm4b:s4+s13], $0x80, s25, s13, $0xb8;
	[tilespmem:$0x1D000] =	vst v63  }
0x131: {  	_ = 	snop  }
0x132: {  	[spmem:s2] =	stream.indirect.scatter.add.f32 [tilespmem:s16], [sflag:$0x2], $0x80, s26, s13, $0xb8;
	[tilespmem:$0x1D000] =	vst v63  }
0x133: {  	_ =	swait.ge [sflag:s15], $0x4000  }
0x134: {  	[sflag:s15] =	ssyncset.done $0x0  }
0x135: {  	[sflag:s15] =	ssyncadd.s32 $0xFFFFC000  }
0x136: {  	_ =	swait.ge [sflag:s17], $0x4000  }
0x137: {  	[sflag:s17] =	ssyncset.done $0x0  }
0x138: {  	[sflag:s17] =	ssyncadd.s32 $0xFFFFC000  }
0x139: {  	[tilespmem:s16], [sflag:$0x1] =	stream.indirect.gather [hbm4b:s4+s13], $0x80, s28, s13, $0xb8;
	[tilespmem:$0x1D000] =	vst v63  }
0x13a: {  	_ = 	snop  }
0x13b: {  	[spmem:s2] =	stream.indirect.scatter.add.f32 [tilespmem:s14], [sflag:$0x2], $0x80, s29, s13, $0xb8;
	[tilespmem:$0x1D000] =	vst v63  }
0x13c: {  	_ =	swait.ge [sflag:s15], $0x4000  }
0x13d: {  	[sflag:s15] =	ssyncset.done $0x0  }
0x13e: {  	[sflag:s15] =	ssyncadd.s32 $0xFFFFC000  }
0x13f: {  	_ =	swait.ge [sflag:s17], $0x4000  }
0x140: {  	[sflag:s17] =	ssyncset.done $0x0  }
0x141: {  	[sflag:s17] =	ssyncadd.s32 $0xFFFFC000  }
0x142: {  	[tilespmem:s14], [sflag:$0x1] =	stream.indirect.gather [hbm4b:s4+s13], $0x80, s30, s13, $0xb8;
	[tilespmem:$0x1D000] =	vst v63  }
0x143: {  	_ = 	snop  }
0x144: {  	[spmem:s2] =	stream.indirect.scatter.add.f32 [tilespmem:s16], [sflag:$0x2], $0x80, s31, s13, $0xb8;
	[tilespmem:$0x1D000] =	vst v63  }
0x145: {  	_ =	swait.ge [sflag:s15], $0x4000  }
0x146: {  	[sflag:s15] =	ssyncset.done $0x0  }
0x147: {  	[sflag:s15] =	ssyncadd.s32 $0xFFFFC000  }
0x148: {  	_ =	swait.ge [sflag:s17], $0x4000  }
0x149: {  	[sflag:s17] =	ssyncset.done $0x0  }
0x14a: {  	[sflag:s17] =	ssyncadd.s32 $0xFFFFC000  }
0x14b: {  	[tilespmem:s16], [sflag:$0x1] =	stream.indirect.gather [hbm4b:s4+s13], $0x80, s1, s13, $0xb8;
	[tilespmem:$0x1D000] =	vst v63  }
0x14c: {  	_ = 	snop  }
0x14d: {  	[spmem:s2] =	stream.indirect.scatter.add.f32 [tilespmem:s14], [sflag:$0x2], $0x80, s0, s13, $0xb8;
	[tilespmem:$0x1D000] =	vst v63  }
0x14e: {  	_ =	swait.ge [sflag:s15], $0x4000  }
0x14f: {  	[sflag:s15] =	ssyncset.done $0x0  }
0x150: {  	[sflag:s15] =	ssyncadd.s32 $0xFFFFC000  }
0x151: {  	p0 =	sne.s32 s6, $0x900;
	_ =	swait.ge [sflag:s17], $0x4000  }
.Ltmp0:
0x152: {  	[sflag:s17] =	ssyncset.done $0x0;
	(pc) =	sbr.rel @p0 .LBB2_2-.Ltmp0, $4  }
0x153: {  	[sflag:s17] =	ssyncadd.s32 $0xFFFFC000  }
0x154: {  	[spmem:s2] =	stream.indirect.scatter.add.f32 [tilespmem:s16], [sflag:$0x2], $0x80, s5, s13, $0xb8;
	[tilespmem:$0x1D000] =	vst v63  }
0x155: {  	_ =	swait.ge [sflag:s17], $0x4000  }
0x156: {  	s6 =	sadd.s32 $0x100, s6;
	s9 =	rddreg [dreg:$0x4];
	[sflag:s17] =	ssyncset.done $0x0  }
0x157: {  	[sflag:s17] =	ssyncadd.s32 $0xFFFFC000;
	s6 =	sadd.s32 s8, s9  }
0x158: {  	[tilespmem:s11], [sflag:$0x3] =	stream.linear.gather [hbm4b:s6+s3], $0x800, $0x38;
	[tilespmem:$0x1D000] =	vst v63  }
0x159: {  	_ =	swait.ge [sflag:s10], $0x800  }
0x15a: {  	s7 =	rddreg [dreg:$0x3];
	[sflag:s10] =	ssyncset.done $0x0  }
0x15b: {  	[sflag:s10] =	ssyncadd.s32 $0xFFFFF800;
	s6 =	sadd.s32 s8, s7  }
0x15c: {  	[tilespmem:s12], [sflag:$0x3] =	stream.linear.gather [hbm4b:s6+s3], $0x800, $0x38;
	[tilespmem:$0x1D000] =	vst v63  }
0x15d: {  	_ =	swait.ge [sflag:s10], $0x800  }
0x15e: {  	[sflag:s10] =	ssyncset.done $0x0  }
0x15f: {  	[sflag:s10] =	ssyncadd.s32 $0xFFFFF800  }
0x160: {  	[tilespmem:s14], [sflag:$0x1] =	stream.indirect.gather [hbm4b:s4+s13], $0x80, s11, s13, $0xb8;
	[tilespmem:$0x1D000] =	vst v63  }
0x161: {  	_ =	swait.ge [sflag:s15], $0x4000  }
0x162: {  	[sflag:s15] =	ssyncset.done $0x0  }
0x163: {  	s8 =	rddreg [dreg:$0x5];
	[sflag:s15] =	ssyncadd.s32 $0xFFFFC000  }
0x164: {  	[tilespmem:s16], [sflag:$0x1] =	stream.indirect.gather [hbm4b:s4+s13], $0x80, s8, s13, $0xb8;
	[tilespmem:$0x1D000] =	vst v63  }
0x165: {  	_ = 	snop  }
0x166: {  	[spmem:s2] =	stream.indirect.scatter.add.f32 [tilespmem:s14], [sflag:$0x2], $0x80, s12, s13, $0xb8;
	[tilespmem:$0x1D000] =	vst v63  }
0x167: {  	_ =	swait.ge [sflag:s15], $0x4000  }
0x168: {  	[sflag:s15] =	ssyncset.done $0x0  }
0x169: {  	[sflag:s15] =	ssyncadd.s32 $0xFFFFC000  }
0x16a: {  	_ =	swait.ge [sflag:s17], $0x4000  }
0x16b: {  	[sflag:s17] =	ssyncset.done $0x0  }
0x16c: {  	s9 =	rddreg [dreg:$0x6];
	[sflag:s17] =	ssyncadd.s32 $0xFFFFC000  }
0x16d: {  	[tilespmem:s14], [sflag:$0x1] =	stream.indirect.gather [hbm4b:s4+s13], $0x80, s9, s13, $0xb8;
	[tilespmem:$0x1D000] =	vst v63  }
0x16e: {  	s7 =	rddreg [dreg:$0x7]  }
0x16f: {  	[spmem:s2] =	stream.indirect.scatter.add.f32 [tilespmem:s16], [sflag:$0x2], $0x80, s7, s13, $0xb8;
	[tilespmem:$0x1D000] =	vst v63  }
0x170: {  	_ =	swait.ge [sflag:s15], $0x4000  }
0x171: {  	[sflag:s15] =	ssyncset.done $0x0  }
0x172: {  	[sflag:s15] =	ssyncadd.s32 $0xFFFFC000  }
0x173: {  	_ =	swait.ge [sflag:s17], $0x4000  }
0x174: {  	[sflag:s17] =	ssyncset.done $0x0  }
0x175: {  	s8 =	rddreg [dreg:$0x8];
	[sflag:s17] =	ssyncadd.s32 $0xFFFFC000  }
0x176: {  	[tilespmem:s16], [sflag:$0x1] =	stream.indirect.gather [hbm4b:s4+s13], $0x80, s8, s13, $0xb8;
	[tilespmem:$0x1D000] =	vst v63  }
0x177: {  	s9 =	rddreg [dreg:$0x9]  }
0x178: {  	[spmem:s2] =	stream.indirect.scatter.add.f32 [tilespmem:s14], [sflag:$0x2], $0x80, s9, s13, $0xb8;
	[tilespmem:$0x1D000] =	vst v63  }
0x179: {  	_ =	swait.ge [sflag:s15], $0x4000  }
0x17a: {  	[sflag:s15] =	ssyncset.done $0x0  }
0x17b: {  	[sflag:s15] =	ssyncadd.s32 $0xFFFFC000  }
0x17c: {  	_ =	swait.ge [sflag:s17], $0x4000  }
0x17d: {  	[sflag:s17] =	ssyncset.done $0x0  }
0x17e: {  	s8 =	rddreg [dreg:$0xa];
	[sflag:s17] =	ssyncadd.s32 $0xFFFFC000  }
0x17f: {  	[tilespmem:s14], [sflag:$0x1] =	stream.indirect.gather [hbm4b:s4+s13], $0x80, s8, s13, $0xb8;
	[tilespmem:$0x1D000] =	vst v63  }
0x180: {  	s9 =	rddreg [dreg:$0xb]  }
0x181: {  	[spmem:s2] =	stream.indirect.scatter.add.f32 [tilespmem:s16], [sflag:$0x2], $0x80, s9, s13, $0xb8;
	[tilespmem:$0x1D000] =	vst v63  }
0x182: {  	_ =	swait.ge [sflag:s15], $0x4000  }
0x183: {  	[sflag:s15] =	ssyncset.done $0x0  }
0x184: {  	[sflag:s15] =	ssyncadd.s32 $0xFFFFC000  }
0x185: {  	_ =	swait.ge [sflag:s17], $0x4000  }
0x186: {  	[sflag:s17] =	ssyncset.done $0x0  }
0x187: {  	s8 =	rddreg [dreg:$0xc];
	[sflag:s17] =	ssyncadd.s32 $0xFFFFC000  }
0x188: {  	[tilespmem:s16], [sflag:$0x1] =	stream.indirect.gather [hbm4b:s4+s13], $0x80, s8, s13, $0xb8;
	[tilespmem:$0x1D000] =	vst v63  }
0x189: {  	s9 =	rddreg [dreg:$0xd]  }
0x18a: {  	[spmem:s2] =	stream.indirect.scatter.add.f32 [tilespmem:s14], [sflag:$0x2], $0x80, s9, s13, $0xb8;
	[tilespmem:$0x1D000] =	vst v63  }
0x18b: {  	_ =	swait.ge [sflag:s15], $0x4000  }
0x18c: {  	[sflag:s15] =	ssyncset.done $0x0  }
0x18d: {  	[sflag:s15] =	ssyncadd.s32 $0xFFFFC000  }
0x18e: {  	_ =	swait.ge [sflag:s17], $0x4000  }
0x18f: {  	[sflag:s17] =	ssyncset.done $0x0  }
0x190: {  	s8 =	rddreg [dreg:$0xe];
	[sflag:s17] =	ssyncadd.s32 $0xFFFFC000  }
0x191: {  	[tilespmem:s14], [sflag:$0x1] =	stream.indirect.gather [hbm4b:s4+s13], $0x80, s8, s13, $0xb8;
	[tilespmem:$0x1D000] =	vst v63  }
0x192: {  	s9 =	rddreg [dreg:$0xf]  }
0x193: {  	[spmem:s2] =	stream.indirect.scatter.add.f32 [tilespmem:s16], [sflag:$0x2], $0x80, s9, s13, $0xb8;
	[tilespmem:$0x1D000] =	vst v63  }
0x194: {  	_ =	swait.ge [sflag:s15], $0x4000  }
0x195: {  	[sflag:s15] =	ssyncset.done $0x0  }
0x196: {  	[sflag:s15] =	ssyncadd.s32 $0xFFFFC000  }
0x197: {  	_ =	swait.ge [sflag:s17], $0x4000  }
0x198: {  	[sflag:s17] =	ssyncset.done $0x0  }
0x199: {  	s8 =	rddreg [dreg:$0x10];
	[sflag:s17] =	ssyncadd.s32 $0xFFFFC000  }
0x19a: {  	[tilespmem:s16], [sflag:$0x1] =	stream.indirect.gather [hbm4b:s4+s13], $0x80, s8, s13, $0xb8;
	[tilespmem:$0x1D000] =	vst v63  }
0x19b: {  	s9 =	rddreg [dreg:$0x11]  }
0x19c: {  	[spmem:s2] =	stream.indirect.scatter.add.f32 [tilespmem:s14], [sflag:$0x2], $0x80, s9, s13, $0xb8;
	[tilespmem:$0x1D000] =	vst v63  }
0x19d: {  	_ =	swait.ge [sflag:s15], $0x4000  }
0x19e: {  	[sflag:s15] =	ssyncset.done $0x0  }
0x19f: {  	[sflag:s15] =	ssyncadd.s32 $0xFFFFC000  }
0x1a0: {  	_ =	swait.ge [sflag:s17], $0x4000  }
0x1a1: {  	[sflag:s17] =	ssyncset.done $0x0  }
0x1a2: {  	s8 =	rddreg [dreg:$0x12];
	[sflag:s17] =	ssyncadd.s32 $0xFFFFC000  }
0x1a3: {  	[tilespmem:s14], [sflag:$0x1] =	stream.indirect.gather [hbm4b:s4+s13], $0x80, s8, s13, $0xb8;
	[tilespmem:$0x1D000] =	vst v63  }
0x1a4: {  	_ = 	snop  }
0x1a5: {  	[spmem:s2] =	stream.indirect.scatter.add.f32 [tilespmem:s16], [sflag:$0x2], $0x80, s18, s13, $0xb8;
	[tilespmem:$0x1D000] =	vst v63  }
0x1a6: {  	_ =	swait.ge [sflag:s15], $0x4000  }
0x1a7: {  	[sflag:s15] =	ssyncset.done $0x0  }
0x1a8: {  	[sflag:s15] =	ssyncadd.s32 $0xFFFFC000  }
0x1a9: {  	_ =	swait.ge [sflag:s17], $0x4000  }
0x1aa: {  	[sflag:s17] =	ssyncset.done $0x0  }
0x1ab: {  	[sflag:s17] =	ssyncadd.s32 $0xFFFFC000  }
0x1ac: {  	[tilespmem:s16], [sflag:$0x1] =	stream.indirect.gather [hbm4b:s4+s13], $0x80, s19, s13, $0xb8;
	[tilespmem:$0x1D000] =	vst v63  }
0x1ad: {  	_ = 	snop  }
0x1ae: {  	[spmem:s2] =	stream.indirect.scatter.add.f32 [tilespmem:s14], [sflag:$0x2], $0x80, s20, s13, $0xb8;
	[tilespmem:$0x1D000] =	vst v63  }
0x1af: {  	_ =	swait.ge [sflag:s15], $0x4000  }
0x1b0: {  	[sflag:s15] =	ssyncset.done $0x0  }
0x1b1: {  	[sflag:s15] =	ssyncadd.s32 $0xFFFFC000  }
0x1b2: {  	_ =	swait.ge [sflag:s17], $0x4000  }
0x1b3: {  	[sflag:s17] =	ssyncset.done $0x0  }
0x1b4: {  	[sflag:s17] =	ssyncadd.s32 $0xFFFFC000  }
0x1b5: {  	[tilespmem:s14], [sflag:$0x1] =	stream.indirect.gather [hbm4b:s4+s13], $0x80, s21, s13, $0xb8;
	[tilespmem:$0x1D000] =	vst v63  }
0x1b6: {  	_ = 	snop  }
0x1b7: {  	[spmem:s2] =	stream.indirect.scatter.add.f32 [tilespmem:s16], [sflag:$0x2], $0x80, s22, s13, $0xb8;
	[tilespmem:$0x1D000] =	vst v63  }
0x1b8: {  	_ =	swait.ge [sflag:s15], $0x4000  }
0x1b9: {  	[sflag:s15] =	ssyncset.done $0x0  }
0x1ba: {  	[sflag:s15] =	ssyncadd.s32 $0xFFFFC000  }
0x1bb: {  	_ =	swait.ge [sflag:s17], $0x4000  }
0x1bc: {  	[sflag:s17] =	ssyncset.done $0x0  }
0x1bd: {  	[sflag:s17] =	ssyncadd.s32 $0xFFFFC000  }
0x1be: {  	[tilespmem:s16], [sflag:$0x1] =	stream.indirect.gather [hbm4b:s4+s13], $0x80, s23, s13, $0xb8;
	[tilespmem:$0x1D000] =	vst v63  }
0x1bf: {  	_ = 	snop  }
0x1c0: {  	[spmem:s2] =	stream.indirect.scatter.add.f32 [tilespmem:s14], [sflag:$0x2], $0x80, s24, s13, $0xb8;
	[tilespmem:$0x1D000] =	vst v63  }
0x1c1: {  	_ =	swait.ge [sflag:s15], $0x4000  }
0x1c2: {  	[sflag:s15] =	ssyncset.done $0x0  }
0x1c3: {  	[sflag:s15] =	ssyncadd.s32 $0xFFFFC000  }
0x1c4: {  	_ =	swait.ge [sflag:s17], $0x4000  }
0x1c5: {  	[sflag:s17] =	ssyncset.done $0x0  }
0x1c6: {  	[sflag:s17] =	ssyncadd.s32 $0xFFFFC000  }
0x1c7: {  	[tilespmem:s14], [sflag:$0x1] =	stream.indirect.gather [hbm4b:s4+s13], $0x80, s25, s13, $0xb8;
	[tilespmem:$0x1D000] =	vst v63  }
0x1c8: {  	_ = 	snop  }
0x1c9: {  	[spmem:s2] =	stream.indirect.scatter.add.f32 [tilespmem:s16], [sflag:$0x2], $0x80, s26, s13, $0xb8;
	[tilespmem:$0x1D000] =	vst v63  }
0x1ca: {  	_ =	swait.ge [sflag:s15], $0x4000  }
0x1cb: {  	[sflag:s15] =	ssyncset.done $0x0  }
0x1cc: {  	[sflag:s15] =	ssyncadd.s32 $0xFFFFC000  }
0x1cd: {  	_ =	swait.ge [sflag:s17], $0x4000  }
0x1ce: {  	[sflag:s17] =	ssyncset.done $0x0  }
0x1cf: {  	[sflag:s17] =	ssyncadd.s32 $0xFFFFC000  }
0x1d0: {  	[tilespmem:s16], [sflag:$0x1] =	stream.indirect.gather [hbm4b:s4+s13], $0x80, s28, s13, $0xb8;
	[tilespmem:$0x1D000] =	vst v63  }
0x1d1: {  	_ = 	snop  }
0x1d2: {  	[spmem:s2] =	stream.indirect.scatter.add.f32 [tilespmem:s14], [sflag:$0x2], $0x80, s29, s13, $0xb8;
	[tilespmem:$0x1D000] =	vst v63  }
0x1d3: {  	_ =	swait.ge [sflag:s15], $0x4000  }
0x1d4: {  	[sflag:s15] =	ssyncset.done $0x0  }
0x1d5: {  	[sflag:s15] =	ssyncadd.s32 $0xFFFFC000  }
0x1d6: {  	_ =	swait.ge [sflag:s17], $0x4000  }
0x1d7: {  	[sflag:s17] =	ssyncset.done $0x0  }
0x1d8: {  	[sflag:s17] =	ssyncadd.s32 $0xFFFFC000  }
0x1d9: {  	[tilespmem:s14], [sflag:$0x1] =	stream.indirect.gather [hbm4b:s4+s13], $0x80, s30, s13, $0xb8;
	[tilespmem:$0x1D000] =	vst v63  }
0x1da: {  	_ = 	snop  }
0x1db: {  	[spmem:s2] =	stream.indirect.scatter.add.f32 [tilespmem:s16], [sflag:$0x2], $0x80, s31, s13, $0xb8;
	[tilespmem:$0x1D000] =	vst v63  }
0x1dc: {  	_ =	swait.ge [sflag:s15], $0x4000  }
0x1dd: {  	[sflag:s15] =	ssyncset.done $0x0  }
0x1de: {  	[sflag:s15] =	ssyncadd.s32 $0xFFFFC000  }
0x1df: {  	_ =	swait.ge [sflag:s17], $0x4000  }
0x1e0: {  	[sflag:s17] =	ssyncset.done $0x0  }
0x1e1: {  	[sflag:s17] =	ssyncadd.s32 $0xFFFFC000  }
0x1e2: {  	[tilespmem:s16], [sflag:$0x1] =	stream.indirect.gather [hbm4b:s4+s13], $0x80, s1, s13, $0xb8;
	[tilespmem:$0x1D000] =	vst v63  }
0x1e3: {  	_ = 	snop  }
0x1e4: {  	[spmem:s2] =	stream.indirect.scatter.add.f32 [tilespmem:s14], [sflag:$0x2], $0x80, s0, s13, $0xb8;
	[tilespmem:$0x1D000] =	vst v63  }
0x1e5: {  	_ =	swait.ge [sflag:s15], $0x4000  }
0x1e6: {  	[sflag:s15] =	ssyncset.done $0x0  }
0x1e7: {  	[sflag:s15] =	ssyncadd.s32 $0xFFFFC000  }
0x1e8: {  	_ =	swait.ge [sflag:s17], $0x4000  }
0x1e9: {  	[sflag:s17] =	ssyncset.done $0x0  }
0x1ea: {  	[sflag:s17] =	ssyncadd.s32 $0xFFFFC000  }
0x1eb: {  	[spmem:s2] =	stream.indirect.scatter.add.f32 [tilespmem:s16], [sflag:$0x2], $0x80, s5, s13, $0xb8;
	[tilespmem:$0x1D000] =	vst v63  }
0x1ec: {  	_ =	swait.ge [sflag:s17], $0x4000  }
0x1ed: {  	[sflag:s17] =	ssyncset.done $0x0  }
0x1ee: {  	[sflag:s17] =	ssyncadd.s32 $0xFFFFC000  }
0x1ef: {  	[bflag:$0x0] =	sbarrier.arrive $0xFFFF  }
0x1f0: {  	s8 =	rddreg [dreg:$0x14]  }
0x1f1: {  	s9 =	rddreg [dreg:$0x15]  }
0x1f2: {  	s7 =	rddreg [dreg:$0x17]  }
0x1f3: {  	[hbm:s9], [sflag:s8] =	dma.local [spmem:s7], $0x2800  }
0x1f4: {  	_ =	swait.ge [sflag:s10], $0x2800  }
0x1f5: {  	s6 =	rddreg [dreg:$0x18]  }
0x1f6: {  	s9 =	sadd.s32 $0x1, s6;
	s6 =	rddreg [dreg:$0x16]  }
0x1f7: {  	p0 =	sne.s32 s9, s6  }
.Ltmp1:
0x1f8: {  	_ = 	snop;
	(pc) =	sbr.rel @p0 .LBB2_1-.Ltmp1, $3  }
0x1f9: {  	_ =	sdelay $0x1  }
0x1fa: {  	[sflag:s10] =	ssyncset.done $0x0  }
0x1fb: {  	[sflag:s10] =	ssyncadd.s32 $0xFFFFD800  }
0x1fc: {  	_ =	sfence.sel $0x180000  }
0x1fd: {  	[bflag:$0x0] =	sbarrier.arrive $0xFFFF  }
0x1fe: {  	_ =	strace $0x9000004A  }
0x1ff: {  	s0 =	stileid.u32;
	[bflag:$0x2] =	sbarrier.arrive $0xFFFF  }
0x200: {  	p0 =	sne.s32 s0, $0x0;
	s0 =	rddreg [dreg:$0x2]  }
0x201: {  	s0 =	sadd.s32 @!p0 $0x100000, s0  }
0x202: {  	[sflag:s0] =	ssyncadd.tile.s32 @!p0 $0x1;
	_ =	shalt  }
.Lfunc_end2:
_tile_overlayer_lowered:
.L_overlay_start_2:
0x203: {  	(tag) =	ssettag $0x2  }
0x204: {  	s0 =	rddreg [dreg:$0x0];
	s2 =	stileid.u32  }
0x205: {  	s1 =	rddreg [dreg:$0x1];
	p0 =	sne.s32 s2, $0x0  }
0x206: {  	s3 =	rddreg [dreg:$0x2];
	[bflag:$0x3] =	sbarrier.arrive $0xFFFF;
	s2 =	simm.s32 @!p0 $0x1C03  }
0x207: {  	[timem:s3], [sflag:s2] =	dma.local @!p0 [hbm:s0], s1  }
0x208: {  	s0 =	simm.s32 @!p0 $0x3  }
0x209: {  	_ =	swait.ge @!p0 [sflag:s0], s1  }
0x20a: {  	s1 =	ssub.s32 @!p0 $0x0, s1;
	[sflag:s0] =	ssyncset.done @!p0 $0x0  }
0x20b: {  	[sflag:s0] =	ssyncadd.s32 @!p0 s1  }
0x20c: {  	[bflag:$0x3] =	sbarrier.arrive $0xFFFF  }
0x20d: {  	_ =	shalt  }

// kernel: kernel.19.cloned.1.call-start
scs
__scs_entry_jumppad:
0x0: {  	(pc) =	sbr.rel $0x88, $3  }
0x1: {  	(tag) =	ssettag $0x0;
	lr =	simm.s32 $0x1  }
0x2: {  	[smem:$0x3F83] =	sst lr;
	_ =	strace $0xD0000000  }
0x3: {  	_ = 	snop  }
0x4: {  	_ = 	snop  }
0x5: {  	_ = 	snop  }
0x6: {  	_ = 	snop  }
0x7: {  	_ = 	snop  }
__scs_overlays_trampoline_lowered:
0x8: {  	[smem:$0x3F92] =	sst s0  }
0x9: {  	[smem:$0x3F93] =	sst s1  }
0xa: {  	[smem:$0x3F94] =	sst s2  }
0xb: {  	[smem:$0x3F95] =	sst s3  }
0xc: {  	[smem:$0x3F96] =	sst s4  }
0xd: {  	[smem:$0x3F97] =	sst s5  }
0xe: {  	[smem:$0x3F98] =	sst s6  }
0xf: {  	[smem:$0x3F99] =	sst s7  }
0x10: {  	[smem:$0x3F9A] =	sst s8  }
0x11: {  	[smem:$0x3F9B] =	sst s9;
	s0 =	simm.s32 @!p0 $0x0  }
0x12: {  	s1 =	sld [smem:$0x3F81];
	s0 =	simm.s32 @p0 $0x1  }
0x13: {  	[smem:$0x3F9C] =	sst s0;
	s0 =	simm.s32 @!p1 $0x0  }
0x14: {  	s2 =	sld [smem:$0x3F80];
	s0 =	simm.s32 @p1 $0x1  }
0x15: {  	[smem:$0x3F9D] =	sst s0;
	s0 =	simm.s32 @!p2 $0x0  }
0x16: {  	s3 =	sld [smem:$0x3FDB];
	s0 =	simm.s32 @p2 $0x1  }
0x17: {  	s4 =	simm.s32 $0x1BF5;
	[smem:$0x3F9F] =	sst s0  }
0x18: {  	s0 =	sld [smem:$0x3F82];
	_ =	swait.ge [sflag:s4], $0x0  }
0x19: {  	s7 =	sld [smem:$0x3F83]  }
0x1a: {  	s8 =	sadd.s32 $0xFFFFE003, lr  }
0x1b: {  	s9 =	sadd.s32 $0xFFFFFEF7, lr;
	s5 =	simm.s32 $0xFFFFFFFF;
	p2 =	slt.u32 s8, $0xFFFFF086  }
0x1c: {  	p1 =	slt.u32 s9, $0xF7A;
	s5 =	simm.s32 @!p2 $0x0  }
0x1d: {  	s5 =	simm.s32 @p1 $0x1;
	p0 =	seq.s32 s7, s2  }
0x1e: {  	s7 =	smul.u32 @!p0 $0xF7A, s2;
	p2 =	seq.s32 @!p0 s5, $0x0  }
0x1f: {  	s9 =	smul.u32 $0xF7A, s1;
	s8 =	simm.s32 @!p0 $0x1BF5;
	p2 =	por !p2, p0  }
0x20: {  	[sflag:s8] =	ssyncset.s32 @!p0 $0xFFFFF086;
	s6 =	sadd.s32 @!p0 s3, s7;
	s7 =	simm.s32 @!p0 $0x108  }
0x21: {  	s3 =	sadd.s32 s3, s9;
	s6 =	sadd.s32 @!p0 $0x88, s6;
	s7 =	simm.s32 @p2 $0x1082  }
0x22: {  	[simem:s7], [sflag:s8] =	dma.local @!p0 [hbm:s6], $0xF7A  }
0x23: {  	s9 =	sor.u32 $0xD0000000, s2;
	s6 =	simm.s32 $0x108;
	_ =	swait.ge @!p0 [sflag:s8], $0x0  }
0x24: {  	s3 =	sadd.s32 $0x88, s3;
	s6 =	simm.s32 @!p1 $0x1082;
	[sflag:s4] =	ssyncset.s32 $0xFFFFF086  }
0x25: {  	[simem:s6], [sflag:s4] =	dma.local [hbm:s3], $0xF7A  }
0x26: {  	[smem:$0x3F83] =	sst s1;
	(tag) =	ssettag s2;
	_ =	strace s9  }
0x27: {  	s1 =	sld [smem:$0x3F93]  }
0x28: {  	s2 =	sld [smem:$0x3F94]  }
0x29: {  	s4 =	sld [smem:$0x3F96]  }
0x2a: {  	p0 =	seq.s32 s5, $0x0;
	s5 =	sld [smem:$0x3F97]  }
0x2b: {  	s6 =	sld [smem:$0x3F98]  }
0x2c: {  	s7 =	sld [smem:$0x3F99]  }
0x2d: {  	s3 =	simm.s32 $0x108;
	s8 =	sld [smem:$0x3F9A]  }
0x2e: {  	s3 =	simm.s32 @!p0 $0x1082;
	s9 =	sld [smem:$0x3F9B]  }
0x2f: {  	lr =	sadd.s32 s0, s3;
	s0 =	sld [smem:$0x3F92]  }
0x30: {  	s3 =	sld [smem:$0x3F95]  }
0x31: {  	[smem:$0x3F9E] =	sst s10  }
0x32: {  	s10 =	sld [smem:$0x3F9C];
	_ =	sdelay $0x3  }
0x33: {  	p0 =	seq.s32 s10, $0x1;
	s10 =	sld [smem:$0x3F9E];
	_ =	sdelay $0x3  }
0x34: {  	[smem:$0x3F9E] =	sst s10  }
0x35: {  	s10 =	sld [smem:$0x3F9D];
	_ =	sdelay $0x3  }
0x36: {  	p1 =	seq.s32 s10, $0x1;
	s10 =	sld [smem:$0x3F9E];
	_ =	sdelay $0x3  }
0x37: {  	[smem:$0x3F9E] =	sst s10  }
0x38: {  	s10 =	sld [smem:$0x3F9F]  }
0x39: {  	_ = 	snop;
	(pc) =	sbr.ind lr, $3  }
0x3a: {  	_ = 	snop  }
0x3b: {  	_ = 	snop  }
0x3c: {  	p2 =	seq.s32 s10, $0x1;
	s10 =	sld [smem:$0x3F9E]  }
0x3d: {  	_ =	shalt  }
0x3e: {  	_ =	shalt  }
0x3f: {  	_ =	shalt  }
0x40: {  	_ =	shalt  }
0x41: {  	_ =	shalt  }
0x42: {  	_ =	shalt  }
0x43: {  	_ =	shalt  }
0x44: {  	_ =	shalt  }
0x45: {  	_ =	shalt  }
0x46: {  	_ =	shalt  }
0x47: {  	_ =	shalt  }
0x48: {  	_ =	shalt  }
0x49: {  	_ =	shalt  }
0x4a: {  	_ =	shalt  }
0x4b: {  	_ =	shalt  }
0x4c: {  	_ =	shalt  }
0x4d: {  	_ =	shalt  }
0x4e: {  	_ =	shalt  }
0x4f: {  	_ =	shalt  }
0x50: {  	_ =	shalt  }
0x51: {  	_ =	shalt  }
0x52: {  	_ =	shalt  }
0x53: {  	_ =	shalt  }
0x54: {  	_ =	shalt  }
0x55: {  	_ =	shalt  }
0x56: {  	_ =	shalt  }
0x57: {  	_ =	shalt  }
0x58: {  	_ =	shalt  }
0x59: {  	_ =	shalt  }
0x5a: {  	_ =	shalt  }
0x5b: {  	_ =	shalt  }
0x5c: {  	_ =	shalt  }
0x5d: {  	_ =	shalt  }
0x5e: {  	_ =	shalt  }
0x5f: {  	_ =	shalt  }
0x60: {  	_ =	shalt  }
0x61: {  	_ =	shalt  }
0x62: {  	_ =	shalt  }
0x63: {  	_ =	shalt  }
0x64: {  	_ =	shalt  }
0x65: {  	_ =	shalt  }
0x66: {  	_ =	shalt  }
0x67: {  	_ =	shalt  }
0x68: {  	_ =	shalt  }
0x69: {  	_ =	shalt  }
0x6a: {  	_ =	shalt  }
0x6b: {  	_ =	shalt  }
0x6c: {  	_ =	shalt  }
0x6d: {  	_ =	shalt  }
0x6e: {  	_ =	shalt  }
0x6f: {  	_ =	shalt  }
0x70: {  	_ =	shalt  }
0x71: {  	_ =	shalt  }
0x72: {  	_ =	shalt  }
0x73: {  	_ =	shalt  }
0x74: {  	_ =	shalt  }
0x75: {  	_ =	shalt  }
0x76: {  	_ =	shalt  }
0x77: {  	_ =	shalt  }
0x78: {  	_ =	shalt  }
0x79: {  	_ =	shalt  }
0x7a: {  	_ =	shalt  }
0x7b: {  	_ =	shalt  }
0x7c: {  	_ =	shalt  }
0x7d: {  	_ =	shalt  }
0x7e: {  	_ =	shalt  }
0x7f: {  	_ =	shalt  }
0x80: {  	_ =	shalt  }
0x81: {  	_ =	shalt  }
0x82: {  	_ =	shalt  }
0x83: {  	_ =	shalt  }
0x84: {  	_ =	shalt  }
0x85: {  	_ =	shalt  }
0x86: {  	_ =	shalt  }
0x87: {  	_ =	shalt  }
.Lfunc_end0:
.L_simem_size_0:
called_computation.2_lowered:
.L_overlay_start_0:
0x88: {  	s2 =	sld [smem:$0x3FD9]  }
0x89: {  	s3 =	sld [smem:$0x3FFE];
	_ =	sdelay $0x1  }
0x8a: {  	s1 =	srdreg.scid  }
0x8b: {  	s0 =	sand.u32 $0x1, s1  }
0x8c: {  	s16 =	sshll.u32 s0, $0xA;
	s2 =	sadd.s32 s3, s2  }
0x8d: {  	s2 =	sadd.s32 s2, s16  }
0x8e: {  	[smem:$0x3FAA] =	sst s2  }
0x8f: {  	_ = 	snop  }
0x90: {  	(tm) =	ssettm $0x1  }
0x91: {  	s17 =	sld [smem:$0x3FFB];
	_ =	sdelay $0x3  }
0x92: {  	_ =	strace s17  }
0x93: {  	s2 =	sld [smem:$0x3FFC];
	_ =	sdelay $0x3  }
0x94: {  	_ =	strace s2  }
0x95: {  	s2 =	sld [smem:$0x3FFD];
	_ =	sdelay $0x3  }
0x96: {  	_ =	strace s2  }
0x97: {  	_ =	strace $0x8FFFFFFF  }
0x98: {  	s18 =	sld [smem:$0x3FDB];
	_ =	sdelay $0x1  }
0x99: {  	s19 =	simm.s32 $_scs_section_size  }
0x9a: {  	s4 =	simm.s32 $_size__tile_overlayer_lowered;
	s5 =	simm.s32 $_tile_overlayer_lowered  }
0x9b: {  	s22 =	simm.s32 $0x1BFF;
	s21 =	sshll.u32 s5, $0x1;
	s2 =	sadd.s32 s19, s18  }
0x9c: {  	s6 =	simm.s32 $0x0;
	s20 =	sshll.u32 s4, $0x1;
	s4 =	sadd.s32 s21, s2  }
0x9d: {  	[timem:s6], [sflag:s22] =	dma.local [hbm:s4], s20  }
0x9e: {  	_ =	swait.ge [sflag:s22], s20  }
0x9f: {  	s3 =	ssub.s32 $0x0, s20;
	[sflag:s22] =	ssyncset.done $0x0  }
0xa0: {  	[sflag:s22] =	ssyncadd.s32 s3;
	_ =	sdelay $0x1  }
0xa1: {  	s23 =	simm.s32 $0x1B8B  }
0xa2: {  	_ =	swait.ge [sflag:s23], $0x1  }
0xa3: {  	[sflag:s23] =	ssyncset.done $0x0  }
0xa4: {  	s25 =	simm.s32 $0x1B8E;
	s24 =	sld [smem:$0x3FFE];
	[sflag:s23] =	ssyncadd.s32 $0xFFFFFFFF  }
0xa5: {  	s26 =	simm.s32 $execute0_lowered;
	[smem:$0x3FD2] =	sst s25  }
0xa6: {  	s4 =	sshll.u32 s26, $0x1;
	_ =	strace $0x8000004C;
	[dreg:$0x1] =	wrdreg $0xFFFFFFFF  }
0xa7: {  	s28 =	simm.s32 $_size_execute0_lowered;
	s2 =	sadd.s32 s2, s4;
	[dreg:$0x0] =	wrdreg $0x0  }
0xa8: {  	s4 =	sshll.u32 s28, $0x1;
	[dreg:$0x2] =	wrdreg s2  }
0xa9: {  	[dreg:$0x3] =	wrdreg s4  }
0xaa: {  	[dreg:$0x4] =	wrdreg $0xC0  }
0xab: {  	_ =	task [dreg:s6], $0x5FFFF  }
0xac: {  	[dreg:$0x1] =	wrdreg $0xFFFFFFFF  }
0xad: {  	[dreg:$0x0] =	wrdreg $0x60  }
0xae: {  	[dreg:$0x2] =	wrdreg s24  }
0xaf: {  	[dreg:$0x3] =	wrdreg $0x0  }
0xb0: {  	[dreg:$0x4] =	wrdreg $0x9  }
0xb1: {  	_ =	task.clear_ibuf [dreg:s6], $0x5FFFF;
	_ =	strace $0x9000004C  }
0xb2: {  	s29 =	simm.s32 $0x9;
	_ =	strace $0x8000004E  }
0xb3: {  	_ =	swait.ge [sflag:s29], $0x1  }
0xb4: {  	[sflag:s29] =	ssyncadd.s32 $0xFFFFFFFF  }
0xb5: {  	_ =	strace $0x9000004E  }
0xb6: {  	_ =	sfence  }
0xb7: {  	s30 =	sld [smem:$0x0];
	_ =	sdelay $0x2  }
0xb8: {  	s31 =	sshll.u32 s1, $0xD;
	s1 =	sshrl.u32 s1, $0x2  }
0xb9: {  	s3 =	sand.u32 $0x4000, s31;
	s1 =	sadd.s32 s1, s30  }
0xba: {  	s0 =	sor.u32 s3, s0;
	s1 =	sshll.u32 s1, $0x11  }
0xbb: {  	s0 =	sor.u32 s1, s0  }
0xbc: {  	s0 =	sadd.s32 $0x8F2B, s0  }
0xbd: {  	[sflag:s0] =	ssyncadd.remote.s32 $0x1  }
0xbe: {  	_ =	sfence.sel $0xFFFF  }
0xbf: {  	[dreg:$0x0] =	wrdreg $0xFFFFFFFF;
	(pc) =	sbr.abs _section_cstart, $3  }
0xc0: {  	[dreg:$0x1] =	wrdreg $0xFFFFFFFF  }
0xc1: {  	_ =	task.clear_ibuf [dreg:s6], $0x2FFFF;
	_ =	strace $0x9FFFFFFF  }
0xc2: {  	(tm) =	ssettm $0x7FFFFFFF  }
0xc3: {  	_ =	shalt  }
tec
execute0_lowered:
.L_overlay_start_1:
0x0: {  	(tag) =	ssettag $0x1  }
0x1: {  	s0 =	srdreg.scid  }
0x2: {  	s1 =	rddreg [dreg:$0x0];
	s9 =	stileid.u32  }
0x3: {  	s2 =	rddreg [dreg:$0x1];
	s3 =	simm.s32 $0x0;
	s12 =	simm.s32 $0x14080  }
0x4: {  	s14 =	simm.s32 $0x14100;
	s15 =	simm.s32 $0x14880;
	s16 =	simm.s32 $0x14180  }
0x5: {  	s17 =	simm.s32 $0x14900;
	s18 =	simm.s32 $0x14200;
	[smem:$0x7FF] =	sst s3  }
0x6: {  	s19 =	simm.s32 $0x14980;
	_ =	strace $0x8000004D;
	[dreg:$0x5] =	wrdreg s12  }
0x7: {  	s20 =	simm.s32 $0x14280;
	s21 =	simm.s32 $0x14A00;
	[dreg:$0x6] =	wrdreg s14  }
0x8: {  	s22 =	simm.s32 $0x14300;
	s23 =	simm.s32 $0x14A80;
	[dreg:$0x7] =	wrdreg s15  }
0x9: {  	s24 =	simm.s32 $0x14380;
	s25 =	simm.s32 $0x14B00;
	[dreg:$0x8] =	wrdreg s16  }
0xa: {  	s26 =	simm.s32 $0x14400;
	s28 =	simm.s32 $0x14680;
	[dreg:$0x9] =	wrdreg s17  }
0xb: {  	s29 =	simm.s32 $0x14E00;
	s30 =	simm.s32 $0x14700;
	[dreg:$0xa] =	wrdreg s18  }
0xc: {  	s31 =	simm.s32 $0x14E80;
	s5 =	smul.u32 $0x5000, s9;
	[dreg:$0xb] =	wrdreg s19  }
0xd: {  	s0 =	sand.u32 $0x1, s0;
	s7 =	smul.u32 $0x280, s9;
	[dreg:$0xc] =	wrdreg s20  }
0xe: {  	s10 =	smul.u32 $0x50000, s9;
	s13 =	sshll.u32 s9, $0x6;
	[dreg:$0xd] =	wrdreg s21  }
0xf: {  	s9 =	simm.s32 $0x0;
	s4 =	smul.u32 $0x50000, s0;
	[dreg:$0xe] =	wrdreg s22  }
0x10: {  	s6 =	smul.u32 $0x2800, s0;
	s0 =	ssub.s32 $0x2, s0;
	[dreg:$0xf] =	wrdreg s23  }
0x11: {  	s12 =	simm.s32 $0x14800;
	s14 =	simm.s32 $0x15000;
	[dreg:$0x10] =	wrdreg s24  }
0x12: {  	s15 =	simm.s32 $0x1;
	s16 =	simm.s32 $0x19000;
	[dreg:$0x11] =	wrdreg s25  }
0x13: {  	s17 =	simm.s32 $0x2;
	[dreg:$0x12] =	wrdreg s26;
	s18 =	simm.s32 $0x14B80  }
0x14: {  	s19 =	simm.s32 $0x14480;
	s20 =	simm.s32 $0x14C00;
	s21 =	simm.s32 $0x14500  }
0x15: {  	s22 =	simm.s32 $0x14C80;
	s23 =	simm.s32 $0x14580;
	s8 =	sshrl.u32 s0, $0x1  }
0x16: {  	s5 =	sadd.s32 s5, s4;
	s4 =	sadd.s32 $0x80C00, s1;
	s6 =	sadd.s32 s7, s6  }
0x17: {  	s0 =	ssub.s32 s0, s8;
	s7 =	sshrl.u32 s10, $0x2;
	s8 =	sor.u32 $0x1C03, s13  }
0x18: {  	s5 =	sshrl.u32 s5, $0x3;
	s6 =	sshll.u32 s6, $0x4;
	s7 =	sadd.s32 s7, s2  }
0x19: {  	s0 =	smax.u32 s0, $0x1;
	[dreg:$0x14] =	wrdreg s8;
	s5 =	sadd.s32 s5, s1  }
0x1a: {  	s1 =	sadd.s32 s6, s1;
	s6 =	sadd.s32 s4, s6;
	[dreg:$0x16] =	wrdreg s0  }
0x1b: {  	s24 =	simm.s32 $0x14D00;
	s7 =	sshrl.u32 s7, $0x3;
	[dreg:$0x13] =	wrdreg s6  }
0x1c: {  	s25 =	simm.s32 $0x14600;
	s11 =	sadd.s32 $0x6A00, s5;
	[dreg:$0x17] =	wrdreg s7  }
0x1d: {  	s26 =	simm.s32 $0x14D80;
	s5 =	sadd.s32 $0x1CC00, s5;
	[dreg:$0x3] =	wrdreg s11  }
0x1e: {  	s10 =	simm.s32 $0x3;
	s1 =	sadd.s32 $0xD0C00, s1;
	[dreg:$0x4] =	wrdreg s5  }
0x1f: {  	s13 =	simm.s32 $0x80;
	s0 =	simm.s32 $0x14F00;
	[dreg:$0x15] =	wrdreg s1  }
0x20: {  	s11 =	simm.s32 $0x14000;
	s1 =	simm.s32 $0x14780;
	s5 =	simm.s32 $0x14F80  }
.LBB2_1:
0x21: {  	[dreg:$0x18] =	wrdreg s9  }
0x22: {  	s6 =	rddreg [dreg:$0x13]  }
0x23: {  	[spmem:s7], [sflag:s8] =	dma.local [hbm:s6], $0x2800  }
0x24: {  	_ =	swait.ge [sflag:s10], $0x2800  }
0x25: {  	[sflag:s10] =	ssyncset.done $0x0  }
0x26: {  	[sflag:s10] =	ssyncadd.s32 $0xFFFFD800  }
0x27: {  	[bflag:$0x0] =	sbarrier.arrive $0xFFFF  }
0x28: {  	s9 =	rddreg [dreg:$0x4]  }
0x29: {  	s6 =	sadd.s32 $0x0, s9  }
0x2a: {  	[tilespmem:s11], [sflag:$0x3] =	stream.linear.gather [hbm4b:s6+s3], $0x800, $0x38;
	[tilespmem:$0x1D000] =	vst v63  }
0x2b: {  	_ =	swait.ge [sflag:s10], $0x800  }
0x2c: {  	s7 =	rddreg [dreg:$0x3];
	[sflag:s10] =	ssyncset.done $0x0  }
0x2d: {  	[sflag:s10] =	ssyncadd.s32 $0xFFFFF800;
	s6 =	sadd.s32 $0x0, s7  }
0x2e: {  	[tilespmem:s12], [sflag:$0x3] =	stream.linear.gather [hbm4b:s6+s3], $0x800, $0x38;
	[tilespmem:$0x1D000] =	vst v63  }
0x2f: {  	_ =	swait.ge [sflag:s10], $0x800  }
0x30: {  	[sflag:s10] =	ssyncset.done $0x0  }
0x31: {  	[sflag:s10] =	ssyncadd.s32 $0xFFFFF800  }
0x32: {  	[tilespmem:s14], [sflag:$0x1] =	stream.indirect.gather [hbm4b:s4+s13], $0x80, s11, s13, $0xb8;
	[tilespmem:$0x1D000] =	vst v63  }
0x33: {  	_ =	swait.ge [sflag:s15], $0x4000  }
0x34: {  	[sflag:s15] =	ssyncset.done $0x0  }
0x35: {  	s8 =	rddreg [dreg:$0x5];
	[sflag:s15] =	ssyncadd.s32 $0xFFFFC000  }
0x36: {  	[tilespmem:s16], [sflag:$0x1] =	stream.indirect.gather [hbm4b:s4+s13], $0x80, s8, s13, $0xb8;
	[tilespmem:$0x1D000] =	vst v63  }
0x37: {  	_ = 	snop  }
0x38: {  	[spmem:s2] =	stream.indirect.scatter.add.f32 [tilespmem:s14], [sflag:$0x2], $0x80, s12, s13, $0xb8;
	[tilespmem:$0x1D000] =	vst v63  }
0x39: {  	_ =	swait.ge [sflag:s15], $0x4000  }
0x3a: {  	[sflag:s15] =	ssyncset.done $0x0  }
0x3b: {  	[sflag:s15] =	ssyncadd.s32 $0xFFFFC000  }
0x3c: {  	_ =	swait.ge [sflag:s17], $0x4000  }
0x3d: {  	[sflag:s17] =	ssyncset.done $0x0  }
0x3e: {  	s9 =	rddreg [dreg:$0x6];
	[sflag:s17] =	ssyncadd.s32 $0xFFFFC000  }
0x3f: {  	[tilespmem:s14], [sflag:$0x1] =	stream.indirect.gather [hbm4b:s4+s13], $0x80, s9, s13, $0xb8;
	[tilespmem:$0x1D000] =	vst v63  }
0x40: {  	s7 =	rddreg [dreg:$0x7]  }
0x41: {  	[spmem:s2] =	stream.indirect.scatter.add.f32 [tilespmem:s16], [sflag:$0x2], $0x80, s7, s13, $0xb8;
	[tilespmem:$0x1D000] =	vst v63  }
0x42: {  	_ =	swait.ge [sflag:s15], $0x4000  }
0x43: {  	[sflag:s15] =	ssyncset.done $0x0  }
0x44: {  	[sflag:s15] =	ssyncadd.s32 $0xFFFFC000  }
0x45: {  	_ =	swait.ge [sflag:s17], $0x4000  }
0x46: {  	[sflag:s17] =	ssyncset.done $0x0  }
0x47: {  	s9 =	rddreg [dreg:$0x8];
	[sflag:s17] =	ssyncadd.s32 $0xFFFFC000  }
0x48: {  	[tilespmem:s16], [sflag:$0x1] =	stream.indirect.gather [hbm4b:s4+s13], $0x80, s9, s13, $0xb8;
	[tilespmem:$0x1D000] =	vst v63  }
0x49: {  	s7 =	rddreg [dreg:$0x9]  }
0x4a: {  	[spmem:s2] =	stream.indirect.scatter.add.f32 [tilespmem:s14], [sflag:$0x2], $0x80, s7, s13, $0xb8;
	[tilespmem:$0x1D000] =	vst v63  }
0x4b: {  	_ =	swait.ge [sflag:s15], $0x4000  }
0x4c: {  	[sflag:s15] =	ssyncset.done $0x0  }
0x4d: {  	[sflag:s15] =	ssyncadd.s32 $0xFFFFC000  }
0x4e: {  	_ =	swait.ge [sflag:s17], $0x4000  }
0x4f: {  	[sflag:s17] =	ssyncset.done $0x0  }
0x50: {  	s9 =	rddreg [dreg:$0xa];
	[sflag:s17] =	ssyncadd.s32 $0xFFFFC000  }
0x51: {  	[tilespmem:s14], [sflag:$0x1] =	stream.indirect.gather [hbm4b:s4+s13], $0x80, s9, s13, $0xb8;
	[tilespmem:$0x1D000] =	vst v63  }
0x52: {  	s7 =	rddreg [dreg:$0xb]  }
0x53: {  	[spmem:s2] =	stream.indirect.scatter.add.f32 [tilespmem:s16], [sflag:$0x2], $0x80, s7, s13, $0xb8;
	[tilespmem:$0x1D000] =	vst v63  }
0x54: {  	_ =	swait.ge [sflag:s15], $0x4000  }
0x55: {  	[sflag:s15] =	ssyncset.done $0x0  }
0x56: {  	[sflag:s15] =	ssyncadd.s32 $0xFFFFC000  }
0x57: {  	_ =	swait.ge [sflag:s17], $0x4000  }
0x58: {  	[sflag:s17] =	ssyncset.done $0x0  }
0x59: {  	s9 =	rddreg [dreg:$0xc];
	[sflag:s17] =	ssyncadd.s32 $0xFFFFC000  }
0x5a: {  	[tilespmem:s16], [sflag:$0x1] =	stream.indirect.gather [hbm4b:s4+s13], $0x80, s9, s13, $0xb8;
	[tilespmem:$0x1D000] =	vst v63  }
0x5b: {  	s7 =	rddreg [dreg:$0xd]  }
0x5c: {  	[spmem:s2] =	stream.indirect.scatter.add.f32 [tilespmem:s14], [sflag:$0x2], $0x80, s7, s13, $0xb8;
	[tilespmem:$0x1D000] =	vst v63  }
0x5d: {  	_ =	swait.ge [sflag:s15], $0x4000  }
0x5e: {  	[sflag:s15] =	ssyncset.done $0x0  }
0x5f: {  	[sflag:s15] =	ssyncadd.s32 $0xFFFFC000  }
0x60: {  	_ =	swait.ge [sflag:s17], $0x4000  }
0x61: {  	[sflag:s17] =	ssyncset.done $0x0  }
0x62: {  	s9 =	rddreg [dreg:$0xe];
	[sflag:s17] =	ssyncadd.s32 $0xFFFFC000  }
0x63: {  	[tilespmem:s14], [sflag:$0x1] =	stream.indirect.gather [hbm4b:s4+s13], $0x80, s9, s13, $0xb8;
	[tilespmem:$0x1D000] =	vst v63  }
0x64: {  	s7 =	rddreg [dreg:$0xf]  }
0x65: {  	[spmem:s2] =	stream.indirect.scatter.add.f32 [tilespmem:s16], [sflag:$0x2], $0x80, s7, s13, $0xb8;
	[tilespmem:$0x1D000] =	vst v63  }
0x66: {  	_ =	swait.ge [sflag:s15], $0x4000  }
0x67: {  	[sflag:s15] =	ssyncset.done $0x0  }
0x68: {  	[sflag:s15] =	ssyncadd.s32 $0xFFFFC000  }
0x69: {  	_ =	swait.ge [sflag:s17], $0x4000  }
0x6a: {  	[sflag:s17] =	ssyncset.done $0x0  }
0x6b: {  	s9 =	rddreg [dreg:$0x10];
	[sflag:s17] =	ssyncadd.s32 $0xFFFFC000  }
0x6c: {  	[tilespmem:s16], [sflag:$0x1] =	stream.indirect.gather [hbm4b:s4+s13], $0x80, s9, s13, $0xb8;
	[tilespmem:$0x1D000] =	vst v63  }
0x6d: {  	s7 =	rddreg [dreg:$0x11]  }
0x6e: {  	[spmem:s2] =	stream.indirect.scatter.add.f32 [tilespmem:s14], [sflag:$0x2], $0x80, s7, s13, $0xb8;
	[tilespmem:$0x1D000] =	vst v63  }
0x6f: {  	_ =	swait.ge [sflag:s15], $0x4000  }
0x70: {  	[sflag:s15] =	ssyncset.done $0x0  }
0x71: {  	[sflag:s15] =	ssyncadd.s32 $0xFFFFC000  }
0x72: {  	_ =	swait.ge [sflag:s17], $0x4000  }
0x73: {  	[sflag:s17] =	ssyncset.done $0x0  }
0x74: {  	s9 =	rddreg [dreg:$0x12];
	[sflag:s17] =	ssyncadd.s32 $0xFFFFC000  }
0x75: {  	[tilespmem:s14], [sflag:$0x1] =	stream.indirect.gather [hbm4b:s4+s13], $0x80, s9, s13, $0xb8;
	[tilespmem:$0x1D000] =	vst v63  }
0x76: {  	_ = 	snop  }
0x77: {  	[spmem:s2] =	stream.indirect.scatter.add.f32 [tilespmem:s16], [sflag:$0x2], $0x80, s18, s13, $0xb8;
	[tilespmem:$0x1D000] =	vst v63  }
0x78: {  	_ =	swait.ge [sflag:s15], $0x4000  }
0x79: {  	[sflag:s15] =	ssyncset.done $0x0  }
0x7a: {  	[sflag:s15] =	ssyncadd.s32 $0xFFFFC000  }
0x7b: {  	_ =	swait.ge [sflag:s17], $0x4000  }
0x7c: {  	[sflag:s17] =	ssyncset.done $0x0  }
0x7d: {  	[sflag:s17] =	ssyncadd.s32 $0xFFFFC000  }
0x7e: {  	[tilespmem:s16], [sflag:$0x1] =	stream.indirect.gather [hbm4b:s4+s13], $0x80, s19, s13, $0xb8;
	[tilespmem:$0x1D000] =	vst v63  }
0x7f: {  	_ = 	snop  }
0x80: {  	[spmem:s2] =	stream.indirect.scatter.add.f32 [tilespmem:s14], [sflag:$0x2], $0x80, s20, s13, $0xb8;
	[tilespmem:$0x1D000] =	vst v63  }
0x81: {  	_ =	swait.ge [sflag:s15], $0x4000  }
0x82: {  	[sflag:s15] =	ssyncset.done $0x0  }
0x83: {  	[sflag:s15] =	ssyncadd.s32 $0xFFFFC000  }
0x84: {  	_ =	swait.ge [sflag:s17], $0x4000  }
0x85: {  	[sflag:s17] =	ssyncset.done $0x0  }
0x86: {  	[sflag:s17] =	ssyncadd.s32 $0xFFFFC000  }
0x87: {  	[tilespmem:s14], [sflag:$0x1] =	stream.indirect.gather [hbm4b:s4+s13], $0x80, s21, s13, $0xb8;
	[tilespmem:$0x1D000] =	vst v63  }
0x88: {  	_ = 	snop  }
0x89: {  	[spmem:s2] =	stream.indirect.scatter.add.f32 [tilespmem:s16], [sflag:$0x2], $0x80, s22, s13, $0xb8;
	[tilespmem:$0x1D000] =	vst v63  }
0x8a: {  	_ =	swait.ge [sflag:s15], $0x4000  }
0x8b: {  	[sflag:s15] =	ssyncset.done $0x0  }
0x8c: {  	[sflag:s15] =	ssyncadd.s32 $0xFFFFC000  }
0x8d: {  	_ =	swait.ge [sflag:s17], $0x4000  }
0x8e: {  	[sflag:s17] =	ssyncset.done $0x0  }
0x8f: {  	[sflag:s17] =	ssyncadd.s32 $0xFFFFC000  }
0x90: {  	[tilespmem:s16], [sflag:$0x1] =	stream.indirect.gather [hbm4b:s4+s13], $0x80, s23, s13, $0xb8;
	[tilespmem:$0x1D000] =	vst v63  }
0x91: {  	_ = 	snop  }
0x92: {  	[spmem:s2] =	stream.indirect.scatter.add.f32 [tilespmem:s14], [sflag:$0x2], $0x80, s24, s13, $0xb8;
	[tilespmem:$0x1D000] =	vst v63  }
0x93: {  	_ =	swait.ge [sflag:s15], $0x4000  }
0x94: {  	[sflag:s15] =	ssyncset.done $0x0  }
0x95: {  	[sflag:s15] =	ssyncadd.s32 $0xFFFFC000  }
0x96: {  	_ =	swait.ge [sflag:s17], $0x4000  }
0x97: {  	[sflag:s17] =	ssyncset.done $0x0  }
0x98: {  	[sflag:s17] =	ssyncadd.s32 $0xFFFFC000  }
0x99: {  	[tilespmem:s14], [sflag:$0x1] =	stream.indirect.gather [hbm4b:s4+s13], $0x80, s25, s13, $0xb8;
	[tilespmem:$0x1D000] =	vst v63  }
0x9a: {  	_ = 	snop  }
0x9b: {  	[spmem:s2] =	stream.indirect.scatter.add.f32 [tilespmem:s16], [sflag:$0x2], $0x80, s26, s13, $0xb8;
	[tilespmem:$0x1D000] =	vst v63  }
0x9c: {  	_ =	swait.ge [sflag:s15], $0x4000  }
0x9d: {  	[sflag:s15] =	ssyncset.done $0x0  }
0x9e: {  	[sflag:s15] =	ssyncadd.s32 $0xFFFFC000  }
0x9f: {  	_ =	swait.ge [sflag:s17], $0x4000  }
0xa0: {  	[sflag:s17] =	ssyncset.done $0x0  }
0xa1: {  	[sflag:s17] =	ssyncadd.s32 $0xFFFFC000  }
0xa2: {  	[tilespmem:s16], [sflag:$0x1] =	stream.indirect.gather [hbm4b:s4+s13], $0x80, s28, s13, $0xb8;
	[tilespmem:$0x1D000] =	vst v63  }
0xa3: {  	_ = 	snop  }
0xa4: {  	[spmem:s2] =	stream.indirect.scatter.add.f32 [tilespmem:s14], [sflag:$0x2], $0x80, s29, s13, $0xb8;
	[tilespmem:$0x1D000] =	vst v63  }
0xa5: {  	_ =	swait.ge [sflag:s15], $0x4000  }
0xa6: {  	[sflag:s15] =	ssyncset.done $0x0  }
0xa7: {  	[sflag:s15] =	ssyncadd.s32 $0xFFFFC000  }
0xa8: {  	_ =	swait.ge [sflag:s17], $0x4000  }
0xa9: {  	[sflag:s17] =	ssyncset.done $0x0  }
0xaa: {  	[sflag:s17] =	ssyncadd.s32 $0xFFFFC000  }
0xab: {  	[tilespmem:s14], [sflag:$0x1] =	stream.indirect.gather [hbm4b:s4+s13], $0x80, s30, s13, $0xb8;
	[tilespmem:$0x1D000] =	vst v63  }
0xac: {  	_ = 	snop  }
0xad: {  	[spmem:s2] =	stream.indirect.scatter.add.f32 [tilespmem:s16], [sflag:$0x2], $0x80, s31, s13, $0xb8;
	[tilespmem:$0x1D000] =	vst v63  }
0xae: {  	_ =	swait.ge [sflag:s15], $0x4000  }
0xaf: {  	[sflag:s15] =	ssyncset.done $0x0  }
0xb0: {  	[sflag:s15] =	ssyncadd.s32 $0xFFFFC000  }
0xb1: {  	_ =	swait.ge [sflag:s17], $0x4000  }
0xb2: {  	[sflag:s17] =	ssyncset.done $0x0  }
0xb3: {  	[sflag:s17] =	ssyncadd.s32 $0xFFFFC000  }
0xb4: {  	[tilespmem:s16], [sflag:$0x1] =	stream.indirect.gather [hbm4b:s4+s13], $0x80, s1, s13, $0xb8;
	[tilespmem:$0x1D000] =	vst v63  }
0xb5: {  	_ = 	snop  }
0xb6: {  	[spmem:s2] =	stream.indirect.scatter.add.f32 [tilespmem:s14], [sflag:$0x2], $0x80, s0, s13, $0xb8;
	[tilespmem:$0x1D000] =	vst v63  }
0xb7: {  	_ =	swait.ge [sflag:s15], $0x4000  }
0xb8: {  	[sflag:s15] =	ssyncset.done $0x0  }
0xb9: {  	[sflag:s15] =	ssyncadd.s32 $0xFFFFC000  }
0xba: {  	_ =	swait.ge [sflag:s17], $0x4000  }
0xbb: {  	[sflag:s17] =	ssyncset.done $0x0  }
0xbc: {  	[sflag:s17] =	ssyncadd.s32 $0xFFFFC000  }
0xbd: {  	[spmem:s2] =	stream.indirect.scatter.add.f32 [tilespmem:s16], [sflag:$0x2], $0x80, s5, s13, $0xb8;
	[tilespmem:$0x1D000] =	vst v63  }
0xbe: {  	s6 =	simm.s32 $0x200;
	_ =	swait.ge [sflag:s17], $0x4000  }
0xbf: {  	s8 =	simm.s32 $0x100;
	s9 =	rddreg [dreg:$0x4];
	[sflag:s17] =	ssyncset.done $0x0  }
.LBB2_2:
0xc0: {  	[sflag:s17] =	ssyncadd.s32 $0xFFFFC000;
	s9 =	sadd.s32 s8, s9  }
0xc1: {  	[tilespmem:s11], [sflag:$0x3] =	stream.linear.gather [hbm4b:s9+s3], $0x800, $0x38;
	[tilespmem:$0x1D000] =	vst v63  }
0xc2: {  	_ =	swait.ge [sflag:s10], $0x800  }
0xc3: {  	s9 =	rddreg [dreg:$0x3];
	[sflag:s10] =	ssyncset.done $0x0  }
0xc4: {  	[sflag:s10] =	ssyncadd.s32 $0xFFFFF800;
	s9 =	sadd.s32 s8, s9  }
0xc5: {  	[tilespmem:s12], [sflag:$0x3] =	stream.linear.gather [hbm4b:s9+s3], $0x800, $0x38;
	[tilespmem:$0x1D000] =	vst v63  }
0xc6: {  	_ =	swait.ge [sflag:s10], $0x800  }
0xc7: {  	[sflag:s10] =	ssyncset.done $0x0  }
0xc8: {  	[sflag:s10] =	ssyncadd.s32 $0xFFFFF800  }
0xc9: {  	[tilespmem:s14], [sflag:$0x1] =	stream.indirect.gather [hbm4b:s4+s13], $0x80, s11, s13, $0xb8;
	[tilespmem:$0x1D000] =	vst v63  }
0xca: {  	_ =	swait.ge [sflag:s15], $0x4000  }
0xcb: {  	[sflag:s15] =	ssyncset.done $0x0  }
0xcc: {  	s9 =	rddreg [dreg:$0x5];
	[sflag:s15] =	ssyncadd.s32 $0xFFFFC000  }
0xcd: {  	[tilespmem:s16], [sflag:$0x1] =	stream.indirect.gather [hbm4b:s4+s13], $0x80, s9, s13, $0xb8;
	[tilespmem:$0x1D000] =	vst v63  }
0xce: {  	_ = 	snop  }
0xcf: {  	[spmem:s2] =	stream.indirect.scatter.add.f32 [tilespmem:s14], [sflag:$0x2], $0x80, s12, s13, $0xb8;
	[tilespmem:$0x1D000] =	vst v63  }
0xd0: {  	_ =	swait.ge [sflag:s15], $0x4000  }
0xd1: {  	[sflag:s15] =	ssyncset.done $0x0  }
0xd2: {  	[sflag:s15] =	ssyncadd.s32 $0xFFFFC000  }
0xd3: {  	_ =	swait.ge [sflag:s17], $0x4000  }
0xd4: {  	s7 =	smov.u32 s6;
	[sflag:s17] =	ssyncset.done $0x0  }
0xd5: {  	s8 =	smov.u32 s7;
	s7 =	rddreg [dreg:$0x6];
	[sflag:s17] =	ssyncadd.s32 $0xFFFFC000  }
0xd6: {  	[tilespmem:s14], [sflag:$0x1] =	stream.indirect.gather [hbm4b:s4+s13], $0x80, s7, s13, $0xb8;
	[tilespmem:$0x1D000] =	vst v63  }
0xd7: {  	s9 =	rddreg [dreg:$0x7]  }
0xd8: {  	[spmem:s2] =	stream.indirect.scatter.add.f32 [tilespmem:s16], [sflag:$0x2], $0x80, s9, s13, $0xb8;
	[tilespmem:$0x1D000] =	vst v63  }
0xd9: {  	_ =	swait.ge [sflag:s15], $0x4000  }
0xda: {  	[sflag:s15] =	ssyncset.done $0x0  }
0xdb: {  	[sflag:s15] =	ssyncadd.s32 $0xFFFFC000  }
0xdc: {  	_ =	swait.ge [sflag:s17], $0x4000  }
0xdd: {  	[sflag:s17] =	ssyncset.done $0x0  }
0xde: {  	s7 =	rddreg [dreg:$0x8];
	[sflag:s17] =	ssyncadd.s32 $0xFFFFC000  }
0xdf: {  	[tilespmem:s16], [sflag:$0x1] =	stream.indirect.gather [hbm4b:s4+s13], $0x80, s7, s13, $0xb8;
	[tilespmem:$0x1D000] =	vst v63  }
0xe0: {  	s9 =	rddreg [dreg:$0x9]  }
0xe1: {  	[spmem:s2] =	stream.indirect.scatter.add.f32 [tilespmem:s14], [sflag:$0x2], $0x80, s9, s13, $0xb8;
	[tilespmem:$0x1D000] =	vst v63  }
0xe2: {  	_ =	swait.ge [sflag:s15], $0x4000  }
0xe3: {  	[sflag:s15] =	ssyncset.done $0x0  }
0xe4: {  	[sflag:s15] =	ssyncadd.s32 $0xFFFFC000  }
0xe5: {  	_ =	swait.ge [sflag:s17], $0x4000  }
0xe6: {  	[sflag:s17] =	ssyncset.done $0x0  }
0xe7: {  	s7 =	rddreg [dreg:$0xa];
	[sflag:s17] =	ssyncadd.s32 $0xFFFFC000  }
0xe8: {  	[tilespmem:s14], [sflag:$0x1] =	stream.indirect.gather [hbm4b:s4+s13], $0x80, s7, s13, $0xb8;
	[tilespmem:$0x1D000] =	vst v63  }
0xe9: {  	s9 =	rddreg [dreg:$0xb]  }
0xea: {  	[spmem:s2] =	stream.indirect.scatter.add.f32 [tilespmem:s16], [sflag:$0x2], $0x80, s9, s13, $0xb8;
	[tilespmem:$0x1D000] =	vst v63  }
0xeb: {  	_ =	swait.ge [sflag:s15], $0x4000  }
0xec: {  	[sflag:s15] =	ssyncset.done $0x0  }
0xed: {  	[sflag:s15] =	ssyncadd.s32 $0xFFFFC000  }
0xee: {  	_ =	swait.ge [sflag:s17], $0x4000  }
0xef: {  	[sflag:s17] =	ssyncset.done $0x0  }
0xf0: {  	s7 =	rddreg [dreg:$0xc];
	[sflag:s17] =	ssyncadd.s32 $0xFFFFC000  }
0xf1: {  	[tilespmem:s16], [sflag:$0x1] =	stream.indirect.gather [hbm4b:s4+s13], $0x80, s7, s13, $0xb8;
	[tilespmem:$0x1D000] =	vst v63  }
0xf2: {  	s9 =	rddreg [dreg:$0xd]  }
0xf3: {  	[spmem:s2] =	stream.indirect.scatter.add.f32 [tilespmem:s14], [sflag:$0x2], $0x80, s9, s13, $0xb8;
	[tilespmem:$0x1D000] =	vst v63  }
0xf4: {  	_ =	swait.ge [sflag:s15], $0x4000  }
0xf5: {  	[sflag:s15] =	ssyncset.done $0x0  }
0xf6: {  	[sflag:s15] =	ssyncadd.s32 $0xFFFFC000  }
0xf7: {  	_ =	swait.ge [sflag:s17], $0x4000  }
0xf8: {  	[sflag:s17] =	ssyncset.done $0x0  }
0xf9: {  	s7 =	rddreg [dreg:$0xe];
	[sflag:s17] =	ssyncadd.s32 $0xFFFFC000  }
0xfa: {  	[tilespmem:s14], [sflag:$0x1] =	stream.indirect.gather [hbm4b:s4+s13], $0x80, s7, s13, $0xb8;
	[tilespmem:$0x1D000] =	vst v63  }
0xfb: {  	s9 =	rddreg [dreg:$0xf]  }
0xfc: {  	[spmem:s2] =	stream.indirect.scatter.add.f32 [tilespmem:s16], [sflag:$0x2], $0x80, s9, s13, $0xb8;
	[tilespmem:$0x1D000] =	vst v63  }
0xfd: {  	_ =	swait.ge [sflag:s15], $0x4000  }
0xfe: {  	[sflag:s15] =	ssyncset.done $0x0  }
0xff: {  	[sflag:s15] =	ssyncadd.s32 $0xFFFFC000  }
0x100: {  	_ =	swait.ge [sflag:s17], $0x4000  }
0x101: {  	[sflag:s17] =	ssyncset.done $0x0  }
0x102: {  	s7 =	rddreg [dreg:$0x10];
	[sflag:s17] =	ssyncadd.s32 $0xFFFFC000  }
0x103: {  	[tilespmem:s16], [sflag:$0x1] =	stream.indirect.gather [hbm4b:s4+s13], $0x80, s7, s13, $0xb8;
	[tilespmem:$0x1D000] =	vst v63  }
0x104: {  	s9 =	rddreg [dreg:$0x11]  }
0x105: {  	[spmem:s2] =	stream.indirect.scatter.add.f32 [tilespmem:s14], [sflag:$0x2], $0x80, s9, s13, $0xb8;
	[tilespmem:$0x1D000] =	vst v63  }
0x106: {  	_ =	swait.ge [sflag:s15], $0x4000  }
0x107: {  	[sflag:s15] =	ssyncset.done $0x0  }
0x108: {  	[sflag:s15] =	ssyncadd.s32 $0xFFFFC000  }
0x109: {  	_ =	swait.ge [sflag:s17], $0x4000  }
0x10a: {  	[sflag:s17] =	ssyncset.done $0x0  }
0x10b: {  	s9 =	rddreg [dreg:$0x12];
	[sflag:s17] =	ssyncadd.s32 $0xFFFFC000  }
0x10c: {  	[tilespmem:s14], [sflag:$0x1] =	stream.indirect.gather [hbm4b:s4+s13], $0x80, s9, s13, $0xb8;
	[tilespmem:$0x1D000] =	vst v63  }
0x10d: {  	_ = 	snop  }
0x10e: {  	[spmem:s2] =	stream.indirect.scatter.add.f32 [tilespmem:s16], [sflag:$0x2], $0x80, s18, s13, $0xb8;
	[tilespmem:$0x1D000] =	vst v63  }
0x10f: {  	_ =	swait.ge [sflag:s15], $0x4000  }
0x110: {  	[sflag:s15] =	ssyncset.done $0x0  }
0x111: {  	[sflag:s15] =	ssyncadd.s32 $0xFFFFC000  }
0x112: {  	_ =	swait.ge [sflag:s17], $0x4000  }
0x113: {  	[sflag:s17] =	ssyncset.done $0x0  }
0x114: {  	[sflag:s17] =	ssyncadd.s32 $0xFFFFC000  }
0x115: {  	[tilespmem:s16], [sflag:$0x1] =	stream.indirect.gather [hbm4b:s4+s13], $0x80, s19, s13, $0xb8;
	[tilespmem:$0x1D000] =	vst v63  }
0x116: {  	_ = 	snop  }
0x117: {  	[spmem:s2] =	stream.indirect.scatter.add.f32 [tilespmem:s14], [sflag:$0x2], $0x80, s20, s13, $0xb8;
	[tilespmem:$0x1D000] =	vst v63  }
0x118: {  	_ =	swait.ge [sflag:s15], $0x4000  }
0x119: {  	[sflag:s15] =	ssyncset.done $0x0  }
0x11a: {  	[sflag:s15] =	ssyncadd.s32 $0xFFFFC000  }
0x11b: {  	_ =	swait.ge [sflag:s17], $0x4000  }
0x11c: {  	[sflag:s17] =	ssyncset.done $0x0  }
0x11d: {  	[sflag:s17] =	ssyncadd.s32 $0xFFFFC000  }
0x11e: {  	[tilespmem:s14], [sflag:$0x1] =	stream.indirect.gather [hbm4b:s4+s13], $0x80, s21, s13, $0xb8;
	[tilespmem:$0x1D000] =	vst v63  }
0x11f: {  	_ = 	snop  }
0x120: {  	[spmem:s2] =	stream.indirect.scatter.add.f32 [tilespmem:s16], [sflag:$0x2], $0x80, s22, s13, $0xb8;
	[tilespmem:$0x1D000] =	vst v63  }
0x121: {  	_ =	swait.ge [sflag:s15], $0x4000  }
0x122: {  	[sflag:s15] =	ssyncset.done $0x0  }
0x123: {  	[sflag:s15] =	ssyncadd.s32 $0xFFFFC000  }
0x124: {  	_ =	swait.ge [sflag:s17], $0x4000  }
0x125: {  	[sflag:s17] =	ssyncset.done $0x0  }
0x126: {  	[sflag:s17] =	ssyncadd.s32 $0xFFFFC000  }
0x127: {  	[tilespmem:s16], [sflag:$0x1] =	stream.indirect.gather [hbm4b:s4+s13], $0x80, s23, s13, $0xb8;
	[tilespmem:$0x1D000] =	vst v63  }
0x128: {  	_ = 	snop  }
0x129: {  	[spmem:s2] =	stream.indirect.scatter.add.f32 [tilespmem:s14], [sflag:$0x2], $0x80, s24, s13, $0xb8;
	[tilespmem:$0x1D000] =	vst v63  }
0x12a: {  	_ =	swait.ge [sflag:s15], $0x4000  }
0x12b: {  	[sflag:s15] =	ssyncset.done $0x0  }
0x12c: {  	[sflag:s15] =	ssyncadd.s32 $0xFFFFC000  }
0x12d: {  	_ =	swait.ge [sflag:s17], $0x4000  }
0x12e: {  	[sflag:s17] =	ssyncset.done $0x0  }
0x12f: {  	[sflag:s17] =	ssyncadd.s32 $0xFFFFC000  }
0x130: {  	[tilespmem:s14], [sflag:$0x1] =	stream.indirect.gather [hbm4b:s4+s13], $0x80, s25, s13, $0xb8;
	[tilespmem:$0x1D000] =	vst v63  }
0x131: {  	_ = 	snop  }
0x132: {  	[spmem:s2] =	stream.indirect.scatter.add.f32 [tilespmem:s16], [sflag:$0x2], $0x80, s26, s13, $0xb8;
	[tilespmem:$0x1D000] =	vst v63  }
0x133: {  	_ =	swait.ge [sflag:s15], $0x4000  }
0x134: {  	[sflag:s15] =	ssyncset.done $0x0  }
0x135: {  	[sflag:s15] =	ssyncadd.s32 $0xFFFFC000  }
0x136: {  	_ =	swait.ge [sflag:s17], $0x4000  }
0x137: {  	[sflag:s17] =	ssyncset.done $0x0  }
0x138: {  	[sflag:s17] =	ssyncadd.s32 $0xFFFFC000  }
0x139: {  	[tilespmem:s16], [sflag:$0x1] =	stream.indirect.gather [hbm4b:s4+s13], $0x80, s28, s13, $0xb8;
	[tilespmem:$0x1D000] =	vst v63  }
0x13a: {  	_ = 	snop  }
0x13b: {  	[spmem:s2] =	stream.indirect.scatter.add.f32 [tilespmem:s14], [sflag:$0x2], $0x80, s29, s13, $0xb8;
	[tilespmem:$0x1D000] =	vst v63  }
0x13c: {  	_ =	swait.ge [sflag:s15], $0x4000  }
0x13d: {  	[sflag:s15] =	ssyncset.done $0x0  }
0x13e: {  	[sflag:s15] =	ssyncadd.s32 $0xFFFFC000  }
0x13f: {  	_ =	swait.ge [sflag:s17], $0x4000  }
0x140: {  	[sflag:s17] =	ssyncset.done $0x0  }
0x141: {  	[sflag:s17] =	ssyncadd.s32 $0xFFFFC000  }
0x142: {  	[tilespmem:s14], [sflag:$0x1] =	stream.indirect.gather [hbm4b:s4+s13], $0x80, s30, s13, $0xb8;
	[tilespmem:$0x1D000] =	vst v63  }
0x143: {  	_ = 	snop  }
0x144: {  	[spmem:s2] =	stream.indirect.scatter.add.f32 [tilespmem:s16], [sflag:$0x2], $0x80, s31, s13, $0xb8;
	[tilespmem:$0x1D000] =	vst v63  }
0x145: {  	_ =	swait.ge [sflag:s15], $0x4000  }
0x146: {  	[sflag:s15] =	ssyncset.done $0x0  }
0x147: {  	[sflag:s15] =	ssyncadd.s32 $0xFFFFC000  }
0x148: {  	_ =	swait.ge [sflag:s17], $0x4000  }
0x149: {  	[sflag:s17] =	ssyncset.done $0x0  }
0x14a: {  	[sflag:s17] =	ssyncadd.s32 $0xFFFFC000  }
0x14b: {  	[tilespmem:s16], [sflag:$0x1] =	stream.indirect.gather [hbm4b:s4+s13], $0x80, s1, s13, $0xb8;
	[tilespmem:$0x1D000] =	vst v63  }
0x14c: {  	_ = 	snop  }
0x14d: {  	[spmem:s2] =	stream.indirect.scatter.add.f32 [tilespmem:s14], [sflag:$0x2], $0x80, s0, s13, $0xb8;
	[tilespmem:$0x1D000] =	vst v63  }
0x14e: {  	_ =	swait.ge [sflag:s15], $0x4000  }
0x14f: {  	[sflag:s15] =	ssyncset.done $0x0  }
0x150: {  	[sflag:s15] =	ssyncadd.s32 $0xFFFFC000  }
0x151: {  	p0 =	sne.s32 s6, $0x900;
	_ =	swait.ge [sflag:s17], $0x4000  }
.Ltmp0:
0x152: {  	[sflag:s17] =	ssyncset.done $0x0;
	(pc) =	sbr.rel @p0 .LBB2_2-.Ltmp0, $4  }
0x153: {  	[sflag:s17] =	ssyncadd.s32 $0xFFFFC000  }
0x154: {  	[spmem:s2] =	stream.indirect.scatter.add.f32 [tilespmem:s16], [sflag:$0x2], $0x80, s5, s13, $0xb8;
	[tilespmem:$0x1D000] =	vst v63  }
0x155: {  	_ =	swait.ge [sflag:s17], $0x4000  }
0x156: {  	s6 =	sadd.s32 $0x100, s6;
	s9 =	rddreg [dreg:$0x4];
	[sflag:s17] =	ssyncset.done $0x0  }
0x157: {  	[sflag:s17] =	ssyncadd.s32 $0xFFFFC000;
	s6 =	sadd.s32 s8, s9  }
0x158: {  	[tilespmem:s11], [sflag:$0x3] =	stream.linear.gather [hbm4b:s6+s3], $0x800, $0x38;
	[tilespmem:$0x1D000] =	vst v63  }
0x159: {  	_ =	swait.ge [sflag:s10], $0x800  }
0x15a: {  	s7 =	rddreg [dreg:$0x3];
	[sflag:s10] =	ssyncset.done $0x0  }
0x15b: {  	[sflag:s10] =	ssyncadd.s32 $0xFFFFF800;
	s6 =	sadd.s32 s8, s7  }
0x15c: {  	[tilespmem:s12], [sflag:$0x3] =	stream.linear.gather [hbm4b:s6+s3], $0x800, $0x38;
	[tilespmem:$0x1D000] =	vst v63  }
0x15d: {  	_ =	swait.ge [sflag:s10], $0x800  }
0x15e: {  	[sflag:s10] =	ssyncset.done $0x0  }
0x15f: {  	[sflag:s10] =	ssyncadd.s32 $0xFFFFF800  }
0x160: {  	[tilespmem:s14], [sflag:$0x1] =	stream.indirect.gather [hbm4b:s4+s13], $0x80, s11, s13, $0xb8;
	[tilespmem:$0x1D000] =	vst v63  }
0x161: {  	_ =	swait.ge [sflag:s15], $0x4000  }
0x162: {  	[sflag:s15] =	ssyncset.done $0x0  }
0x163: {  	s8 =	rddreg [dreg:$0x5];
	[sflag:s15] =	ssyncadd.s32 $0xFFFFC000  }
0x164: {  	[tilespmem:s16], [sflag:$0x1] =	stream.indirect.gather [hbm4b:s4+s13], $0x80, s8, s13, $0xb8;
	[tilespmem:$0x1D000] =	vst v63  }
0x165: {  	_ = 	snop  }
0x166: {  	[spmem:s2] =	stream.indirect.scatter.add.f32 [tilespmem:s14], [sflag:$0x2], $0x80, s12, s13, $0xb8;
	[tilespmem:$0x1D000] =	vst v63  }
0x167: {  	_ =	swait.ge [sflag:s15], $0x4000  }
0x168: {  	[sflag:s15] =	ssyncset.done $0x0  }
0x169: {  	[sflag:s15] =	ssyncadd.s32 $0xFFFFC000  }
0x16a: {  	_ =	swait.ge [sflag:s17], $0x4000  }
0x16b: {  	[sflag:s17] =	ssyncset.done $0x0  }
0x16c: {  	s9 =	rddreg [dreg:$0x6];
	[sflag:s17] =	ssyncadd.s32 $0xFFFFC000  }
0x16d: {  	[tilespmem:s14], [sflag:$0x1] =	stream.indirect.gather [hbm4b:s4+s13], $0x80, s9, s13, $0xb8;
	[tilespmem:$0x1D000] =	vst v63  }
0x16e: {  	s7 =	rddreg [dreg:$0x7]  }
0x16f: {  	[spmem:s2] =	stream.indirect.scatter.add.f32 [tilespmem:s16], [sflag:$0x2], $0x80, s7, s13, $0xb8;
	[tilespmem:$0x1D000] =	vst v63  }
0x170: {  	_ =	swait.ge [sflag:s15], $0x4000  }
0x171: {  	[sflag:s15] =	ssyncset.done $0x0  }
0x172: {  	[sflag:s15] =	ssyncadd.s32 $0xFFFFC000  }
0x173: {  	_ =	swait.ge [sflag:s17], $0x4000  }
0x174: {  	[sflag:s17] =	ssyncset.done $0x0  }
0x175: {  	s8 =	rddreg [dreg:$0x8];
	[sflag:s17] =	ssyncadd.s32 $0xFFFFC000  }
0x176: {  	[tilespmem:s16], [sflag:$0x1] =	stream.indirect.gather [hbm4b:s4+s13], $0x80, s8, s13, $0xb8;
	[tilespmem:$0x1D000] =	vst v63  }
0x177: {  	s9 =	rddreg [dreg:$0x9]  }
0x178: {  	[spmem:s2] =	stream.indirect.scatter.add.f32 [tilespmem:s14], [sflag:$0x2], $0x80, s9, s13, $0xb8;
	[tilespmem:$0x1D000] =	vst v63  }
0x179: {  	_ =	swait.ge [sflag:s15], $0x4000  }
0x17a: {  	[sflag:s15] =	ssyncset.done $0x0  }
0x17b: {  	[sflag:s15] =	ssyncadd.s32 $0xFFFFC000  }
0x17c: {  	_ =	swait.ge [sflag:s17], $0x4000  }
0x17d: {  	[sflag:s17] =	ssyncset.done $0x0  }
0x17e: {  	s8 =	rddreg [dreg:$0xa];
	[sflag:s17] =	ssyncadd.s32 $0xFFFFC000  }
0x17f: {  	[tilespmem:s14], [sflag:$0x1] =	stream.indirect.gather [hbm4b:s4+s13], $0x80, s8, s13, $0xb8;
	[tilespmem:$0x1D000] =	vst v63  }
0x180: {  	s9 =	rddreg [dreg:$0xb]  }
0x181: {  	[spmem:s2] =	stream.indirect.scatter.add.f32 [tilespmem:s16], [sflag:$0x2], $0x80, s9, s13, $0xb8;
	[tilespmem:$0x1D000] =	vst v63  }
0x182: {  	_ =	swait.ge [sflag:s15], $0x4000  }
0x183: {  	[sflag:s15] =	ssyncset.done $0x0  }
0x184: {  	[sflag:s15] =	ssyncadd.s32 $0xFFFFC000  }
0x185: {  	_ =	swait.ge [sflag:s17], $0x4000  }
0x186: {  	[sflag:s17] =	ssyncset.done $0x0  }
0x187: {  	s8 =	rddreg [dreg:$0xc];
	[sflag:s17] =	ssyncadd.s32 $0xFFFFC000  }
0x188: {  	[tilespmem:s16], [sflag:$0x1] =	stream.indirect.gather [hbm4b:s4+s13], $0x80, s8, s13, $0xb8;
	[tilespmem:$0x1D000] =	vst v63  }
0x189: {  	s9 =	rddreg [dreg:$0xd]  }
0x18a: {  	[spmem:s2] =	stream.indirect.scatter.add.f32 [tilespmem:s14], [sflag:$0x2], $0x80, s9, s13, $0xb8;
	[tilespmem:$0x1D000] =	vst v63  }
0x18b: {  	_ =	swait.ge [sflag:s15], $0x4000  }
0x18c: {  	[sflag:s15] =	ssyncset.done $0x0  }
0x18d: {  	[sflag:s15] =	ssyncadd.s32 $0xFFFFC000  }
0x18e: {  	_ =	swait.ge [sflag:s17], $0x4000  }
0x18f: {  	[sflag:s17] =	ssyncset.done $0x0  }
0x190: {  	s8 =	rddreg [dreg:$0xe];
	[sflag:s17] =	ssyncadd.s32 $0xFFFFC000  }
0x191: {  	[tilespmem:s14], [sflag:$0x1] =	stream.indirect.gather [hbm4b:s4+s13], $0x80, s8, s13, $0xb8;
	[tilespmem:$0x1D000] =	vst v63  }
0x192: {  	s9 =	rddreg [dreg:$0xf]  }
0x193: {  	[spmem:s2] =	stream.indirect.scatter.add.f32 [tilespmem:s16], [sflag:$0x2], $0x80, s9, s13, $0xb8;
	[tilespmem:$0x1D000] =	vst v63  }
0x194: {  	_ =	swait.ge [sflag:s15], $0x4000  }
0x195: {  	[sflag:s15] =	ssyncset.done $0x0  }
0x196: {  	[sflag:s15] =	ssyncadd.s32 $0xFFFFC000  }
0x197: {  	_ =	swait.ge [sflag:s17], $0x4000  }
0x198: {  	[sflag:s17] =	ssyncset.done $0x0  }
0x199: {  	s8 =	rddreg [dreg:$0x10];
	[sflag:s17] =	ssyncadd.s32 $0xFFFFC000  }
0x19a: {  	[tilespmem:s16], [sflag:$0x1] =	stream.indirect.gather [hbm4b:s4+s13], $0x80, s8, s13, $0xb8;
	[tilespmem:$0x1D000] =	vst v63  }
0x19b: {  	s9 =	rddreg [dreg:$0x11]  }
0x19c: {  	[spmem:s2] =	stream.indirect.scatter.add.f32 [tilespmem:s14], [sflag:$0x2], $0x80, s9, s13, $0xb8;
	[tilespmem:$0x1D000] =	vst v63  }
0x19d: {  	_ =	swait.ge [sflag:s15], $0x4000  }
0x19e: {  	[sflag:s15] =	ssyncset.done $0x0  }
0x19f: {  	[sflag:s15] =	ssyncadd.s32 $0xFFFFC000  }
0x1a0: {  	_ =	swait.ge [sflag:s17], $0x4000  }
0x1a1: {  	[sflag:s17] =	ssyncset.done $0x0  }
0x1a2: {  	s8 =	rddreg [dreg:$0x12];
	[sflag:s17] =	ssyncadd.s32 $0xFFFFC000  }
0x1a3: {  	[tilespmem:s14], [sflag:$0x1] =	stream.indirect.gather [hbm4b:s4+s13], $0x80, s8, s13, $0xb8;
	[tilespmem:$0x1D000] =	vst v63  }
0x1a4: {  	_ = 	snop  }
0x1a5: {  	[spmem:s2] =	stream.indirect.scatter.add.f32 [tilespmem:s16], [sflag:$0x2], $0x80, s18, s13, $0xb8;
	[tilespmem:$0x1D000] =	vst v63  }
0x1a6: {  	_ =	swait.ge [sflag:s15], $0x4000  }
0x1a7: {  	[sflag:s15] =	ssyncset.done $0x0  }
0x1a8: {  	[sflag:s15] =	ssyncadd.s32 $0xFFFFC000  }
0x1a9: {  	_ =	swait.ge [sflag:s17], $0x4000  }
0x1aa: {  	[sflag:s17] =	ssyncset.done $0x0  }
0x1ab: {  	[sflag:s17] =	ssyncadd.s32 $0xFFFFC000  }
0x1ac: {  	[tilespmem:s16], [sflag:$0x1] =	stream.indirect.gather [hbm4b:s4+s13], $0x80, s19, s13, $0xb8;
	[tilespmem:$0x1D000] =	vst v63  }
0x1ad: {  	_ = 	snop  }
0x1ae: {  	[spmem:s2] =	stream.indirect.scatter.add.f32 [tilespmem:s14], [sflag:$0x2], $0x80, s20, s13, $0xb8;
	[tilespmem:$0x1D000] =	vst v63  }
0x1af: {  	_ =	swait.ge [sflag:s15], $0x4000  }
0x1b0: {  	[sflag:s15] =	ssyncset.done $0x0  }
0x1b1: {  	[sflag:s15] =	ssyncadd.s32 $0xFFFFC000  }
0x1b2: {  	_ =	swait.ge [sflag:s17], $0x4000  }
0x1b3: {  	[sflag:s17] =	ssyncset.done $0x0  }
0x1b4: {  	[sflag:s17] =	ssyncadd.s32 $0xFFFFC000  }
0x1b5: {  	[tilespmem:s14], [sflag:$0x1] =	stream.indirect.gather [hbm4b:s4+s13], $0x80, s21, s13, $0xb8;
	[tilespmem:$0x1D000] =	vst v63  }
0x1b6: {  	_ = 	snop  }
0x1b7: {  	[spmem:s2] =	stream.indirect.scatter.add.f32 [tilespmem:s16], [sflag:$0x2], $0x80, s22, s13, $0xb8;
	[tilespmem:$0x1D000] =	vst v63  }
0x1b8: {  	_ =	swait.ge [sflag:s15], $0x4000  }
0x1b9: {  	[sflag:s15] =	ssyncset.done $0x0  }
0x1ba: {  	[sflag:s15] =	ssyncadd.s32 $0xFFFFC000  }
0x1bb: {  	_ =	swait.ge [sflag:s17], $0x4000  }
0x1bc: {  	[sflag:s17] =	ssyncset.done $0x0  }
0x1bd: {  	[sflag:s17] =	ssyncadd.s32 $0xFFFFC000  }
0x1be: {  	[tilespmem:s16], [sflag:$0x1] =	stream.indirect.gather [hbm4b:s4+s13], $0x80, s23, s13, $0xb8;
	[tilespmem:$0x1D000] =	vst v63  }
0x1bf: {  	_ = 	snop  }
0x1c0: {  	[spmem:s2] =	stream.indirect.scatter.add.f32 [tilespmem:s14], [sflag:$0x2], $0x80, s24, s13, $0xb8;
	[tilespmem:$0x1D000] =	vst v63  }
0x1c1: {  	_ =	swait.ge [sflag:s15], $0x4000  }
0x1c2: {  	[sflag:s15] =	ssyncset.done $0x0  }
0x1c3: {  	[sflag:s15] =	ssyncadd.s32 $0xFFFFC000  }
0x1c4: {  	_ =	swait.ge [sflag:s17], $0x4000  }
0x1c5: {  	[sflag:s17] =	ssyncset.done $0x0  }
0x1c6: {  	[sflag:s17] =	ssyncadd.s32 $0xFFFFC000  }
0x1c7: {  	[tilespmem:s14], [sflag:$0x1] =	stream.indirect.gather [hbm4b:s4+s13], $0x80, s25, s13, $0xb8;
	[tilespmem:$0x1D000] =	vst v63  }
0x1c8: {  	_ = 	snop  }
0x1c9: {  	[spmem:s2] =	stream.indirect.scatter.add.f32 [tilespmem:s16], [sflag:$0x2], $0x80, s26, s13, $0xb8;
	[tilespmem:$0x1D000] =	vst v63  }
0x1ca: {  	_ =	swait.ge [sflag:s15], $0x4000  }
0x1cb: {  	[sflag:s15] =	ssyncset.done $0x0  }
0x1cc: {  	[sflag:s15] =	ssyncadd.s32 $0xFFFFC000  }
0x1cd: {  	_ =	swait.ge [sflag:s17], $0x4000  }
0x1ce: {  	[sflag:s17] =	ssyncset.done $0x0  }
0x1cf: {  	[sflag:s17] =	ssyncadd.s32 $0xFFFFC000  }
0x1d0: {  	[tilespmem:s16], [sflag:$0x1] =	stream.indirect.gather [hbm4b:s4+s13], $0x80, s28, s13, $0xb8;
	[tilespmem:$0x1D000] =	vst v63  }
0x1d1: {  	_ = 	snop  }
0x1d2: {  	[spmem:s2] =	stream.indirect.scatter.add.f32 [tilespmem:s14], [sflag:$0x2], $0x80, s29, s13, $0xb8;
	[tilespmem:$0x1D000] =	vst v63  }
0x1d3: {  	_ =	swait.ge [sflag:s15], $0x4000  }
0x1d4: {  	[sflag:s15] =	ssyncset.done $0x0  }
0x1d5: {  	[sflag:s15] =	ssyncadd.s32 $0xFFFFC000  }
0x1d6: {  	_ =	swait.ge [sflag:s17], $0x4000  }
0x1d7: {  	[sflag:s17] =	ssyncset.done $0x0  }
0x1d8: {  	[sflag:s17] =	ssyncadd.s32 $0xFFFFC000  }
0x1d9: {  	[tilespmem:s14], [sflag:$0x1] =	stream.indirect.gather [hbm4b:s4+s13], $0x80, s30, s13, $0xb8;
	[tilespmem:$0x1D000] =	vst v63  }
0x1da: {  	_ = 	snop  }
0x1db: {  	[spmem:s2] =	stream.indirect.scatter.add.f32 [tilespmem:s16], [sflag:$0x2], $0x80, s31, s13, $0xb8;
	[tilespmem:$0x1D000] =	vst v63  }
0x1dc: {  	_ =	swait.ge [sflag:s15], $0x4000  }
0x1dd: {  	[sflag:s15] =	ssyncset.done $0x0  }
0x1de: {  	[sflag:s15] =	ssyncadd.s32 $0xFFFFC000  }
0x1df: {  	_ =	swait.ge [sflag:s17], $0x4000  }
0x1e0: {  	[sflag:s17] =	ssyncset.done $0x0  }
0x1e1: {  	[sflag:s17] =	ssyncadd.s32 $0xFFFFC000  }
0x1e2: {  	[tilespmem:s16], [sflag:$0x1] =	stream.indirect.gather [hbm4b:s4+s13], $0x80, s1, s13, $0xb8;
	[tilespmem:$0x1D000] =	vst v63  }
0x1e3: {  	_ = 	snop  }
0x1e4: {  	[spmem:s2] =	stream.indirect.scatter.add.f32 [tilespmem:s14], [sflag:$0x2], $0x80, s0, s13, $0xb8;
	[tilespmem:$0x1D000] =	vst v63  }
0x1e5: {  	_ =	swait.ge [sflag:s15], $0x4000  }
0x1e6: {  	[sflag:s15] =	ssyncset.done $0x0  }
0x1e7: {  	[sflag:s15] =	ssyncadd.s32 $0xFFFFC000  }
0x1e8: {  	_ =	swait.ge [sflag:s17], $0x4000  }
0x1e9: {  	[sflag:s17] =	ssyncset.done $0x0  }
0x1ea: {  	[sflag:s17] =	ssyncadd.s32 $0xFFFFC000  }
0x1eb: {  	[spmem:s2] =	stream.indirect.scatter.add.f32 [tilespmem:s16], [sflag:$0x2], $0x80, s5, s13, $0xb8;
	[tilespmem:$0x1D000] =	vst v63  }
0x1ec: {  	_ =	swait.ge [sflag:s17], $0x4000  }
0x1ed: {  	[sflag:s17] =	ssyncset.done $0x0  }
0x1ee: {  	[sflag:s17] =	ssyncadd.s32 $0xFFFFC000  }
0x1ef: {  	[bflag:$0x0] =	sbarrier.arrive $0xFFFF  }
0x1f0: {  	s8 =	rddreg [dreg:$0x14]  }
0x1f1: {  	s9 =	rddreg [dreg:$0x15]  }
0x1f2: {  	s7 =	rddreg [dreg:$0x17]  }
0x1f3: {  	[hbm:s9], [sflag:s8] =	dma.local [spmem:s7], $0x2800  }
0x1f4: {  	_ =	swait.ge [sflag:s10], $0x2800  }
0x1f5: {  	s6 =	rddreg [dreg:$0x18]  }
0x1f6: {  	s9 =	sadd.s32 $0x1, s6;
	s6 =	rddreg [dreg:$0x16]  }
0x1f7: {  	p0 =	sne.s32 s9, s6  }
.Ltmp1:
0x1f8: {  	_ = 	snop;
	(pc) =	sbr.rel @p0 .LBB2_1-.Ltmp1, $3  }
0x1f9: {  	_ =	sdelay $0x1  }
0x1fa: {  	[sflag:s10] =	ssyncset.done $0x0  }
0x1fb: {  	[sflag:s10] =	ssyncadd.s32 $0xFFFFD800  }
0x1fc: {  	_ =	sfence.sel $0x180000  }
0x1fd: {  	[bflag:$0x0] =	sbarrier.arrive $0xFFFF  }
0x1fe: {  	_ =	strace $0x9000004D  }
0x1ff: {  	s0 =	stileid.u32;
	[bflag:$0x2] =	sbarrier.arrive $0xFFFF  }
0x200: {  	p0 =	sne.s32 s0, $0x0;
	s0 =	rddreg [dreg:$0x2]  }
0x201: {  	s0 =	sadd.s32 @!p0 $0x100000, s0  }
0x202: {  	[sflag:s0] =	ssyncadd.tile.s32 @!p0 $0x1;
	_ =	shalt  }
.Lfunc_end2:
_tile_overlayer_lowered:
.L_overlay_start_2:
0x203: {  	(tag) =	ssettag $0x2  }
0x204: {  	s0 =	rddreg [dreg:$0x0];
	s2 =	stileid.u32  }
0x205: {  	s1 =	rddreg [dreg:$0x1];
	p0 =	sne.s32 s2, $0x0  }
0x206: {  	s3 =	rddreg [dreg:$0x2];
	[bflag:$0x3] =	sbarrier.arrive $0xFFFF;
	s2 =	simm.s32 @!p0 $0x1C03  }
0x207: {  	[timem:s3], [sflag:s2] =	dma.local @!p0 [hbm:s0], s1  }
0x208: {  	s0 =	simm.s32 @!p0 $0x3  }
0x209: {  	_ =	swait.ge @!p0 [sflag:s0], s1  }
0x20a: {  	s1 =	ssub.s32 @!p0 $0x0, s1;
	[sflag:s0] =	ssyncset.done @!p0 $0x0  }
0x20b: {  	[sflag:s0] =	ssyncadd.s32 @!p0 s1  }
0x20c: {  	[bflag:$0x3] =	sbarrier.arrive $0xFFFF  }
0x20d: {  	_ =	shalt  }

// kernel: kernel.22.cloned.1.call-start
scs
__scs_entry_jumppad:
0x0: {  	(pc) =	sbr.rel $0x88, $3  }
0x1: {  	(tag) =	ssettag $0x0;
	lr =	simm.s32 $0x1  }
0x2: {  	[smem:$0x3F83] =	sst lr;
	_ =	strace $0xD0000000  }
0x3: {  	_ = 	snop  }
0x4: {  	_ = 	snop  }
0x5: {  	_ = 	snop  }
0x6: {  	_ = 	snop  }
0x7: {  	_ = 	snop  }
__scs_overlays_trampoline_lowered:
0x8: {  	[smem:$0x3F92] =	sst s0  }
0x9: {  	[smem:$0x3F93] =	sst s1  }
0xa: {  	[smem:$0x3F94] =	sst s2  }
0xb: {  	[smem:$0x3F95] =	sst s3  }
0xc: {  	[smem:$0x3F96] =	sst s4  }
0xd: {  	[smem:$0x3F97] =	sst s5  }
0xe: {  	[smem:$0x3F98] =	sst s6  }
0xf: {  	[smem:$0x3F99] =	sst s7  }
0x10: {  	[smem:$0x3F9A] =	sst s8  }
0x11: {  	[smem:$0x3F9B] =	sst s9;
	s0 =	simm.s32 @!p0 $0x0  }
0x12: {  	s1 =	sld [smem:$0x3F81];
	s0 =	simm.s32 @p0 $0x1  }
0x13: {  	[smem:$0x3F9C] =	sst s0;
	s0 =	simm.s32 @!p1 $0x0  }
0x14: {  	s2 =	sld [smem:$0x3F80];
	s0 =	simm.s32 @p1 $0x1  }
0x15: {  	[smem:$0x3F9D] =	sst s0;
	s0 =	simm.s32 @!p2 $0x0  }
0x16: {  	s3 =	sld [smem:$0x3FDB];
	s0 =	simm.s32 @p2 $0x1  }
0x17: {  	s4 =	simm.s32 $0x1BF5;
	[smem:$0x3F9F] =	sst s0  }
0x18: {  	s0 =	sld [smem:$0x3F82];
	_ =	swait.ge [sflag:s4], $0x0  }
0x19: {  	s7 =	sld [smem:$0x3F83]  }
0x1a: {  	s8 =	sadd.s32 $0xFFFFE003, lr  }
0x1b: {  	s9 =	sadd.s32 $0xFFFFFEF7, lr;
	s5 =	simm.s32 $0xFFFFFFFF;
	p2 =	slt.u32 s8, $0xFFFFF086  }
0x1c: {  	p1 =	slt.u32 s9, $0xF7A;
	s5 =	simm.s32 @!p2 $0x0  }
0x1d: {  	s5 =	simm.s32 @p1 $0x1;
	p0 =	seq.s32 s7, s2  }
0x1e: {  	s7 =	smul.u32 @!p0 $0xF7A, s2;
	p2 =	seq.s32 @!p0 s5, $0x0  }
0x1f: {  	s9 =	smul.u32 $0xF7A, s1;
	s8 =	simm.s32 @!p0 $0x1BF5;
	p2 =	por !p2, p0  }
0x20: {  	[sflag:s8] =	ssyncset.s32 @!p0 $0xFFFFF086;
	s6 =	sadd.s32 @!p0 s3, s7;
	s7 =	simm.s32 @!p0 $0x108  }
0x21: {  	s3 =	sadd.s32 s3, s9;
	s6 =	sadd.s32 @!p0 $0x88, s6;
	s7 =	simm.s32 @p2 $0x1082  }
0x22: {  	[simem:s7], [sflag:s8] =	dma.local @!p0 [hbm:s6], $0xF7A  }
0x23: {  	s9 =	sor.u32 $0xD0000000, s2;
	s6 =	simm.s32 $0x108;
	_ =	swait.ge @!p0 [sflag:s8], $0x0  }
0x24: {  	s3 =	sadd.s32 $0x88, s3;
	s6 =	simm.s32 @!p1 $0x1082;
	[sflag:s4] =	ssyncset.s32 $0xFFFFF086  }
0x25: {  	[simem:s6], [sflag:s4] =	dma.local [hbm:s3], $0xF7A  }
0x26: {  	[smem:$0x3F83] =	sst s1;
	(tag) =	ssettag s2;
	_ =	strace s9  }
0x27: {  	s1 =	sld [smem:$0x3F93]  }
0x28: {  	s2 =	sld [smem:$0x3F94]  }
0x29: {  	s4 =	sld [smem:$0x3F96]  }
0x2a: {  	p0 =	seq.s32 s5, $0x0;
	s5 =	sld [smem:$0x3F97]  }
0x2b: {  	s6 =	sld [smem:$0x3F98]  }
0x2c: {  	s7 =	sld [smem:$0x3F99]  }
0x2d: {  	s3 =	simm.s32 $0x108;
	s8 =	sld [smem:$0x3F9A]  }
0x2e: {  	s3 =	simm.s32 @!p0 $0x1082;
	s9 =	sld [smem:$0x3F9B]  }
0x2f: {  	lr =	sadd.s32 s0, s3;
	s0 =	sld [smem:$0x3F92]  }
0x30: {  	s3 =	sld [smem:$0x3F95]  }
0x31: {  	[smem:$0x3F9E] =	sst s10  }
0x32: {  	s10 =	sld [smem:$0x3F9C];
	_ =	sdelay $0x3  }
0x33: {  	p0 =	seq.s32 s10, $0x1;
	s10 =	sld [smem:$0x3F9E];
	_ =	sdelay $0x3  }
0x34: {  	[smem:$0x3F9E] =	sst s10  }
0x35: {  	s10 =	sld [smem:$0x3F9D];
	_ =	sdelay $0x3  }
0x36: {  	p1 =	seq.s32 s10, $0x1;
	s10 =	sld [smem:$0x3F9E];
	_ =	sdelay $0x3  }
0x37: {  	[smem:$0x3F9E] =	sst s10  }
0x38: {  	s10 =	sld [smem:$0x3F9F]  }
0x39: {  	_ = 	snop;
	(pc) =	sbr.ind lr, $3  }
0x3a: {  	_ = 	snop  }
0x3b: {  	_ = 	snop  }
0x3c: {  	p2 =	seq.s32 s10, $0x1;
	s10 =	sld [smem:$0x3F9E]  }
0x3d: {  	_ =	shalt  }
0x3e: {  	_ =	shalt  }
0x3f: {  	_ =	shalt  }
0x40: {  	_ =	shalt  }
0x41: {  	_ =	shalt  }
0x42: {  	_ =	shalt  }
0x43: {  	_ =	shalt  }
0x44: {  	_ =	shalt  }
0x45: {  	_ =	shalt  }
0x46: {  	_ =	shalt  }
0x47: {  	_ =	shalt  }
0x48: {  	_ =	shalt  }
0x49: {  	_ =	shalt  }
0x4a: {  	_ =	shalt  }
0x4b: {  	_ =	shalt  }
0x4c: {  	_ =	shalt  }
0x4d: {  	_ =	shalt  }
0x4e: {  	_ =	shalt  }
0x4f: {  	_ =	shalt  }
0x50: {  	_ =	shalt  }
0x51: {  	_ =	shalt  }
0x52: {  	_ =	shalt  }
0x53: {  	_ =	shalt  }
0x54: {  	_ =	shalt  }
0x55: {  	_ =	shalt  }
0x56: {  	_ =	shalt  }
0x57: {  	_ =	shalt  }
0x58: {  	_ =	shalt  }
0x59: {  	_ =	shalt  }
0x5a: {  	_ =	shalt  }
0x5b: {  	_ =	shalt  }
0x5c: {  	_ =	shalt  }
0x5d: {  	_ =	shalt  }
0x5e: {  	_ =	shalt  }
0x5f: {  	_ =	shalt  }
0x60: {  	_ =	shalt  }
0x61: {  	_ =	shalt  }
0x62: {  	_ =	shalt  }
0x63: {  	_ =	shalt  }
0x64: {  	_ =	shalt  }
0x65: {  	_ =	shalt  }
0x66: {  	_ =	shalt  }
0x67: {  	_ =	shalt  }
0x68: {  	_ =	shalt  }
0x69: {  	_ =	shalt  }
0x6a: {  	_ =	shalt  }
0x6b: {  	_ =	shalt  }
0x6c: {  	_ =	shalt  }
0x6d: {  	_ =	shalt  }
0x6e: {  	_ =	shalt  }
0x6f: {  	_ =	shalt  }
0x70: {  	_ =	shalt  }
0x71: {  	_ =	shalt  }
0x72: {  	_ =	shalt  }
0x73: {  	_ =	shalt  }
0x74: {  	_ =	shalt  }
0x75: {  	_ =	shalt  }
0x76: {  	_ =	shalt  }
0x77: {  	_ =	shalt  }
0x78: {  	_ =	shalt  }
0x79: {  	_ =	shalt  }
0x7a: {  	_ =	shalt  }
0x7b: {  	_ =	shalt  }
0x7c: {  	_ =	shalt  }
0x7d: {  	_ =	shalt  }
0x7e: {  	_ =	shalt  }
0x7f: {  	_ =	shalt  }
0x80: {  	_ =	shalt  }
0x81: {  	_ =	shalt  }
0x82: {  	_ =	shalt  }
0x83: {  	_ =	shalt  }
0x84: {  	_ =	shalt  }
0x85: {  	_ =	shalt  }
0x86: {  	_ =	shalt  }
0x87: {  	_ =	shalt  }
.Lfunc_end0:
.L_simem_size_0:
called_computation.3_lowered:
.L_overlay_start_0:
0x88: {  	s2 =	sld [smem:$0x3FD9]  }
0x89: {  	s3 =	sld [smem:$0x3FFE];
	_ =	sdelay $0x1  }
0x8a: {  	s1 =	srdreg.scid  }
0x8b: {  	s0 =	sand.u32 $0x1, s1  }
0x8c: {  	s16 =	sshll.u32 s0, $0xA;
	s2 =	sadd.s32 s3, s2  }
0x8d: {  	s2 =	sadd.s32 s2, s16  }
0x8e: {  	[smem:$0x3FAA] =	sst s2  }
0x8f: {  	_ = 	snop  }
0x90: {  	(tm) =	ssettm $0x1  }
0x91: {  	s17 =	sld [smem:$0x3FFB];
	_ =	sdelay $0x3  }
0x92: {  	_ =	strace s17  }
0x93: {  	s2 =	sld [smem:$0x3FFC];
	_ =	sdelay $0x3  }
0x94: {  	_ =	strace s2  }
0x95: {  	s2 =	sld [smem:$0x3FFD];
	_ =	sdelay $0x3  }
0x96: {  	_ =	strace s2  }
0x97: {  	_ =	strace $0x8FFFFFFF  }
0x98: {  	s18 =	sld [smem:$0x3FDB];
	_ =	sdelay $0x1  }
0x99: {  	s19 =	simm.s32 $_scs_section_size  }
0x9a: {  	s4 =	simm.s32 $_size__tile_overlayer_lowered;
	s5 =	simm.s32 $_tile_overlayer_lowered  }
0x9b: {  	s22 =	simm.s32 $0x1BFF;
	s21 =	sshll.u32 s5, $0x1;
	s2 =	sadd.s32 s19, s18  }
0x9c: {  	s6 =	simm.s32 $0x0;
	s20 =	sshll.u32 s4, $0x1;
	s4 =	sadd.s32 s21, s2  }
0x9d: {  	[timem:s6], [sflag:s22] =	dma.local [hbm:s4], s20  }
0x9e: {  	_ =	swait.ge [sflag:s22], s20  }
0x9f: {  	s3 =	ssub.s32 $0x0, s20;
	[sflag:s22] =	ssyncset.done $0x0  }
0xa0: {  	[sflag:s22] =	ssyncadd.s32 s3;
	_ =	sdelay $0x1  }
0xa1: {  	s23 =	simm.s32 $0x1B8B  }
0xa2: {  	_ =	swait.ge [sflag:s23], $0x1  }
0xa3: {  	[sflag:s23] =	ssyncset.done $0x0  }
0xa4: {  	s25 =	simm.s32 $0x1B8E;
	s24 =	sld [smem:$0x3FFE];
	[sflag:s23] =	ssyncadd.s32 $0xFFFFFFFF  }
0xa5: {  	s26 =	simm.s32 $execute0_lowered;
	[smem:$0x3FD2] =	sst s25  }
0xa6: {  	s4 =	sshll.u32 s26, $0x1;
	_ =	strace $0x8000004F;
	[dreg:$0x1] =	wrdreg $0xFFFFFFFF  }
0xa7: {  	s28 =	simm.s32 $_size_execute0_lowered;
	s2 =	sadd.s32 s2, s4;
	[dreg:$0x0] =	wrdreg $0x0  }
0xa8: {  	s4 =	sshll.u32 s28, $0x1;
	[dreg:$0x2] =	wrdreg s2  }
0xa9: {  	[dreg:$0x3] =	wrdreg s4  }
0xaa: {  	[dreg:$0x4] =	wrdreg $0xC0  }
0xab: {  	_ =	task [dreg:s6], $0x5FFFF  }
0xac: {  	[dreg:$0x1] =	wrdreg $0xFFFFFFFF  }
0xad: {  	[dreg:$0x0] =	wrdreg $0x60  }
0xae: {  	[dreg:$0x2] =	wrdreg s24  }
0xaf: {  	[dreg:$0x3] =	wrdreg $0x0  }
0xb0: {  	[dreg:$0x4] =	wrdreg $0x9  }
0xb1: {  	_ =	task.clear_ibuf [dreg:s6], $0x5FFFF;
	_ =	strace $0x9000004F  }
0xb2: {  	s29 =	simm.s32 $0x9;
	_ =	strace $0x80000051  }
0xb3: {  	_ =	swait.ge [sflag:s29], $0x1  }
0xb4: {  	[sflag:s29] =	ssyncadd.s32 $0xFFFFFFFF  }
0xb5: {  	_ =	strace $0x90000051  }
0xb6: {  	_ =	sfence  }
0xb7: {  	s30 =	sld [smem:$0x0];
	_ =	sdelay $0x2  }
0xb8: {  	s31 =	sshll.u32 s1, $0xD;
	s1 =	sshrl.u32 s1, $0x2  }
0xb9: {  	s3 =	sand.u32 $0x4000, s31;
	s1 =	sadd.s32 s1, s30  }
0xba: {  	s0 =	sor.u32 s3, s0;
	s1 =	sshll.u32 s1, $0x11  }
0xbb: {  	s0 =	sor.u32 s1, s0  }
0xbc: {  	s0 =	sadd.s32 $0x8F2B, s0  }
0xbd: {  	[sflag:s0] =	ssyncadd.remote.s32 $0x1  }
0xbe: {  	_ =	sfence.sel $0xFFFF  }
0xbf: {  	[dreg:$0x0] =	wrdreg $0xFFFFFFFF;
	(pc) =	sbr.abs _section_cstart, $3  }
0xc0: {  	[dreg:$0x1] =	wrdreg $0xFFFFFFFF  }
0xc1: {  	_ =	task.clear_ibuf [dreg:s6], $0x2FFFF;
	_ =	strace $0x9FFFFFFF  }
0xc2: {  	(tm) =	ssettm $0x7FFFFFFF  }
0xc3: {  	_ =	shalt  }
tec
execute0_lowered:
.L_overlay_start_1:
0x0: {  	(tag) =	ssettag $0x1  }
0x1: {  	s21 =	rddreg [dreg:$0x0]  }
0x2: {  	s2 =	rddreg [dreg:$0x1]  }
0x3: {  	s0 =	rddreg [dreg:$0x2];
	s1 =	stileid.u32  }
0x4: {  	s3 =	simm.s32 $0x0;
	s4 =	srdreg.scid;
	s22 =	smul.u32 $0x1400, s1  }
0x5: {  	[smem:$0x7FF] =	sst s3;
	s23 =	sand.u32 $0x1, s4;
	s28 =	smul.u32 $0x5000, s1  }
0x6: {  	s8 =	sshll.u32 s1, $0x7;
	s29 =	sshll.u32 s1, $0x6;
	s5 =	sshrl.u32 s22, $0x3  }
0x7: {  	s11 =	smul.u32 $0x280, s1;
	s4 =	sshrl.u32 s28, $0x2;
	s5 =	sadd.s32 s5, s21  }
0x8: {  	_ =	strace $0x80000050;
	s6 =	sadd.s32 s4, s2;
	s4 =	sadd.s32 $0x6A00, s5  }
0x9: {  	s5 =	sor.u32 $0x1C01, s29;
	s7 =	sshrl.u32 s6, $0x3;
	s6 =	simm.s32 $0x1  }
0xa: {  	[spmem:s7], [sflag:s5] =	dma.local [hbm:s4], $0x280  }
0xb: {  	s8 =	sadd.s32 s8, s21;
	s9 =	sshll.u32 s23, $0xB;
	_ =	swait.ge [sflag:s6], $0x280  }
0xc: {  	s10 =	smul.u32 $0x2800, s23;
	s8 =	sadd.s32 s9, s8;
	[sflag:s6] =	ssyncset.done $0x0  }
0xd: {  	s9 =	simm.s32 $0x1400;
	s8 =	sadd.s32 $0x1AA00, s8;
	[sflag:s6] =	ssyncadd.s32 $0xFFFFFD80  }
0xe: {  	[tilespmem:s9], [sflag:$0x1] =	stream.linear.gather [hbm4b:s8+s3], $0x280, $0x38;
	[tilespmem:$0x5800] =	vst v63  }
0xf: {  	s10 =	sadd.s32 s11, s10;
	_ =	swait.ge [sflag:s6], $0x280  }
0x10: {  	s10 =	sshll.u32 s10, $0x4;
	[sflag:s6] =	ssyncset.done $0x0  }
0x11: {  	s19 =	sadd.s32 s10, s21;
	[sflag:s6] =	ssyncadd.s32 $0xFFFFFD80  }
0x12: {  	s11 =	simm.s32 $0x1800;
	s10 =	sadd.s32 $0x1CC00, s19;
	[bflag:$0x0] =	sbarrier.arrive $0xFFFF  }
0x13: {  	[tilespmem:s11], [sflag:$0x1] =	stream.linear.gather [hbm4b:s10+s3], $0x4000, $0x38;
	[tilespmem:$0x5800] =	vst v63  }
0x14: {  	_ =	swait.ge [sflag:s6], $0x4000  }
0x15: {  	[sflag:s6] =	ssyncset.done $0x0  }
0x16: {  	s12 =	simm.s32 $0x80;
	[sflag:s6] =	ssyncadd.s32 $0xFFFFC000  }
0x17: {  	[spmem:s2] =	stream.indirect.scatter.add.f32 [tilespmem:s11], [sflag:$0x1], $0x80, s9, s12, $0xb8;
	[tilespmem:$0x5800] =	vst v63  }
0x18: {  	_ =	swait.ge [sflag:s6], $0x4000  }
0x19: {  	[sflag:s6] =	ssyncset.done $0x0  }
0x1a: {  	s13 =	sadd.s32 $0x1D400, s19;
	[sflag:s6] =	ssyncadd.s32 $0xFFFFC000  }
0x1b: {  	[tilespmem:s11], [sflag:$0x1] =	stream.linear.gather [hbm4b:s13+s3], $0x4000, $0x38;
	[tilespmem:$0x5800] =	vst v63  }
0x1c: {  	_ =	swait.ge [sflag:s6], $0x4000  }
0x1d: {  	[sflag:s6] =	ssyncset.done $0x0  }
0x1e: {  	s14 =	simm.s32 $0x1480;
	[sflag:s6] =	ssyncadd.s32 $0xFFFFC000  }
0x1f: {  	[spmem:s2] =	stream.indirect.scatter.add.f32 [tilespmem:s11], [sflag:$0x1], $0x80, s14, s12, $0xb8;
	[tilespmem:$0x5800] =	vst v63  }
0x20: {  	_ =	swait.ge [sflag:s6], $0x4000  }
0x21: {  	[sflag:s6] =	ssyncset.done $0x0  }
0x22: {  	s15 =	sadd.s32 $0x1DC00, s19;
	[sflag:s6] =	ssyncadd.s32 $0xFFFFC000  }
0x23: {  	[tilespmem:s11], [sflag:$0x1] =	stream.linear.gather [hbm4b:s15+s3], $0x4000, $0x38;
	[tilespmem:$0x5800] =	vst v63  }
0x24: {  	_ =	swait.ge [sflag:s6], $0x4000  }
0x25: {  	[sflag:s6] =	ssyncset.done $0x0  }
0x26: {  	s16 =	simm.s32 $0x1500;
	[sflag:s6] =	ssyncadd.s32 $0xFFFFC000  }
0x27: {  	[spmem:s2] =	stream.indirect.scatter.add.f32 [tilespmem:s11], [sflag:$0x1], $0x80, s16, s12, $0xb8;
	[tilespmem:$0x5800] =	vst v63  }
0x28: {  	_ =	swait.ge [sflag:s6], $0x4000  }
0x29: {  	[sflag:s6] =	ssyncset.done $0x0  }
0x2a: {  	s17 =	sadd.s32 $0x1E400, s19;
	[sflag:s6] =	ssyncadd.s32 $0xFFFFC000  }
0x2b: {  	[tilespmem:s11], [sflag:$0x1] =	stream.linear.gather [hbm4b:s17+s3], $0x4000, $0x38;
	[tilespmem:$0x5800] =	vst v63  }
0x2c: {  	_ =	swait.ge [sflag:s6], $0x4000  }
0x2d: {  	[sflag:s6] =	ssyncset.done $0x0  }
0x2e: {  	s18 =	simm.s32 $0x1580;
	[sflag:s6] =	ssyncadd.s32 $0xFFFFC000  }
0x2f: {  	[spmem:s2] =	stream.indirect.scatter.add.f32 [tilespmem:s11], [sflag:$0x1], $0x80, s18, s12, $0xb8;
	[tilespmem:$0x5800] =	vst v63  }
0x30: {  	_ =	swait.ge [sflag:s6], $0x4000  }
0x31: {  	[sflag:s6] =	ssyncset.done $0x0  }
0x32: {  	s24 =	smul.u32 $0x14000, s23;
	s19 =	sadd.s32 $0x1EC00, s19;
	[sflag:s6] =	ssyncadd.s32 $0xFFFFC000  }
0x33: {  	[tilespmem:s11], [sflag:$0x1] =	stream.linear.gather [hbm4b:s19+s3], $0x4000, $0x38;
	[tilespmem:$0x5800] =	vst v63  }
0x34: {  	s20 =	simm.s32 $0x1600;
	s23 =	ssub.s32 $0x2, s23;
	_ =	swait.ge [sflag:s6], $0x4000  }
0x35: {  	s30 =	sshrl.u32 s23, $0x1;
	s22 =	sadd.s32 s22, s24;
	[sflag:s6] =	ssyncset.done $0x0  }
0x36: {  	s31 =	ssub.s32 s23, s30;
	s22 =	sshrl.u32 s22, $0x3;
	[sflag:s6] =	ssyncadd.s32 $0xFFFFC000  }
0x37: {  	[spmem:s2] =	stream.indirect.scatter.add.f32 [tilespmem:s11], [sflag:$0x1], $0x80, s20, s12, $0xb8;
	[tilespmem:$0x5800] =	vst v63  }
0x38: {  	s21 =	sadd.s32 s22, s21;
	s22 =	smax.u32 s31, $0x1;
	_ =	swait.ge [sflag:s6], $0x4000  }
0x39: {  	p0 =	sne.s32 s22, $0x1;
	[sflag:s6] =	ssyncset.done $0x0  }
.Ltmp0:
0x3a: {  	[sflag:s6] =	ssyncadd.s32 $0xFFFFC000;
	(pc) =	sbr.rel @!p0 .LBB2_2-.Ltmp0, $4  }
0x3b: {  	s21 =	sadd.s32 $0x9200, s21;
	[bflag:$0x0] =	sbarrier.arrive $0xFFFF  }
0x3c: {  	[hbm:s21], [sflag:s5] =	dma.local [spmem:s7], $0x280  }
0x3d: {  	_ =	swait.ge [sflag:s6], $0x280  }
0x3e: {  	s22 =	sadd.s32 $0xFFFFFFFF, s22;
	[sflag:s6] =	ssyncset.done $0x0  }
.LBB2_1:
0x3f: {  	p0 =	sne.s32 s22, $0x1;
	s22 =	sadd.s32 $0xFFFFFFFF, s22;
	[sflag:s6] =	ssyncadd.s32 $0xFFFFFD80  }
0x40: {  	[spmem:s7], [sflag:s5] =	dma.local [hbm:s4], $0x280  }
0x41: {  	_ =	swait.ge [sflag:s6], $0x280  }
0x42: {  	[sflag:s6] =	ssyncset.done $0x0  }
0x43: {  	[sflag:s6] =	ssyncadd.s32 $0xFFFFFD80  }
0x44: {  	[tilespmem:s9], [sflag:$0x1] =	stream.linear.gather [hbm4b:s8+s3], $0x280, $0x38;
	[tilespmem:$0x5800] =	vst v63  }
0x45: {  	_ =	swait.ge [sflag:s6], $0x280  }
0x46: {  	[sflag:s6] =	ssyncset.done $0x0  }
0x47: {  	[sflag:s6] =	ssyncadd.s32 $0xFFFFFD80  }
0x48: {  	[bflag:$0x0] =	sbarrier.arrive $0xFFFF  }
0x49: {  	[tilespmem:s11], [sflag:$0x1] =	stream.linear.gather [hbm4b:s10+s3], $0x4000, $0x38;
	[tilespmem:$0x5800] =	vst v63  }
0x4a: {  	_ =	swait.ge [sflag:s6], $0x4000  }
0x4b: {  	[sflag:s6] =	ssyncset.done $0x0  }
0x4c: {  	[sflag:s6] =	ssyncadd.s32 $0xFFFFC000  }
0x4d: {  	[spmem:s2] =	stream.indirect.scatter.add.f32 [tilespmem:s11], [sflag:$0x1], $0x80, s9, s12, $0xb8;
	[tilespmem:$0x5800] =	vst v63  }
0x4e: {  	_ =	swait.ge [sflag:s6], $0x4000  }
0x4f: {  	[sflag:s6] =	ssyncset.done $0x0  }
0x50: {  	[sflag:s6] =	ssyncadd.s32 $0xFFFFC000  }
0x51: {  	[tilespmem:s11], [sflag:$0x1] =	stream.linear.gather [hbm4b:s13+s3], $0x4000, $0x38;
	[tilespmem:$0x5800] =	vst v63  }
0x52: {  	_ =	swait.ge [sflag:s6], $0x4000  }
0x53: {  	[sflag:s6] =	ssyncset.done $0x0  }
0x54: {  	[sflag:s6] =	ssyncadd.s32 $0xFFFFC000  }
0x55: {  	[spmem:s2] =	stream.indirect.scatter.add.f32 [tilespmem:s11], [sflag:$0x1], $0x80, s14, s12, $0xb8;
	[tilespmem:$0x5800] =	vst v63  }
0x56: {  	_ =	swait.ge [sflag:s6], $0x4000  }
0x57: {  	[sflag:s6] =	ssyncset.done $0x0  }
0x58: {  	[sflag:s6] =	ssyncadd.s32 $0xFFFFC000  }
0x59: {  	[tilespmem:s11], [sflag:$0x1] =	stream.linear.gather [hbm4b:s15+s3], $0x4000, $0x38;
	[tilespmem:$0x5800] =	vst v63  }
0x5a: {  	_ =	swait.ge [sflag:s6], $0x4000  }
0x5b: {  	[sflag:s6] =	ssyncset.done $0x0  }
0x5c: {  	[sflag:s6] =	ssyncadd.s32 $0xFFFFC000  }
0x5d: {  	[spmem:s2] =	stream.indirect.scatter.add.f32 [tilespmem:s11], [sflag:$0x1], $0x80, s16, s12, $0xb8;
	[tilespmem:$0x5800] =	vst v63  }
0x5e: {  	_ =	swait.ge [sflag:s6], $0x4000  }
0x5f: {  	[sflag:s6] =	ssyncset.done $0x0  }
0x60: {  	[sflag:s6] =	ssyncadd.s32 $0xFFFFC000  }
0x61: {  	[tilespmem:s11], [sflag:$0x1] =	stream.linear.gather [hbm4b:s17+s3], $0x4000, $0x38;
	[tilespmem:$0x5800] =	vst v63  }
0x62: {  	_ =	swait.ge [sflag:s6], $0x4000  }
0x63: {  	[sflag:s6] =	ssyncset.done $0x0  }
0x64: {  	[sflag:s6] =	ssyncadd.s32 $0xFFFFC000  }
0x65: {  	[spmem:s2] =	stream.indirect.scatter.add.f32 [tilespmem:s11], [sflag:$0x1], $0x80, s18, s12, $0xb8;
	[tilespmem:$0x5800] =	vst v63  }
0x66: {  	_ =	swait.ge [sflag:s6], $0x4000  }
0x67: {  	[sflag:s6] =	ssyncset.done $0x0  }
0x68: {  	[sflag:s6] =	ssyncadd.s32 $0xFFFFC000  }
0x69: {  	[tilespmem:s11], [sflag:$0x1] =	stream.linear.gather [hbm4b:s19+s3], $0x4000, $0x38;
	[tilespmem:$0x5800] =	vst v63  }
0x6a: {  	_ =	swait.ge [sflag:s6], $0x4000  }
0x6b: {  	[sflag:s6] =	ssyncset.done $0x0  }
0x6c: {  	[sflag:s6] =	ssyncadd.s32 $0xFFFFC000  }
0x6d: {  	[spmem:s2] =	stream.indirect.scatter.add.f32 [tilespmem:s11], [sflag:$0x1], $0x80, s20, s12, $0xb8;
	[tilespmem:$0x5800] =	vst v63  }
0x6e: {  	_ =	swait.ge [sflag:s6], $0x4000  }
0x6f: {  	[sflag:s6] =	ssyncset.done $0x0  }
.Ltmp1:
0x70: {  	[sflag:s6] =	ssyncadd.s32 $0xFFFFC000;
	(pc) =	sbr.rel @p0 .LBB2_1-.Ltmp1, $4  }
0x71: {  	[bflag:$0x0] =	sbarrier.arrive $0xFFFF  }
0x72: {  	[hbm:s21], [sflag:s5] =	dma.local [spmem:s7], $0x280  }
0x73: {  	_ =	swait.ge [sflag:s6], $0x280  }
0x74: {  	[sflag:s6] =	ssyncset.done $0x0  }
.LBB2_2:
0x75: {  	[sflag:s6] =	ssyncadd.s32 $0xFFFFFD80  }
0x76: {  	_ =	sfence.sel $0x180000  }
0x77: {  	[bflag:$0x0] =	sbarrier.arrive $0xFFFF  }
0x78: {  	p0 =	sne.s32 s1, $0x0;
	_ =	strace $0x90000050  }
0x79: {  	s0 =	sadd.s32 @!p0 $0x100000, s0;
	[bflag:$0x2] =	sbarrier.arrive $0xFFFF  }
0x7a: {  	[sflag:s0] =	ssyncadd.tile.s32 @!p0 $0x1;
	_ =	shalt  }
.Lfunc_end2:
_tile_overlayer_lowered:
.L_overlay_start_2:
0x7b: {  	(tag) =	ssettag $0x2  }
0x7c: {  	s0 =	rddreg [dreg:$0x0];
	s2 =	stileid.u32  }
0x7d: {  	s1 =	rddreg [dreg:$0x1];
	p0 =	sne.s32 s2, $0x0  }
0x7e: {  	s3 =	rddreg [dreg:$0x2];
	[bflag:$0x3] =	sbarrier.arrive $0xFFFF;
	s2 =	simm.s32 @!p0 $0x1C01  }
0x7f: {  	[timem:s3], [sflag:s2] =	dma.local @!p0 [hbm:s0], s1  }
0x80: {  	s0 =	simm.s32 @!p0 $0x1  }
0x81: {  	_ =	swait.ge @!p0 [sflag:s0], s1  }
0x82: {  	s1 =	ssub.s32 @!p0 $0x0, s1;
	[sflag:s0] =	ssyncset.done @!p0 $0x0  }
0x83: {  	[sflag:s0] =	ssyncadd.s32 @!p0 s1  }
0x84: {  	[bflag:$0x3] =	sbarrier.arrive $0xFFFF  }
0x85: {  	_ =	shalt  }

</sc_bundles>
